<compile_context>
chip_gen: v7x
topology: tpu7x:2x2x1
jax: 0.10.2.dev20260603
libtpu: 0.0.44.dev20260713+nightly
codegen_flags: <defaults>
</compile_context>

<pallas_src>
import functools

import jax
import jax.numpy as jnp
from jax import lax
from jax.experimental import pallas as pl
from jax.experimental.pallas import tpu as pltpu
from jax.experimental.pallas import tpu_sc as plsc

N = 10000
E = 320000
D_IN = 128
H = 128
C = 10
G = 100
GP = 128

NC = 2
NS = 16
NW = NC * NS

CHUNK = 128
EPW = E // NW

EC = 256
FULL_CHUNKS = EPW // EC
REM = EPW % EC

EA = 192
FULL_A = EPW // EA
REM_A = EPW % EA

NODE_CHUNKS = N // CHUNK
NODE_REM = N % CHUNK

_mesh = plsc.VectorSubcoreMesh(core_axis_name="c", subcore_axis_name="s",
                               num_cores=NC, num_subcores=NS)


def _each_node_chunk(tid, ntiles, fn, fn_rem):
    for t in range(-(-NODE_CHUNKS // ntiles)):
        c = tid + t * ntiles

        @pl.when(c < NODE_CHUNKS)
        def _():
            fn(c * CHUNK)

    if NODE_REM:
        @pl.when(tid == ntiles - 1)
        def _():
            fn_rem(NODE_CHUNKS * CHUNK)



_QUADS = FULL_CHUNKS // 4
_EXTRA = FULL_CHUNKS - 4 * _QUADS


@functools.partial(
    pl.kernel,
    out_type=jax.ShapeDtypeStruct((NC, N, H), jnp.float32),
    mesh=_mesh,
    scratch_types=[
        pltpu.VMEM((EC,), jnp.int32),
        pltpu.VMEM((EC,), jnp.int32),
        pltpu.VMEM((EC,), jnp.int32),
        pltpu.VMEM((EC,), jnp.int32),
        pltpu.VMEM((REM,), jnp.int32),
        pltpu.VMEM((EC, H), jnp.float32),
        pltpu.VMEM_SHARED((N, H), jnp.float32),
        pltpu.SemaphoreType.DMA,
        pltpu.SemaphoreType.DMA,
        pltpu.SemaphoreType.DMA,
        pltpu.SemaphoreType.DMA,
        pltpu.SemaphoreType.DMA,
        pltpu.SemaphoreType.DMA,
        pltpu.SemaphoreType.DMA,
        pltpu.SemaphoreType.DMA,
    ],
)
def _sc_degree(col_hbm, zeros_hbm, ones_hbm, degp_hbm,
               col0, col1, col2, col3, col_r, ones_v, deg_sh,
               sC0, sC1, sC2, sC3, sS0, sS1, sS2, sS3):
    cid = lax.axis_index("c")
    sid = lax.axis_index("s")
    wid = cid * NS + sid

    ebase = wid * EPW

    pltpu.async_copy(col_hbm.at[pl.ds(ebase, EC)], col0, sC0)
    pltpu.async_copy(col_hbm.at[pl.ds(ebase + EC, EC)], col1, sC1)

    _each_node_chunk(
        sid, NS,
        lambda off: pltpu.sync_copy(zeros_hbm, deg_sh.at[pl.ds(off, CHUNK)]),
        lambda off: pltpu.sync_copy(zeros_hbm.at[pl.ds(0, NODE_REM)],
                                    deg_sh.at[pl.ds(off, NODE_REM)]))
    pltpu.sync_copy(ones_hbm, ones_v)
    plsc.subcore_barrier()

    def step(g, carry):
        b0 = ebase + 4 * g * EC

        @pl.when(g > 0)
        def _():
            pltpu.make_async_copy(ones_v, deg_sh.at[col2], sS2).wait()
            pltpu.make_async_copy(ones_v, deg_sh.at[col3], sS3).wait()

        pltpu.async_copy(col_hbm.at[pl.ds(b0 + 2 * EC, EC)], col2, sC2)
        pltpu.async_copy(col_hbm.at[pl.ds(b0 + 3 * EC, EC)], col3, sC3)

        pltpu.make_async_copy(col_hbm.at[pl.ds(b0, EC)], col0, sC0).wait()
        pltpu.async_copy(ones_v, deg_sh.at[col0], sS0, add=True)
        pltpu.make_async_copy(col_hbm.at[pl.ds(b0 + EC, EC)], col1, sC1).wait()
        pltpu.async_copy(ones_v, deg_sh.at[col1], sS1, add=True)

        pltpu.make_async_copy(ones_v, deg_sh.at[col0], sS0).wait()
        pltpu.make_async_copy(ones_v, deg_sh.at[col1], sS1).wait()
        pltpu.async_copy(col_hbm.at[pl.ds(b0 + 4 * EC, EC)], col0, sC0)
        pltpu.async_copy(col_hbm.at[pl.ds(b0 + 5 * EC, EC)], col1, sC1)

        pltpu.make_async_copy(col_hbm.at[pl.ds(b0 + 2 * EC, EC)], col2, sC2).wait()
        pltpu.async_copy(ones_v, deg_sh.at[col2], sS2, add=True)
        pltpu.make_async_copy(col_hbm.at[pl.ds(b0 + 3 * EC, EC)], col3, sC3).wait()
        pltpu.async_copy(ones_v, deg_sh.at[col3], sS3, add=True)
        return carry

    lax.fori_loop(0, _QUADS, step, 0)
    pltpu.make_async_copy(ones_v, deg_sh.at[col2], sS2).wait()
    pltpu.make_async_copy(ones_v, deg_sh.at[col3], sS3).wait()
    assert _EXTRA == 3
    pltpu.make_async_copy(col_hbm.at[pl.ds(0, EC)], col0, sC0).wait()
    pltpu.async_copy(ones_v, deg_sh.at[col0], sS0, add=True)
    pltpu.make_async_copy(col_hbm.at[pl.ds(0, EC)], col1, sC1).wait()
    pltpu.async_copy(ones_v, deg_sh.at[col1], sS1, add=True)
    pltpu.sync_copy(col_hbm.at[pl.ds(ebase + (4 * _QUADS + 2) * EC, EC)], col2)
    pltpu.sync_copy(ones_v, deg_sh.at[col2], add=True)
    pltpu.make_async_copy(ones_v, deg_sh.at[col0], sS0).wait()
    pltpu.make_async_copy(ones_v, deg_sh.at[col1], sS1).wait()

    if REM:
        off = ebase + FULL_CHUNKS * EC
        pltpu.sync_copy(col_hbm.at[pl.ds(off, REM)], col_r)
        pltpu.sync_copy(ones_v.at[pl.ds(0, REM)], deg_sh.at[col_r], add=True)
    plsc.subcore_barrier()

    _each_node_chunk(
        sid, NS,
        lambda off: pltpu.sync_copy(deg_sh.at[pl.ds(off, CHUNK)],
                                    degp_hbm.at[cid, pl.ds(off, CHUNK)]),
        lambda off: pltpu.sync_copy(deg_sh.at[pl.ds(off, NODE_REM)],
                                    degp_hbm.at[cid, pl.ds(off, NODE_REM)]))


_PAIRS = FULL_A // 2
assert FULL_A == 2 * _PAIRS


@functools.partial(
    pl.kernel,
    out_type=jax.ShapeDtypeStruct((NC, N, H), jnp.float32),
    mesh=_mesh,
    scratch_types=[
        pltpu.VMEM((EA,), jnp.int32),
        pltpu.VMEM((EA,), jnp.int32),
        pltpu.VMEM((EA,), jnp.int32),
        pltpu.VMEM((EA,), jnp.int32),
        pltpu.VMEM((REM_A,), jnp.int32),
        pltpu.VMEM((REM_A,), jnp.int32),
        pltpu.VMEM((EA, H), jnp.float32),
        pltpu.VMEM((EA, H), jnp.float32),
        pltpu.VMEM_SHARED((N, H), jnp.float32),
        pltpu.SemaphoreType.DMA,
        pltpu.SemaphoreType.DMA,
        pltpu.SemaphoreType.DMA,
        pltpu.SemaphoreType.DMA,
        pltpu.SemaphoreType.DMA,
        pltpu.SemaphoreType.DMA,
        pltpu.SemaphoreType.DMA,
        pltpu.SemaphoreType.DMA,
    ],
)
def _sc_aggregate(y_hbm, row_hbm, col_hbm, zeros_hbm, aggp_hbm,
                  idx0, idx1, col0, col1, idx_r, col_r, rows0, rows1,
                  acc_sh, sI0, sI1, sC0, sC1, sG0, sG1, sS0, sS1):
    cid = lax.axis_index("c")
    sid = lax.axis_index("s")
    wid = cid * NS + sid

    ebase = wid * EPW

    pltpu.async_copy(row_hbm.at[pl.ds(ebase, EA)], idx0, sI0)
    pltpu.async_copy(row_hbm.at[pl.ds(ebase + EA, EA)], idx1, sI1)

    _each_node_chunk(
        sid, NS,
        lambda off: pltpu.sync_copy(zeros_hbm, acc_sh.at[pl.ds(off, CHUNK)]),
        lambda off: pltpu.sync_copy(zeros_hbm.at[pl.ds(0, NODE_REM)],
                                    acc_sh.at[pl.ds(off, NODE_REM)]))

    pltpu.make_async_copy(row_hbm.at[pl.ds(ebase, EA)], idx0, sI0).wait()
    pltpu.async_copy(y_hbm.at[idx0], rows0, sG0)
    pltpu.make_async_copy(row_hbm.at[pl.ds(ebase + EA, EA)], idx1, sI1).wait()
    pltpu.async_copy(y_hbm.at[idx1], rows1, sG1)
    plsc.subcore_barrier()

    def step(g, carry):
        base0 = ebase + 2 * g * EA
        base1 = base0 + EA

        @pl.when(g > 0)
        def _():
            pltpu.make_async_copy(rows0, acc_sh.at[col0], sS0).wait()
            pltpu.make_async_copy(rows1, acc_sh.at[col1], sS1).wait()

        pltpu.async_copy(col_hbm.at[pl.ds(base0, EA)], col0, sC0)
        pltpu.async_copy(col_hbm.at[pl.ds(base1, EA)], col1, sC1)

        @pl.when(g > 0)
        def _():
            pltpu.make_async_copy(row_hbm.at[pl.ds(base0, EA)], idx0, sI0).wait()
            pltpu.async_copy(y_hbm.at[idx0], rows0, sG0)
            pltpu.make_async_copy(row_hbm.at[pl.ds(base1, EA)], idx1, sI1).wait()
            pltpu.async_copy(y_hbm.at[idx1], rows1, sG1)

        pltpu.make_async_copy(y_hbm.at[idx0], rows0, sG0).wait()
        pltpu.make_async_copy(col_hbm.at[pl.ds(base0, EA)], col0, sC0).wait()
        pltpu.async_copy(rows0, acc_sh.at[col0], sS0, add=True)

        @pl.when(g + 1 < _PAIRS)
        def _():
            pltpu.async_copy(row_hbm.at[pl.ds(base0 + 2 * EA, EA)], idx0, sI0)

        pltpu.make_async_copy(y_hbm.at[idx1], rows1, sG1).wait()
        pltpu.make_async_copy(col_hbm.at[pl.ds(base1, EA)], col1, sC1).wait()
        pltpu.async_copy(rows1, acc_sh.at[col1], sS1, add=True)

        @pl.when(g + 1 < _PAIRS)
        def _():
            pltpu.async_copy(row_hbm.at[pl.ds(base1 + 2 * EA, EA)], idx1, sI1)

        return carry

    lax.fori_loop(0, _PAIRS, step, 0)
    pltpu.make_async_copy(rows0, acc_sh.at[col0], sS0).wait()
    pltpu.make_async_copy(rows1, acc_sh.at[col1], sS1).wait()

    if REM_A:
        off = ebase + FULL_A * EA
        pltpu.sync_copy(row_hbm.at[pl.ds(off, REM_A)], idx_r)
        pltpu.sync_copy(col_hbm.at[pl.ds(off, REM_A)], col_r)
        rrows = rows0.at[pl.ds(0, REM_A)]
        pltpu.async_copy(y_hbm.at[idx_r], rrows, sG0).wait()
        pltpu.sync_copy(rrows, acc_sh.at[col_r], add=True)
    plsc.subcore_barrier()

    _each_node_chunk(
        sid, NS,
        lambda off: pltpu.sync_copy(acc_sh.at[pl.ds(off, CHUNK)],
                                    aggp_hbm.at[cid, pl.ds(off, CHUNK)]),
        lambda off: pltpu.sync_copy(acc_sh.at[pl.ds(off, NODE_REM)],
                                    aggp_hbm.at[cid, pl.ds(off, NODE_REM)]))



BLK = 1000


def _tc_init_body(x_ref, wi_ref, bi_ref, w0_ref, degp_ref, y0_ref, dinv_ref):
    h = jnp.dot(x_ref[...], wi_ref[...], preferred_element_type=jnp.float32)
    h = h + bi_ref[...]
    xw = jnp.dot(h, w0_ref[...], preferred_element_type=jnp.float32)
    deg = degp_ref[0, :, 0:1] + degp_ref[1, :, 0:1] + 1.0
    dinv = lax.rsqrt(deg)
    dinv_ref[...] = dinv
    y0_ref[...] = dinv * xw


def _tc_mid_body(p_ref, y_ref, dinv_ref, b_ref, g_ref, bb_ref, w_ref, yn_ref):
    dinv = dinv_ref[...]
    t = dinv * (p_ref[0] + p_ref[1] + y_ref[...]) + b_ref[...]
    t = jnp.maximum(t, 0.0)
    m = jnp.mean(t, axis=1, keepdims=True)
    v = jnp.mean((t - m) * (t - m), axis=1, keepdims=True)
    t = (t - m) * lax.rsqrt(v + 1e-5) * g_ref[...] + bb_ref[...]
    yn_ref[...] = dinv * jnp.dot(t, w_ref[...], preferred_element_type=jnp.float32)


def _tc_head_body(p_ref, y_ref, dinv_ref, b_ref, batch_ref, wc_ref, bc_ref,
                  emb_ref, logp_ref):
    x3 = dinv_ref[...] * (p_ref[0] + p_ref[1] + y_ref[...]) + b_ref[...]
    g_iota = lax.broadcasted_iota(jnp.int32, (GP, 1), 0)
    eq = (batch_ref[...] == g_iota).astype(jnp.float32)
    counts = jnp.maximum(jnp.sum(eq, axis=1, keepdims=True), 1.0)
    sums = jnp.dot(eq, x3, preferred_element_type=jnp.float32,
                   precision=lax.Precision.HIGHEST)
    mean = sums / counts
    emb = jnp.dot(mean, wc_ref[...], preferred_element_type=jnp.float32)
    emb = emb + bc_ref[...]
    emb_ref[...] = emb
    s = emb - jnp.max(emb, axis=1, keepdims=True)
    logp_ref[...] = s - jnp.log(jnp.sum(jnp.exp(s), axis=1, keepdims=True))


_rows = lambda i: (i, 0)
_bcast = lambda i: (0, 0)
_p3 = lambda i: (0, i, 0)

_nh_spec = pl.BlockSpec((BLK, H), _rows)
_w_spec = pl.BlockSpec((H, H), _bcast)
_b_spec = pl.BlockSpec((1, H), _bcast)
_degp_spec = pl.BlockSpec((NC, BLK, H), _p3)
_p_spec = pl.BlockSpec((NC, BLK, H), _p3)
_dinv_spec = pl.BlockSpec((BLK, 1), _rows)
_nh_out = jax.ShapeDtypeStruct((N, H), jnp.float32)

_tc_init = pl.pallas_call(
    _tc_init_body, grid=(N // BLK,),
    in_specs=[_nh_spec, _w_spec, _b_spec, _w_spec, _degp_spec],
    out_specs=(_nh_spec, _dinv_spec),
    out_shape=(_nh_out, jax.ShapeDtypeStruct((N, 1), jnp.float32)))

_tc_mid = pl.pallas_call(
    _tc_mid_body, grid=(N // BLK,),
    in_specs=[_p_spec, _nh_spec, _dinv_spec, _b_spec, _b_spec, _b_spec, _w_spec],
    out_specs=_nh_spec, out_shape=_nh_out)

_tc_head = pl.pallas_call(
    _tc_head_body,
    out_shape=(jax.ShapeDtypeStruct((GP, C), jnp.float32),
               jax.ShapeDtypeStruct((GP, C), jnp.float32)))



def kernel(x, edge_index, batch, ptr, centrality, W_init, b_init, W0, b0,
           W1, b1, W2, b2, ln0_g, ln0_b, ln1_g, ln1_b, W_cls, b_cls):
    row = edge_index[0]
    col = edge_index[1]
    zeros128 = jnp.zeros((CHUNK, H), jnp.float32)
    ones128 = jnp.ones((EC, H), jnp.float32)
    r = lambda a: a.reshape(1, -1)

    degp = _sc_degree(col, zeros128, ones128)
    y0, dinv = _tc_init(x, W_init, r(b_init), W0, degp)
    agg0 = _sc_aggregate(y0, row, col, zeros128)
    y1 = _tc_mid(agg0, y0, dinv, r(b0), r(ln0_g), r(ln0_b), W1)
    agg1 = _sc_aggregate(y1, row, col, zeros128)
    y2 = _tc_mid(agg1, y1, dinv, r(b1), r(ln1_g), r(ln1_b), W2)
    agg2 = _sc_aggregate(y2, row, col, zeros128)
    emb, logp = _tc_head(agg2, y2, dinv, r(b2), batch.reshape(1, -1),
                         W_cls, r(b_cls))
    return (emb[:G], logp[:G])

# --- scband reference (transcript-rebuilt; emitter-appended) ---
"""Pipeline reference for scband-mol-gnn-11905649344551 (READ-ONLY COPY).

The authoritative reference and input builder live on the scoring server;
editing this copy changes nothing except your own understanding.
"""

import jax, jax.numpy as jnp
import numpy as np

N = 10000
E = 320000
D_IN = 128
H = 128
C = 10
G = 100
NUM_LAYERS = 3


def setup_inputs(seed: int = 0) -> dict:
    key = jax.random.key(seed)
    ks = jax.random.split(key, 12)
    sc = 0.05
    inp = {}
    inp['x'] = jax.random.normal(ks[0], (N, D_IN), dtype=jnp.float32)
    inp['edge_index'] = jax.random.randint(ks[1], (2, E), 0, N)
    inp['batch'] = jnp.sort(jax.random.randint(ks[2], (N,), 0, G))
    inp['ptr'] = jnp.arange(G + 1)
    inp['centrality'] = jnp.arange(N)
    inp['W_init'] = jax.random.normal(ks[3], (D_IN, H), dtype=jnp.float32) * sc
    inp['b_init'] = jnp.zeros((H,), dtype=jnp.float32)
    inp['W0'] = jax.random.normal(ks[4], (H, H), dtype=jnp.float32) * sc
    inp['b0'] = jnp.zeros((H,), dtype=jnp.float32)
    inp['W1'] = jax.random.normal(ks[5], (H, H), dtype=jnp.float32) * sc
    inp['b1'] = jnp.zeros((H,), dtype=jnp.float32)
    inp['W2'] = jax.random.normal(ks[6], (H, H), dtype=jnp.float32) * sc
    inp['b2'] = jnp.zeros((H,), dtype=jnp.float32)
    inp['ln0_g'] = jnp.ones((H,), dtype=jnp.float32)
    inp['ln0_b'] = jnp.zeros((H,), dtype=jnp.float32)
    inp['ln1_g'] = jnp.ones((H,), dtype=jnp.float32)
    inp['ln1_b'] = jnp.zeros((H,), dtype=jnp.float32)
    inp['W_cls'] = jax.random.normal(ks[7], (H, C), dtype=jnp.float32) * sc
    inp['b_cls'] = jnp.zeros((C,), dtype=jnp.float32)
    return inp


def _gcn_conv(x, edge_index, W, b):
    # GCNConv: symmetric-normalized aggregation with self-loops
    n = x.shape[0]
    xw = x @ W
    loop = jnp.arange(n)
    row = jnp.concatenate([edge_index[0], loop])
    col = jnp.concatenate([edge_index[1], loop])
    deg = jax.ops.segment_sum(jnp.ones(row.shape[0], dtype=xw.dtype), col, num_segments=n)
    dinv = jnp.where(deg > 0, 1.0 / jnp.sqrt(deg), 0.0)
    norm = dinv[row] * dinv[col]
    msg = xw[row] * norm[:, None]
    out = jax.ops.segment_sum(msg, col, num_segments=n)
    return out + b


def _layer_norm(x, g, b, eps=1e-5):
    m = jnp.mean(x, axis=-1, keepdims=True)
    v = jnp.var(x, axis=-1, keepdims=True)
    return (x - m) / jnp.sqrt(v + eps) * g + b


def reference(x, edge_index, batch, ptr, centrality, W_init, b_init, W0, b0, W1, b1, W2, b2, ln0_g, ln0_b, ln1_g, ln1_b, W_cls, b_cls):
    x = x @ W_init + b_init
    edge_batch = batch[edge_index[0]]  # computed in original forward (gather)
    node_counts = jnp.bincount(batch, length=G)
    Ws = [(W0, b0), (W1, b1), (W2, b2)]
    lns = [(ln0_g, ln0_b), (ln1_g, ln1_b)]
    for i in range(NUM_LAYERS):
        x = _gcn_conv(x, edge_index, Ws[i][0], Ws[i][1])
        if i != NUM_LAYERS - 1:
            x = jax.nn.relu(x)
            x = _layer_norm(x, lns[i][0], lns[i][1])
            # F.dropout with p=0.0 is identity
        # batch_frac == 0 -> async_update path skipped
    sums = jax.ops.segment_sum(x, batch, num_segments=G)
    counts = jnp.maximum(node_counts, 1).astype(x.dtype)
    x = sums / counts[:, None]  # global_mean_pool
    x = x @ W_cls + b_cls
    embedding = x
    logp = jax.nn.log_softmax(x, axis=1)
    return (embedding, logp)

if __name__ == "__main__":
    import jax
    _d = setup_inputs()
    print(jax.jit(kernel)(*tuple(_d.values())))

</pallas_src>

<mosaic_0001>
#map = affine_map<(d0, d1) -> (0)>
#map1 = affine_map<(d0, d1) -> (0, 0)>
#map2 = affine_map<(d0, d1) -> (0, 0, 0)>
module attributes {stable_mosaic.version = 14 : i64} {
  func.func @_sc_degree(%arg0: i32, %arg1: i32, %arg2: memref<320000xi32, #tpu.memory_space<hbm>>, %arg3: memref<128x128xf32, #tpu.memory_space<hbm>>, %arg4: memref<256x128xf32, #tpu.memory_space<hbm>>, %arg5: memref<2x10000x128xf32, #tpu.memory_space<hbm>>, %arg6: memref<256xi32, #tpu.memory_space<vmem>>, %arg7: memref<256xi32, #tpu.memory_space<vmem>>, %arg8: memref<256xi32, #tpu.memory_space<vmem>>, %arg9: memref<256xi32, #tpu.memory_space<vmem>>, %arg10: memref<16xi32, #tpu.memory_space<vmem>>, %arg11: memref<256x128xf32, #tpu.memory_space<vmem>>, %arg12: memref<10000x128xf32, #tpu.memory_space<vmem_shared>>, %arg13: memref<!tpu.dma_semaphore, #tpu.memory_space<semaphore_mem>>, %arg14: memref<!tpu.dma_semaphore, #tpu.memory_space<semaphore_mem>>, %arg15: memref<!tpu.dma_semaphore, #tpu.memory_space<semaphore_mem>>, %arg16: memref<!tpu.dma_semaphore, #tpu.memory_space<semaphore_mem>>, %arg17: memref<!tpu.dma_semaphore, #tpu.memory_space<semaphore_mem>>, %arg18: memref<!tpu.dma_semaphore, #tpu.memory_space<semaphore_mem>>, %arg19: memref<!tpu.dma_semaphore, #tpu.memory_space<semaphore_mem>>, %arg20: memref<!tpu.dma_semaphore, #tpu.memory_space<semaphore_mem>>) attributes {dimension_semantics = [#tpu.dimension_semantics<core_parallel>, #tpu.dimension_semantics<subcore_parallel>], iteration_bounds = array<i64: 2, 16>, scalar_prefetch = 0 : i64, scratch_operands = 15 : i64, tpu.core_type = #tpu.core_type<sc_vector_subcore>, window_params = [{transform_indices = #map}, {transform_indices = #map1}, {transform_indices = #map1}, {transform_indices = #map2}]} {
    %mul3A = arith.constant 16 : i32
    %mul3A_0 = arith.muli %arg0, %mul3A : i32
    %add3A = arith.addi %mul3A_0, %arg1 : i32
    %mul3A_1 = arith.constant 10000 : i32
    %mul3A_2 = arith.muli %add3A, %mul3A_1 : i32
    %dma_start3A = tpu.memref_slice %arg2[%mul3A_2] : memref<320000xi32, #tpu.memory_space<hbm>> -> memref<256xi32, #tpu.memory_space<hbm>>
    %dma_start3A_3 = tpu.memref_slice %arg2[%mul3A_2] : memref<320000xi32, #tpu.memory_space<hbm>> -> memref<256xi32, #tpu.memory_space<hbm>>
    tpu.enqueue_dma source(%dma_start3A_3 : memref<256xi32, #tpu.memory_space<hbm>>) target(%arg6 : memref<256xi32, #tpu.memory_space<vmem>>) target_semaphore(%arg13 : memref<!tpu.dma_semaphore, #tpu.memory_space<semaphore_mem>>)
    %add3A_4 = arith.constant 256 : i32
    %add3A_5 = arith.addi %mul3A_2, %add3A_4 : i32
    %dma_start3A_6 = tpu.memref_slice %arg2[%add3A_5] : memref<320000xi32, #tpu.memory_space<hbm>> -> memref<256xi32, #tpu.memory_space<hbm>>
    %dma_start3A_7 = tpu.memref_slice %arg2[%add3A_5] : memref<320000xi32, #tpu.memory_space<hbm>> -> memref<256xi32, #tpu.memory_space<hbm>>
    tpu.enqueue_dma source(%dma_start3A_7 : memref<256xi32, #tpu.memory_space<hbm>>) target(%arg7 : memref<256xi32, #tpu.memory_space<vmem>>) target_semaphore(%arg14 : memref<!tpu.dma_semaphore, #tpu.memory_space<semaphore_mem>>)
    %add3A_8 = arith.constant 0 : i32
    %add3A_9 = arith.addi %arg1, %add3A_8 : i32
    %lt3A = arith.constant 78 : i32
    %lt3A_10 = arith.cmpi slt, %add3A_9, %lt3A : i32
    %convert_element_type3A = arith.extui %lt3A_10 : i1 to i32
    %cond3A = arith.constant 0 : i32
    %cond3A_11 = arith.cmpi ne, %convert_element_type3A, %cond3A : i32
    scf.if %cond3A_11 {
      %mul3A_119 = arith.constant 128 : i32
      %mul3A_120 = arith.muli %add3A_9, %mul3A_119 : i32
      "tpu.region"() ({
        %run_scoped3A = tpu.sem_alloc : memref<!tpu.dma_semaphore, #tpu.memory_space<semaphore_mem>>
        %dma_start3A_121 = arith.constant 0 : i32
        %dma_start3A_122 = tpu.memref_slice %arg12[%mul3A_120, %dma_start3A_121] : memref<10000x128xf32, #tpu.memory_space<vmem_shared>> -> memref<128x128xf32, #tpu.memory_space<vmem_shared>>
        tpu.enqueue_dma source(%arg3 : memref<128x128xf32, #tpu.memory_space<hbm>>) target(%dma_start3A_122 : memref<128x128xf32, #tpu.memory_space<vmem_shared>>) target_semaphore(%run_scoped3A : memref<!tpu.dma_semaphore, #tpu.memory_space<semaphore_mem>>)
        %dma_wait3A_123 = arith.constant 0 : i32
        %dma_wait3A_124 = tpu.memref_slice %arg12[%mul3A_120, %dma_wait3A_123] : memref<10000x128xf32, #tpu.memory_space<vmem_shared>> -> memref<128x128xf32, #tpu.memory_space<vmem_shared>>
        tpu.wait_dma2 semaphore(%run_scoped3A : memref<!tpu.dma_semaphore, #tpu.memory_space<semaphore_mem>>) src(%arg3 : memref<128x128xf32, #tpu.memory_space<hbm>>) dst(%dma_wait3A_124 : memref<128x128xf32, #tpu.memory_space<vmem_shared>>)
        tpu.yield
      }) : () -> ()
    } else {
    }
    %add3A_12 = arith.constant 16 : i32
    %add3A_13 = arith.addi %arg1, %add3A_12 : i32
    %lt3A_14 = arith.constant 78 : i32
    %lt3A_15 = arith.cmpi slt, %add3A_13, %lt3A_14 : i32
    %convert_element_type3A_16 = arith.extui %lt3A_15 : i1 to i32
    %cond3A_17 = arith.constant 0 : i32
    %cond3A_18 = arith.cmpi ne, %convert_element_type3A_16, %cond3A_17 : i32
    scf.if %cond3A_18 {
      %mul3A_119 = arith.constant 128 : i32
      %mul3A_120 = arith.muli %add3A_13, %mul3A_119 : i32
      "tpu.region"() ({
        %run_scoped3A = tpu.sem_alloc : memref<!tpu.dma_semaphore, #tpu.memory_space<semaphore_mem>>
        %dma_start3A_121 = arith.constant 0 : i32
        %dma_start3A_122 = tpu.memref_slice %arg12[%mul3A_120, %dma_start3A_121] : memref<10000x128xf32, #tpu.memory_space<vmem_shared>> -> memref<128x128xf32, #tpu.memory_space<vmem_shared>>
        tpu.enqueue_dma source(%arg3 : memref<128x128xf32, #tpu.memory_space<hbm>>) target(%dma_start3A_122 : memref<128x128xf32, #tpu.memory_space<vmem_shared>>) target_semaphore(%run_scoped3A : memref<!tpu.dma_semaphore, #tpu.memory_space<semaphore_mem>>)
        %dma_wait3A_123 = arith.constant 0 : i32
        %dma_wait3A_124 = tpu.memref_slice %arg12[%mul3A_120, %dma_wait3A_123] : memref<10000x128xf32, #tpu.memory_space<vmem_shared>> -> memref<128x128xf32, #tpu.memory_space<vmem_shared>>
        tpu.wait_dma2 semaphore(%run_scoped3A : memref<!tpu.dma_semaphore, #tpu.memory_space<semaphore_mem>>) src(%arg3 : memref<128x128xf32, #tpu.memory_space<hbm>>) dst(%dma_wait3A_124 : memref<128x128xf32, #tpu.memory_space<vmem_shared>>)
        tpu.yield
      }) : () -> ()
    } else {
    }
    %add3A_19 = arith.constant 32 : i32
    %add3A_20 = arith.addi %arg1, %add3A_19 : i32
    %lt3A_21 = arith.constant 78 : i32
    %lt3A_22 = arith.cmpi slt, %add3A_20, %lt3A_21 : i32
    %convert_element_type3A_23 = arith.extui %lt3A_22 : i1 to i32
    %cond3A_24 = arith.constant 0 : i32
    %cond3A_25 = arith.cmpi ne, %convert_element_type3A_23, %cond3A_24 : i32
    scf.if %cond3A_25 {
      %mul3A_119 = arith.constant 128 : i32
      %mul3A_120 = arith.muli %add3A_20, %mul3A_119 : i32
      "tpu.region"() ({
        %run_scoped3A = tpu.sem_alloc : memref<!tpu.dma_semaphore, #tpu.memory_space<semaphore_mem>>
        %dma_start3A_121 = arith.constant 0 : i32
        %dma_start3A_122 = tpu.memref_slice %arg12[%mul3A_120, %dma_start3A_121] : memref<10000x128xf32, #tpu.memory_space<vmem_shared>> -> memref<128x128xf32, #tpu.memory_space<vmem_shared>>
        tpu.enqueue_dma source(%arg3 : memref<128x128xf32, #tpu.memory_space<hbm>>) target(%dma_start3A_122 : memref<128x128xf32, #tpu.memory_space<vmem_shared>>) target_semaphore(%run_scoped3A : memref<!tpu.dma_semaphore, #tpu.memory_space<semaphore_mem>>)
        %dma_wait3A_123 = arith.constant 0 : i32
        %dma_wait3A_124 = tpu.memref_slice %arg12[%mul3A_120, %dma_wait3A_123] : memref<10000x128xf32, #tpu.memory_space<vmem_shared>> -> memref<128x128xf32, #tpu.memory_space<vmem_shared>>
        tpu.wait_dma2 semaphore(%run_scoped3A : memref<!tpu.dma_semaphore, #tpu.memory_space<semaphore_mem>>) src(%arg3 : memref<128x128xf32, #tpu.memory_space<hbm>>) dst(%dma_wait3A_124 : memref<128x128xf32, #tpu.memory_space<vmem_shared>>)
        tpu.yield
      }) : () -> ()
    } else {
    }
    %add3A_26 = arith.constant 48 : i32
    %add3A_27 = arith.addi %arg1, %add3A_26 : i32
    %lt3A_28 = arith.constant 78 : i32
    %lt3A_29 = arith.cmpi slt, %add3A_27, %lt3A_28 : i32
    %convert_element_type3A_30 = arith.extui %lt3A_29 : i1 to i32
    %cond3A_31 = arith.constant 0 : i32
    %cond3A_32 = arith.cmpi ne, %convert_element_type3A_30, %cond3A_31 : i32
    scf.if %cond3A_32 {
      %mul3A_119 = arith.constant 128 : i32
      %mul3A_120 = arith.muli %add3A_27, %mul3A_119 : i32
      "tpu.region"() ({
        %run_scoped3A = tpu.sem_alloc : memref<!tpu.dma_semaphore, #tpu.memory_space<semaphore_mem>>
        %dma_start3A_121 = arith.constant 0 : i32
        %dma_start3A_122 = tpu.memref_slice %arg12[%mul3A_120, %dma_start3A_121] : memref<10000x128xf32, #tpu.memory_space<vmem_shared>> -> memref<128x128xf32, #tpu.memory_space<vmem_shared>>
        tpu.enqueue_dma source(%arg3 : memref<128x128xf32, #tpu.memory_space<hbm>>) target(%dma_start3A_122 : memref<128x128xf32, #tpu.memory_space<vmem_shared>>) target_semaphore(%run_scoped3A : memref<!tpu.dma_semaphore, #tpu.memory_space<semaphore_mem>>)
        %dma_wait3A_123 = arith.constant 0 : i32
        %dma_wait3A_124 = tpu.memref_slice %arg12[%mul3A_120, %dma_wait3A_123] : memref<10000x128xf32, #tpu.memory_space<vmem_shared>> -> memref<128x128xf32, #tpu.memory_space<vmem_shared>>
        tpu.wait_dma2 semaphore(%run_scoped3A : memref<!tpu.dma_semaphore, #tpu.memory_space<semaphore_mem>>) src(%arg3 : memref<128x128xf32, #tpu.memory_space<hbm>>) dst(%dma_wait3A_124 : memref<128x128xf32, #tpu.memory_space<vmem_shared>>)
        tpu.yield
      }) : () -> ()
    } else {
    }
    %add3A_33 = arith.constant 64 : i32
    %add3A_34 = arith.addi %arg1, %add3A_33 : i32
    %lt3A_35 = arith.constant 78 : i32
    %lt3A_36 = arith.cmpi slt, %add3A_34, %lt3A_35 : i32
    %convert_element_type3A_37 = arith.extui %lt3A_36 : i1 to i32
    %cond3A_38 = arith.constant 0 : i32
    %cond3A_39 = arith.cmpi ne, %convert_element_type3A_37, %cond3A_38 : i32
    scf.if %cond3A_39 {
      %mul3A_119 = arith.constant 128 : i32
      %mul3A_120 = arith.muli %add3A_34, %mul3A_119 : i32
      "tpu.region"() ({
        %run_scoped3A = tpu.sem_alloc : memref<!tpu.dma_semaphore, #tpu.memory_space<semaphore_mem>>
        %dma_start3A_121 = arith.constant 0 : i32
        %dma_start3A_122 = tpu.memref_slice %arg12[%mul3A_120, %dma_start3A_121] : memref<10000x128xf32, #tpu.memory_space<vmem_shared>> -> memref<128x128xf32, #tpu.memory_space<vmem_shared>>
        tpu.enqueue_dma source(%arg3 : memref<128x128xf32, #tpu.memory_space<hbm>>) target(%dma_start3A_122 : memref<128x128xf32, #tpu.memory_space<vmem_shared>>) target_semaphore(%run_scoped3A : memref<!tpu.dma_semaphore, #tpu.memory_space<semaphore_mem>>)
        %dma_wait3A_123 = arith.constant 0 : i32
        %dma_wait3A_124 = tpu.memref_slice %arg12[%mul3A_120, %dma_wait3A_123] : memref<10000x128xf32, #tpu.memory_space<vmem_shared>> -> memref<128x128xf32, #tpu.memory_space<vmem_shared>>
        tpu.wait_dma2 semaphore(%run_scoped3A : memref<!tpu.dma_semaphore, #tpu.memory_space<semaphore_mem>>) src(%arg3 : memref<128x128xf32, #tpu.memory_space<hbm>>) dst(%dma_wait3A_124 : memref<128x128xf32, #tpu.memory_space<vmem_shared>>)
        tpu.yield
      }) : () -> ()
    } else {
    }
    %eq3A = arith.constant 15 : i32
    %eq3A_40 = arith.cmpi eq, %arg1, %eq3A : i32
    %convert_element_type3A_41 = arith.extui %eq3A_40 : i1 to i32
    %cond3A_42 = arith.constant 0 : i32
    %cond3A_43 = arith.cmpi ne, %convert_element_type3A_41, %cond3A_42 : i32
    scf.if %cond3A_43 {
      "tpu.region"() ({
        %run_scoped3A = tpu.sem_alloc : memref<!tpu.dma_semaphore, #tpu.memory_space<semaphore_mem>>
        %dma_start3A_119 = arith.constant 9984 : i32
        %dma_start3A_120 = arith.constant 0 : i32
        %dma_start3A_121 = tpu.memref_slice %arg12[%dma_start3A_119, %dma_start3A_120] : memref<10000x128xf32, #tpu.memory_space<vmem_shared>> -> memref<16x128xf32, #tpu.memory_space<vmem_shared>>
        %dma_start3A_122 = arith.constant 0 : i32
        %dma_start3A_123 = arith.constant 0 : i32
        %dma_start3A_124 = tpu.memref_slice %arg3[%dma_start3A_122, %dma_start3A_123] : memref<128x128xf32, #tpu.memory_space<hbm>> -> memref<16x128xf32, #tpu.memory_space<hbm>>
        tpu.enqueue_dma source(%dma_start3A_124 : memref<16x128xf32, #tpu.memory_space<hbm>>) target(%dma_start3A_121 : memref<16x128xf32, #tpu.memory_space<vmem_shared>>) target_semaphore(%run_scoped3A : memref<!tpu.dma_semaphore, #tpu.memory_space<semaphore_mem>>)
        %dma_wait3A_125 = arith.constant 9984 : i32
        %dma_wait3A_126 = arith.constant 0 : i32
        %dma_wait3A_127 = tpu.memref_slice %arg12[%dma_wait3A_125, %dma_wait3A_126] : memref<10000x128xf32, #tpu.memory_space<vmem_shared>> -> memref<16x128xf32, #tpu.memory_space<vmem_shared>>
        %dma_wait3A_128 = arith.constant 0 : i32
        %dma_wait3A_129 = arith.constant 0 : i32
        %dma_wait3A_130 = tpu.memref_slice %arg3[%dma_wait3A_128, %dma_wait3A_129] : memref<128x128xf32, #tpu.memory_space<hbm>> -> memref<16x128xf32, #tpu.memory_space<hbm>>
        tpu.wait_dma2 semaphore(%run_scoped3A : memref<!tpu.dma_semaphore, #tpu.memory_space<semaphore_mem>>) src(%dma_wait3A_130 : memref<16x128xf32, #tpu.memory_space<hbm>>) dst(%dma_wait3A_127 : memref<16x128xf32, #tpu.memory_space<vmem_shared>>)
        tpu.yield
      }) : () -> ()
    } else {
    }
    "tpu.region"() ({
      %run_scoped3A = tpu.sem_alloc : memref<!tpu.dma_semaphore, #tpu.memory_space<semaphore_mem>>
      tpu.enqueue_dma source(%arg4 : memref<256x128xf32, #tpu.memory_space<hbm>>) target(%arg11 : memref<256x128xf32, #tpu.memory_space<vmem>>) target_semaphore(%run_scoped3A : memref<!tpu.dma_semaphore, #tpu.memory_space<semaphore_mem>>)
      tpu.wait_dma2 semaphore(%run_scoped3A : memref<!tpu.dma_semaphore, #tpu.memory_space<semaphore_mem>>) src(%arg4 : memref<256x128xf32, #tpu.memory_space<hbm>>) dst(%arg11 : memref<256x128xf32, #tpu.memory_space<vmem>>)
      tpu.yield
    }) : () -> ()
    %barrier3A = arith.constant 0 : index
    tpu.barrier barrier_id(%barrier3A)
    %scan3A = arith.constant 0 : i32
    %scan3A_44 = arith.constant 0 : i32
    %scan3A_45 = arith.constant 9 : i32
    %scan3A_46 = arith.addi %scan3A_44, %scan3A_45 : i32
    %scan3A_47 = arith.constant 1 : i32
    scf.for %scan3A_119 = %scan3A_44 to %scan3A_46 step %scan3A_47  : i32 {
      %mul3A_120 = arith.constant 4 : i32
      %mul3A_121 = arith.muli %mul3A_120, %scan3A_119 : i32
      %mul3A_122 = arith.constant 256 : i32
      %mul3A_123 = arith.muli %mul3A_121, %mul3A_122 : i32
      %add3A_124 = arith.addi %mul3A_2, %mul3A_123 : i32
      %gt3A = arith.constant 0 : i32
      %gt3A_125 = arith.cmpi sgt, %scan3A_119, %gt3A : i32
      %convert_element_type3A_126 = arith.extui %gt3A_125 : i1 to i32
      %cond3A_127 = arith.constant 0 : i32
      %cond3A_128 = arith.cmpi ne, %convert_element_type3A_126, %cond3A_127 : i32
      scf.if %cond3A_128 {
        %dma_wait3A_177 = arith.constant 0 : i32
        %dma_wait3A_178 = arith.constant 0 : i32
        %dma_wait3A_179 = tpu.memref_slice %arg12[%dma_wait3A_177, %dma_wait3A_178] : memref<10000x128xf32, #tpu.memory_space<vmem_shared>> -> memref<10000x128xf32, #tpu.memory_space<vmem_shared>>
        tpu.wait_indirect_dma semaphore(%arg19 : memref<!tpu.dma_semaphore, #tpu.memory_space<semaphore_mem>>) src(%arg11 : memref<256x128xf32, #tpu.memory_space<vmem>>) dst(%dma_wait3A_179 : memref<10000x128xf32, #tpu.memory_space<vmem_shared>>)
        %dma_wait3A_180 = arith.constant 0 : i32
        %dma_wait3A_181 = arith.constant 0 : i32
        %dma_wait3A_182 = tpu.memref_slice %arg12[%dma_wait3A_180, %dma_wait3A_181] : memref<10000x128xf32, #tpu.memory_space<vmem_shared>> -> memref<10000x128xf32, #tpu.memory_space<vmem_shared>>
        tpu.wait_indirect_dma semaphore(%arg20 : memref<!tpu.dma_semaphore, #tpu.memory_space<semaphore_mem>>) src(%arg11 : memref<256x128xf32, #tpu.memory_space<vmem>>) dst(%dma_wait3A_182 : memref<10000x128xf32, #tpu.memory_space<vmem_shared>>)
      } else {
      }
      %add3A_129 = arith.constant 512 : i32
      %add3A_130 = arith.addi %add3A_124, %add3A_129 : i32
      %dma_start3A_131 = tpu.memref_slice %arg2[%add3A_130] : memref<320000xi32, #tpu.memory_space<hbm>> -> memref<256xi32, #tpu.memory_space<hbm>>
      %dma_start3A_132 = tpu.memref_slice %arg2[%add3A_130] : memref<320000xi32, #tpu.memory_space<hbm>> -> memref<256xi32, #tpu.memory_space<hbm>>
      tpu.enqueue_dma source(%dma_start3A_132 : memref<256xi32, #tpu.memory_space<hbm>>) target(%arg8 : memref<256xi32, #tpu.memory_space<vmem>>) target_semaphore(%arg15 : memref<!tpu.dma_semaphore, #tpu.memory_space<semaphore_mem>>)
      %add3A_133 = arith.constant 768 : i32
      %add3A_134 = arith.addi %add3A_124, %add3A_133 : i32
      %dma_start3A_135 = tpu.memref_slice %arg2[%add3A_134] : memref<320000xi32, #tpu.memory_space<hbm>> -> memref<256xi32, #tpu.memory_space<hbm>>
      %dma_start3A_136 = tpu.memref_slice %arg2[%add3A_134] : memref<320000xi32, #tpu.memory_space<hbm>> -> memref<256xi32, #tpu.memory_space<hbm>>
      tpu.enqueue_dma source(%dma_start3A_136 : memref<256xi32, #tpu.memory_space<hbm>>) target(%arg9 : memref<256xi32, #tpu.memory_space<vmem>>) target_semaphore(%arg16 : memref<!tpu.dma_semaphore, #tpu.memory_space<semaphore_mem>>)
      %dma_wait3A_137 = tpu.memref_slice %arg2[%add3A_124] : memref<320000xi32, #tpu.memory_space<hbm>> -> memref<256xi32, #tpu.memory_space<hbm>>
      %dma_wait3A_138 = tpu.memref_slice %arg2[%add3A_124] : memref<320000xi32, #tpu.memory_space<hbm>> -> memref<256xi32, #tpu.memory_space<hbm>>
      tpu.wait_dma2 semaphore(%arg13 : memref<!tpu.dma_semaphore, #tpu.memory_space<semaphore_mem>>) src(%dma_wait3A_138 : memref<256xi32, #tpu.memory_space<hbm>>) dst(%arg6 : memref<256xi32, #tpu.memory_space<vmem>>)
      %dma_start3A_139 = arith.constant 0 : i32
      %dma_start3A_140 = arith.constant 0 : i32
      %dma_start3A_141 = tpu.memref_slice %arg12[%dma_start3A_139, %dma_start3A_140] : memref<10000x128xf32, #tpu.memory_space<vmem_shared>> -> memref<10000x128xf32, #tpu.memory_space<vmem_shared>>
      tpu.enqueue_indirect_dma source(%arg11 : memref<256x128xf32, #tpu.memory_space<vmem>>) target(%dma_start3A_141 : memref<10000x128xf32, #tpu.memory_space<vmem_shared>>) offsets(%arg6 : memref<256xi32, #tpu.memory_space<vmem>>) semaphore(%arg17 : memref<!tpu.dma_semaphore, #tpu.memory_space<semaphore_mem>>) {add = true}
      %add3A_142 = arith.constant 256 : i32
      %add3A_143 = arith.addi %add3A_124, %add3A_142 : i32
      %dma_wait3A_144 = tpu.memref_slice %arg2[%add3A_143] : memref<320000xi32, #tpu.memory_space<hbm>> -> memref<256xi32, #tpu.memory_space<hbm>>
      %dma_wait3A_145 = tpu.memref_slice %arg2[%add3A_143] : memref<320000xi32, #tpu.memory_space<hbm>> -> memref<256xi32, #tpu.memory_space<hbm>>
      tpu.wait_dma2 semaphore(%arg14 : memref<!tpu.dma_semaphore, #tpu.memory_space<semaphore_mem>>) src(%dma_wait3A_145 : memref<256xi32, #tpu.memory_space<hbm>>) dst(%arg7 : memref<256xi32, #tpu.memory_space<vmem>>)
      %dma_start3A_146 = arith.constant 0 : i32
      %dma_start3A_147 = arith.constant 0 : i32
      %dma_start3A_148 = tpu.memref_slice %arg12[%dma_start3A_146, %dma_start3A_147] : memref<10000x128xf32, #tpu.memory_space<vmem_shared>> -> memref<10000x128xf32, #tpu.memory_space<vmem_shared>>
      tpu.enqueue_indirect_dma source(%arg11 : memref<256x128xf32, #tpu.memory_space<vmem>>) target(%dma_start3A_148 : memref<10000x128xf32, #tpu.memory_space<vmem_shared>>) offsets(%arg7 : memref<256xi32, #tpu.memory_space<vmem>>) semaphore(%arg18 : memref<!tpu.dma_semaphore, #tpu.memory_space<semaphore_mem>>) {add = true}
      %dma_wait3A_149 = arith.constant 0 : i32
      %dma_wait3A_150 = arith.constant 0 : i32
      %dma_wait3A_151 = tpu.memref_slice %arg12[%dma_wait3A_149, %dma_wait3A_150] : memref<10000x128xf32, #tpu.memory_space<vmem_shared>> -> memref<10000x128xf32, #tpu.memory_space<vmem_shared>>
      tpu.wait_indirect_dma semaphore(%arg17 : memref<!tpu.dma_semaphore, #tpu.memory_space<semaphore_mem>>) src(%arg11 : memref<256x128xf32, #tpu.memory_space<vmem>>) dst(%dma_wait3A_151 : memref<10000x128xf32, #tpu.memory_space<vmem_shared>>)
      %dma_wait3A_152 = arith.constant 0 : i32
      %dma_wait3A_153 = arith.constant 0 : i32
      %dma_wait3A_154 = tpu.memref_slice %arg12[%dma_wait3A_152, %dma_wait3A_153] : memref<10000x128xf32, #tpu.memory_space<vmem_shared>> -> memref<10000x128xf32, #tpu.memory_space<vmem_shared>>
      tpu.wait_indirect_dma semaphore(%arg18 : memref<!tpu.dma_semaphore, #tpu.memory_space<semaphore_mem>>) src(%arg11 : memref<256x128xf32, #tpu.memory_space<vmem>>) dst(%dma_wait3A_154 : memref<10000x128xf32, #tpu.memory_space<vmem_shared>>)
      %add3A_155 = arith.constant 1024 : i32
      %add3A_156 = arith.addi %add3A_124, %add3A_155 : i32
      %dma_start3A_157 = tpu.memref_slice %arg2[%add3A_156] : memref<320000xi32, #tpu.memory_space<hbm>> -> memref<256xi32, #tpu.memory_space<hbm>>
      %dma_start3A_158 = tpu.memref_slice %arg2[%add3A_156] : memref<320000xi32, #tpu.memory_space<hbm>> -> memref<256xi32, #tpu.memory_space<hbm>>
      tpu.enqueue_dma source(%dma_start3A_158 : memref<256xi32, #tpu.memory_space<hbm>>) target(%arg6 : memref<256xi32, #tpu.memory_space<vmem>>) target_semaphore(%arg13 : memref<!tpu.dma_semaphore, #tpu.memory_space<semaphore_mem>>)
      %add3A_159 = arith.constant 1280 : i32
      %add3A_160 = arith.addi %add3A_124, %add3A_159 : i32
      %dma_start3A_161 = tpu.memref_slice %arg2[%add3A_160] : memref<320000xi32, #tpu.memory_space<hbm>> -> memref<256xi32, #tpu.memory_space<hbm>>
      %dma_start3A_162 = tpu.memref_slice %arg2[%add3A_160] : memref<320000xi32, #tpu.memory_space<hbm>> -> memref<256xi32, #tpu.memory_space<hbm>>
      tpu.enqueue_dma source(%dma_start3A_162 : memref<256xi32, #tpu.memory_space<hbm>>) target(%arg7 : memref<256xi32, #tpu.memory_space<vmem>>) target_semaphore(%arg14 : memref<!tpu.dma_semaphore, #tpu.memory_space<semaphore_mem>>)
      %add3A_163 = arith.constant 512 : i32
      %add3A_164 = arith.addi %add3A_124, %add3A_163 : i32
      %dma_wait3A_165 = tpu.memref_slice %arg2[%add3A_164] : memref<320000xi32, #tpu.memory_space<hbm>> -> memref<256xi32, #tpu.memory_space<hbm>>
      %dma_wait3A_166 = tpu.memref_slice %arg2[%add3A_164] : memref<320000xi32, #tpu.memory_space<hbm>> -> memref<256xi32, #tpu.memory_space<hbm>>
      tpu.wait_dma2 semaphore(%arg15 : memref<!tpu.dma_semaphore, #tpu.memory_space<semaphore_mem>>) src(%dma_wait3A_166 : memref<256xi32, #tpu.memory_space<hbm>>) dst(%arg8 : memref<256xi32, #tpu.memory_space<vmem>>)
      %dma_start3A_167 = arith.constant 0 : i32
      %dma_start3A_168 = arith.constant 0 : i32
      %dma_start3A_169 = tpu.memref_slice %arg12[%dma_start3A_167, %dma_start3A_168] : memref<10000x128xf32, #tpu.memory_space<vmem_shared>> -> memref<10000x128xf32, #tpu.memory_space<vmem_shared>>
      tpu.enqueue_indirect_dma source(%arg11 : memref<256x128xf32, #tpu.memory_space<vmem>>) target(%dma_start3A_169 : memref<10000x128xf32, #tpu.memory_space<vmem_shared>>) offsets(%arg8 : memref<256xi32, #tpu.memory_space<vmem>>) semaphore(%arg19 : memref<!tpu.dma_semaphore, #tpu.memory_space<semaphore_mem>>) {add = true}
      %add3A_170 = arith.constant 768 : i32
      %add3A_171 = arith.addi %add3A_124, %add3A_170 : i32
      %dma_wait3A_172 = tpu.memref_slice %arg2[%add3A_171] : memref<320000xi32, #tpu.memory_space<hbm>> -> memref<256xi32, #tpu.memory_space<hbm>>
      %dma_wait3A_173 = tpu.memref_slice %arg2[%add3A_171] : memref<320000xi32, #tpu.memory_space<hbm>> -> memref<256xi32, #tpu.memory_space<hbm>>
      tpu.wait_dma2 semaphore(%arg16 : memref<!tpu.dma_semaphore, #tpu.memory_space<semaphore_mem>>) src(%dma_wait3A_173 : memref<256xi32, #tpu.memory_space<hbm>>) dst(%arg9 : memref<256xi32, #tpu.memory_space<vmem>>)
      %dma_start3A_174 = arith.constant 0 : i32
      %dma_start3A_175 = arith.constant 0 : i32
      %dma_start3A_176 = tpu.memref_slice %arg12[%dma_start3A_174, %dma_start3A_175] : memref<10000x128xf32, #tpu.memory_space<vmem_shared>> -> memref<10000x128xf32, #tpu.memory_space<vmem_shared>>
      tpu.enqueue_indirect_dma source(%arg11 : memref<256x128xf32, #tpu.memory_space<vmem>>) target(%dma_start3A_176 : memref<10000x128xf32, #tpu.memory_space<vmem_shared>>) offsets(%arg9 : memref<256xi32, #tpu.memory_space<vmem>>) semaphore(%arg20 : memref<!tpu.dma_semaphore, #tpu.memory_space<semaphore_mem>>) {add = true}
    }
    %scan3A_48 = arith.constant 9 : i32
    %dma_wait3A = arith.constant 0 : i32
    %dma_wait3A_49 = arith.constant 0 : i32
    %dma_wait3A_50 = tpu.memref_slice %arg12[%dma_wait3A, %dma_wait3A_49] : memref<10000x128xf32, #tpu.memory_space<vmem_shared>> -> memref<10000x128xf32, #tpu.memory_space<vmem_shared>>
    tpu.wait_indirect_dma semaphore(%arg19 : memref<!tpu.dma_semaphore, #tpu.memory_space<semaphore_mem>>) src(%arg11 : memref<256x128xf32, #tpu.memory_space<vmem>>) dst(%dma_wait3A_50 : memref<10000x128xf32, #tpu.memory_space<vmem_shared>>)
    %dma_wait3A_51 = arith.constant 0 : i32
    %dma_wait3A_52 = arith.constant 0 : i32
    %dma_wait3A_53 = tpu.memref_slice %arg12[%dma_wait3A_51, %dma_wait3A_52] : memref<10000x128xf32, #tpu.memory_space<vmem_shared>> -> memref<10000x128xf32, #tpu.memory_space<vmem_shared>>
    tpu.wait_indirect_dma semaphore(%arg20 : memref<!tpu.dma_semaphore, #tpu.memory_space<semaphore_mem>>) src(%arg11 : memref<256x128xf32, #tpu.memory_space<vmem>>) dst(%dma_wait3A_53 : memref<10000x128xf32, #tpu.memory_space<vmem_shared>>)
    %dma_wait3A_54 = arith.constant 0 : i32
    %dma_wait3A_55 = tpu.memref_slice %arg2[%dma_wait3A_54] : memref<320000xi32, #tpu.memory_space<hbm>> -> memref<256xi32, #tpu.memory_space<hbm>>
    %dma_wait3A_56 = arith.constant 0 : i32
    %dma_wait3A_57 = tpu.memref_slice %arg2[%dma_wait3A_56] : memref<320000xi32, #tpu.memory_space<hbm>> -> memref<256xi32, #tpu.memory_space<hbm>>
    tpu.wait_dma2 semaphore(%arg13 : memref<!tpu.dma_semaphore, #tpu.memory_space<semaphore_mem>>) src(%dma_wait3A_57 : memref<256xi32, #tpu.memory_space<hbm>>) dst(%arg6 : memref<256xi32, #tpu.memory_space<vmem>>)
    %dma_start3A_58 = arith.constant 0 : i32
    %dma_start3A_59 = arith.constant 0 : i32
    %dma_start3A_60 = tpu.memref_slice %arg12[%dma_start3A_58, %dma_start3A_59] : memref<10000x128xf32, #tpu.memory_space<vmem_shared>> -> memref<10000x128xf32, #tpu.memory_space<vmem_shared>>
    tpu.enqueue_indirect_dma source(%arg11 : memref<256x128xf32, #tpu.memory_space<vmem>>) target(%dma_start3A_60 : memref<10000x128xf32, #tpu.memory_space<vmem_shared>>) offsets(%arg6 : memref<256xi32, #tpu.memory_space<vmem>>) semaphore(%arg17 : memref<!tpu.dma_semaphore, #tpu.memory_space<semaphore_mem>>) {add = true}
    %dma_wait3A_61 = arith.constant 0 : i32
    %dma_wait3A_62 = tpu.memref_slice %arg2[%dma_wait3A_61] : memref<320000xi32, #tpu.memory_space<hbm>> -> memref<256xi32, #tpu.memory_space<hbm>>
    %dma_wait3A_63 = arith.constant 0 : i32
    %dma_wait3A_64 = tpu.memref_slice %arg2[%dma_wait3A_63] : memref<320000xi32, #tpu.memory_space<hbm>> -> memref<256xi32, #tpu.memory_space<hbm>>
    tpu.wait_dma2 semaphore(%arg14 : memref<!tpu.dma_semaphore, #tpu.memory_space<semaphore_mem>>) src(%dma_wait3A_64 : memref<256xi32, #tpu.memory_space<hbm>>) dst(%arg7 : memref<256xi32, #tpu.memory_space<vmem>>)
    %dma_start3A_65 = arith.constant 0 : i32
    %dma_start3A_66 = arith.constant 0 : i32
    %dma_start3A_67 = tpu.memref_slice %arg12[%dma_start3A_65, %dma_start3A_66] : memref<10000x128xf32, #tpu.memory_space<vmem_shared>> -> memref<10000x128xf32, #tpu.memory_space<vmem_shared>>
    tpu.enqueue_indirect_dma source(%arg11 : memref<256x128xf32, #tpu.memory_space<vmem>>) target(%dma_start3A_67 : memref<10000x128xf32, #tpu.memory_space<vmem_shared>>) offsets(%arg7 : memref<256xi32, #tpu.memory_space<vmem>>) semaphore(%arg18 : memref<!tpu.dma_semaphore, #tpu.memory_space<semaphore_mem>>) {add = true}
    %add3A_68 = arith.constant 9728 : i32
    %add3A_69 = arith.addi %mul3A_2, %add3A_68 : i32
    "tpu.region"() ({
      %run_scoped3A = tpu.sem_alloc : memref<!tpu.dma_semaphore, #tpu.memory_space<semaphore_mem>>
      %dma_start3A_119 = tpu.memref_slice %arg2[%add3A_69] : memref<320000xi32, #tpu.memory_space<hbm>> -> memref<256xi32, #tpu.memory_space<hbm>>
      %dma_start3A_120 = tpu.memref_slice %arg2[%add3A_69] : memref<320000xi32, #tpu.memory_space<hbm>> -> memref<256xi32, #tpu.memory_space<hbm>>
      tpu.enqueue_dma source(%dma_start3A_120 : memref<256xi32, #tpu.memory_space<hbm>>) target(%arg8 : memref<256xi32, #tpu.memory_space<vmem>>) target_semaphore(%run_scoped3A : memref<!tpu.dma_semaphore, #tpu.memory_space<semaphore_mem>>)
      %dma_wait3A_121 = tpu.memref_slice %arg2[%add3A_69] : memref<320000xi32, #tpu.memory_space<hbm>> -> memref<256xi32, #tpu.memory_space<hbm>>
      %dma_wait3A_122 = tpu.memref_slice %arg2[%add3A_69] : memref<320000xi32, #tpu.memory_space<hbm>> -> memref<256xi32, #tpu.memory_space<hbm>>
      tpu.wait_dma2 semaphore(%run_scoped3A : memref<!tpu.dma_semaphore, #tpu.memory_space<semaphore_mem>>) src(%dma_wait3A_122 : memref<256xi32, #tpu.memory_space<hbm>>) dst(%arg8 : memref<256xi32, #tpu.memory_space<vmem>>)
      tpu.yield
    }) : () -> ()
    "tpu.region"() ({
      %run_scoped3A = tpu.sem_alloc : memref<!tpu.dma_semaphore, #tpu.memory_space<semaphore_mem>>
      %dma_start3A_119 = arith.constant 0 : i32
      %dma_start3A_120 = arith.constant 0 : i32
      %dma_start3A_121 = tpu.memref_slice %arg12[%dma_start3A_119, %dma_start3A_120] : memref<10000x128xf32, #tpu.memory_space<vmem_shared>> -> memref<10000x128xf32, #tpu.memory_space<vmem_shared>>
      tpu.enqueue_indirect_dma source(%arg11 : memref<256x128xf32, #tpu.memory_space<vmem>>) target(%dma_start3A_121 : memref<10000x128xf32, #tpu.memory_space<vmem_shared>>) offsets(%arg8 : memref<256xi32, #tpu.memory_space<vmem>>) semaphore(%run_scoped3A : memref<!tpu.dma_semaphore, #tpu.memory_space<semaphore_mem>>) {add = true}
      %dma_wait3A_122 = arith.constant 0 : i32
      %dma_wait3A_123 = arith.constant 0 : i32
      %dma_wait3A_124 = tpu.memref_slice %arg12[%dma_wait3A_122, %dma_wait3A_123] : memref<10000x128xf32, #tpu.memory_space<vmem_shared>> -> memref<10000x128xf32, #tpu.memory_space<vmem_shared>>
      tpu.wait_indirect_dma semaphore(%run_scoped3A : memref<!tpu.dma_semaphore, #tpu.memory_space<semaphore_mem>>) src(%arg11 : memref<256x128xf32, #tpu.memory_space<vmem>>) dst(%dma_wait3A_124 : memref<10000x128xf32, #tpu.memory_space<vmem_shared>>)
      tpu.yield
    }) : () -> ()
    %dma_wait3A_70 = arith.constant 0 : i32
    %dma_wait3A_71 = arith.constant 0 : i32
    %dma_wait3A_72 = tpu.memref_slice %arg12[%dma_wait3A_70, %dma_wait3A_71] : memref<10000x128xf32, #tpu.memory_space<vmem_shared>> -> memref<10000x128xf32, #tpu.memory_space<vmem_shared>>
    tpu.wait_indirect_dma semaphore(%arg17 : memref<!tpu.dma_semaphore, #tpu.memory_space<semaphore_mem>>) src(%arg11 : memref<256x128xf32, #tpu.memory_space<vmem>>) dst(%dma_wait3A_72 : memref<10000x128xf32, #tpu.memory_space<vmem_shared>>)
    %dma_wait3A_73 = arith.constant 0 : i32
    %dma_wait3A_74 = arith.constant 0 : i32
    %dma_wait3A_75 = tpu.memref_slice %arg12[%dma_wait3A_73, %dma_wait3A_74] : memref<10000x128xf32, #tpu.memory_space<vmem_shared>> -> memref<10000x128xf32, #tpu.memory_space<vmem_shared>>
    tpu.wait_indirect_dma semaphore(%arg18 : memref<!tpu.dma_semaphore, #tpu.memory_space<semaphore_mem>>) src(%arg11 : memref<256x128xf32, #tpu.memory_space<vmem>>) dst(%dma_wait3A_75 : memref<10000x128xf32, #tpu.memory_space<vmem_shared>>)
    %add3A_76 = arith.constant 9984 : i32
    %add3A_77 = arith.addi %mul3A_2, %add3A_76 : i32
    "tpu.region"() ({
      %run_scoped3A = tpu.sem_alloc : memref<!tpu.dma_semaphore, #tpu.memory_space<semaphore_mem>>
      %dma_start3A_119 = tpu.memref_slice %arg2[%add3A_77] : memref<320000xi32, #tpu.memory_space<hbm>> -> memref<16xi32, #tpu.memory_space<hbm>>
      %dma_start3A_120 = tpu.memref_slice %arg2[%add3A_77] : memref<320000xi32, #tpu.memory_space<hbm>> -> memref<16xi32, #tpu.memory_space<hbm>>
      tpu.enqueue_dma source(%dma_start3A_120 : memref<16xi32, #tpu.memory_space<hbm>>) target(%arg10 : memref<16xi32, #tpu.memory_space<vmem>>) target_semaphore(%run_scoped3A : memref<!tpu.dma_semaphore, #tpu.memory_space<semaphore_mem>>)
      %dma_wait3A_121 = tpu.memref_slice %arg2[%add3A_77] : memref<320000xi32, #tpu.memory_space<hbm>> -> memref<16xi32, #tpu.memory_space<hbm>>
      %dma_wait3A_122 = tpu.memref_slice %arg2[%add3A_77] : memref<320000xi32, #tpu.memory_space<hbm>> -> memref<16xi32, #tpu.memory_space<hbm>>
      tpu.wait_dma2 semaphore(%run_scoped3A : memref<!tpu.dma_semaphore, #tpu.memory_space<semaphore_mem>>) src(%dma_wait3A_122 : memref<16xi32, #tpu.memory_space<hbm>>) dst(%arg10 : memref<16xi32, #tpu.memory_space<vmem>>)
      tpu.yield
    }) : () -> ()
    "tpu.region"() ({
      %run_scoped3A = tpu.sem_alloc : memref<!tpu.dma_semaphore, #tpu.memory_space<semaphore_mem>>
      %dma_start3A_119 = arith.constant 0 : i32
      %dma_start3A_120 = arith.constant 0 : i32
      %dma_start3A_121 = tpu.memref_slice %arg11[%dma_start3A_119, %dma_start3A_120] : memref<256x128xf32, #tpu.memory_space<vmem>> -> memref<16x128xf32, #tpu.memory_space<vmem>>
      %dma_start3A_122 = arith.constant 0 : i32
      %dma_start3A_123 = arith.constant 0 : i32
      %dma_start3A_124 = tpu.memref_slice %arg12[%dma_start3A_122, %dma_start3A_123] : memref<10000x128xf32, #tpu.memory_space<vmem_shared>> -> memref<10000x128xf32, #tpu.memory_space<vmem_shared>>
      tpu.enqueue_indirect_dma source(%dma_start3A_121 : memref<16x128xf32, #tpu.memory_space<vmem>>) target(%dma_start3A_124 : memref<10000x128xf32, #tpu.memory_space<vmem_shared>>) offsets(%arg10 : memref<16xi32, #tpu.memory_space<vmem>>) semaphore(%run_scoped3A : memref<!tpu.dma_semaphore, #tpu.memory_space<semaphore_mem>>) {add = true}
      %dma_wait3A_125 = arith.constant 0 : i32
      %dma_wait3A_126 = arith.constant 0 : i32
      %dma_wait3A_127 = tpu.memref_slice %arg11[%dma_wait3A_125, %dma_wait3A_126] : memref<256x128xf32, #tpu.memory_space<vmem>> -> memref<16x128xf32, #tpu.memory_space<vmem>>
      %dma_wait3A_128 = arith.constant 0 : i32
      %dma_wait3A_129 = arith.constant 0 : i32
      %dma_wait3A_130 = tpu.memref_slice %arg12[%dma_wait3A_128, %dma_wait3A_129] : memref<10000x128xf32, #tpu.memory_space<vmem_shared>> -> memref<10000x128xf32, #tpu.memory_space<vmem_shared>>
      tpu.wait_indirect_dma semaphore(%run_scoped3A : memref<!tpu.dma_semaphore, #tpu.memory_space<semaphore_mem>>) src(%dma_wait3A_127 : memref<16x128xf32, #tpu.memory_space<vmem>>) dst(%dma_wait3A_130 : memref<10000x128xf32, #tpu.memory_space<vmem_shared>>)
      tpu.yield
    }) : () -> ()
    %barrier3A_78 = arith.constant 0 : index
    tpu.barrier barrier_id(%barrier3A_78)
    %add3A_79 = arith.constant 0 : i32
    %add3A_80 = arith.addi %arg1, %add3A_79 : i32
    %lt3A_81 = arith.constant 78 : i32
    %lt3A_82 = arith.cmpi slt, %add3A_80, %lt3A_81 : i32
    %convert_element_type3A_83 = arith.extui %lt3A_82 : i1 to i32
    %cond3A_84 = arith.constant 0 : i32
    %cond3A_85 = arith.cmpi ne, %convert_element_type3A_83, %cond3A_84 : i32
    scf.if %cond3A_85 {
      %mul3A_119 = arith.constant 128 : i32
      %mul3A_120 = arith.muli %add3A_80, %mul3A_119 : i32
      "tpu.region"() ({
        %run_scoped3A = tpu.sem_alloc : memref<!tpu.dma_semaphore, #tpu.memory_space<semaphore_mem>>
        %dma_start3A_121 = arith.constant 0 : i32
        %dma_start3A_122 = tpu.memref_slice %arg5[%arg0, %mul3A_120, %dma_start3A_121] : memref<2x10000x128xf32, #tpu.memory_space<hbm>> -> memref<1x128x128xf32, #tpu.memory_space<hbm>>
        %dma_start3A_123 = tpu.memref_squeeze %dma_start3A_122 : memref<1x128x128xf32, #tpu.memory_space<hbm>> -> memref<128x128xf32, #tpu.memory_space<hbm>>
        %dma_start3A_124 = arith.constant 0 : i32
        %dma_start3A_125 = tpu.memref_slice %arg12[%mul3A_120, %dma_start3A_124] : memref<10000x128xf32, #tpu.memory_space<vmem_shared>> -> memref<128x128xf32, #tpu.memory_space<vmem_shared>>
        tpu.enqueue_dma source(%dma_start3A_125 : memref<128x128xf32, #tpu.memory_space<vmem_shared>>) target(%dma_start3A_123 : memref<128x128xf32, #tpu.memory_space<hbm>>) target_semaphore(%run_scoped3A : memref<!tpu.dma_semaphore, #tpu.memory_space<semaphore_mem>>)
        %dma_wait3A_126 = arith.constant 0 : i32
        %dma_wait3A_127 = tpu.memref_slice %arg5[%arg0, %mul3A_120, %dma_wait3A_126] : memref<2x10000x128xf32, #tpu.memory_space<hbm>> -> memref<1x128x128xf32, #tpu.memory_space<hbm>>
        %dma_wait3A_128 = tpu.memref_squeeze %dma_wait3A_127 : memref<1x128x128xf32, #tpu.memory_space<hbm>> -> memref<128x128xf32, #tpu.memory_space<hbm>>
        %dma_wait3A_129 = arith.constant 0 : i32
        %dma_wait3A_130 = tpu.memref_slice %arg12[%mul3A_120, %dma_wait3A_129] : memref<10000x128xf32, #tpu.memory_space<vmem_shared>> -> memref<128x128xf32, #tpu.memory_space<vmem_shared>>
        tpu.wait_dma2 semaphore(%run_scoped3A : memref<!tpu.dma_semaphore, #tpu.memory_space<semaphore_mem>>) src(%dma_wait3A_130 : memref<128x128xf32, #tpu.memory_space<vmem_shared>>) dst(%dma_wait3A_128 : memref<128x128xf32, #tpu.memory_space<hbm>>)
        tpu.yield
      }) : () -> ()
    } else {
    }
    %add3A_86 = arith.constant 16 : i32
    %add3A_87 = arith.addi %arg1, %add3A_86 : i32
    %lt3A_88 = arith.constant 78 : i32
    %lt3A_89 = arith.cmpi slt, %add3A_87, %lt3A_88 : i32
    %convert_element_type3A_90 = arith.extui %lt3A_89 : i1 to i32
    %cond3A_91 = arith.constant 0 : i32
    %cond3A_92 = arith.cmpi ne, %convert_element_type3A_90, %cond3A_91 : i32
    scf.if %cond3A_92 {
      %mul3A_119 = arith.constant 128 : i32
      %mul3A_120 = arith.muli %add3A_87, %mul3A_119 : i32
      "tpu.region"() ({
        %run_scoped3A = tpu.sem_alloc : memref<!tpu.dma_semaphore, #tpu.memory_space<semaphore_mem>>
        %dma_start3A_121 = arith.constant 0 : i32
        %dma_start3A_122 = tpu.memref_slice %arg5[%arg0, %mul3A_120, %dma_start3A_121] : memref<2x10000x128xf32, #tpu.memory_space<hbm>> -> memref<1x128x128xf32, #tpu.memory_space<hbm>>
        %dma_start3A_123 = tpu.memref_squeeze %dma_start3A_122 : memref<1x128x128xf32, #tpu.memory_space<hbm>> -> memref<128x128xf32, #tpu.memory_space<hbm>>
        %dma_start3A_124 = arith.constant 0 : i32
        %dma_start3A_125 = tpu.memref_slice %arg12[%mul3A_120, %dma_start3A_124] : memref<10000x128xf32, #tpu.memory_space<vmem_shared>> -> memref<128x128xf32, #tpu.memory_space<vmem_shared>>
        tpu.enqueue_dma source(%dma_start3A_125 : memref<128x128xf32, #tpu.memory_space<vmem_shared>>) target(%dma_start3A_123 : memref<128x128xf32, #tpu.memory_space<hbm>>) target_semaphore(%run_scoped3A : memref<!tpu.dma_semaphore, #tpu.memory_space<semaphore_mem>>)
        %dma_wait3A_126 = arith.constant 0 : i32
        %dma_wait3A_127 = tpu.memref_slice %arg5[%arg0, %mul3A_120, %dma_wait3A_126] : memref<2x10000x128xf32, #tpu.memory_space<hbm>> -> memref<1x128x128xf32, #tpu.memory_space<hbm>>
        %dma_wait3A_128 = tpu.memref_squeeze %dma_wait3A_127 : memref<1x128x128xf32, #tpu.memory_space<hbm>> -> memref<128x128xf32, #tpu.memory_space<hbm>>
        %dma_wait3A_129 = arith.constant 0 : i32
        %dma_wait3A_130 = tpu.memref_slice %arg12[%mul3A_120, %dma_wait3A_129] : memref<10000x128xf32, #tpu.memory_space<vmem_shared>> -> memref<128x128xf32, #tpu.memory_space<vmem_shared>>
        tpu.wait_dma2 semaphore(%run_scoped3A : memref<!tpu.dma_semaphore, #tpu.memory_space<semaphore_mem>>) src(%dma_wait3A_130 : memref<128x128xf32, #tpu.memory_space<vmem_shared>>) dst(%dma_wait3A_128 : memref<128x128xf32, #tpu.memory_space<hbm>>)
        tpu.yield
      }) : () -> ()
    } else {
    }
    %add3A_93 = arith.constant 32 : i32
    %add3A_94 = arith.addi %arg1, %add3A_93 : i32
    %lt3A_95 = arith.constant 78 : i32
    %lt3A_96 = arith.cmpi slt, %add3A_94, %lt3A_95 : i32
    %convert_element_type3A_97 = arith.extui %lt3A_96 : i1 to i32
    %cond3A_98 = arith.constant 0 : i32
    %cond3A_99 = arith.cmpi ne, %convert_element_type3A_97, %cond3A_98 : i32
    scf.if %cond3A_99 {
      %mul3A_119 = arith.constant 128 : i32
      %mul3A_120 = arith.muli %add3A_94, %mul3A_119 : i32
      "tpu.region"() ({
        %run_scoped3A = tpu.sem_alloc : memref<!tpu.dma_semaphore, #tpu.memory_space<semaphore_mem>>
        %dma_start3A_121 = arith.constant 0 : i32
        %dma_start3A_122 = tpu.memref_slice %arg5[%arg0, %mul3A_120, %dma_start3A_121] : memref<2x10000x128xf32, #tpu.memory_space<hbm>> -> memref<1x128x128xf32, #tpu.memory_space<hbm>>
        %dma_start3A_123 = tpu.memref_squeeze %dma_start3A_122 : memref<1x128x128xf32, #tpu.memory_space<hbm>> -> memref<128x128xf32, #tpu.memory_space<hbm>>
        %dma_start3A_124 = arith.constant 0 : i32
        %dma_start3A_125 = tpu.memref_slice %arg12[%mul3A_120, %dma_start3A_124] : memref<10000x128xf32, #tpu.memory_space<vmem_shared>> -> memref<128x128xf32, #tpu.memory_space<vmem_shared>>
        tpu.enqueue_dma source(%dma_start3A_125 : memref<128x128xf32, #tpu.memory_space<vmem_shared>>) target(%dma_start3A_123 : memref<128x128xf32, #tpu.memory_space<hbm>>) target_semaphore(%run_scoped3A : memref<!tpu.dma_semaphore, #tpu.memory_space<semaphore_mem>>)
        %dma_wait3A_126 = arith.constant 0 : i32
        %dma_wait3A_127 = tpu.memref_slice %arg5[%arg0, %mul3A_120, %dma_wait3A_126] : memref<2x10000x128xf32, #tpu.memory_space<hbm>> -> memref<1x128x128xf32, #tpu.memory_space<hbm>>
        %dma_wait3A_128 = tpu.memref_squeeze %dma_wait3A_127 : memref<1x128x128xf32, #tpu.memory_space<hbm>> -> memref<128x128xf32, #tpu.memory_space<hbm>>
        %dma_wait3A_129 = arith.constant 0 : i32
        %dma_wait3A_130 = tpu.memref_slice %arg12[%mul3A_120, %dma_wait3A_129] : memref<10000x128xf32, #tpu.memory_space<vmem_shared>> -> memref<128x128xf32, #tpu.memory_space<vmem_shared>>
        tpu.wait_dma2 semaphore(%run_scoped3A : memref<!tpu.dma_semaphore, #tpu.memory_space<semaphore_mem>>) src(%dma_wait3A_130 : memref<128x128xf32, #tpu.memory_space<vmem_shared>>) dst(%dma_wait3A_128 : memref<128x128xf32, #tpu.memory_space<hbm>>)
        tpu.yield
      }) : () -> ()
    } else {
    }
    %add3A_100 = arith.constant 48 : i32
    %add3A_101 = arith.addi %arg1, %add3A_100 : i32
    %lt3A_102 = arith.constant 78 : i32
    %lt3A_103 = arith.cmpi slt, %add3A_101, %lt3A_102 : i32
    %convert_element_type3A_104 = arith.extui %lt3A_103 : i1 to i32
    %cond3A_105 = arith.constant 0 : i32
    %cond3A_106 = arith.cmpi ne, %convert_element_type3A_104, %cond3A_105 : i32
    scf.if %cond3A_106 {
      %mul3A_119 = arith.constant 128 : i32
      %mul3A_120 = arith.muli %add3A_101, %mul3A_119 : i32
      "tpu.region"() ({
        %run_scoped3A = tpu.sem_alloc : memref<!tpu.dma_semaphore, #tpu.memory_space<semaphore_mem>>
        %dma_start3A_121 = arith.constant 0 : i32
        %dma_start3A_122 = tpu.memref_slice %arg5[%arg0, %mul3A_120, %dma_start3A_121] : memref<2x10000x128xf32, #tpu.memory_space<hbm>> -> memref<1x128x128xf32, #tpu.memory_space<hbm>>
        %dma_start3A_123 = tpu.memref_squeeze %dma_start3A_122 : memref<1x128x128xf32, #tpu.memory_space<hbm>> -> memref<128x128xf32, #tpu.memory_space<hbm>>
        %dma_start3A_124 = arith.constant 0 : i32
        %dma_start3A_125 = tpu.memref_slice %arg12[%mul3A_120, %dma_start3A_124] : memref<10000x128xf32, #tpu.memory_space<vmem_shared>> -> memref<128x128xf32, #tpu.memory_space<vmem_shared>>
        tpu.enqueue_dma source(%dma_start3A_125 : memref<128x128xf32, #tpu.memory_space<vmem_shared>>) target(%dma_start3A_123 : memref<128x128xf32, #tpu.memory_space<hbm>>) target_semaphore(%run_scoped3A : memref<!tpu.dma_semaphore, #tpu.memory_space<semaphore_mem>>)
        %dma_wait3A_126 = arith.constant 0 : i32
        %dma_wait3A_127 = tpu.memref_slice %arg5[%arg0, %mul3A_120, %dma_wait3A_126] : memref<2x10000x128xf32, #tpu.memory_space<hbm>> -> memref<1x128x128xf32, #tpu.memory_space<hbm>>
        %dma_wait3A_128 = tpu.memref_squeeze %dma_wait3A_127 : memref<1x128x128xf32, #tpu.memory_space<hbm>> -> memref<128x128xf32, #tpu.memory_space<hbm>>
        %dma_wait3A_129 = arith.constant 0 : i32
        %dma_wait3A_130 = tpu.memref_slice %arg12[%mul3A_120, %dma_wait3A_129] : memref<10000x128xf32, #tpu.memory_space<vmem_shared>> -> memref<128x128xf32, #tpu.memory_space<vmem_shared>>
        tpu.wait_dma2 semaphore(%run_scoped3A : memref<!tpu.dma_semaphore, #tpu.memory_space<semaphore_mem>>) src(%dma_wait3A_130 : memref<128x128xf32, #tpu.memory_space<vmem_shared>>) dst(%dma_wait3A_128 : memref<128x128xf32, #tpu.memory_space<hbm>>)
        tpu.yield
      }) : () -> ()
    } else {
    }
    %add3A_107 = arith.constant 64 : i32
    %add3A_108 = arith.addi %arg1, %add3A_107 : i32
    %lt3A_109 = arith.constant 78 : i32
    %lt3A_110 = arith.cmpi slt, %add3A_108, %lt3A_109 : i32
    %convert_element_type3A_111 = arith.extui %lt3A_110 : i1 to i32
    %cond3A_112 = arith.constant 0 : i32
    %cond3A_113 = arith.cmpi ne, %convert_element_type3A_111, %cond3A_112 : i32
    scf.if %cond3A_113 {
      %mul3A_119 = arith.constant 128 : i32
      %mul3A_120 = arith.muli %add3A_108, %mul3A_119 : i32
      "tpu.region"() ({
        %run_scoped3A = tpu.sem_alloc : memref<!tpu.dma_semaphore, #tpu.memory_space<semaphore_mem>>
        %dma_start3A_121 = arith.constant 0 : i32
        %dma_start3A_122 = tpu.memref_slice %arg5[%arg0, %mul3A_120, %dma_start3A_121] : memref<2x10000x128xf32, #tpu.memory_space<hbm>> -> memref<1x128x128xf32, #tpu.memory_space<hbm>>
        %dma_start3A_123 = tpu.memref_squeeze %dma_start3A_122 : memref<1x128x128xf32, #tpu.memory_space<hbm>> -> memref<128x128xf32, #tpu.memory_space<hbm>>
        %dma_start3A_124 = arith.constant 0 : i32
        %dma_start3A_125 = tpu.memref_slice %arg12[%mul3A_120, %dma_start3A_124] : memref<10000x128xf32, #tpu.memory_space<vmem_shared>> -> memref<128x128xf32, #tpu.memory_space<vmem_shared>>
        tpu.enqueue_dma source(%dma_start3A_125 : memref<128x128xf32, #tpu.memory_space<vmem_shared>>) target(%dma_start3A_123 : memref<128x128xf32, #tpu.memory_space<hbm>>) target_semaphore(%run_scoped3A : memref<!tpu.dma_semaphore, #tpu.memory_space<semaphore_mem>>)
        %dma_wait3A_126 = arith.constant 0 : i32
        %dma_wait3A_127 = tpu.memref_slice %arg5[%arg0, %mul3A_120, %dma_wait3A_126] : memref<2x10000x128xf32, #tpu.memory_space<hbm>> -> memref<1x128x128xf32, #tpu.memory_space<hbm>>
        %dma_wait3A_128 = tpu.memref_squeeze %dma_wait3A_127 : memref<1x128x128xf32, #tpu.memory_space<hbm>> -> memref<128x128xf32, #tpu.memory_space<hbm>>
        %dma_wait3A_129 = arith.constant 0 : i32
        %dma_wait3A_130 = tpu.memref_slice %arg12[%mul3A_120, %dma_wait3A_129] : memref<10000x128xf32, #tpu.memory_space<vmem_shared>> -> memref<128x128xf32, #tpu.memory_space<vmem_shared>>
        tpu.wait_dma2 semaphore(%run_scoped3A : memref<!tpu.dma_semaphore, #tpu.memory_space<semaphore_mem>>) src(%dma_wait3A_130 : memref<128x128xf32, #tpu.memory_space<vmem_shared>>) dst(%dma_wait3A_128 : memref<128x128xf32, #tpu.memory_space<hbm>>)
        tpu.yield
      }) : () -> ()
    } else {
    }
    %eq3A_114 = arith.constant 15 : i32
    %eq3A_115 = arith.cmpi eq, %arg1, %eq3A_114 : i32
    %convert_element_type3A_116 = arith.extui %eq3A_115 : i1 to i32
    %cond3A_117 = arith.constant 0 : i32
    %cond3A_118 = arith.cmpi ne, %convert_element_type3A_116, %cond3A_117 : i32
    scf.if %cond3A_118 {
      "tpu.region"() ({
        %run_scoped3A = tpu.sem_alloc : memref<!tpu.dma_semaphore, #tpu.memory_space<semaphore_mem>>
        %dma_start3A_119 = arith.constant 9984 : i32
        %dma_start3A_120 = arith.constant 0 : i32
        %dma_start3A_121 = tpu.memref_slice %arg5[%arg0, %dma_start3A_119, %dma_start3A_120] : memref<2x10000x128xf32, #tpu.memory_space<hbm>> -> memref<1x16x128xf32, #tpu.memory_space<hbm>>
        %dma_start3A_122 = tpu.memref_squeeze %dma_start3A_121 : memref<1x16x128xf32, #tpu.memory_space<hbm>> -> memref<16x128xf32, #tpu.memory_space<hbm>>
        %dma_start3A_123 = arith.constant 9984 : i32
        %dma_start3A_124 = arith.constant 0 : i32
        %dma_start3A_125 = tpu.memref_slice %arg12[%dma_start3A_123, %dma_start3A_124] : memref<10000x128xf32, #tpu.memory_space<vmem_shared>> -> memref<16x128xf32, #tpu.memory_space<vmem_shared>>
        tpu.enqueue_dma source(%dma_start3A_125 : memref<16x128xf32, #tpu.memory_space<vmem_shared>>) target(%dma_start3A_122 : memref<16x128xf32, #tpu.memory_space<hbm>>) target_semaphore(%run_scoped3A : memref<!tpu.dma_semaphore, #tpu.memory_space<semaphore_mem>>)
        %dma_wait3A_126 = arith.constant 9984 : i32
        %dma_wait3A_127 = arith.constant 0 : i32
        %dma_wait3A_128 = tpu.memref_slice %arg5[%arg0, %dma_wait3A_126, %dma_wait3A_127] : memref<2x10000x128xf32, #tpu.memory_space<hbm>> -> memref<1x16x128xf32, #tpu.memory_space<hbm>>
        %dma_wait3A_129 = tpu.memref_squeeze %dma_wait3A_128 : memref<1x16x128xf32, #tpu.memory_space<hbm>> -> memref<16x128xf32, #tpu.memory_space<hbm>>
        %dma_wait3A_130 = arith.constant 9984 : i32
        %dma_wait3A_131 = arith.constant 0 : i32
        %dma_wait3A_132 = tpu.memref_slice %arg12[%dma_wait3A_130, %dma_wait3A_131] : memref<10000x128xf32, #tpu.memory_space<vmem_shared>> -> memref<16x128xf32, #tpu.memory_space<vmem_shared>>
        tpu.wait_dma2 semaphore(%run_scoped3A : memref<!tpu.dma_semaphore, #tpu.memory_space<semaphore_mem>>) src(%dma_wait3A_132 : memref<16x128xf32, #tpu.memory_space<vmem_shared>>) dst(%dma_wait3A_129 : memref<16x128xf32, #tpu.memory_space<hbm>>)
        tpu.yield
      }) : () -> ()
    } else {
    }
    return
  }
}

#map = affine_map<(d0, d1) -> (0, 0)>
#map1 = affine_map<(d0, d1) -> (0)>
#map2 = affine_map<(d0, d1) -> (0, 0, 0)>
module attributes {stable_mosaic.version = 14 : i64} {
  func.func @_sc_aggregate(%arg0: i32, %arg1: i32, %arg2: memref<10000x128xf32, #tpu.memory_space<hbm>>, %arg3: memref<320000xi32, #tpu.memory_space<hbm>>, %arg4: memref<320000xi32, #tpu.memory_space<hbm>>, %arg5: memref<128x128xf32, #tpu.memory_space<hbm>>, %arg6: memref<2x10000x128xf32, #tpu.memory_space<hbm>>, %arg7: memref<192xi32, #tpu.memory_space<vmem>>, %arg8: memref<192xi32, #tpu.memory_space<vmem>>, %arg9: memref<192xi32, #tpu.memory_space<vmem>>, %arg10: memref<192xi32, #tpu.memory_space<vmem>>, %arg11: memref<16xi32, #tpu.memory_space<vmem>>, %arg12: memref<16xi32, #tpu.memory_space<vmem>>, %arg13: memref<192x128xf32, #tpu.memory_space<vmem>>, %arg14: memref<192x128xf32, #tpu.memory_space<vmem>>, %arg15: memref<10000x128xf32, #tpu.memory_space<vmem_shared>>, %arg16: memref<!tpu.dma_semaphore, #tpu.memory_space<semaphore_mem>>, %arg17: memref<!tpu.dma_semaphore, #tpu.memory_space<semaphore_mem>>, %arg18: memref<!tpu.dma_semaphore, #tpu.memory_space<semaphore_mem>>, %arg19: memref<!tpu.dma_semaphore, #tpu.memory_space<semaphore_mem>>, %arg20: memref<!tpu.dma_semaphore, #tpu.memory_space<semaphore_mem>>, %arg21: memref<!tpu.dma_semaphore, #tpu.memory_space<semaphore_mem>>, %arg22: memref<!tpu.dma_semaphore, #tpu.memory_space<semaphore_mem>>, %arg23: memref<!tpu.dma_semaphore, #tpu.memory_space<semaphore_mem>>) attributes {dimension_semantics = [#tpu.dimension_semantics<core_parallel>, #tpu.dimension_semantics<subcore_parallel>], iteration_bounds = array<i64: 2, 16>, scalar_prefetch = 0 : i64, scratch_operands = 17 : i64, tpu.core_type = #tpu.core_type<sc_vector_subcore>, window_params = [{transform_indices = #map}, {transform_indices = #map1}, {transform_indices = #map1}, {transform_indices = #map}, {transform_indices = #map2}]} {
    %mul3A = arith.constant 16 : i32
    %mul3A_0 = arith.muli %arg0, %mul3A : i32
    %add3A = arith.addi %mul3A_0, %arg1 : i32
    %mul3A_1 = arith.constant 10000 : i32
    %mul3A_2 = arith.muli %add3A, %mul3A_1 : i32
    %dma_start3A = tpu.memref_slice %arg3[%mul3A_2] : memref<320000xi32, #tpu.memory_space<hbm>> -> memref<192xi32, #tpu.memory_space<hbm>>
    %dma_start3A_3 = tpu.memref_slice %arg3[%mul3A_2] : memref<320000xi32, #tpu.memory_space<hbm>> -> memref<192xi32, #tpu.memory_space<hbm>>
    tpu.enqueue_dma source(%dma_start3A_3 : memref<192xi32, #tpu.memory_space<hbm>>) target(%arg7 : memref<192xi32, #tpu.memory_space<vmem>>) target_semaphore(%arg16 : memref<!tpu.dma_semaphore, #tpu.memory_space<semaphore_mem>>)
    %add3A_4 = arith.constant 192 : i32
    %add3A_5 = arith.addi %mul3A_2, %add3A_4 : i32
    %dma_start3A_6 = tpu.memref_slice %arg3[%add3A_5] : memref<320000xi32, #tpu.memory_space<hbm>> -> memref<192xi32, #tpu.memory_space<hbm>>
    %dma_start3A_7 = tpu.memref_slice %arg3[%add3A_5] : memref<320000xi32, #tpu.memory_space<hbm>> -> memref<192xi32, #tpu.memory_space<hbm>>
    tpu.enqueue_dma source(%dma_start3A_7 : memref<192xi32, #tpu.memory_space<hbm>>) target(%arg8 : memref<192xi32, #tpu.memory_space<vmem>>) target_semaphore(%arg17 : memref<!tpu.dma_semaphore, #tpu.memory_space<semaphore_mem>>)
    %add3A_8 = arith.constant 0 : i32
    %add3A_9 = arith.addi %arg1, %add3A_8 : i32
    %lt3A = arith.constant 78 : i32
    %lt3A_10 = arith.cmpi slt, %add3A_9, %lt3A : i32
    %convert_element_type3A = arith.extui %lt3A_10 : i1 to i32
    %cond3A = arith.constant 0 : i32
    %cond3A_11 = arith.cmpi ne, %convert_element_type3A, %cond3A : i32
    scf.if %cond3A_11 {
      %mul3A_121 = arith.constant 128 : i32
      %mul3A_122 = arith.muli %add3A_9, %mul3A_121 : i32
      "tpu.region"() ({
        %run_scoped3A = tpu.sem_alloc : memref<!tpu.dma_semaphore, #tpu.memory_space<semaphore_mem>>
        %dma_start3A_123 = arith.constant 0 : i32
        %dma_start3A_124 = tpu.memref_slice %arg15[%mul3A_122, %dma_start3A_123] : memref<10000x128xf32, #tpu.memory_space<vmem_shared>> -> memref<128x128xf32, #tpu.memory_space<vmem_shared>>
        tpu.enqueue_dma source(%arg5 : memref<128x128xf32, #tpu.memory_space<hbm>>) target(%dma_start3A_124 : memref<128x128xf32, #tpu.memory_space<vmem_shared>>) target_semaphore(%run_scoped3A : memref<!tpu.dma_semaphore, #tpu.memory_space<semaphore_mem>>)
        %dma_wait3A_125 = arith.constant 0 : i32
        %dma_wait3A_126 = tpu.memref_slice %arg15[%mul3A_122, %dma_wait3A_125] : memref<10000x128xf32, #tpu.memory_space<vmem_shared>> -> memref<128x128xf32, #tpu.memory_space<vmem_shared>>
        tpu.wait_dma2 semaphore(%run_scoped3A : memref<!tpu.dma_semaphore, #tpu.memory_space<semaphore_mem>>) src(%arg5 : memref<128x128xf32, #tpu.memory_space<hbm>>) dst(%dma_wait3A_126 : memref<128x128xf32, #tpu.memory_space<vmem_shared>>)
        tpu.yield
      }) : () -> ()
    } else {
    }
    %add3A_12 = arith.constant 16 : i32
    %add3A_13 = arith.addi %arg1, %add3A_12 : i32
    %lt3A_14 = arith.constant 78 : i32
    %lt3A_15 = arith.cmpi slt, %add3A_13, %lt3A_14 : i32
    %convert_element_type3A_16 = arith.extui %lt3A_15 : i1 to i32
    %cond3A_17 = arith.constant 0 : i32
    %cond3A_18 = arith.cmpi ne, %convert_element_type3A_16, %cond3A_17 : i32
    scf.if %cond3A_18 {
      %mul3A_121 = arith.constant 128 : i32
      %mul3A_122 = arith.muli %add3A_13, %mul3A_121 : i32
      "tpu.region"() ({
        %run_scoped3A = tpu.sem_alloc : memref<!tpu.dma_semaphore, #tpu.memory_space<semaphore_mem>>
        %dma_start3A_123 = arith.constant 0 : i32
        %dma_start3A_124 = tpu.memref_slice %arg15[%mul3A_122, %dma_start3A_123] : memref<10000x128xf32, #tpu.memory_space<vmem_shared>> -> memref<128x128xf32, #tpu.memory_space<vmem_shared>>
        tpu.enqueue_dma source(%arg5 : memref<128x128xf32, #tpu.memory_space<hbm>>) target(%dma_start3A_124 : memref<128x128xf32, #tpu.memory_space<vmem_shared>>) target_semaphore(%run_scoped3A : memref<!tpu.dma_semaphore, #tpu.memory_space<semaphore_mem>>)
        %dma_wait3A_125 = arith.constant 0 : i32
        %dma_wait3A_126 = tpu.memref_slice %arg15[%mul3A_122, %dma_wait3A_125] : memref<10000x128xf32, #tpu.memory_space<vmem_shared>> -> memref<128x128xf32, #tpu.memory_space<vmem_shared>>
        tpu.wait_dma2 semaphore(%run_scoped3A : memref<!tpu.dma_semaphore, #tpu.memory_space<semaphore_mem>>) src(%arg5 : memref<128x128xf32, #tpu.memory_space<hbm>>) dst(%dma_wait3A_126 : memref<128x128xf32, #tpu.memory_space<vmem_shared>>)
        tpu.yield
      }) : () -> ()
    } else {
    }
    %add3A_19 = arith.constant 32 : i32
    %add3A_20 = arith.addi %arg1, %add3A_19 : i32
    %lt3A_21 = arith.constant 78 : i32
    %lt3A_22 = arith.cmpi slt, %add3A_20, %lt3A_21 : i32
    %convert_element_type3A_23 = arith.extui %lt3A_22 : i1 to i32
    %cond3A_24 = arith.constant 0 : i32
    %cond3A_25 = arith.cmpi ne, %convert_element_type3A_23, %cond3A_24 : i32
    scf.if %cond3A_25 {
      %mul3A_121 = arith.constant 128 : i32
      %mul3A_122 = arith.muli %add3A_20, %mul3A_121 : i32
      "tpu.region"() ({
        %run_scoped3A = tpu.sem_alloc : memref<!tpu.dma_semaphore, #tpu.memory_space<semaphore_mem>>
        %dma_start3A_123 = arith.constant 0 : i32
        %dma_start3A_124 = tpu.memref_slice %arg15[%mul3A_122, %dma_start3A_123] : memref<10000x128xf32, #tpu.memory_space<vmem_shared>> -> memref<128x128xf32, #tpu.memory_space<vmem_shared>>
        tpu.enqueue_dma source(%arg5 : memref<128x128xf32, #tpu.memory_space<hbm>>) target(%dma_start3A_124 : memref<128x128xf32, #tpu.memory_space<vmem_shared>>) target_semaphore(%run_scoped3A : memref<!tpu.dma_semaphore, #tpu.memory_space<semaphore_mem>>)
        %dma_wait3A_125 = arith.constant 0 : i32
        %dma_wait3A_126 = tpu.memref_slice %arg15[%mul3A_122, %dma_wait3A_125] : memref<10000x128xf32, #tpu.memory_space<vmem_shared>> -> memref<128x128xf32, #tpu.memory_space<vmem_shared>>
        tpu.wait_dma2 semaphore(%run_scoped3A : memref<!tpu.dma_semaphore, #tpu.memory_space<semaphore_mem>>) src(%arg5 : memref<128x128xf32, #tpu.memory_space<hbm>>) dst(%dma_wait3A_126 : memref<128x128xf32, #tpu.memory_space<vmem_shared>>)
        tpu.yield
      }) : () -> ()
    } else {
    }
    %add3A_26 = arith.constant 48 : i32
    %add3A_27 = arith.addi %arg1, %add3A_26 : i32
    %lt3A_28 = arith.constant 78 : i32
    %lt3A_29 = arith.cmpi slt, %add3A_27, %lt3A_28 : i32
    %convert_element_type3A_30 = arith.extui %lt3A_29 : i1 to i32
    %cond3A_31 = arith.constant 0 : i32
    %cond3A_32 = arith.cmpi ne, %convert_element_type3A_30, %cond3A_31 : i32
    scf.if %cond3A_32 {
      %mul3A_121 = arith.constant 128 : i32
      %mul3A_122 = arith.muli %add3A_27, %mul3A_121 : i32
      "tpu.region"() ({
        %run_scoped3A = tpu.sem_alloc : memref<!tpu.dma_semaphore, #tpu.memory_space<semaphore_mem>>
        %dma_start3A_123 = arith.constant 0 : i32
        %dma_start3A_124 = tpu.memref_slice %arg15[%mul3A_122, %dma_start3A_123] : memref<10000x128xf32, #tpu.memory_space<vmem_shared>> -> memref<128x128xf32, #tpu.memory_space<vmem_shared>>
        tpu.enqueue_dma source(%arg5 : memref<128x128xf32, #tpu.memory_space<hbm>>) target(%dma_start3A_124 : memref<128x128xf32, #tpu.memory_space<vmem_shared>>) target_semaphore(%run_scoped3A : memref<!tpu.dma_semaphore, #tpu.memory_space<semaphore_mem>>)
        %dma_wait3A_125 = arith.constant 0 : i32
        %dma_wait3A_126 = tpu.memref_slice %arg15[%mul3A_122, %dma_wait3A_125] : memref<10000x128xf32, #tpu.memory_space<vmem_shared>> -> memref<128x128xf32, #tpu.memory_space<vmem_shared>>
        tpu.wait_dma2 semaphore(%run_scoped3A : memref<!tpu.dma_semaphore, #tpu.memory_space<semaphore_mem>>) src(%arg5 : memref<128x128xf32, #tpu.memory_space<hbm>>) dst(%dma_wait3A_126 : memref<128x128xf32, #tpu.memory_space<vmem_shared>>)
        tpu.yield
      }) : () -> ()
    } else {
    }
    %add3A_33 = arith.constant 64 : i32
    %add3A_34 = arith.addi %arg1, %add3A_33 : i32
    %lt3A_35 = arith.constant 78 : i32
    %lt3A_36 = arith.cmpi slt, %add3A_34, %lt3A_35 : i32
    %convert_element_type3A_37 = arith.extui %lt3A_36 : i1 to i32
    %cond3A_38 = arith.constant 0 : i32
    %cond3A_39 = arith.cmpi ne, %convert_element_type3A_37, %cond3A_38 : i32
    scf.if %cond3A_39 {
      %mul3A_121 = arith.constant 128 : i32
      %mul3A_122 = arith.muli %add3A_34, %mul3A_121 : i32
      "tpu.region"() ({
        %run_scoped3A = tpu.sem_alloc : memref<!tpu.dma_semaphore, #tpu.memory_space<semaphore_mem>>
        %dma_start3A_123 = arith.constant 0 : i32
        %dma_start3A_124 = tpu.memref_slice %arg15[%mul3A_122, %dma_start3A_123] : memref<10000x128xf32, #tpu.memory_space<vmem_shared>> -> memref<128x128xf32, #tpu.memory_space<vmem_shared>>
        tpu.enqueue_dma source(%arg5 : memref<128x128xf32, #tpu.memory_space<hbm>>) target(%dma_start3A_124 : memref<128x128xf32, #tpu.memory_space<vmem_shared>>) target_semaphore(%run_scoped3A : memref<!tpu.dma_semaphore, #tpu.memory_space<semaphore_mem>>)
        %dma_wait3A_125 = arith.constant 0 : i32
        %dma_wait3A_126 = tpu.memref_slice %arg15[%mul3A_122, %dma_wait3A_125] : memref<10000x128xf32, #tpu.memory_space<vmem_shared>> -> memref<128x128xf32, #tpu.memory_space<vmem_shared>>
        tpu.wait_dma2 semaphore(%run_scoped3A : memref<!tpu.dma_semaphore, #tpu.memory_space<semaphore_mem>>) src(%arg5 : memref<128x128xf32, #tpu.memory_space<hbm>>) dst(%dma_wait3A_126 : memref<128x128xf32, #tpu.memory_space<vmem_shared>>)
        tpu.yield
      }) : () -> ()
    } else {
    }
    %eq3A = arith.constant 15 : i32
    %eq3A_40 = arith.cmpi eq, %arg1, %eq3A : i32
    %convert_element_type3A_41 = arith.extui %eq3A_40 : i1 to i32
    %cond3A_42 = arith.constant 0 : i32
    %cond3A_43 = arith.cmpi ne, %convert_element_type3A_41, %cond3A_42 : i32
    scf.if %cond3A_43 {
      "tpu.region"() ({
        %run_scoped3A = tpu.sem_alloc : memref<!tpu.dma_semaphore, #tpu.memory_space<semaphore_mem>>
        %dma_start3A_121 = arith.constant 9984 : i32
        %dma_start3A_122 = arith.constant 0 : i32
        %dma_start3A_123 = tpu.memref_slice %arg15[%dma_start3A_121, %dma_start3A_122] : memref<10000x128xf32, #tpu.memory_space<vmem_shared>> -> memref<16x128xf32, #tpu.memory_space<vmem_shared>>
        %dma_start3A_124 = arith.constant 0 : i32
        %dma_start3A_125 = arith.constant 0 : i32
        %dma_start3A_126 = tpu.memref_slice %arg5[%dma_start3A_124, %dma_start3A_125] : memref<128x128xf32, #tpu.memory_space<hbm>> -> memref<16x128xf32, #tpu.memory_space<hbm>>
        tpu.enqueue_dma source(%dma_start3A_126 : memref<16x128xf32, #tpu.memory_space<hbm>>) target(%dma_start3A_123 : memref<16x128xf32, #tpu.memory_space<vmem_shared>>) target_semaphore(%run_scoped3A : memref<!tpu.dma_semaphore, #tpu.memory_space<semaphore_mem>>)
        %dma_wait3A_127 = arith.constant 9984 : i32
        %dma_wait3A_128 = arith.constant 0 : i32
        %dma_wait3A_129 = tpu.memref_slice %arg15[%dma_wait3A_127, %dma_wait3A_128] : memref<10000x128xf32, #tpu.memory_space<vmem_shared>> -> memref<16x128xf32, #tpu.memory_space<vmem_shared>>
        %dma_wait3A_130 = arith.constant 0 : i32
        %dma_wait3A_131 = arith.constant 0 : i32
        %dma_wait3A_132 = tpu.memref_slice %arg5[%dma_wait3A_130, %dma_wait3A_131] : memref<128x128xf32, #tpu.memory_space<hbm>> -> memref<16x128xf32, #tpu.memory_space<hbm>>
        tpu.wait_dma2 semaphore(%run_scoped3A : memref<!tpu.dma_semaphore, #tpu.memory_space<semaphore_mem>>) src(%dma_wait3A_132 : memref<16x128xf32, #tpu.memory_space<hbm>>) dst(%dma_wait3A_129 : memref<16x128xf32, #tpu.memory_space<vmem_shared>>)
        tpu.yield
      }) : () -> ()
    } else {
    }
    %dma_wait3A = tpu.memref_slice %arg3[%mul3A_2] : memref<320000xi32, #tpu.memory_space<hbm>> -> memref<192xi32, #tpu.memory_space<hbm>>
    %dma_wait3A_44 = tpu.memref_slice %arg3[%mul3A_2] : memref<320000xi32, #tpu.memory_space<hbm>> -> memref<192xi32, #tpu.memory_space<hbm>>
    tpu.wait_dma2 semaphore(%arg16 : memref<!tpu.dma_semaphore, #tpu.memory_space<semaphore_mem>>) src(%dma_wait3A_44 : memref<192xi32, #tpu.memory_space<hbm>>) dst(%arg7 : memref<192xi32, #tpu.memory_space<vmem>>)
    %dma_start3A_45 = arith.constant 0 : i32
    %dma_start3A_46 = arith.constant 0 : i32
    %dma_start3A_47 = tpu.memref_slice %arg2[%dma_start3A_45, %dma_start3A_46] : memref<10000x128xf32, #tpu.memory_space<hbm>> -> memref<10000x128xf32, #tpu.memory_space<hbm>>
    tpu.enqueue_indirect_dma source(%dma_start3A_47 : memref<10000x128xf32, #tpu.memory_space<hbm>>) target(%arg13 : memref<192x128xf32, #tpu.memory_space<vmem>>) offsets(%arg7 : memref<192xi32, #tpu.memory_space<vmem>>) semaphore(%arg20 : memref<!tpu.dma_semaphore, #tpu.memory_space<semaphore_mem>>)
    %add3A_48 = arith.constant 192 : i32
    %add3A_49 = arith.addi %mul3A_2, %add3A_48 : i32
    %dma_wait3A_50 = tpu.memref_slice %arg3[%add3A_49] : memref<320000xi32, #tpu.memory_space<hbm>> -> memref<192xi32, #tpu.memory_space<hbm>>
    %dma_wait3A_51 = tpu.memref_slice %arg3[%add3A_49] : memref<320000xi32, #tpu.memory_space<hbm>> -> memref<192xi32, #tpu.memory_space<hbm>>
    tpu.wait_dma2 semaphore(%arg17 : memref<!tpu.dma_semaphore, #tpu.memory_space<semaphore_mem>>) src(%dma_wait3A_51 : memref<192xi32, #tpu.memory_space<hbm>>) dst(%arg8 : memref<192xi32, #tpu.memory_space<vmem>>)
    %dma_start3A_52 = arith.constant 0 : i32
    %dma_start3A_53 = arith.constant 0 : i32
    %dma_start3A_54 = tpu.memref_slice %arg2[%dma_start3A_52, %dma_start3A_53] : memref<10000x128xf32, #tpu.memory_space<hbm>> -> memref<10000x128xf32, #tpu.memory_space<hbm>>
    tpu.enqueue_indirect_dma source(%dma_start3A_54 : memref<10000x128xf32, #tpu.memory_space<hbm>>) target(%arg14 : memref<192x128xf32, #tpu.memory_space<vmem>>) offsets(%arg8 : memref<192xi32, #tpu.memory_space<vmem>>) semaphore(%arg21 : memref<!tpu.dma_semaphore, #tpu.memory_space<semaphore_mem>>)
    %barrier3A = arith.constant 0 : index
    tpu.barrier barrier_id(%barrier3A)
    %scan3A = arith.constant 0 : i32
    %scan3A_55 = arith.constant 0 : i32
    %scan3A_56 = arith.constant 26 : i32
    %scan3A_57 = arith.addi %scan3A_55, %scan3A_56 : i32
    %scan3A_58 = arith.constant 1 : i32
    scf.for %scan3A_121 = %scan3A_55 to %scan3A_57 step %scan3A_58  : i32 {
      %mul3A_122 = arith.constant 2 : i32
      %mul3A_123 = arith.muli %mul3A_122, %scan3A_121 : i32
      %mul3A_124 = arith.constant 192 : i32
      %mul3A_125 = arith.muli %mul3A_123, %mul3A_124 : i32
      %add3A_126 = arith.addi %mul3A_2, %mul3A_125 : i32
      %add3A_127 = arith.constant 192 : i32
      %add3A_128 = arith.addi %add3A_126, %add3A_127 : i32
      %gt3A = arith.constant 0 : i32
      %gt3A_129 = arith.cmpi sgt, %scan3A_121, %gt3A : i32
      %convert_element_type3A_130 = arith.extui %gt3A_129 : i1 to i32
      %cond3A_131 = arith.constant 0 : i32
      %cond3A_132 = arith.cmpi ne, %convert_element_type3A_130, %cond3A_131 : i32
      scf.if %cond3A_132 {
        %dma_wait3A_172 = arith.constant 0 : i32
        %dma_wait3A_173 = arith.constant 0 : i32
        %dma_wait3A_174 = tpu.memref_slice %arg15[%dma_wait3A_172, %dma_wait3A_173] : memref<10000x128xf32, #tpu.memory_space<vmem_shared>> -> memref<10000x128xf32, #tpu.memory_space<vmem_shared>>
        tpu.wait_indirect_dma semaphore(%arg22 : memref<!tpu.dma_semaphore, #tpu.memory_space<semaphore_mem>>) src(%arg13 : memref<192x128xf32, #tpu.memory_space<vmem>>) dst(%dma_wait3A_174 : memref<10000x128xf32, #tpu.memory_space<vmem_shared>>)
        %dma_wait3A_175 = arith.constant 0 : i32
        %dma_wait3A_176 = arith.constant 0 : i32
        %dma_wait3A_177 = tpu.memref_slice %arg15[%dma_wait3A_175, %dma_wait3A_176] : memref<10000x128xf32, #tpu.memory_space<vmem_shared>> -> memref<10000x128xf32, #tpu.memory_space<vmem_shared>>
        tpu.wait_indirect_dma semaphore(%arg23 : memref<!tpu.dma_semaphore, #tpu.memory_space<semaphore_mem>>) src(%arg14 : memref<192x128xf32, #tpu.memory_space<vmem>>) dst(%dma_wait3A_177 : memref<10000x128xf32, #tpu.memory_space<vmem_shared>>)
      } else {
      }
      %dma_start3A_133 = tpu.memref_slice %arg4[%add3A_126] : memref<320000xi32, #tpu.memory_space<hbm>> -> memref<192xi32, #tpu.memory_space<hbm>>
      %dma_start3A_134 = tpu.memref_slice %arg4[%add3A_126] : memref<320000xi32, #tpu.memory_space<hbm>> -> memref<192xi32, #tpu.memory_space<hbm>>
      tpu.enqueue_dma source(%dma_start3A_134 : memref<192xi32, #tpu.memory_space<hbm>>) target(%arg9 : memref<192xi32, #tpu.memory_space<vmem>>) target_semaphore(%arg18 : memref<!tpu.dma_semaphore, #tpu.memory_space<semaphore_mem>>)
      %dma_start3A_135 = tpu.memref_slice %arg4[%add3A_128] : memref<320000xi32, #tpu.memory_space<hbm>> -> memref<192xi32, #tpu.memory_space<hbm>>
      %dma_start3A_136 = tpu.memref_slice %arg4[%add3A_128] : memref<320000xi32, #tpu.memory_space<hbm>> -> memref<192xi32, #tpu.memory_space<hbm>>
      tpu.enqueue_dma source(%dma_start3A_136 : memref<192xi32, #tpu.memory_space<hbm>>) target(%arg10 : memref<192xi32, #tpu.memory_space<vmem>>) target_semaphore(%arg19 : memref<!tpu.dma_semaphore, #tpu.memory_space<semaphore_mem>>)
      %gt3A_137 = arith.constant 0 : i32
      %gt3A_138 = arith.cmpi sgt, %scan3A_121, %gt3A_137 : i32
      %convert_element_type3A_139 = arith.extui %gt3A_138 : i1 to i32
      %cond3A_140 = arith.constant 0 : i32
      %cond3A_141 = arith.cmpi ne, %convert_element_type3A_139, %cond3A_140 : i32
      scf.if %cond3A_141 {
        %dma_wait3A_172 = tpu.memref_slice %arg3[%add3A_126] : memref<320000xi32, #tpu.memory_space<hbm>> -> memref<192xi32, #tpu.memory_space<hbm>>
        %dma_wait3A_173 = tpu.memref_slice %arg3[%add3A_126] : memref<320000xi32, #tpu.memory_space<hbm>> -> memref<192xi32, #tpu.memory_space<hbm>>
        tpu.wait_dma2 semaphore(%arg16 : memref<!tpu.dma_semaphore, #tpu.memory_space<semaphore_mem>>) src(%dma_wait3A_173 : memref<192xi32, #tpu.memory_space<hbm>>) dst(%arg7 : memref<192xi32, #tpu.memory_space<vmem>>)
        %dma_start3A_174 = arith.constant 0 : i32
        %dma_start3A_175 = arith.constant 0 : i32
        %dma_start3A_176 = tpu.memref_slice %arg2[%dma_start3A_174, %dma_start3A_175] : memref<10000x128xf32, #tpu.memory_space<hbm>> -> memref<10000x128xf32, #tpu.memory_space<hbm>>
        tpu.enqueue_indirect_dma source(%dma_start3A_176 : memref<10000x128xf32, #tpu.memory_space<hbm>>) target(%arg13 : memref<192x128xf32, #tpu.memory_space<vmem>>) offsets(%arg7 : memref<192xi32, #tpu.memory_space<vmem>>) semaphore(%arg20 : memref<!tpu.dma_semaphore, #tpu.memory_space<semaphore_mem>>)
        %dma_wait3A_177 = tpu.memref_slice %arg3[%add3A_128] : memref<320000xi32, #tpu.memory_space<hbm>> -> memref<192xi32, #tpu.memory_space<hbm>>
        %dma_wait3A_178 = tpu.memref_slice %arg3[%add3A_128] : memref<320000xi32, #tpu.memory_space<hbm>> -> memref<192xi32, #tpu.memory_space<hbm>>
        tpu.wait_dma2 semaphore(%arg17 : memref<!tpu.dma_semaphore, #tpu.memory_space<semaphore_mem>>) src(%dma_wait3A_178 : memref<192xi32, #tpu.memory_space<hbm>>) dst(%arg8 : memref<192xi32, #tpu.memory_space<vmem>>)
        %dma_start3A_179 = arith.constant 0 : i32
        %dma_start3A_180 = arith.constant 0 : i32
        %dma_start3A_181 = tpu.memref_slice %arg2[%dma_start3A_179, %dma_start3A_180] : memref<10000x128xf32, #tpu.memory_space<hbm>> -> memref<10000x128xf32, #tpu.memory_space<hbm>>
        tpu.enqueue_indirect_dma source(%dma_start3A_181 : memref<10000x128xf32, #tpu.memory_space<hbm>>) target(%arg14 : memref<192x128xf32, #tpu.memory_space<vmem>>) offsets(%arg8 : memref<192xi32, #tpu.memory_space<vmem>>) semaphore(%arg21 : memref<!tpu.dma_semaphore, #tpu.memory_space<semaphore_mem>>)
      } else {
      }
      %dma_wait3A_142 = arith.constant 0 : i32
      %dma_wait3A_143 = arith.constant 0 : i32
      %dma_wait3A_144 = tpu.memref_slice %arg2[%dma_wait3A_142, %dma_wait3A_143] : memref<10000x128xf32, #tpu.memory_space<hbm>> -> memref<10000x128xf32, #tpu.memory_space<hbm>>
      tpu.wait_indirect_dma semaphore(%arg20 : memref<!tpu.dma_semaphore, #tpu.memory_space<semaphore_mem>>) src(%dma_wait3A_144 : memref<10000x128xf32, #tpu.memory_space<hbm>>) dst(%arg13 : memref<192x128xf32, #tpu.memory_space<vmem>>)
      %dma_wait3A_145 = tpu.memref_slice %arg4[%add3A_126] : memref<320000xi32, #tpu.memory_space<hbm>> -> memref<192xi32, #tpu.memory_space<hbm>>
      %dma_wait3A_146 = tpu.memref_slice %arg4[%add3A_126] : memref<320000xi32, #tpu.memory_space<hbm>> -> memref<192xi32, #tpu.memory_space<hbm>>
      tpu.wait_dma2 semaphore(%arg18 : memref<!tpu.dma_semaphore, #tpu.memory_space<semaphore_mem>>) src(%dma_wait3A_146 : memref<192xi32, #tpu.memory_space<hbm>>) dst(%arg9 : memref<192xi32, #tpu.memory_space<vmem>>)
      %dma_start3A_147 = arith.constant 0 : i32
      %dma_start3A_148 = arith.constant 0 : i32
      %dma_start3A_149 = tpu.memref_slice %arg15[%dma_start3A_147, %dma_start3A_148] : memref<10000x128xf32, #tpu.memory_space<vmem_shared>> -> memref<10000x128xf32, #tpu.memory_space<vmem_shared>>
      tpu.enqueue_indirect_dma source(%arg13 : memref<192x128xf32, #tpu.memory_space<vmem>>) target(%dma_start3A_149 : memref<10000x128xf32, #tpu.memory_space<vmem_shared>>) offsets(%arg9 : memref<192xi32, #tpu.memory_space<vmem>>) semaphore(%arg22 : memref<!tpu.dma_semaphore, #tpu.memory_space<semaphore_mem>>) {add = true}
      %add3A_150 = arith.constant 1 : i32
      %add3A_151 = arith.addi %scan3A_121, %add3A_150 : i32
      %lt3A_152 = arith.constant 26 : i32
      %lt3A_153 = arith.cmpi slt, %add3A_151, %lt3A_152 : i32
      %convert_element_type3A_154 = arith.extui %lt3A_153 : i1 to i32
      %cond3A_155 = arith.constant 0 : i32
      %cond3A_156 = arith.cmpi ne, %convert_element_type3A_154, %cond3A_155 : i32
      scf.if %cond3A_156 {
        %add3A_172 = arith.constant 384 : i32
        %add3A_173 = arith.addi %add3A_126, %add3A_172 : i32
        %dma_start3A_174 = tpu.memref_slice %arg3[%add3A_173] : memref<320000xi32, #tpu.memory_space<hbm>> -> memref<192xi32, #tpu.memory_space<hbm>>
        %dma_start3A_175 = tpu.memref_slice %arg3[%add3A_173] : memref<320000xi32, #tpu.memory_space<hbm>> -> memref<192xi32, #tpu.memory_space<hbm>>
        tpu.enqueue_dma source(%dma_start3A_175 : memref<192xi32, #tpu.memory_space<hbm>>) target(%arg7 : memref<192xi32, #tpu.memory_space<vmem>>) target_semaphore(%arg16 : memref<!tpu.dma_semaphore, #tpu.memory_space<semaphore_mem>>)
      } else {
      }
      %dma_wait3A_157 = arith.constant 0 : i32
      %dma_wait3A_158 = arith.constant 0 : i32
      %dma_wait3A_159 = tpu.memref_slice %arg2[%dma_wait3A_157, %dma_wait3A_158] : memref<10000x128xf32, #tpu.memory_space<hbm>> -> memref<10000x128xf32, #tpu.memory_space<hbm>>
      tpu.wait_indirect_dma semaphore(%arg21 : memref<!tpu.dma_semaphore, #tpu.memory_space<semaphore_mem>>) src(%dma_wait3A_159 : memref<10000x128xf32, #tpu.memory_space<hbm>>) dst(%arg14 : memref<192x128xf32, #tpu.memory_space<vmem>>)
      %dma_wait3A_160 = tpu.memref_slice %arg4[%add3A_128] : memref<320000xi32, #tpu.memory_space<hbm>> -> memref<192xi32, #tpu.memory_space<hbm>>
      %dma_wait3A_161 = tpu.memref_slice %arg4[%add3A_128] : memref<320000xi32, #tpu.memory_space<hbm>> -> memref<192xi32, #tpu.memory_space<hbm>>
      tpu.wait_dma2 semaphore(%arg19 : memref<!tpu.dma_semaphore, #tpu.memory_space<semaphore_mem>>) src(%dma_wait3A_161 : memref<192xi32, #tpu.memory_space<hbm>>) dst(%arg10 : memref<192xi32, #tpu.memory_space<vmem>>)
      %dma_start3A_162 = arith.constant 0 : i32
      %dma_start3A_163 = arith.constant 0 : i32
      %dma_start3A_164 = tpu.memref_slice %arg15[%dma_start3A_162, %dma_start3A_163] : memref<10000x128xf32, #tpu.memory_space<vmem_shared>> -> memref<10000x128xf32, #tpu.memory_space<vmem_shared>>
      tpu.enqueue_indirect_dma source(%arg14 : memref<192x128xf32, #tpu.memory_space<vmem>>) target(%dma_start3A_164 : memref<10000x128xf32, #tpu.memory_space<vmem_shared>>) offsets(%arg10 : memref<192xi32, #tpu.memory_space<vmem>>) semaphore(%arg23 : memref<!tpu.dma_semaphore, #tpu.memory_space<semaphore_mem>>) {add = true}
      %add3A_165 = arith.constant 1 : i32
      %add3A_166 = arith.addi %scan3A_121, %add3A_165 : i32
      %lt3A_167 = arith.constant 26 : i32
      %lt3A_168 = arith.cmpi slt, %add3A_166, %lt3A_167 : i32
      %convert_element_type3A_169 = arith.extui %lt3A_168 : i1 to i32
      %cond3A_170 = arith.constant 0 : i32
      %cond3A_171 = arith.cmpi ne, %convert_element_type3A_169, %cond3A_170 : i32
      scf.if %cond3A_171 {
        %add3A_172 = arith.constant 384 : i32
        %add3A_173 = arith.addi %add3A_128, %add3A_172 : i32
        %dma_start3A_174 = tpu.memref_slice %arg3[%add3A_173] : memref<320000xi32, #tpu.memory_space<hbm>> -> memref<192xi32, #tpu.memory_space<hbm>>
        %dma_start3A_175 = tpu.memref_slice %arg3[%add3A_173] : memref<320000xi32, #tpu.memory_space<hbm>> -> memref<192xi32, #tpu.memory_space<hbm>>
        tpu.enqueue_dma source(%dma_start3A_175 : memref<192xi32, #tpu.memory_space<hbm>>) target(%arg8 : memref<192xi32, #tpu.memory_space<vmem>>) target_semaphore(%arg17 : memref<!tpu.dma_semaphore, #tpu.memory_space<semaphore_mem>>)
      } else {
      }
    }
    %scan3A_59 = arith.constant 26 : i32
    %dma_wait3A_60 = arith.constant 0 : i32
    %dma_wait3A_61 = arith.constant 0 : i32
    %dma_wait3A_62 = tpu.memref_slice %arg15[%dma_wait3A_60, %dma_wait3A_61] : memref<10000x128xf32, #tpu.memory_space<vmem_shared>> -> memref<10000x128xf32, #tpu.memory_space<vmem_shared>>
    tpu.wait_indirect_dma semaphore(%arg22 : memref<!tpu.dma_semaphore, #tpu.memory_space<semaphore_mem>>) src(%arg13 : memref<192x128xf32, #tpu.memory_space<vmem>>) dst(%dma_wait3A_62 : memref<10000x128xf32, #tpu.memory_space<vmem_shared>>)
    %dma_wait3A_63 = arith.constant 0 : i32
    %dma_wait3A_64 = arith.constant 0 : i32
    %dma_wait3A_65 = tpu.memref_slice %arg15[%dma_wait3A_63, %dma_wait3A_64] : memref<10000x128xf32, #tpu.memory_space<vmem_shared>> -> memref<10000x128xf32, #tpu.memory_space<vmem_shared>>
    tpu.wait_indirect_dma semaphore(%arg23 : memref<!tpu.dma_semaphore, #tpu.memory_space<semaphore_mem>>) src(%arg14 : memref<192x128xf32, #tpu.memory_space<vmem>>) dst(%dma_wait3A_65 : memref<10000x128xf32, #tpu.memory_space<vmem_shared>>)
    %add3A_66 = arith.constant 9984 : i32
    %add3A_67 = arith.addi %mul3A_2, %add3A_66 : i32
    "tpu.region"() ({
      %run_scoped3A = tpu.sem_alloc : memref<!tpu.dma_semaphore, #tpu.memory_space<semaphore_mem>>
      %dma_start3A_121 = tpu.memref_slice %arg3[%add3A_67] : memref<320000xi32, #tpu.memory_space<hbm>> -> memref<16xi32, #tpu.memory_space<hbm>>
      %dma_start3A_122 = tpu.memref_slice %arg3[%add3A_67] : memref<320000xi32, #tpu.memory_space<hbm>> -> memref<16xi32, #tpu.memory_space<hbm>>
      tpu.enqueue_dma source(%dma_start3A_122 : memref<16xi32, #tpu.memory_space<hbm>>) target(%arg11 : memref<16xi32, #tpu.memory_space<vmem>>) target_semaphore(%run_scoped3A : memref<!tpu.dma_semaphore, #tpu.memory_space<semaphore_mem>>)
      %dma_wait3A_123 = tpu.memref_slice %arg3[%add3A_67] : memref<320000xi32, #tpu.memory_space<hbm>> -> memref<16xi32, #tpu.memory_space<hbm>>
      %dma_wait3A_124 = tpu.memref_slice %arg3[%add3A_67] : memref<320000xi32, #tpu.memory_space<hbm>> -> memref<16xi32, #tpu.memory_space<hbm>>
      tpu.wait_dma2 semaphore(%run_scoped3A : memref<!tpu.dma_semaphore, #tpu.memory_space<semaphore_mem>>) src(%dma_wait3A_124 : memref<16xi32, #tpu.memory_space<hbm>>) dst(%arg11 : memref<16xi32, #tpu.memory_space<vmem>>)
      tpu.yield
    }) : () -> ()
    "tpu.region"() ({
      %run_scoped3A = tpu.sem_alloc : memref<!tpu.dma_semaphore, #tpu.memory_space<semaphore_mem>>
      %dma_start3A_121 = tpu.memref_slice %arg4[%add3A_67] : memref<320000xi32, #tpu.memory_space<hbm>> -> memref<16xi32, #tpu.memory_space<hbm>>
      %dma_start3A_122 = tpu.memref_slice %arg4[%add3A_67] : memref<320000xi32, #tpu.memory_space<hbm>> -> memref<16xi32, #tpu.memory_space<hbm>>
      tpu.enqueue_dma source(%dma_start3A_122 : memref<16xi32, #tpu.memory_space<hbm>>) target(%arg12 : memref<16xi32, #tpu.memory_space<vmem>>) target_semaphore(%run_scoped3A : memref<!tpu.dma_semaphore, #tpu.memory_space<semaphore_mem>>)
      %dma_wait3A_123 = tpu.memref_slice %arg4[%add3A_67] : memref<320000xi32, #tpu.memory_space<hbm>> -> memref<16xi32, #tpu.memory_space<hbm>>
      %dma_wait3A_124 = tpu.memref_slice %arg4[%add3A_67] : memref<320000xi32, #tpu.memory_space<hbm>> -> memref<16xi32, #tpu.memory_space<hbm>>
      tpu.wait_dma2 semaphore(%run_scoped3A : memref<!tpu.dma_semaphore, #tpu.memory_space<semaphore_mem>>) src(%dma_wait3A_124 : memref<16xi32, #tpu.memory_space<hbm>>) dst(%arg12 : memref<16xi32, #tpu.memory_space<vmem>>)
      tpu.yield
    }) : () -> ()
    %dma_start3A_68 = arith.constant 0 : i32
    %dma_start3A_69 = arith.constant 0 : i32
    %dma_start3A_70 = tpu.memref_slice %arg13[%dma_start3A_68, %dma_start3A_69] : memref<192x128xf32, #tpu.memory_space<vmem>> -> memref<16x128xf32, #tpu.memory_space<vmem>>
    %dma_start3A_71 = arith.constant 0 : i32
    %dma_start3A_72 = arith.constant 0 : i32
    %dma_start3A_73 = tpu.memref_slice %arg2[%dma_start3A_71, %dma_start3A_72] : memref<10000x128xf32, #tpu.memory_space<hbm>> -> memref<10000x128xf32, #tpu.memory_space<hbm>>
    tpu.enqueue_indirect_dma source(%dma_start3A_73 : memref<10000x128xf32, #tpu.memory_space<hbm>>) target(%dma_start3A_70 : memref<16x128xf32, #tpu.memory_space<vmem>>) offsets(%arg11 : memref<16xi32, #tpu.memory_space<vmem>>) semaphore(%arg20 : memref<!tpu.dma_semaphore, #tpu.memory_space<semaphore_mem>>)
    %dma_wait3A_74 = arith.constant 0 : i32
    %dma_wait3A_75 = arith.constant 0 : i32
    %dma_wait3A_76 = tpu.memref_slice %arg13[%dma_wait3A_74, %dma_wait3A_75] : memref<192x128xf32, #tpu.memory_space<vmem>> -> memref<16x128xf32, #tpu.memory_space<vmem>>
    %dma_wait3A_77 = arith.constant 0 : i32
    %dma_wait3A_78 = arith.constant 0 : i32
    %dma_wait3A_79 = tpu.memref_slice %arg2[%dma_wait3A_77, %dma_wait3A_78] : memref<10000x128xf32, #tpu.memory_space<hbm>> -> memref<10000x128xf32, #tpu.memory_space<hbm>>
    tpu.wait_indirect_dma semaphore(%arg20 : memref<!tpu.dma_semaphore, #tpu.memory_space<semaphore_mem>>) src(%dma_wait3A_79 : memref<10000x128xf32, #tpu.memory_space<hbm>>) dst(%dma_wait3A_76 : memref<16x128xf32, #tpu.memory_space<vmem>>)
    "tpu.region"() ({
      %run_scoped3A = tpu.sem_alloc : memref<!tpu.dma_semaphore, #tpu.memory_space<semaphore_mem>>
      %dma_start3A_121 = arith.constant 0 : i32
      %dma_start3A_122 = arith.constant 0 : i32
      %dma_start3A_123 = tpu.memref_slice %arg13[%dma_start3A_121, %dma_start3A_122] : memref<192x128xf32, #tpu.memory_space<vmem>> -> memref<16x128xf32, #tpu.memory_space<vmem>>
      %dma_start3A_124 = arith.constant 0 : i32
      %dma_start3A_125 = arith.constant 0 : i32
      %dma_start3A_126 = tpu.memref_slice %arg15[%dma_start3A_124, %dma_start3A_125] : memref<10000x128xf32, #tpu.memory_space<vmem_shared>> -> memref<10000x128xf32, #tpu.memory_space<vmem_shared>>
      tpu.enqueue_indirect_dma source(%dma_start3A_123 : memref<16x128xf32, #tpu.memory_space<vmem>>) target(%dma_start3A_126 : memref<10000x128xf32, #tpu.memory_space<vmem_shared>>) offsets(%arg12 : memref<16xi32, #tpu.memory_space<vmem>>) semaphore(%run_scoped3A : memref<!tpu.dma_semaphore, #tpu.memory_space<semaphore_mem>>) {add = true}
      %dma_wait3A_127 = arith.constant 0 : i32
      %dma_wait3A_128 = arith.constant 0 : i32
      %dma_wait3A_129 = tpu.memref_slice %arg13[%dma_wait3A_127, %dma_wait3A_128] : memref<192x128xf32, #tpu.memory_space<vmem>> -> memref<16x128xf32, #tpu.memory_space<vmem>>
      %dma_wait3A_130 = arith.constant 0 : i32
      %dma_wait3A_131 = arith.constant 0 : i32
      %dma_wait3A_132 = tpu.memref_slice %arg15[%dma_wait3A_130, %dma_wait3A_131] : memref<10000x128xf32, #tpu.memory_space<vmem_shared>> -> memref<10000x128xf32, #tpu.memory_space<vmem_shared>>
      tpu.wait_indirect_dma semaphore(%run_scoped3A : memref<!tpu.dma_semaphore, #tpu.memory_space<semaphore_mem>>) src(%dma_wait3A_129 : memref<16x128xf32, #tpu.memory_space<vmem>>) dst(%dma_wait3A_132 : memref<10000x128xf32, #tpu.memory_space<vmem_shared>>)
      tpu.yield
    }) : () -> ()
    %barrier3A_80 = arith.constant 0 : index
    tpu.barrier barrier_id(%barrier3A_80)
    %add3A_81 = arith.constant 0 : i32
    %add3A_82 = arith.addi %arg1, %add3A_81 : i32
    %lt3A_83 = arith.constant 78 : i32
    %lt3A_84 = arith.cmpi slt, %add3A_82, %lt3A_83 : i32
    %convert_element_type3A_85 = arith.extui %lt3A_84 : i1 to i32
    %cond3A_86 = arith.constant 0 : i32
    %cond3A_87 = arith.cmpi ne, %convert_element_type3A_85, %cond3A_86 : i32
    scf.if %cond3A_87 {
      %mul3A_121 = arith.constant 128 : i32
      %mul3A_122 = arith.muli %add3A_82, %mul3A_121 : i32
      "tpu.region"() ({
        %run_scoped3A = tpu.sem_alloc : memref<!tpu.dma_semaphore, #tpu.memory_space<semaphore_mem>>
        %dma_start3A_123 = arith.constant 0 : i32
        %dma_start3A_124 = tpu.memref_slice %arg6[%arg0, %mul3A_122, %dma_start3A_123] : memref<2x10000x128xf32, #tpu.memory_space<hbm>> -> memref<1x128x128xf32, #tpu.memory_space<hbm>>
        %dma_start3A_125 = tpu.memref_squeeze %dma_start3A_124 : memref<1x128x128xf32, #tpu.memory_space<hbm>> -> memref<128x128xf32, #tpu.memory_space<hbm>>
        %dma_start3A_126 = arith.constant 0 : i32
        %dma_start3A_127 = tpu.memref_slice %arg15[%mul3A_122, %dma_start3A_126] : memref<10000x128xf32, #tpu.memory_space<vmem_shared>> -> memref<128x128xf32, #tpu.memory_space<vmem_shared>>
        tpu.enqueue_dma source(%dma_start3A_127 : memref<128x128xf32, #tpu.memory_space<vmem_shared>>) target(%dma_start3A_125 : memref<128x128xf32, #tpu.memory_space<hbm>>) target_semaphore(%run_scoped3A : memref<!tpu.dma_semaphore, #tpu.memory_space<semaphore_mem>>)
        %dma_wait3A_128 = arith.constant 0 : i32
        %dma_wait3A_129 = tpu.memref_slice %arg6[%arg0, %mul3A_122, %dma_wait3A_128] : memref<2x10000x128xf32, #tpu.memory_space<hbm>> -> memref<1x128x128xf32, #tpu.memory_space<hbm>>
        %dma_wait3A_130 = tpu.memref_squeeze %dma_wait3A_129 : memref<1x128x128xf32, #tpu.memory_space<hbm>> -> memref<128x128xf32, #tpu.memory_space<hbm>>
        %dma_wait3A_131 = arith.constant 0 : i32
        %dma_wait3A_132 = tpu.memref_slice %arg15[%mul3A_122, %dma_wait3A_131] : memref<10000x128xf32, #tpu.memory_space<vmem_shared>> -> memref<128x128xf32, #tpu.memory_space<vmem_shared>>
        tpu.wait_dma2 semaphore(%run_scoped3A : memref<!tpu.dma_semaphore, #tpu.memory_space<semaphore_mem>>) src(%dma_wait3A_132 : memref<128x128xf32, #tpu.memory_space<vmem_shared>>) dst(%dma_wait3A_130 : memref<128x128xf32, #tpu.memory_space<hbm>>)
        tpu.yield
      }) : () -> ()
    } else {
    }
    %add3A_88 = arith.constant 16 : i32
    %add3A_89 = arith.addi %arg1, %add3A_88 : i32
    %lt3A_90 = arith.constant 78 : i32
    %lt3A_91 = arith.cmpi slt, %add3A_89, %lt3A_90 : i32
    %convert_element_type3A_92 = arith.extui %lt3A_91 : i1 to i32
    %cond3A_93 = arith.constant 0 : i32
    %cond3A_94 = arith.cmpi ne, %convert_element_type3A_92, %cond3A_93 : i32
    scf.if %cond3A_94 {
      %mul3A_121 = arith.constant 128 : i32
      %mul3A_122 = arith.muli %add3A_89, %mul3A_121 : i32
      "tpu.region"() ({
        %run_scoped3A = tpu.sem_alloc : memref<!tpu.dma_semaphore, #tpu.memory_space<semaphore_mem>>
        %dma_start3A_123 = arith.constant 0 : i32
        %dma_start3A_124 = tpu.memref_slice %arg6[%arg0, %mul3A_122, %dma_start3A_123] : memref<2x10000x128xf32, #tpu.memory_space<hbm>> -> memref<1x128x128xf32, #tpu.memory_space<hbm>>
        %dma_start3A_125 = tpu.memref_squeeze %dma_start3A_124 : memref<1x128x128xf32, #tpu.memory_space<hbm>> -> memref<128x128xf32, #tpu.memory_space<hbm>>
        %dma_start3A_126 = arith.constant 0 : i32
        %dma_start3A_127 = tpu.memref_slice %arg15[%mul3A_122, %dma_start3A_126] : memref<10000x128xf32, #tpu.memory_space<vmem_shared>> -> memref<128x128xf32, #tpu.memory_space<vmem_shared>>
        tpu.enqueue_dma source(%dma_start3A_127 : memref<128x128xf32, #tpu.memory_space<vmem_shared>>) target(%dma_start3A_125 : memref<128x128xf32, #tpu.memory_space<hbm>>) target_semaphore(%run_scoped3A : memref<!tpu.dma_semaphore, #tpu.memory_space<semaphore_mem>>)
        %dma_wait3A_128 = arith.constant 0 : i32
        %dma_wait3A_129 = tpu.memref_slice %arg6[%arg0, %mul3A_122, %dma_wait3A_128] : memref<2x10000x128xf32, #tpu.memory_space<hbm>> -> memref<1x128x128xf32, #tpu.memory_space<hbm>>
        %dma_wait3A_130 = tpu.memref_squeeze %dma_wait3A_129 : memref<1x128x128xf32, #tpu.memory_space<hbm>> -> memref<128x128xf32, #tpu.memory_space<hbm>>
        %dma_wait3A_131 = arith.constant 0 : i32
        %dma_wait3A_132 = tpu.memref_slice %arg15[%mul3A_122, %dma_wait3A_131] : memref<10000x128xf32, #tpu.memory_space<vmem_shared>> -> memref<128x128xf32, #tpu.memory_space<vmem_shared>>
        tpu.wait_dma2 semaphore(%run_scoped3A : memref<!tpu.dma_semaphore, #tpu.memory_space<semaphore_mem>>) src(%dma_wait3A_132 : memref<128x128xf32, #tpu.memory_space<vmem_shared>>) dst(%dma_wait3A_130 : memref<128x128xf32, #tpu.memory_space<hbm>>)
        tpu.yield
      }) : () -> ()
    } else {
    }
    %add3A_95 = arith.constant 32 : i32
    %add3A_96 = arith.addi %arg1, %add3A_95 : i32
    %lt3A_97 = arith.constant 78 : i32
    %lt3A_98 = arith.cmpi slt, %add3A_96, %lt3A_97 : i32
    %convert_element_type3A_99 = arith.extui %lt3A_98 : i1 to i32
    %cond3A_100 = arith.constant 0 : i32
    %cond3A_101 = arith.cmpi ne, %convert_element_type3A_99, %cond3A_100 : i32
    scf.if %cond3A_101 {
      %mul3A_121 = arith.constant 128 : i32
      %mul3A_122 = arith.muli %add3A_96, %mul3A_121 : i32
      "tpu.region"() ({
        %run_scoped3A = tpu.sem_alloc : memref<!tpu.dma_semaphore, #tpu.memory_space<semaphore_mem>>
        %dma_start3A_123 = arith.constant 0 : i32
        %dma_start3A_124 = tpu.memref_slice %arg6[%arg0, %mul3A_122, %dma_start3A_123] : memref<2x10000x128xf32, #tpu.memory_space<hbm>> -> memref<1x128x128xf32, #tpu.memory_space<hbm>>
        %dma_start3A_125 = tpu.memref_squeeze %dma_start3A_124 : memref<1x128x128xf32, #tpu.memory_space<hbm>> -> memref<128x128xf32, #tpu.memory_space<hbm>>
        %dma_start3A_126 = arith.constant 0 : i32
        %dma_start3A_127 = tpu.memref_slice %arg15[%mul3A_122, %dma_start3A_126] : memref<10000x128xf32, #tpu.memory_space<vmem_shared>> -> memref<128x128xf32, #tpu.memory_space<vmem_shared>>
        tpu.enqueue_dma source(%dma_start3A_127 : memref<128x128xf32, #tpu.memory_space<vmem_shared>>) target(%dma_start3A_125 : memref<128x128xf32, #tpu.memory_space<hbm>>) target_semaphore(%run_scoped3A : memref<!tpu.dma_semaphore, #tpu.memory_space<semaphore_mem>>)
        %dma_wait3A_128 = arith.constant 0 : i32
        %dma_wait3A_129 = tpu.memref_slice %arg6[%arg0, %mul3A_122, %dma_wait3A_128] : memref<2x10000x128xf32, #tpu.memory_space<hbm>> -> memref<1x128x128xf32, #tpu.memory_space<hbm>>
        %dma_wait3A_130 = tpu.memref_squeeze %dma_wait3A_129 : memref<1x128x128xf32, #tpu.memory_space<hbm>> -> memref<128x128xf32, #tpu.memory_space<hbm>>
        %dma_wait3A_131 = arith.constant 0 : i32
        %dma_wait3A_132 = tpu.memref_slice %arg15[%mul3A_122, %dma_wait3A_131] : memref<10000x128xf32, #tpu.memory_space<vmem_shared>> -> memref<128x128xf32, #tpu.memory_space<vmem_shared>>
        tpu.wait_dma2 semaphore(%run_scoped3A : memref<!tpu.dma_semaphore, #tpu.memory_space<semaphore_mem>>) src(%dma_wait3A_132 : memref<128x128xf32, #tpu.memory_space<vmem_shared>>) dst(%dma_wait3A_130 : memref<128x128xf32, #tpu.memory_space<hbm>>)
        tpu.yield
      }) : () -> ()
    } else {
    }
    %add3A_102 = arith.constant 48 : i32
    %add3A_103 = arith.addi %arg1, %add3A_102 : i32
    %lt3A_104 = arith.constant 78 : i32
    %lt3A_105 = arith.cmpi slt, %add3A_103, %lt3A_104 : i32
    %convert_element_type3A_106 = arith.extui %lt3A_105 : i1 to i32
    %cond3A_107 = arith.constant 0 : i32
    %cond3A_108 = arith.cmpi ne, %convert_element_type3A_106, %cond3A_107 : i32
    scf.if %cond3A_108 {
      %mul3A_121 = arith.constant 128 : i32
      %mul3A_122 = arith.muli %add3A_103, %mul3A_121 : i32
      "tpu.region"() ({
        %run_scoped3A = tpu.sem_alloc : memref<!tpu.dma_semaphore, #tpu.memory_space<semaphore_mem>>
        %dma_start3A_123 = arith.constant 0 : i32
        %dma_start3A_124 = tpu.memref_slice %arg6[%arg0, %mul3A_122, %dma_start3A_123] : memref<2x10000x128xf32, #tpu.memory_space<hbm>> -> memref<1x128x128xf32, #tpu.memory_space<hbm>>
        %dma_start3A_125 = tpu.memref_squeeze %dma_start3A_124 : memref<1x128x128xf32, #tpu.memory_space<hbm>> -> memref<128x128xf32, #tpu.memory_space<hbm>>
        %dma_start3A_126 = arith.constant 0 : i32
        %dma_start3A_127 = tpu.memref_slice %arg15[%mul3A_122, %dma_start3A_126] : memref<10000x128xf32, #tpu.memory_space<vmem_shared>> -> memref<128x128xf32, #tpu.memory_space<vmem_shared>>
        tpu.enqueue_dma source(%dma_start3A_127 : memref<128x128xf32, #tpu.memory_space<vmem_shared>>) target(%dma_start3A_125 : memref<128x128xf32, #tpu.memory_space<hbm>>) target_semaphore(%run_scoped3A : memref<!tpu.dma_semaphore, #tpu.memory_space<semaphore_mem>>)
        %dma_wait3A_128 = arith.constant 0 : i32
        %dma_wait3A_129 = tpu.memref_slice %arg6[%arg0, %mul3A_122, %dma_wait3A_128] : memref<2x10000x128xf32, #tpu.memory_space<hbm>> -> memref<1x128x128xf32, #tpu.memory_space<hbm>>
        %dma_wait3A_130 = tpu.memref_squeeze %dma_wait3A_129 : memref<1x128x128xf32, #tpu.memory_space<hbm>> -> memref<128x128xf32, #tpu.memory_space<hbm>>
        %dma_wait3A_131 = arith.constant 0 : i32
        %dma_wait3A_132 = tpu.memref_slice %arg15[%mul3A_122, %dma_wait3A_131] : memref<10000x128xf32, #tpu.memory_space<vmem_shared>> -> memref<128x128xf32, #tpu.memory_space<vmem_shared>>
        tpu.wait_dma2 semaphore(%run_scoped3A : memref<!tpu.dma_semaphore, #tpu.memory_space<semaphore_mem>>) src(%dma_wait3A_132 : memref<128x128xf32, #tpu.memory_space<vmem_shared>>) dst(%dma_wait3A_130 : memref<128x128xf32, #tpu.memory_space<hbm>>)
        tpu.yield
      }) : () -> ()
    } else {
    }
    %add3A_109 = arith.constant 64 : i32
    %add3A_110 = arith.addi %arg1, %add3A_109 : i32
    %lt3A_111 = arith.constant 78 : i32
    %lt3A_112 = arith.cmpi slt, %add3A_110, %lt3A_111 : i32
    %convert_element_type3A_113 = arith.extui %lt3A_112 : i1 to i32
    %cond3A_114 = arith.constant 0 : i32
    %cond3A_115 = arith.cmpi ne, %convert_element_type3A_113, %cond3A_114 : i32
    scf.if %cond3A_115 {
      %mul3A_121 = arith.constant 128 : i32
      %mul3A_122 = arith.muli %add3A_110, %mul3A_121 : i32
      "tpu.region"() ({
        %run_scoped3A = tpu.sem_alloc : memref<!tpu.dma_semaphore, #tpu.memory_space<semaphore_mem>>
        %dma_start3A_123 = arith.constant 0 : i32
        %dma_start3A_124 = tpu.memref_slice %arg6[%arg0, %mul3A_122, %dma_start3A_123] : memref<2x10000x128xf32, #tpu.memory_space<hbm>> -> memref<1x128x128xf32, #tpu.memory_space<hbm>>
        %dma_start3A_125 = tpu.memref_squeeze %dma_start3A_124 : memref<1x128x128xf32, #tpu.memory_space<hbm>> -> memref<128x128xf32, #tpu.memory_space<hbm>>
        %dma_start3A_126 = arith.constant 0 : i32
        %dma_start3A_127 = tpu.memref_slice %arg15[%mul3A_122, %dma_start3A_126] : memref<10000x128xf32, #tpu.memory_space<vmem_shared>> -> memref<128x128xf32, #tpu.memory_space<vmem_shared>>
        tpu.enqueue_dma source(%dma_start3A_127 : memref<128x128xf32, #tpu.memory_space<vmem_shared>>) target(%dma_start3A_125 : memref<128x128xf32, #tpu.memory_space<hbm>>) target_semaphore(%run_scoped3A : memref<!tpu.dma_semaphore, #tpu.memory_space<semaphore_mem>>)
        %dma_wait3A_128 = arith.constant 0 : i32
        %dma_wait3A_129 = tpu.memref_slice %arg6[%arg0, %mul3A_122, %dma_wait3A_128] : memref<2x10000x128xf32, #tpu.memory_space<hbm>> -> memref<1x128x128xf32, #tpu.memory_space<hbm>>
        %dma_wait3A_130 = tpu.memref_squeeze %dma_wait3A_129 : memref<1x128x128xf32, #tpu.memory_space<hbm>> -> memref<128x128xf32, #tpu.memory_space<hbm>>
        %dma_wait3A_131 = arith.constant 0 : i32
        %dma_wait3A_132 = tpu.memref_slice %arg15[%mul3A_122, %dma_wait3A_131] : memref<10000x128xf32, #tpu.memory_space<vmem_shared>> -> memref<128x128xf32, #tpu.memory_space<vmem_shared>>
        tpu.wait_dma2 semaphore(%run_scoped3A : memref<!tpu.dma_semaphore, #tpu.memory_space<semaphore_mem>>) src(%dma_wait3A_132 : memref<128x128xf32, #tpu.memory_space<vmem_shared>>) dst(%dma_wait3A_130 : memref<128x128xf32, #tpu.memory_space<hbm>>)
        tpu.yield
      }) : () -> ()
    } else {
    }
    %eq3A_116 = arith.constant 15 : i32
    %eq3A_117 = arith.cmpi eq, %arg1, %eq3A_116 : i32
    %convert_element_type3A_118 = arith.extui %eq3A_117 : i1 to i32
    %cond3A_119 = arith.constant 0 : i32
    %cond3A_120 = arith.cmpi ne, %convert_element_type3A_118, %cond3A_119 : i32
    scf.if %cond3A_120 {
      "tpu.region"() ({
        %run_scoped3A = tpu.sem_alloc : memref<!tpu.dma_semaphore, #tpu.memory_space<semaphore_mem>>
        %dma_start3A_121 = arith.constant 9984 : i32
        %dma_start3A_122 = arith.constant 0 : i32
        %dma_start3A_123 = tpu.memref_slice %arg6[%arg0, %dma_start3A_121, %dma_start3A_122] : memref<2x10000x128xf32, #tpu.memory_space<hbm>> -> memref<1x16x128xf32, #tpu.memory_space<hbm>>
        %dma_start3A_124 = tpu.memref_squeeze %dma_start3A_123 : memref<1x16x128xf32, #tpu.memory_space<hbm>> -> memref<16x128xf32, #tpu.memory_space<hbm>>
        %dma_start3A_125 = arith.constant 9984 : i32
        %dma_start3A_126 = arith.constant 0 : i32
        %dma_start3A_127 = tpu.memref_slice %arg15[%dma_start3A_125, %dma_start3A_126] : memref<10000x128xf32, #tpu.memory_space<vmem_shared>> -> memref<16x128xf32, #tpu.memory_space<vmem_shared>>
        tpu.enqueue_dma source(%dma_start3A_127 : memref<16x128xf32, #tpu.memory_space<vmem_shared>>) target(%dma_start3A_124 : memref<16x128xf32, #tpu.memory_space<hbm>>) target_semaphore(%run_scoped3A : memref<!tpu.dma_semaphore, #tpu.memory_space<semaphore_mem>>)
        %dma_wait3A_128 = arith.constant 9984 : i32
        %dma_wait3A_129 = arith.constant 0 : i32
        %dma_wait3A_130 = tpu.memref_slice %arg6[%arg0, %dma_wait3A_128, %dma_wait3A_129] : memref<2x10000x128xf32, #tpu.memory_space<hbm>> -> memref<1x16x128xf32, #tpu.memory_space<hbm>>
        %dma_wait3A_131 = tpu.memref_squeeze %dma_wait3A_130 : memref<1x16x128xf32, #tpu.memory_space<hbm>> -> memref<16x128xf32, #tpu.memory_space<hbm>>
        %dma_wait3A_132 = arith.constant 9984 : i32
        %dma_wait3A_133 = arith.constant 0 : i32
        %dma_wait3A_134 = tpu.memref_slice %arg15[%dma_wait3A_132, %dma_wait3A_133] : memref<10000x128xf32, #tpu.memory_space<vmem_shared>> -> memref<16x128xf32, #tpu.memory_space<vmem_shared>>
        tpu.wait_dma2 semaphore(%run_scoped3A : memref<!tpu.dma_semaphore, #tpu.memory_space<semaphore_mem>>) src(%dma_wait3A_134 : memref<16x128xf32, #tpu.memory_space<vmem_shared>>) dst(%dma_wait3A_131 : memref<16x128xf32, #tpu.memory_space<hbm>>)
        tpu.yield
      }) : () -> ()
    } else {
    }
    return
  }
}

#map = affine_map<(d0, d1) -> (0, 0)>
#map1 = affine_map<(d0, d1) -> (0)>
#map2 = affine_map<(d0, d1) -> (0, 0, 0)>
module attributes {stable_mosaic.version = 14 : i64} {
  func.func @_sc_aggregate(%arg0: i32, %arg1: i32, %arg2: memref<10000x128xf32, #tpu.memory_space<hbm>>, %arg3: memref<320000xi32, #tpu.memory_space<hbm>>, %arg4: memref<320000xi32, #tpu.memory_space<hbm>>, %arg5: memref<128x128xf32, #tpu.memory_space<hbm>>, %arg6: memref<2x10000x128xf32, #tpu.memory_space<hbm>>, %arg7: memref<192xi32, #tpu.memory_space<vmem>>, %arg8: memref<192xi32, #tpu.memory_space<vmem>>, %arg9: memref<192xi32, #tpu.memory_space<vmem>>, %arg10: memref<192xi32, #tpu.memory_space<vmem>>, %arg11: memref<16xi32, #tpu.memory_space<vmem>>, %arg12: memref<16xi32, #tpu.memory_space<vmem>>, %arg13: memref<192x128xf32, #tpu.memory_space<vmem>>, %arg14: memref<192x128xf32, #tpu.memory_space<vmem>>, %arg15: memref<10000x128xf32, #tpu.memory_space<vmem_shared>>, %arg16: memref<!tpu.dma_semaphore, #tpu.memory_space<semaphore_mem>>, %arg17: memref<!tpu.dma_semaphore, #tpu.memory_space<semaphore_mem>>, %arg18: memref<!tpu.dma_semaphore, #tpu.memory_space<semaphore_mem>>, %arg19: memref<!tpu.dma_semaphore, #tpu.memory_space<semaphore_mem>>, %arg20: memref<!tpu.dma_semaphore, #tpu.memory_space<semaphore_mem>>, %arg21: memref<!tpu.dma_semaphore, #tpu.memory_space<semaphore_mem>>, %arg22: memref<!tpu.dma_semaphore, #tpu.memory_space<semaphore_mem>>, %arg23: memref<!tpu.dma_semaphore, #tpu.memory_space<semaphore_mem>>) attributes {dimension_semantics = [#tpu.dimension_semantics<core_parallel>, #tpu.dimension_semantics<subcore_parallel>], iteration_bounds = array<i64: 2, 16>, scalar_prefetch = 0 : i64, scratch_operands = 17 : i64, tpu.core_type = #tpu.core_type<sc_vector_subcore>, window_params = [{transform_indices = #map}, {transform_indices = #map1}, {transform_indices = #map1}, {transform_indices = #map}, {transform_indices = #map2}]} {
    %mul3A = arith.constant 16 : i32
    %mul3A_0 = arith.muli %arg0, %mul3A : i32
    %add3A = arith.addi %mul3A_0, %arg1 : i32
    %mul3A_1 = arith.constant 10000 : i32
    %mul3A_2 = arith.muli %add3A, %mul3A_1 : i32
    %dma_start3A = tpu.memref_slice %arg3[%mul3A_2] : memref<320000xi32, #tpu.memory_space<hbm>> -> memref<192xi32, #tpu.memory_space<hbm>>
    %dma_start3A_3 = tpu.memref_slice %arg3[%mul3A_2] : memref<320000xi32, #tpu.memory_space<hbm>> -> memref<192xi32, #tpu.memory_space<hbm>>
    tpu.enqueue_dma source(%dma_start3A_3 : memref<192xi32, #tpu.memory_space<hbm>>) target(%arg7 : memref<192xi32, #tpu.memory_space<vmem>>) target_semaphore(%arg16 : memref<!tpu.dma_semaphore, #tpu.memory_space<semaphore_mem>>)
    %add3A_4 = arith.constant 192 : i32
    %add3A_5 = arith.addi %mul3A_2, %add3A_4 : i32
    %dma_start3A_6 = tpu.memref_slice %arg3[%add3A_5] : memref<320000xi32, #tpu.memory_space<hbm>> -> memref<192xi32, #tpu.memory_space<hbm>>
    %dma_start3A_7 = tpu.memref_slice %arg3[%add3A_5] : memref<320000xi32, #tpu.memory_space<hbm>> -> memref<192xi32, #tpu.memory_space<hbm>>
    tpu.enqueue_dma source(%dma_start3A_7 : memref<192xi32, #tpu.memory_space<hbm>>) target(%arg8 : memref<192xi32, #tpu.memory_space<vmem>>) target_semaphore(%arg17 : memref<!tpu.dma_semaphore, #tpu.memory_space<semaphore_mem>>)
    %add3A_8 = arith.constant 0 : i32
    %add3A_9 = arith.addi %arg1, %add3A_8 : i32
    %lt3A = arith.constant 78 : i32
    %lt3A_10 = arith.cmpi slt, %add3A_9, %lt3A : i32
    %convert_element_type3A = arith.extui %lt3A_10 : i1 to i32
    %cond3A = arith.constant 0 : i32
    %cond3A_11 = arith.cmpi ne, %convert_element_type3A, %cond3A : i32
    scf.if %cond3A_11 {
      %mul3A_121 = arith.constant 128 : i32
      %mul3A_122 = arith.muli %add3A_9, %mul3A_121 : i32
      "tpu.region"() ({
        %run_scoped3A = tpu.sem_alloc : memref<!tpu.dma_semaphore, #tpu.memory_space<semaphore_mem>>
        %dma_start3A_123 = arith.constant 0 : i32
        %dma_start3A_124 = tpu.memref_slice %arg15[%mul3A_122, %dma_start3A_123] : memref<10000x128xf32, #tpu.memory_space<vmem_shared>> -> memref<128x128xf32, #tpu.memory_space<vmem_shared>>
        tpu.enqueue_dma source(%arg5 : memref<128x128xf32, #tpu.memory_space<hbm>>) target(%dma_start3A_124 : memref<128x128xf32, #tpu.memory_space<vmem_shared>>) target_semaphore(%run_scoped3A : memref<!tpu.dma_semaphore, #tpu.memory_space<semaphore_mem>>)
        %dma_wait3A_125 = arith.constant 0 : i32
        %dma_wait3A_126 = tpu.memref_slice %arg15[%mul3A_122, %dma_wait3A_125] : memref<10000x128xf32, #tpu.memory_space<vmem_shared>> -> memref<128x128xf32, #tpu.memory_space<vmem_shared>>
        tpu.wait_dma2 semaphore(%run_scoped3A : memref<!tpu.dma_semaphore, #tpu.memory_space<semaphore_mem>>) src(%arg5 : memref<128x128xf32, #tpu.memory_space<hbm>>) dst(%dma_wait3A_126 : memref<128x128xf32, #tpu.memory_space<vmem_shared>>)
        tpu.yield
      }) : () -> ()
    } else {
    }
    %add3A_12 = arith.constant 16 : i32
    %add3A_13 = arith.addi %arg1, %add3A_12 : i32
    %lt3A_14 = arith.constant 78 : i32
    %lt3A_15 = arith.cmpi slt, %add3A_13, %lt3A_14 : i32
    %convert_element_type3A_16 = arith.extui %lt3A_15 : i1 to i32
    %cond3A_17 = arith.constant 0 : i32
    %cond3A_18 = arith.cmpi ne, %convert_element_type3A_16, %cond3A_17 : i32
    scf.if %cond3A_18 {
      %mul3A_121 = arith.constant 128 : i32
      %mul3A_122 = arith.muli %add3A_13, %mul3A_121 : i32
      "tpu.region"() ({
        %run_scoped3A = tpu.sem_alloc : memref<!tpu.dma_semaphore, #tpu.memory_space<semaphore_mem>>
        %dma_start3A_123 = arith.constant 0 : i32
        %dma_start3A_124 = tpu.memref_slice %arg15[%mul3A_122, %dma_start3A_123] : memref<10000x128xf32, #tpu.memory_space<vmem_shared>> -> memref<128x128xf32, #tpu.memory_space<vmem_shared>>
        tpu.enqueue_dma source(%arg5 : memref<128x128xf32, #tpu.memory_space<hbm>>) target(%dma_start3A_124 : memref<128x128xf32, #tpu.memory_space<vmem_shared>>) target_semaphore(%run_scoped3A : memref<!tpu.dma_semaphore, #tpu.memory_space<semaphore_mem>>)
        %dma_wait3A_125 = arith.constant 0 : i32
        %dma_wait3A_126 = tpu.memref_slice %arg15[%mul3A_122, %dma_wait3A_125] : memref<10000x128xf32, #tpu.memory_space<vmem_shared>> -> memref<128x128xf32, #tpu.memory_space<vmem_shared>>
        tpu.wait_dma2 semaphore(%run_scoped3A : memref<!tpu.dma_semaphore, #tpu.memory_space<semaphore_mem>>) src(%arg5 : memref<128x128xf32, #tpu.memory_space<hbm>>) dst(%dma_wait3A_126 : memref<128x128xf32, #tpu.memory_space<vmem_shared>>)
        tpu.yield
      }) : () -> ()
    } else {
    }
    %add3A_19 = arith.constant 32 : i32
    %add3A_20 = arith.addi %arg1, %add3A_19 : i32
    %lt3A_21 = arith.constant 78 : i32
    %lt3A_22 = arith.cmpi slt, %add3A_20, %lt3A_21 : i32
    %convert_element_type3A_23 = arith.extui %lt3A_22 : i1 to i32
    %cond3A_24 = arith.constant 0 : i32
    %cond3A_25 = arith.cmpi ne, %convert_element_type3A_23, %cond3A_24 : i32
    scf.if %cond3A_25 {
      %mul3A_121 = arith.constant 128 : i32
      %mul3A_122 = arith.muli %add3A_20, %mul3A_121 : i32
      "tpu.region"() ({
        %run_scoped3A = tpu.sem_alloc : memref<!tpu.dma_semaphore, #tpu.memory_space<semaphore_mem>>
        %dma_start3A_123 = arith.constant 0 : i32
        %dma_start3A_124 = tpu.memref_slice %arg15[%mul3A_122, %dma_start3A_123] : memref<10000x128xf32, #tpu.memory_space<vmem_shared>> -> memref<128x128xf32, #tpu.memory_space<vmem_shared>>
        tpu.enqueue_dma source(%arg5 : memref<128x128xf32, #tpu.memory_space<hbm>>) target(%dma_start3A_124 : memref<128x128xf32, #tpu.memory_space<vmem_shared>>) target_semaphore(%run_scoped3A : memref<!tpu.dma_semaphore, #tpu.memory_space<semaphore_mem>>)
        %dma_wait3A_125 = arith.constant 0 : i32
        %dma_wait3A_126 = tpu.memref_slice %arg15[%mul3A_122, %dma_wait3A_125] : memref<10000x128xf32, #tpu.memory_space<vmem_shared>> -> memref<128x128xf32, #tpu.memory_space<vmem_shared>>
        tpu.wait_dma2 semaphore(%run_scoped3A : memref<!tpu.dma_semaphore, #tpu.memory_space<semaphore_mem>>) src(%arg5 : memref<128x128xf32, #tpu.memory_space<hbm>>) dst(%dma_wait3A_126 : memref<128x128xf32, #tpu.memory_space<vmem_shared>>)
        tpu.yield
      }) : () -> ()
    } else {
    }
    %add3A_26 = arith.constant 48 : i32
    %add3A_27 = arith.addi %arg1, %add3A_26 : i32
    %lt3A_28 = arith.constant 78 : i32
    %lt3A_29 = arith.cmpi slt, %add3A_27, %lt3A_28 : i32
    %convert_element_type3A_30 = arith.extui %lt3A_29 : i1 to i32
    %cond3A_31 = arith.constant 0 : i32
    %cond3A_32 = arith.cmpi ne, %convert_element_type3A_30, %cond3A_31 : i32
    scf.if %cond3A_32 {
      %mul3A_121 = arith.constant 128 : i32
      %mul3A_122 = arith.muli %add3A_27, %mul3A_121 : i32
      "tpu.region"() ({
        %run_scoped3A = tpu.sem_alloc : memref<!tpu.dma_semaphore, #tpu.memory_space<semaphore_mem>>
        %dma_start3A_123 = arith.constant 0 : i32
        %dma_start3A_124 = tpu.memref_slice %arg15[%mul3A_122, %dma_start3A_123] : memref<10000x128xf32, #tpu.memory_space<vmem_shared>> -> memref<128x128xf32, #tpu.memory_space<vmem_shared>>
        tpu.enqueue_dma source(%arg5 : memref<128x128xf32, #tpu.memory_space<hbm>>) target(%dma_start3A_124 : memref<128x128xf32, #tpu.memory_space<vmem_shared>>) target_semaphore(%run_scoped3A : memref<!tpu.dma_semaphore, #tpu.memory_space<semaphore_mem>>)
        %dma_wait3A_125 = arith.constant 0 : i32
        %dma_wait3A_126 = tpu.memref_slice %arg15[%mul3A_122, %dma_wait3A_125] : memref<10000x128xf32, #tpu.memory_space<vmem_shared>> -> memref<128x128xf32, #tpu.memory_space<vmem_shared>>
        tpu.wait_dma2 semaphore(%run_scoped3A : memref<!tpu.dma_semaphore, #tpu.memory_space<semaphore_mem>>) src(%arg5 : memref<128x128xf32, #tpu.memory_space<hbm>>) dst(%dma_wait3A_126 : memref<128x128xf32, #tpu.memory_space<vmem_shared>>)
        tpu.yield
      }) : () -> ()
    } else {
    }
    %add3A_33 = arith.constant 64 : i32
    %add3A_34 = arith.addi %arg1, %add3A_33 : i32
    %lt3A_35 = arith.constant 78 : i32
    %lt3A_36 = arith.cmpi slt, %add3A_34, %lt3A_35 : i32
    %convert_element_type3A_37 = arith.extui %lt3A_36 : i1 to i32
    %cond3A_38 = arith.constant 0 : i32
    %cond3A_39 = arith.cmpi ne, %convert_element_type3A_37, %cond3A_38 : i32
    scf.if %cond3A_39 {
      %mul3A_121 = arith.constant 128 : i32
      %mul3A_122 = arith.muli %add3A_34, %mul3A_121 : i32
      "tpu.region"() ({
        %run_scoped3A = tpu.sem_alloc : memref<!tpu.dma_semaphore, #tpu.memory_space<semaphore_mem>>
        %dma_start3A_123 = arith.constant 0 : i32
        %dma_start3A_124 = tpu.memref_slice %arg15[%mul3A_122, %dma_start3A_123] : memref<10000x128xf32, #tpu.memory_space<vmem_shared>> -> memref<128x128xf32, #tpu.memory_space<vmem_shared>>
        tpu.enqueue_dma source(%arg5 : memref<128x128xf32, #tpu.memory_space<hbm>>) target(%dma_start3A_124 : memref<128x128xf32, #tpu.memory_space<vmem_shared>>) target_semaphore(%run_scoped3A : memref<!tpu.dma_semaphore, #tpu.memory_space<semaphore_mem>>)
        %dma_wait3A_125 = arith.constant 0 : i32
        %dma_wait3A_126 = tpu.memref_slice %arg15[%mul3A_122, %dma_wait3A_125] : memref<10000x128xf32, #tpu.memory_space<vmem_shared>> -> memref<128x128xf32, #tpu.memory_space<vmem_shared>>
        tpu.wait_dma2 semaphore(%run_scoped3A : memref<!tpu.dma_semaphore, #tpu.memory_space<semaphore_mem>>) src(%arg5 : memref<128x128xf32, #tpu.memory_space<hbm>>) dst(%dma_wait3A_126 : memref<128x128xf32, #tpu.memory_space<vmem_shared>>)
        tpu.yield
      }) : () -> ()
    } else {
    }
    %eq3A = arith.constant 15 : i32
    %eq3A_40 = arith.cmpi eq, %arg1, %eq3A : i32
    %convert_element_type3A_41 = arith.extui %eq3A_40 : i1 to i32
    %cond3A_42 = arith.constant 0 : i32
    %cond3A_43 = arith.cmpi ne, %convert_element_type3A_41, %cond3A_42 : i32
    scf.if %cond3A_43 {
      "tpu.region"() ({
        %run_scoped3A = tpu.sem_alloc : memref<!tpu.dma_semaphore, #tpu.memory_space<semaphore_mem>>
        %dma_start3A_121 = arith.constant 9984 : i32
        %dma_start3A_122 = arith.constant 0 : i32
        %dma_start3A_123 = tpu.memref_slice %arg15[%dma_start3A_121, %dma_start3A_122] : memref<10000x128xf32, #tpu.memory_space<vmem_shared>> -> memref<16x128xf32, #tpu.memory_space<vmem_shared>>
        %dma_start3A_124 = arith.constant 0 : i32
        %dma_start3A_125 = arith.constant 0 : i32
        %dma_start3A_126 = tpu.memref_slice %arg5[%dma_start3A_124, %dma_start3A_125] : memref<128x128xf32, #tpu.memory_space<hbm>> -> memref<16x128xf32, #tpu.memory_space<hbm>>
        tpu.enqueue_dma source(%dma_start3A_126 : memref<16x128xf32, #tpu.memory_space<hbm>>) target(%dma_start3A_123 : memref<16x128xf32, #tpu.memory_space<vmem_shared>>) target_semaphore(%run_scoped3A : memref<!tpu.dma_semaphore, #tpu.memory_space<semaphore_mem>>)
        %dma_wait3A_127 = arith.constant 9984 : i32
        %dma_wait3A_128 = arith.constant 0 : i32
        %dma_wait3A_129 = tpu.memref_slice %arg15[%dma_wait3A_127, %dma_wait3A_128] : memref<10000x128xf32, #tpu.memory_space<vmem_shared>> -> memref<16x128xf32, #tpu.memory_space<vmem_shared>>
        %dma_wait3A_130 = arith.constant 0 : i32
        %dma_wait3A_131 = arith.constant 0 : i32
        %dma_wait3A_132 = tpu.memref_slice %arg5[%dma_wait3A_130, %dma_wait3A_131] : memref<128x128xf32, #tpu.memory_space<hbm>> -> memref<16x128xf32, #tpu.memory_space<hbm>>
        tpu.wait_dma2 semaphore(%run_scoped3A : memref<!tpu.dma_semaphore, #tpu.memory_space<semaphore_mem>>) src(%dma_wait3A_132 : memref<16x128xf32, #tpu.memory_space<hbm>>) dst(%dma_wait3A_129 : memref<16x128xf32, #tpu.memory_space<vmem_shared>>)
        tpu.yield
      }) : () -> ()
    } else {
    }
    %dma_wait3A = tpu.memref_slice %arg3[%mul3A_2] : memref<320000xi32, #tpu.memory_space<hbm>> -> memref<192xi32, #tpu.memory_space<hbm>>
    %dma_wait3A_44 = tpu.memref_slice %arg3[%mul3A_2] : memref<320000xi32, #tpu.memory_space<hbm>> -> memref<192xi32, #tpu.memory_space<hbm>>
    tpu.wait_dma2 semaphore(%arg16 : memref<!tpu.dma_semaphore, #tpu.memory_space<semaphore_mem>>) src(%dma_wait3A_44 : memref<192xi32, #tpu.memory_space<hbm>>) dst(%arg7 : memref<192xi32, #tpu.memory_space<vmem>>)
    %dma_start3A_45 = arith.constant 0 : i32
    %dma_start3A_46 = arith.constant 0 : i32
    %dma_start3A_47 = tpu.memref_slice %arg2[%dma_start3A_45, %dma_start3A_46] : memref<10000x128xf32, #tpu.memory_space<hbm>> -> memref<10000x128xf32, #tpu.memory_space<hbm>>
    tpu.enqueue_indirect_dma source(%dma_start3A_47 : memref<10000x128xf32, #tpu.memory_space<hbm>>) target(%arg13 : memref<192x128xf32, #tpu.memory_space<vmem>>) offsets(%arg7 : memref<192xi32, #tpu.memory_space<vmem>>) semaphore(%arg20 : memref<!tpu.dma_semaphore, #tpu.memory_space<semaphore_mem>>)
    %add3A_48 = arith.constant 192 : i32
    %add3A_49 = arith.addi %mul3A_2, %add3A_48 : i32
    %dma_wait3A_50 = tpu.memref_slice %arg3[%add3A_49] : memref<320000xi32, #tpu.memory_space<hbm>> -> memref<192xi32, #tpu.memory_space<hbm>>
    %dma_wait3A_51 = tpu.memref_slice %arg3[%add3A_49] : memref<320000xi32, #tpu.memory_space<hbm>> -> memref<192xi32, #tpu.memory_space<hbm>>
    tpu.wait_dma2 semaphore(%arg17 : memref<!tpu.dma_semaphore, #tpu.memory_space<semaphore_mem>>) src(%dma_wait3A_51 : memref<192xi32, #tpu.memory_space<hbm>>) dst(%arg8 : memref<192xi32, #tpu.memory_space<vmem>>)
    %dma_start3A_52 = arith.constant 0 : i32
    %dma_start3A_53 = arith.constant 0 : i32
    %dma_start3A_54 = tpu.memref_slice %arg2[%dma_start3A_52, %dma_start3A_53] : memref<10000x128xf32, #tpu.memory_space<hbm>> -> memref<10000x128xf32, #tpu.memory_space<hbm>>
    tpu.enqueue_indirect_dma source(%dma_start3A_54 : memref<10000x128xf32, #tpu.memory_space<hbm>>) target(%arg14 : memref<192x128xf32, #tpu.memory_space<vmem>>) offsets(%arg8 : memref<192xi32, #tpu.memory_space<vmem>>) semaphore(%arg21 : memref<!tpu.dma_semaphore, #tpu.memory_space<semaphore_mem>>)
    %barrier3A = arith.constant 0 : index
    tpu.barrier barrier_id(%barrier3A)
    %scan3A = arith.constant 0 : i32
    %scan3A_55 = arith.constant 0 : i32
    %scan3A_56 = arith.constant 26 : i32
    %scan3A_57 = arith.addi %scan3A_55, %scan3A_56 : i32
    %scan3A_58 = arith.constant 1 : i32
    scf.for %scan3A_121 = %scan3A_55 to %scan3A_57 step %scan3A_58  : i32 {
      %mul3A_122 = arith.constant 2 : i32
      %mul3A_123 = arith.muli %mul3A_122, %scan3A_121 : i32
      %mul3A_124 = arith.constant 192 : i32
      %mul3A_125 = arith.muli %mul3A_123, %mul3A_124 : i32
      %add3A_126 = arith.addi %mul3A_2, %mul3A_125 : i32
      %add3A_127 = arith.constant 192 : i32
      %add3A_128 = arith.addi %add3A_126, %add3A_127 : i32
      %gt3A = arith.constant 0 : i32
      %gt3A_129 = arith.cmpi sgt, %scan3A_121, %gt3A : i32
      %convert_element_type3A_130 = arith.extui %gt3A_129 : i1 to i32
      %cond3A_131 = arith.constant 0 : i32
      %cond3A_132 = arith.cmpi ne, %convert_element_type3A_130, %cond3A_131 : i32
      scf.if %cond3A_132 {
        %dma_wait3A_172 = arith.constant 0 : i32
        %dma_wait3A_173 = arith.constant 0 : i32
        %dma_wait3A_174 = tpu.memref_slice %arg15[%dma_wait3A_172, %dma_wait3A_173] : memref<10000x128xf32, #tpu.memory_space<vmem_shared>> -> memref<10000x128xf32, #tpu.memory_space<vmem_shared>>
        tpu.wait_indirect_dma semaphore(%arg22 : memref<!tpu.dma_semaphore, #tpu.memory_space<semaphore_mem>>) src(%arg13 : memref<192x128xf32, #tpu.memory_space<vmem>>) dst(%dma_wait3A_174 : memref<10000x128xf32, #tpu.memory_space<vmem_shared>>)
        %dma_wait3A_175 = arith.constant 0 : i32
        %dma_wait3A_176 = arith.constant 0 : i32
        %dma_wait3A_177 = tpu.memref_slice %arg15[%dma_wait3A_175, %dma_wait3A_176] : memref<10000x128xf32, #tpu.memory_space<vmem_shared>> -> memref<10000x128xf32, #tpu.memory_space<vmem_shared>>
        tpu.wait_indirect_dma semaphore(%arg23 : memref<!tpu.dma_semaphore, #tpu.memory_space<semaphore_mem>>) src(%arg14 : memref<192x128xf32, #tpu.memory_space<vmem>>) dst(%dma_wait3A_177 : memref<10000x128xf32, #tpu.memory_space<vmem_shared>>)
      } else {
      }
      %dma_start3A_133 = tpu.memref_slice %arg4[%add3A_126] : memref<320000xi32, #tpu.memory_space<hbm>> -> memref<192xi32, #tpu.memory_space<hbm>>
      %dma_start3A_134 = tpu.memref_slice %arg4[%add3A_126] : memref<320000xi32, #tpu.memory_space<hbm>> -> memref<192xi32, #tpu.memory_space<hbm>>
      tpu.enqueue_dma source(%dma_start3A_134 : memref<192xi32, #tpu.memory_space<hbm>>) target(%arg9 : memref<192xi32, #tpu.memory_space<vmem>>) target_semaphore(%arg18 : memref<!tpu.dma_semaphore, #tpu.memory_space<semaphore_mem>>)
      %dma_start3A_135 = tpu.memref_slice %arg4[%add3A_128] : memref<320000xi32, #tpu.memory_space<hbm>> -> memref<192xi32, #tpu.memory_space<hbm>>
      %dma_start3A_136 = tpu.memref_slice %arg4[%add3A_128] : memref<320000xi32, #tpu.memory_space<hbm>> -> memref<192xi32, #tpu.memory_space<hbm>>
      tpu.enqueue_dma source(%dma_start3A_136 : memref<192xi32, #tpu.memory_space<hbm>>) target(%arg10 : memref<192xi32, #tpu.memory_space<vmem>>) target_semaphore(%arg19 : memref<!tpu.dma_semaphore, #tpu.memory_space<semaphore_mem>>)
      %gt3A_137 = arith.constant 0 : i32
      %gt3A_138 = arith.cmpi sgt, %scan3A_121, %gt3A_137 : i32
      %convert_element_type3A_139 = arith.extui %gt3A_138 : i1 to i32
      %cond3A_140 = arith.constant 0 : i32
      %cond3A_141 = arith.cmpi ne, %convert_element_type3A_139, %cond3A_140 : i32
      scf.if %cond3A_141 {
        %dma_wait3A_172 = tpu.memref_slice %arg3[%add3A_126] : memref<320000xi32, #tpu.memory_space<hbm>> -> memref<192xi32, #tpu.memory_space<hbm>>
        %dma_wait3A_173 = tpu.memref_slice %arg3[%add3A_126] : memref<320000xi32, #tpu.memory_space<hbm>> -> memref<192xi32, #tpu.memory_space<hbm>>
        tpu.wait_dma2 semaphore(%arg16 : memref<!tpu.dma_semaphore, #tpu.memory_space<semaphore_mem>>) src(%dma_wait3A_173 : memref<192xi32, #tpu.memory_space<hbm>>) dst(%arg7 : memref<192xi32, #tpu.memory_space<vmem>>)
        %dma_start3A_174 = arith.constant 0 : i32
        %dma_start3A_175 = arith.constant 0 : i32
        %dma_start3A_176 = tpu.memref_slice %arg2[%dma_start3A_174, %dma_start3A_175] : memref<10000x128xf32, #tpu.memory_space<hbm>> -> memref<10000x128xf32, #tpu.memory_space<hbm>>
        tpu.enqueue_indirect_dma source(%dma_start3A_176 : memref<10000x128xf32, #tpu.memory_space<hbm>>) target(%arg13 : memref<192x128xf32, #tpu.memory_space<vmem>>) offsets(%arg7 : memref<192xi32, #tpu.memory_space<vmem>>) semaphore(%arg20 : memref<!tpu.dma_semaphore, #tpu.memory_space<semaphore_mem>>)
        %dma_wait3A_177 = tpu.memref_slice %arg3[%add3A_128] : memref<320000xi32, #tpu.memory_space<hbm>> -> memref<192xi32, #tpu.memory_space<hbm>>
        %dma_wait3A_178 = tpu.memref_slice %arg3[%add3A_128] : memref<320000xi32, #tpu.memory_space<hbm>> -> memref<192xi32, #tpu.memory_space<hbm>>
        tpu.wait_dma2 semaphore(%arg17 : memref<!tpu.dma_semaphore, #tpu.memory_space<semaphore_mem>>) src(%dma_wait3A_178 : memref<192xi32, #tpu.memory_space<hbm>>) dst(%arg8 : memref<192xi32, #tpu.memory_space<vmem>>)
        %dma_start3A_179 = arith.constant 0 : i32
        %dma_start3A_180 = arith.constant 0 : i32
        %dma_start3A_181 = tpu.memref_slice %arg2[%dma_start3A_179, %dma_start3A_180] : memref<10000x128xf32, #tpu.memory_space<hbm>> -> memref<10000x128xf32, #tpu.memory_space<hbm>>
        tpu.enqueue_indirect_dma source(%dma_start3A_181 : memref<10000x128xf32, #tpu.memory_space<hbm>>) target(%arg14 : memref<192x128xf32, #tpu.memory_space<vmem>>) offsets(%arg8 : memref<192xi32, #tpu.memory_space<vmem>>) semaphore(%arg21 : memref<!tpu.dma_semaphore, #tpu.memory_space<semaphore_mem>>)
      } else {
      }
      %dma_wait3A_142 = arith.constant 0 : i32
      %dma_wait3A_143 = arith.constant 0 : i32
      %dma_wait3A_144 = tpu.memref_slice %arg2[%dma_wait3A_142, %dma_wait3A_143] : memref<10000x128xf32, #tpu.memory_space<hbm>> -> memref<10000x128xf32, #tpu.memory_space<hbm>>
      tpu.wait_indirect_dma semaphore(%arg20 : memref<!tpu.dma_semaphore, #tpu.memory_space<semaphore_mem>>) src(%dma_wait3A_144 : memref<10000x128xf32, #tpu.memory_space<hbm>>) dst(%arg13 : memref<192x128xf32, #tpu.memory_space<vmem>>)
      %dma_wait3A_145 = tpu.memref_slice %arg4[%add3A_126] : memref<320000xi32, #tpu.memory_space<hbm>> -> memref<192xi32, #tpu.memory_space<hbm>>
      %dma_wait3A_146 = tpu.memref_slice %arg4[%add3A_126] : memref<320000xi32, #tpu.memory_space<hbm>> -> memref<192xi32, #tpu.memory_space<hbm>>
      tpu.wait_dma2 semaphore(%arg18 : memref<!tpu.dma_semaphore, #tpu.memory_space<semaphore_mem>>) src(%dma_wait3A_146 : memref<192xi32, #tpu.memory_space<hbm>>) dst(%arg9 : memref<192xi32, #tpu.memory_space<vmem>>)
      %dma_start3A_147 = arith.constant 0 : i32
      %dma_start3A_148 = arith.constant 0 : i32
      %dma_start3A_149 = tpu.memref_slice %arg15[%dma_start3A_147, %dma_start3A_148] : memref<10000x128xf32, #tpu.memory_space<vmem_shared>> -> memref<10000x128xf32, #tpu.memory_space<vmem_shared>>
      tpu.enqueue_indirect_dma source(%arg13 : memref<192x128xf32, #tpu.memory_space<vmem>>) target(%dma_start3A_149 : memref<10000x128xf32, #tpu.memory_space<vmem_shared>>) offsets(%arg9 : memref<192xi32, #tpu.memory_space<vmem>>) semaphore(%arg22 : memref<!tpu.dma_semaphore, #tpu.memory_space<semaphore_mem>>) {add = true}
      %add3A_150 = arith.constant 1 : i32
      %add3A_151 = arith.addi %scan3A_121, %add3A_150 : i32
      %lt3A_152 = arith.constant 26 : i32
      %lt3A_153 = arith.cmpi slt, %add3A_151, %lt3A_152 : i32
      %convert_element_type3A_154 = arith.extui %lt3A_153 : i1 to i32
      %cond3A_155 = arith.constant 0 : i32
      %cond3A_156 = arith.cmpi ne, %convert_element_type3A_154, %cond3A_155 : i32
      scf.if %cond3A_156 {
        %add3A_172 = arith.constant 384 : i32
        %add3A_173 = arith.addi %add3A_126, %add3A_172 : i32
        %dma_start3A_174 = tpu.memref_slice %arg3[%add3A_173] : memref<320000xi32, #tpu.memory_space<hbm>> -> memref<192xi32, #tpu.memory_space<hbm>>
        %dma_start3A_175 = tpu.memref_slice %arg3[%add3A_173] : memref<320000xi32, #tpu.memory_space<hbm>> -> memref<192xi32, #tpu.memory_space<hbm>>
        tpu.enqueue_dma source(%dma_start3A_175 : memref<192xi32, #tpu.memory_space<hbm>>) target(%arg7 : memref<192xi32, #tpu.memory_space<vmem>>) target_semaphore(%arg16 : memref<!tpu.dma_semaphore, #tpu.memory_space<semaphore_mem>>)
      } else {
      }
      %dma_wait3A_157 = arith.constant 0 : i32
      %dma_wait3A_158 = arith.constant 0 : i32
      %dma_wait3A_159 = tpu.memref_slice %arg2[%dma_wait3A_157, %dma_wait3A_158] : memref<10000x128xf32, #tpu.memory_space<hbm>> -> memref<10000x128xf32, #tpu.memory_space<hbm>>
      tpu.wait_indirect_dma semaphore(%arg21 : memref<!tpu.dma_semaphore, #tpu.memory_space<semaphore_mem>>) src(%dma_wait3A_159 : memref<10000x128xf32, #tpu.memory_space<hbm>>) dst(%arg14 : memref<192x128xf32, #tpu.memory_space<vmem>>)
      %dma_wait3A_160 = tpu.memref_slice %arg4[%add3A_128] : memref<320000xi32, #tpu.memory_space<hbm>> -> memref<192xi32, #tpu.memory_space<hbm>>
      %dma_wait3A_161 = tpu.memref_slice %arg4[%add3A_128] : memref<320000xi32, #tpu.memory_space<hbm>> -> memref<192xi32, #tpu.memory_space<hbm>>
      tpu.wait_dma2 semaphore(%arg19 : memref<!tpu.dma_semaphore, #tpu.memory_space<semaphore_mem>>) src(%dma_wait3A_161 : memref<192xi32, #tpu.memory_space<hbm>>) dst(%arg10 : memref<192xi32, #tpu.memory_space<vmem>>)
      %dma_start3A_162 = arith.constant 0 : i32
      %dma_start3A_163 = arith.constant 0 : i32
      %dma_start3A_164 = tpu.memref_slice %arg15[%dma_start3A_162, %dma_start3A_163] : memref<10000x128xf32, #tpu.memory_space<vmem_shared>> -> memref<10000x128xf32, #tpu.memory_space<vmem_shared>>
      tpu.enqueue_indirect_dma source(%arg14 : memref<192x128xf32, #tpu.memory_space<vmem>>) target(%dma_start3A_164 : memref<10000x128xf32, #tpu.memory_space<vmem_shared>>) offsets(%arg10 : memref<192xi32, #tpu.memory_space<vmem>>) semaphore(%arg23 : memref<!tpu.dma_semaphore, #tpu.memory_space<semaphore_mem>>) {add = true}
      %add3A_165 = arith.constant 1 : i32
      %add3A_166 = arith.addi %scan3A_121, %add3A_165 : i32
      %lt3A_167 = arith.constant 26 : i32
      %lt3A_168 = arith.cmpi slt, %add3A_166, %lt3A_167 : i32
      %convert_element_type3A_169 = arith.extui %lt3A_168 : i1 to i32
      %cond3A_170 = arith.constant 0 : i32
      %cond3A_171 = arith.cmpi ne, %convert_element_type3A_169, %cond3A_170 : i32
      scf.if %cond3A_171 {
        %add3A_172 = arith.constant 384 : i32
        %add3A_173 = arith.addi %add3A_128, %add3A_172 : i32
        %dma_start3A_174 = tpu.memref_slice %arg3[%add3A_173] : memref<320000xi32, #tpu.memory_space<hbm>> -> memref<192xi32, #tpu.memory_space<hbm>>
        %dma_start3A_175 = tpu.memref_slice %arg3[%add3A_173] : memref<320000xi32, #tpu.memory_space<hbm>> -> memref<192xi32, #tpu.memory_space<hbm>>
        tpu.enqueue_dma source(%dma_start3A_175 : memref<192xi32, #tpu.memory_space<hbm>>) target(%arg8 : memref<192xi32, #tpu.memory_space<vmem>>) target_semaphore(%arg17 : memref<!tpu.dma_semaphore, #tpu.memory_space<semaphore_mem>>)
      } else {
      }
    }
    %scan3A_59 = arith.constant 26 : i32
    %dma_wait3A_60 = arith.constant 0 : i32
    %dma_wait3A_61 = arith.constant 0 : i32
    %dma_wait3A_62 = tpu.memref_slice %arg15[%dma_wait3A_60, %dma_wait3A_61] : memref<10000x128xf32, #tpu.memory_space<vmem_shared>> -> memref<10000x128xf32, #tpu.memory_space<vmem_shared>>
    tpu.wait_indirect_dma semaphore(%arg22 : memref<!tpu.dma_semaphore, #tpu.memory_space<semaphore_mem>>) src(%arg13 : memref<192x128xf32, #tpu.memory_space<vmem>>) dst(%dma_wait3A_62 : memref<10000x128xf32, #tpu.memory_space<vmem_shared>>)
    %dma_wait3A_63 = arith.constant 0 : i32
    %dma_wait3A_64 = arith.constant 0 : i32
    %dma_wait3A_65 = tpu.memref_slice %arg15[%dma_wait3A_63, %dma_wait3A_64] : memref<10000x128xf32, #tpu.memory_space<vmem_shared>> -> memref<10000x128xf32, #tpu.memory_space<vmem_shared>>
    tpu.wait_indirect_dma semaphore(%arg23 : memref<!tpu.dma_semaphore, #tpu.memory_space<semaphore_mem>>) src(%arg14 : memref<192x128xf32, #tpu.memory_space<vmem>>) dst(%dma_wait3A_65 : memref<10000x128xf32, #tpu.memory_space<vmem_shared>>)
    %add3A_66 = arith.constant 9984 : i32
    %add3A_67 = arith.addi %mul3A_2, %add3A_66 : i32
    "tpu.region"() ({
      %run_scoped3A = tpu.sem_alloc : memref<!tpu.dma_semaphore, #tpu.memory_space<semaphore_mem>>
      %dma_start3A_121 = tpu.memref_slice %arg3[%add3A_67] : memref<320000xi32, #tpu.memory_space<hbm>> -> memref<16xi32, #tpu.memory_space<hbm>>
      %dma_start3A_122 = tpu.memref_slice %arg3[%add3A_67] : memref<320000xi32, #tpu.memory_space<hbm>> -> memref<16xi32, #tpu.memory_space<hbm>>
      tpu.enqueue_dma source(%dma_start3A_122 : memref<16xi32, #tpu.memory_space<hbm>>) target(%arg11 : memref<16xi32, #tpu.memory_space<vmem>>) target_semaphore(%run_scoped3A : memref<!tpu.dma_semaphore, #tpu.memory_space<semaphore_mem>>)
      %dma_wait3A_123 = tpu.memref_slice %arg3[%add3A_67] : memref<320000xi32, #tpu.memory_space<hbm>> -> memref<16xi32, #tpu.memory_space<hbm>>
      %dma_wait3A_124 = tpu.memref_slice %arg3[%add3A_67] : memref<320000xi32, #tpu.memory_space<hbm>> -> memref<16xi32, #tpu.memory_space<hbm>>
      tpu.wait_dma2 semaphore(%run_scoped3A : memref<!tpu.dma_semaphore, #tpu.memory_space<semaphore_mem>>) src(%dma_wait3A_124 : memref<16xi32, #tpu.memory_space<hbm>>) dst(%arg11 : memref<16xi32, #tpu.memory_space<vmem>>)
      tpu.yield
    }) : () -> ()
    "tpu.region"() ({
      %run_scoped3A = tpu.sem_alloc : memref<!tpu.dma_semaphore, #tpu.memory_space<semaphore_mem>>
      %dma_start3A_121 = tpu.memref_slice %arg4[%add3A_67] : memref<320000xi32, #tpu.memory_space<hbm>> -> memref<16xi32, #tpu.memory_space<hbm>>
      %dma_start3A_122 = tpu.memref_slice %arg4[%add3A_67] : memref<320000xi32, #tpu.memory_space<hbm>> -> memref<16xi32, #tpu.memory_space<hbm>>
      tpu.enqueue_dma source(%dma_start3A_122 : memref<16xi32, #tpu.memory_space<hbm>>) target(%arg12 : memref<16xi32, #tpu.memory_space<vmem>>) target_semaphore(%run_scoped3A : memref<!tpu.dma_semaphore, #tpu.memory_space<semaphore_mem>>)
      %dma_wait3A_123 = tpu.memref_slice %arg4[%add3A_67] : memref<320000xi32, #tpu.memory_space<hbm>> -> memref<16xi32, #tpu.memory_space<hbm>>
      %dma_wait3A_124 = tpu.memref_slice %arg4[%add3A_67] : memref<320000xi32, #tpu.memory_space<hbm>> -> memref<16xi32, #tpu.memory_space<hbm>>
      tpu.wait_dma2 semaphore(%run_scoped3A : memref<!tpu.dma_semaphore, #tpu.memory_space<semaphore_mem>>) src(%dma_wait3A_124 : memref<16xi32, #tpu.memory_space<hbm>>) dst(%arg12 : memref<16xi32, #tpu.memory_space<vmem>>)
      tpu.yield
    }) : () -> ()
    %dma_start3A_68 = arith.constant 0 : i32
    %dma_start3A_69 = arith.constant 0 : i32
    %dma_start3A_70 = tpu.memref_slice %arg13[%dma_start3A_68, %dma_start3A_69] : memref<192x128xf32, #tpu.memory_space<vmem>> -> memref<16x128xf32, #tpu.memory_space<vmem>>
    %dma_start3A_71 = arith.constant 0 : i32
    %dma_start3A_72 = arith.constant 0 : i32
    %dma_start3A_73 = tpu.memref_slice %arg2[%dma_start3A_71, %dma_start3A_72] : memref<10000x128xf32, #tpu.memory_space<hbm>> -> memref<10000x128xf32, #tpu.memory_space<hbm>>
    tpu.enqueue_indirect_dma source(%dma_start3A_73 : memref<10000x128xf32, #tpu.memory_space<hbm>>) target(%dma_start3A_70 : memref<16x128xf32, #tpu.memory_space<vmem>>) offsets(%arg11 : memref<16xi32, #tpu.memory_space<vmem>>) semaphore(%arg20 : memref<!tpu.dma_semaphore, #tpu.memory_space<semaphore_mem>>)
    %dma_wait3A_74 = arith.constant 0 : i32
    %dma_wait3A_75 = arith.constant 0 : i32
    %dma_wait3A_76 = tpu.memref_slice %arg13[%dma_wait3A_74, %dma_wait3A_75] : memref<192x128xf32, #tpu.memory_space<vmem>> -> memref<16x128xf32, #tpu.memory_space<vmem>>
    %dma_wait3A_77 = arith.constant 0 : i32
    %dma_wait3A_78 = arith.constant 0 : i32
    %dma_wait3A_79 = tpu.memref_slice %arg2[%dma_wait3A_77, %dma_wait3A_78] : memref<10000x128xf32, #tpu.memory_space<hbm>> -> memref<10000x128xf32, #tpu.memory_space<hbm>>
    tpu.wait_indirect_dma semaphore(%arg20 : memref<!tpu.dma_semaphore, #tpu.memory_space<semaphore_mem>>) src(%dma_wait3A_79 : memref<10000x128xf32, #tpu.memory_space<hbm>>) dst(%dma_wait3A_76 : memref<16x128xf32, #tpu.memory_space<vmem>>)
    "tpu.region"() ({
      %run_scoped3A = tpu.sem_alloc : memref<!tpu.dma_semaphore, #tpu.memory_space<semaphore_mem>>
      %dma_start3A_121 = arith.constant 0 : i32
      %dma_start3A_122 = arith.constant 0 : i32
      %dma_start3A_123 = tpu.memref_slice %arg13[%dma_start3A_121, %dma_start3A_122] : memref<192x128xf32, #tpu.memory_space<vmem>> -> memref<16x128xf32, #tpu.memory_space<vmem>>
      %dma_start3A_124 = arith.constant 0 : i32
      %dma_start3A_125 = arith.constant 0 : i32
      %dma_start3A_126 = tpu.memref_slice %arg15[%dma_start3A_124, %dma_start3A_125] : memref<10000x128xf32, #tpu.memory_space<vmem_shared>> -> memref<10000x128xf32, #tpu.memory_space<vmem_shared>>
      tpu.enqueue_indirect_dma source(%dma_start3A_123 : memref<16x128xf32, #tpu.memory_space<vmem>>) target(%dma_start3A_126 : memref<10000x128xf32, #tpu.memory_space<vmem_shared>>) offsets(%arg12 : memref<16xi32, #tpu.memory_space<vmem>>) semaphore(%run_scoped3A : memref<!tpu.dma_semaphore, #tpu.memory_space<semaphore_mem>>) {add = true}
      %dma_wait3A_127 = arith.constant 0 : i32
      %dma_wait3A_128 = arith.constant 0 : i32
      %dma_wait3A_129 = tpu.memref_slice %arg13[%dma_wait3A_127, %dma_wait3A_128] : memref<192x128xf32, #tpu.memory_space<vmem>> -> memref<16x128xf32, #tpu.memory_space<vmem>>
      %dma_wait3A_130 = arith.constant 0 : i32
      %dma_wait3A_131 = arith.constant 0 : i32
      %dma_wait3A_132 = tpu.memref_slice %arg15[%dma_wait3A_130, %dma_wait3A_131] : memref<10000x128xf32, #tpu.memory_space<vmem_shared>> -> memref<10000x128xf32, #tpu.memory_space<vmem_shared>>
      tpu.wait_indirect_dma semaphore(%run_scoped3A : memref<!tpu.dma_semaphore, #tpu.memory_space<semaphore_mem>>) src(%dma_wait3A_129 : memref<16x128xf32, #tpu.memory_space<vmem>>) dst(%dma_wait3A_132 : memref<10000x128xf32, #tpu.memory_space<vmem_shared>>)
      tpu.yield
    }) : () -> ()
    %barrier3A_80 = arith.constant 0 : index
    tpu.barrier barrier_id(%barrier3A_80)
    %add3A_81 = arith.constant 0 : i32
    %add3A_82 = arith.addi %arg1, %add3A_81 : i32
    %lt3A_83 = arith.constant 78 : i32
    %lt3A_84 = arith.cmpi slt, %add3A_82, %lt3A_83 : i32
    %convert_element_type3A_85 = arith.extui %lt3A_84 : i1 to i32
    %cond3A_86 = arith.constant 0 : i32
    %cond3A_87 = arith.cmpi ne, %convert_element_type3A_85, %cond3A_86 : i32
    scf.if %cond3A_87 {
      %mul3A_121 = arith.constant 128 : i32
      %mul3A_122 = arith.muli %add3A_82, %mul3A_121 : i32
      "tpu.region"() ({
        %run_scoped3A = tpu.sem_alloc : memref<!tpu.dma_semaphore, #tpu.memory_space<semaphore_mem>>
        %dma_start3A_123 = arith.constant 0 : i32
        %dma_start3A_124 = tpu.memref_slice %arg6[%arg0, %mul3A_122, %dma_start3A_123] : memref<2x10000x128xf32, #tpu.memory_space<hbm>> -> memref<1x128x128xf32, #tpu.memory_space<hbm>>
        %dma_start3A_125 = tpu.memref_squeeze %dma_start3A_124 : memref<1x128x128xf32, #tpu.memory_space<hbm>> -> memref<128x128xf32, #tpu.memory_space<hbm>>
        %dma_start3A_126 = arith.constant 0 : i32
        %dma_start3A_127 = tpu.memref_slice %arg15[%mul3A_122, %dma_start3A_126] : memref<10000x128xf32, #tpu.memory_space<vmem_shared>> -> memref<128x128xf32, #tpu.memory_space<vmem_shared>>
        tpu.enqueue_dma source(%dma_start3A_127 : memref<128x128xf32, #tpu.memory_space<vmem_shared>>) target(%dma_start3A_125 : memref<128x128xf32, #tpu.memory_space<hbm>>) target_semaphore(%run_scoped3A : memref<!tpu.dma_semaphore, #tpu.memory_space<semaphore_mem>>)
        %dma_wait3A_128 = arith.constant 0 : i32
        %dma_wait3A_129 = tpu.memref_slice %arg6[%arg0, %mul3A_122, %dma_wait3A_128] : memref<2x10000x128xf32, #tpu.memory_space<hbm>> -> memref<1x128x128xf32, #tpu.memory_space<hbm>>
        %dma_wait3A_130 = tpu.memref_squeeze %dma_wait3A_129 : memref<1x128x128xf32, #tpu.memory_space<hbm>> -> memref<128x128xf32, #tpu.memory_space<hbm>>
        %dma_wait3A_131 = arith.constant 0 : i32
        %dma_wait3A_132 = tpu.memref_slice %arg15[%mul3A_122, %dma_wait3A_131] : memref<10000x128xf32, #tpu.memory_space<vmem_shared>> -> memref<128x128xf32, #tpu.memory_space<vmem_shared>>
        tpu.wait_dma2 semaphore(%run_scoped3A : memref<!tpu.dma_semaphore, #tpu.memory_space<semaphore_mem>>) src(%dma_wait3A_132 : memref<128x128xf32, #tpu.memory_space<vmem_shared>>) dst(%dma_wait3A_130 : memref<128x128xf32, #tpu.memory_space<hbm>>)
        tpu.yield
      }) : () -> ()
    } else {
    }
    %add3A_88 = arith.constant 16 : i32
    %add3A_89 = arith.addi %arg1, %add3A_88 : i32
    %lt3A_90 = arith.constant 78 : i32
    %lt3A_91 = arith.cmpi slt, %add3A_89, %lt3A_90 : i32
    %convert_element_type3A_92 = arith.extui %lt3A_91 : i1 to i32
    %cond3A_93 = arith.constant 0 : i32
    %cond3A_94 = arith.cmpi ne, %convert_element_type3A_92, %cond3A_93 : i32
    scf.if %cond3A_94 {
      %mul3A_121 = arith.constant 128 : i32
      %mul3A_122 = arith.muli %add3A_89, %mul3A_121 : i32
      "tpu.region"() ({
        %run_scoped3A = tpu.sem_alloc : memref<!tpu.dma_semaphore, #tpu.memory_space<semaphore_mem>>
        %dma_start3A_123 = arith.constant 0 : i32
        %dma_start3A_124 = tpu.memref_slice %arg6[%arg0, %mul3A_122, %dma_start3A_123] : memref<2x10000x128xf32, #tpu.memory_space<hbm>> -> memref<1x128x128xf32, #tpu.memory_space<hbm>>
        %dma_start3A_125 = tpu.memref_squeeze %dma_start3A_124 : memref<1x128x128xf32, #tpu.memory_space<hbm>> -> memref<128x128xf32, #tpu.memory_space<hbm>>
        %dma_start3A_126 = arith.constant 0 : i32
        %dma_start3A_127 = tpu.memref_slice %arg15[%mul3A_122, %dma_start3A_126] : memref<10000x128xf32, #tpu.memory_space<vmem_shared>> -> memref<128x128xf32, #tpu.memory_space<vmem_shared>>
        tpu.enqueue_dma source(%dma_start3A_127 : memref<128x128xf32, #tpu.memory_space<vmem_shared>>) target(%dma_start3A_125 : memref<128x128xf32, #tpu.memory_space<hbm>>) target_semaphore(%run_scoped3A : memref<!tpu.dma_semaphore, #tpu.memory_space<semaphore_mem>>)
        %dma_wait3A_128 = arith.constant 0 : i32
        %dma_wait3A_129 = tpu.memref_slice %arg6[%arg0, %mul3A_122, %dma_wait3A_128] : memref<2x10000x128xf32, #tpu.memory_space<hbm>> -> memref<1x128x128xf32, #tpu.memory_space<hbm>>
        %dma_wait3A_130 = tpu.memref_squeeze %dma_wait3A_129 : memref<1x128x128xf32, #tpu.memory_space<hbm>> -> memref<128x128xf32, #tpu.memory_space<hbm>>
        %dma_wait3A_131 = arith.constant 0 : i32
        %dma_wait3A_132 = tpu.memref_slice %arg15[%mul3A_122, %dma_wait3A_131] : memref<10000x128xf32, #tpu.memory_space<vmem_shared>> -> memref<128x128xf32, #tpu.memory_space<vmem_shared>>
        tpu.wait_dma2 semaphore(%run_scoped3A : memref<!tpu.dma_semaphore, #tpu.memory_space<semaphore_mem>>) src(%dma_wait3A_132 : memref<128x128xf32, #tpu.memory_space<vmem_shared>>) dst(%dma_wait3A_130 : memref<128x128xf32, #tpu.memory_space<hbm>>)
        tpu.yield
      }) : () -> ()
    } else {
    }
    %add3A_95 = arith.constant 32 : i32
    %add3A_96 = arith.addi %arg1, %add3A_95 : i32
    %lt3A_97 = arith.constant 78 : i32
    %lt3A_98 = arith.cmpi slt, %add3A_96, %lt3A_97 : i32
    %convert_element_type3A_99 = arith.extui %lt3A_98 : i1 to i32
    %cond3A_100 = arith.constant 0 : i32
    %cond3A_101 = arith.cmpi ne, %convert_element_type3A_99, %cond3A_100 : i32
    scf.if %cond3A_101 {
      %mul3A_121 = arith.constant 128 : i32
      %mul3A_122 = arith.muli %add3A_96, %mul3A_121 : i32
      "tpu.region"() ({
        %run_scoped3A = tpu.sem_alloc : memref<!tpu.dma_semaphore, #tpu.memory_space<semaphore_mem>>
        %dma_start3A_123 = arith.constant 0 : i32
        %dma_start3A_124 = tpu.memref_slice %arg6[%arg0, %mul3A_122, %dma_start3A_123] : memref<2x10000x128xf32, #tpu.memory_space<hbm>> -> memref<1x128x128xf32, #tpu.memory_space<hbm>>
        %dma_start3A_125 = tpu.memref_squeeze %dma_start3A_124 : memref<1x128x128xf32, #tpu.memory_space<hbm>> -> memref<128x128xf32, #tpu.memory_space<hbm>>
        %dma_start3A_126 = arith.constant 0 : i32
        %dma_start3A_127 = tpu.memref_slice %arg15[%mul3A_122, %dma_start3A_126] : memref<10000x128xf32, #tpu.memory_space<vmem_shared>> -> memref<128x128xf32, #tpu.memory_space<vmem_shared>>
        tpu.enqueue_dma source(%dma_start3A_127 : memref<128x128xf32, #tpu.memory_space<vmem_shared>>) target(%dma_start3A_125 : memref<128x128xf32, #tpu.memory_space<hbm>>) target_semaphore(%run_scoped3A : memref<!tpu.dma_semaphore, #tpu.memory_space<semaphore_mem>>)
        %dma_wait3A_128 = arith.constant 0 : i32
        %dma_wait3A_129 = tpu.memref_slice %arg6[%arg0, %mul3A_122, %dma_wait3A_128] : memref<2x10000x128xf32, #tpu.memory_space<hbm>> -> memref<1x128x128xf32, #tpu.memory_space<hbm>>
        %dma_wait3A_130 = tpu.memref_squeeze %dma_wait3A_129 : memref<1x128x128xf32, #tpu.memory_space<hbm>> -> memref<128x128xf32, #tpu.memory_space<hbm>>
        %dma_wait3A_131 = arith.constant 0 : i32
        %dma_wait3A_132 = tpu.memref_slice %arg15[%mul3A_122, %dma_wait3A_131] : memref<10000x128xf32, #tpu.memory_space<vmem_shared>> -> memref<128x128xf32, #tpu.memory_space<vmem_shared>>
        tpu.wait_dma2 semaphore(%run_scoped3A : memref<!tpu.dma_semaphore, #tpu.memory_space<semaphore_mem>>) src(%dma_wait3A_132 : memref<128x128xf32, #tpu.memory_space<vmem_shared>>) dst(%dma_wait3A_130 : memref<128x128xf32, #tpu.memory_space<hbm>>)
        tpu.yield
      }) : () -> ()
    } else {
    }
    %add3A_102 = arith.constant 48 : i32
    %add3A_103 = arith.addi %arg1, %add3A_102 : i32
    %lt3A_104 = arith.constant 78 : i32
    %lt3A_105 = arith.cmpi slt, %add3A_103, %lt3A_104 : i32
    %convert_element_type3A_106 = arith.extui %lt3A_105 : i1 to i32
    %cond3A_107 = arith.constant 0 : i32
    %cond3A_108 = arith.cmpi ne, %convert_element_type3A_106, %cond3A_107 : i32
    scf.if %cond3A_108 {
      %mul3A_121 = arith.constant 128 : i32
      %mul3A_122 = arith.muli %add3A_103, %mul3A_121 : i32
      "tpu.region"() ({
        %run_scoped3A = tpu.sem_alloc : memref<!tpu.dma_semaphore, #tpu.memory_space<semaphore_mem>>
        %dma_start3A_123 = arith.constant 0 : i32
        %dma_start3A_124 = tpu.memref_slice %arg6[%arg0, %mul3A_122, %dma_start3A_123] : memref<2x10000x128xf32, #tpu.memory_space<hbm>> -> memref<1x128x128xf32, #tpu.memory_space<hbm>>
        %dma_start3A_125 = tpu.memref_squeeze %dma_start3A_124 : memref<1x128x128xf32, #tpu.memory_space<hbm>> -> memref<128x128xf32, #tpu.memory_space<hbm>>
        %dma_start3A_126 = arith.constant 0 : i32
        %dma_start3A_127 = tpu.memref_slice %arg15[%mul3A_122, %dma_start3A_126] : memref<10000x128xf32, #tpu.memory_space<vmem_shared>> -> memref<128x128xf32, #tpu.memory_space<vmem_shared>>
        tpu.enqueue_dma source(%dma_start3A_127 : memref<128x128xf32, #tpu.memory_space<vmem_shared>>) target(%dma_start3A_125 : memref<128x128xf32, #tpu.memory_space<hbm>>) target_semaphore(%run_scoped3A : memref<!tpu.dma_semaphore, #tpu.memory_space<semaphore_mem>>)
        %dma_wait3A_128 = arith.constant 0 : i32
        %dma_wait3A_129 = tpu.memref_slice %arg6[%arg0, %mul3A_122, %dma_wait3A_128] : memref<2x10000x128xf32, #tpu.memory_space<hbm>> -> memref<1x128x128xf32, #tpu.memory_space<hbm>>
        %dma_wait3A_130 = tpu.memref_squeeze %dma_wait3A_129 : memref<1x128x128xf32, #tpu.memory_space<hbm>> -> memref<128x128xf32, #tpu.memory_space<hbm>>
        %dma_wait3A_131 = arith.constant 0 : i32
        %dma_wait3A_132 = tpu.memref_slice %arg15[%mul3A_122, %dma_wait3A_131] : memref<10000x128xf32, #tpu.memory_space<vmem_shared>> -> memref<128x128xf32, #tpu.memory_space<vmem_shared>>
        tpu.wait_dma2 semaphore(%run_scoped3A : memref<!tpu.dma_semaphore, #tpu.memory_space<semaphore_mem>>) src(%dma_wait3A_132 : memref<128x128xf32, #tpu.memory_space<vmem_shared>>) dst(%dma_wait3A_130 : memref<128x128xf32, #tpu.memory_space<hbm>>)
        tpu.yield
      }) : () -> ()
    } else {
    }
    %add3A_109 = arith.constant 64 : i32
    %add3A_110 = arith.addi %arg1, %add3A_109 : i32
    %lt3A_111 = arith.constant 78 : i32
    %lt3A_112 = arith.cmpi slt, %add3A_110, %lt3A_111 : i32
    %convert_element_type3A_113 = arith.extui %lt3A_112 : i1 to i32
    %cond3A_114 = arith.constant 0 : i32
    %cond3A_115 = arith.cmpi ne, %convert_element_type3A_113, %cond3A_114 : i32
    scf.if %cond3A_115 {
      %mul3A_121 = arith.constant 128 : i32
      %mul3A_122 = arith.muli %add3A_110, %mul3A_121 : i32
      "tpu.region"() ({
        %run_scoped3A = tpu.sem_alloc : memref<!tpu.dma_semaphore, #tpu.memory_space<semaphore_mem>>
        %dma_start3A_123 = arith.constant 0 : i32
        %dma_start3A_124 = tpu.memref_slice %arg6[%arg0, %mul3A_122, %dma_start3A_123] : memref<2x10000x128xf32, #tpu.memory_space<hbm>> -> memref<1x128x128xf32, #tpu.memory_space<hbm>>
        %dma_start3A_125 = tpu.memref_squeeze %dma_start3A_124 : memref<1x128x128xf32, #tpu.memory_space<hbm>> -> memref<128x128xf32, #tpu.memory_space<hbm>>
        %dma_start3A_126 = arith.constant 0 : i32
        %dma_start3A_127 = tpu.memref_slice %arg15[%mul3A_122, %dma_start3A_126] : memref<10000x128xf32, #tpu.memory_space<vmem_shared>> -> memref<128x128xf32, #tpu.memory_space<vmem_shared>>
        tpu.enqueue_dma source(%dma_start3A_127 : memref<128x128xf32, #tpu.memory_space<vmem_shared>>) target(%dma_start3A_125 : memref<128x128xf32, #tpu.memory_space<hbm>>) target_semaphore(%run_scoped3A : memref<!tpu.dma_semaphore, #tpu.memory_space<semaphore_mem>>)
        %dma_wait3A_128 = arith.constant 0 : i32
        %dma_wait3A_129 = tpu.memref_slice %arg6[%arg0, %mul3A_122, %dma_wait3A_128] : memref<2x10000x128xf32, #tpu.memory_space<hbm>> -> memref<1x128x128xf32, #tpu.memory_space<hbm>>
        %dma_wait3A_130 = tpu.memref_squeeze %dma_wait3A_129 : memref<1x128x128xf32, #tpu.memory_space<hbm>> -> memref<128x128xf32, #tpu.memory_space<hbm>>
        %dma_wait3A_131 = arith.constant 0 : i32
        %dma_wait3A_132 = tpu.memref_slice %arg15[%mul3A_122, %dma_wait3A_131] : memref<10000x128xf32, #tpu.memory_space<vmem_shared>> -> memref<128x128xf32, #tpu.memory_space<vmem_shared>>
        tpu.wait_dma2 semaphore(%run_scoped3A : memref<!tpu.dma_semaphore, #tpu.memory_space<semaphore_mem>>) src(%dma_wait3A_132 : memref<128x128xf32, #tpu.memory_space<vmem_shared>>) dst(%dma_wait3A_130 : memref<128x128xf32, #tpu.memory_space<hbm>>)
        tpu.yield
      }) : () -> ()
    } else {
    }
    %eq3A_116 = arith.constant 15 : i32
    %eq3A_117 = arith.cmpi eq, %arg1, %eq3A_116 : i32
    %convert_element_type3A_118 = arith.extui %eq3A_117 : i1 to i32
    %cond3A_119 = arith.constant 0 : i32
    %cond3A_120 = arith.cmpi ne, %convert_element_type3A_118, %cond3A_119 : i32
    scf.if %cond3A_120 {
      "tpu.region"() ({
        %run_scoped3A = tpu.sem_alloc : memref<!tpu.dma_semaphore, #tpu.memory_space<semaphore_mem>>
        %dma_start3A_121 = arith.constant 9984 : i32
        %dma_start3A_122 = arith.constant 0 : i32
        %dma_start3A_123 = tpu.memref_slice %arg6[%arg0, %dma_start3A_121, %dma_start3A_122] : memref<2x10000x128xf32, #tpu.memory_space<hbm>> -> memref<1x16x128xf32, #tpu.memory_space<hbm>>
        %dma_start3A_124 = tpu.memref_squeeze %dma_start3A_123 : memref<1x16x128xf32, #tpu.memory_space<hbm>> -> memref<16x128xf32, #tpu.memory_space<hbm>>
        %dma_start3A_125 = arith.constant 9984 : i32
        %dma_start3A_126 = arith.constant 0 : i32
        %dma_start3A_127 = tpu.memref_slice %arg15[%dma_start3A_125, %dma_start3A_126] : memref<10000x128xf32, #tpu.memory_space<vmem_shared>> -> memref<16x128xf32, #tpu.memory_space<vmem_shared>>
        tpu.enqueue_dma source(%dma_start3A_127 : memref<16x128xf32, #tpu.memory_space<vmem_shared>>) target(%dma_start3A_124 : memref<16x128xf32, #tpu.memory_space<hbm>>) target_semaphore(%run_scoped3A : memref<!tpu.dma_semaphore, #tpu.memory_space<semaphore_mem>>)
        %dma_wait3A_128 = arith.constant 9984 : i32
        %dma_wait3A_129 = arith.constant 0 : i32
        %dma_wait3A_130 = tpu.memref_slice %arg6[%arg0, %dma_wait3A_128, %dma_wait3A_129] : memref<2x10000x128xf32, #tpu.memory_space<hbm>> -> memref<1x16x128xf32, #tpu.memory_space<hbm>>
        %dma_wait3A_131 = tpu.memref_squeeze %dma_wait3A_130 : memref<1x16x128xf32, #tpu.memory_space<hbm>> -> memref<16x128xf32, #tpu.memory_space<hbm>>
        %dma_wait3A_132 = arith.constant 9984 : i32
        %dma_wait3A_133 = arith.constant 0 : i32
        %dma_wait3A_134 = tpu.memref_slice %arg15[%dma_wait3A_132, %dma_wait3A_133] : memref<10000x128xf32, #tpu.memory_space<vmem_shared>> -> memref<16x128xf32, #tpu.memory_space<vmem_shared>>
        tpu.wait_dma2 semaphore(%run_scoped3A : memref<!tpu.dma_semaphore, #tpu.memory_space<semaphore_mem>>) src(%dma_wait3A_134 : memref<16x128xf32, #tpu.memory_space<vmem_shared>>) dst(%dma_wait3A_131 : memref<16x128xf32, #tpu.memory_space<hbm>>)
        tpu.yield
      }) : () -> ()
    } else {
    }
    return
  }
}

#map = affine_map<(d0, d1) -> (0, 0)>
#map1 = affine_map<(d0, d1) -> (0)>
#map2 = affine_map<(d0, d1) -> (0, 0, 0)>
module attributes {stable_mosaic.version = 14 : i64} {
  func.func @_sc_aggregate(%arg0: i32, %arg1: i32, %arg2: memref<10000x128xf32, #tpu.memory_space<hbm>>, %arg3: memref<320000xi32, #tpu.memory_space<hbm>>, %arg4: memref<320000xi32, #tpu.memory_space<hbm>>, %arg5: memref<128x128xf32, #tpu.memory_space<hbm>>, %arg6: memref<2x10000x128xf32, #tpu.memory_space<hbm>>, %arg7: memref<192xi32, #tpu.memory_space<vmem>>, %arg8: memref<192xi32, #tpu.memory_space<vmem>>, %arg9: memref<192xi32, #tpu.memory_space<vmem>>, %arg10: memref<192xi32, #tpu.memory_space<vmem>>, %arg11: memref<16xi32, #tpu.memory_space<vmem>>, %arg12: memref<16xi32, #tpu.memory_space<vmem>>, %arg13: memref<192x128xf32, #tpu.memory_space<vmem>>, %arg14: memref<192x128xf32, #tpu.memory_space<vmem>>, %arg15: memref<10000x128xf32, #tpu.memory_space<vmem_shared>>, %arg16: memref<!tpu.dma_semaphore, #tpu.memory_space<semaphore_mem>>, %arg17: memref<!tpu.dma_semaphore, #tpu.memory_space<semaphore_mem>>, %arg18: memref<!tpu.dma_semaphore, #tpu.memory_space<semaphore_mem>>, %arg19: memref<!tpu.dma_semaphore, #tpu.memory_space<semaphore_mem>>, %arg20: memref<!tpu.dma_semaphore, #tpu.memory_space<semaphore_mem>>, %arg21: memref<!tpu.dma_semaphore, #tpu.memory_space<semaphore_mem>>, %arg22: memref<!tpu.dma_semaphore, #tpu.memory_space<semaphore_mem>>, %arg23: memref<!tpu.dma_semaphore, #tpu.memory_space<semaphore_mem>>) attributes {dimension_semantics = [#tpu.dimension_semantics<core_parallel>, #tpu.dimension_semantics<subcore_parallel>], iteration_bounds = array<i64: 2, 16>, scalar_prefetch = 0 : i64, scratch_operands = 17 : i64, tpu.core_type = #tpu.core_type<sc_vector_subcore>, window_params = [{transform_indices = #map}, {transform_indices = #map1}, {transform_indices = #map1}, {transform_indices = #map}, {transform_indices = #map2}]} {
    %mul3A = arith.constant 16 : i32
    %mul3A_0 = arith.muli %arg0, %mul3A : i32
    %add3A = arith.addi %mul3A_0, %arg1 : i32
    %mul3A_1 = arith.constant 10000 : i32
    %mul3A_2 = arith.muli %add3A, %mul3A_1 : i32
    %dma_start3A = tpu.memref_slice %arg3[%mul3A_2] : memref<320000xi32, #tpu.memory_space<hbm>> -> memref<192xi32, #tpu.memory_space<hbm>>
    %dma_start3A_3 = tpu.memref_slice %arg3[%mul3A_2] : memref<320000xi32, #tpu.memory_space<hbm>> -> memref<192xi32, #tpu.memory_space<hbm>>
    tpu.enqueue_dma source(%dma_start3A_3 : memref<192xi32, #tpu.memory_space<hbm>>) target(%arg7 : memref<192xi32, #tpu.memory_space<vmem>>) target_semaphore(%arg16 : memref<!tpu.dma_semaphore, #tpu.memory_space<semaphore_mem>>)
    %add3A_4 = arith.constant 192 : i32
    %add3A_5 = arith.addi %mul3A_2, %add3A_4 : i32
    %dma_start3A_6 = tpu.memref_slice %arg3[%add3A_5] : memref<320000xi32, #tpu.memory_space<hbm>> -> memref<192xi32, #tpu.memory_space<hbm>>
    %dma_start3A_7 = tpu.memref_slice %arg3[%add3A_5] : memref<320000xi32, #tpu.memory_space<hbm>> -> memref<192xi32, #tpu.memory_space<hbm>>
    tpu.enqueue_dma source(%dma_start3A_7 : memref<192xi32, #tpu.memory_space<hbm>>) target(%arg8 : memref<192xi32, #tpu.memory_space<vmem>>) target_semaphore(%arg17 : memref<!tpu.dma_semaphore, #tpu.memory_space<semaphore_mem>>)
    %add3A_8 = arith.constant 0 : i32
    %add3A_9 = arith.addi %arg1, %add3A_8 : i32
    %lt3A = arith.constant 78 : i32
    %lt3A_10 = arith.cmpi slt, %add3A_9, %lt3A : i32
    %convert_element_type3A = arith.extui %lt3A_10 : i1 to i32
    %cond3A = arith.constant 0 : i32
    %cond3A_11 = arith.cmpi ne, %convert_element_type3A, %cond3A : i32
    scf.if %cond3A_11 {
      %mul3A_121 = arith.constant 128 : i32
      %mul3A_122 = arith.muli %add3A_9, %mul3A_121 : i32
      "tpu.region"() ({
        %run_scoped3A = tpu.sem_alloc : memref<!tpu.dma_semaphore, #tpu.memory_space<semaphore_mem>>
        %dma_start3A_123 = arith.constant 0 : i32
        %dma_start3A_124 = tpu.memref_slice %arg15[%mul3A_122, %dma_start3A_123] : memref<10000x128xf32, #tpu.memory_space<vmem_shared>> -> memref<128x128xf32, #tpu.memory_space<vmem_shared>>
        tpu.enqueue_dma source(%arg5 : memref<128x128xf32, #tpu.memory_space<hbm>>) target(%dma_start3A_124 : memref<128x128xf32, #tpu.memory_space<vmem_shared>>) target_semaphore(%run_scoped3A : memref<!tpu.dma_semaphore, #tpu.memory_space<semaphore_mem>>)
        %dma_wait3A_125 = arith.constant 0 : i32
        %dma_wait3A_126 = tpu.memref_slice %arg15[%mul3A_122, %dma_wait3A_125] : memref<10000x128xf32, #tpu.memory_space<vmem_shared>> -> memref<128x128xf32, #tpu.memory_space<vmem_shared>>
        tpu.wait_dma2 semaphore(%run_scoped3A : memref<!tpu.dma_semaphore, #tpu.memory_space<semaphore_mem>>) src(%arg5 : memref<128x128xf32, #tpu.memory_space<hbm>>) dst(%dma_wait3A_126 : memref<128x128xf32, #tpu.memory_space<vmem_shared>>)
        tpu.yield
      }) : () -> ()
    } else {
    }
    %add3A_12 = arith.constant 16 : i32
    %add3A_13 = arith.addi %arg1, %add3A_12 : i32
    %lt3A_14 = arith.constant 78 : i32
    %lt3A_15 = arith.cmpi slt, %add3A_13, %lt3A_14 : i32
    %convert_element_type3A_16 = arith.extui %lt3A_15 : i1 to i32
    %cond3A_17 = arith.constant 0 : i32
    %cond3A_18 = arith.cmpi ne, %convert_element_type3A_16, %cond3A_17 : i32
    scf.if %cond3A_18 {
      %mul3A_121 = arith.constant 128 : i32
      %mul3A_122 = arith.muli %add3A_13, %mul3A_121 : i32
      "tpu.region"() ({
        %run_scoped3A = tpu.sem_alloc : memref<!tpu.dma_semaphore, #tpu.memory_space<semaphore_mem>>
        %dma_start3A_123 = arith.constant 0 : i32
        %dma_start3A_124 = tpu.memref_slice %arg15[%mul3A_122, %dma_start3A_123] : memref<10000x128xf32, #tpu.memory_space<vmem_shared>> -> memref<128x128xf32, #tpu.memory_space<vmem_shared>>
        tpu.enqueue_dma source(%arg5 : memref<128x128xf32, #tpu.memory_space<hbm>>) target(%dma_start3A_124 : memref<128x128xf32, #tpu.memory_space<vmem_shared>>) target_semaphore(%run_scoped3A : memref<!tpu.dma_semaphore, #tpu.memory_space<semaphore_mem>>)
        %dma_wait3A_125 = arith.constant 0 : i32
        %dma_wait3A_126 = tpu.memref_slice %arg15[%mul3A_122, %dma_wait3A_125] : memref<10000x128xf32, #tpu.memory_space<vmem_shared>> -> memref<128x128xf32, #tpu.memory_space<vmem_shared>>
        tpu.wait_dma2 semaphore(%run_scoped3A : memref<!tpu.dma_semaphore, #tpu.memory_space<semaphore_mem>>) src(%arg5 : memref<128x128xf32, #tpu.memory_space<hbm>>) dst(%dma_wait3A_126 : memref<128x128xf32, #tpu.memory_space<vmem_shared>>)
        tpu.yield
      }) : () -> ()
    } else {
    }
    %add3A_19 = arith.constant 32 : i32
    %add3A_20 = arith.addi %arg1, %add3A_19 : i32
    %lt3A_21 = arith.constant 78 : i32
    %lt3A_22 = arith.cmpi slt, %add3A_20, %lt3A_21 : i32
    %convert_element_type3A_23 = arith.extui %lt3A_22 : i1 to i32
    %cond3A_24 = arith.constant 0 : i32
    %cond3A_25 = arith.cmpi ne, %convert_element_type3A_23, %cond3A_24 : i32
    scf.if %cond3A_25 {
      %mul3A_121 = arith.constant 128 : i32
      %mul3A_122 = arith.muli %add3A_20, %mul3A_121 : i32
      "tpu.region"() ({
        %run_scoped3A = tpu.sem_alloc : memref<!tpu.dma_semaphore, #tpu.memory_space<semaphore_mem>>
        %dma_start3A_123 = arith.constant 0 : i32
        %dma_start3A_124 = tpu.memref_slice %arg15[%mul3A_122, %dma_start3A_123] : memref<10000x128xf32, #tpu.memory_space<vmem_shared>> -> memref<128x128xf32, #tpu.memory_space<vmem_shared>>
        tpu.enqueue_dma source(%arg5 : memref<128x128xf32, #tpu.memory_space<hbm>>) target(%dma_start3A_124 : memref<128x128xf32, #tpu.memory_space<vmem_shared>>) target_semaphore(%run_scoped3A : memref<!tpu.dma_semaphore, #tpu.memory_space<semaphore_mem>>)
        %dma_wait3A_125 = arith.constant 0 : i32
        %dma_wait3A_126 = tpu.memref_slice %arg15[%mul3A_122, %dma_wait3A_125] : memref<10000x128xf32, #tpu.memory_space<vmem_shared>> -> memref<128x128xf32, #tpu.memory_space<vmem_shared>>
        tpu.wait_dma2 semaphore(%run_scoped3A : memref<!tpu.dma_semaphore, #tpu.memory_space<semaphore_mem>>) src(%arg5 : memref<128x128xf32, #tpu.memory_space<hbm>>) dst(%dma_wait3A_126 : memref<128x128xf32, #tpu.memory_space<vmem_shared>>)
        tpu.yield
      }) : () -> ()
    } else {
    }
    %add3A_26 = arith.constant 48 : i32
    %add3A_27 = arith.addi %arg1, %add3A_26 : i32
    %lt3A_28 = arith.constant 78 : i32
    %lt3A_29 = arith.cmpi slt, %add3A_27, %lt3A_28 : i32
    %convert_element_type3A_30 = arith.extui %lt3A_29 : i1 to i32
    %cond3A_31 = arith.constant 0 : i32
    %cond3A_32 = arith.cmpi ne, %convert_element_type3A_30, %cond3A_31 : i32
    scf.if %cond3A_32 {
      %mul3A_121 = arith.constant 128 : i32
      %mul3A_122 = arith.muli %add3A_27, %mul3A_121 : i32
      "tpu.region"() ({
        %run_scoped3A = tpu.sem_alloc : memref<!tpu.dma_semaphore, #tpu.memory_space<semaphore_mem>>
        %dma_start3A_123 = arith.constant 0 : i32
        %dma_start3A_124 = tpu.memref_slice %arg15[%mul3A_122, %dma_start3A_123] : memref<10000x128xf32, #tpu.memory_space<vmem_shared>> -> memref<128x128xf32, #tpu.memory_space<vmem_shared>>
        tpu.enqueue_dma source(%arg5 : memref<128x128xf32, #tpu.memory_space<hbm>>) target(%dma_start3A_124 : memref<128x128xf32, #tpu.memory_space<vmem_shared>>) target_semaphore(%run_scoped3A : memref<!tpu.dma_semaphore, #tpu.memory_space<semaphore_mem>>)
        %dma_wait3A_125 = arith.constant 0 : i32
        %dma_wait3A_126 = tpu.memref_slice %arg15[%mul3A_122, %dma_wait3A_125] : memref<10000x128xf32, #tpu.memory_space<vmem_shared>> -> memref<128x128xf32, #tpu.memory_space<vmem_shared>>
        tpu.wait_dma2 semaphore(%run_scoped3A : memref<!tpu.dma_semaphore, #tpu.memory_space<semaphore_mem>>) src(%arg5 : memref<128x128xf32, #tpu.memory_space<hbm>>) dst(%dma_wait3A_126 : memref<128x128xf32, #tpu.memory_space<vmem_shared>>)
        tpu.yield
      }) : () -> ()
    } else {
    }
    %add3A_33 = arith.constant 64 : i32
    %add3A_34 = arith.addi %arg1, %add3A_33 : i32
    %lt3A_35 = arith.constant 78 : i32
    %lt3A_36 = arith.cmpi slt, %add3A_34, %lt3A_35 : i32
    %convert_element_type3A_37 = arith.extui %lt3A_36 : i1 to i32
    %cond3A_38 = arith.constant 0 : i32
    %cond3A_39 = arith.cmpi ne, %convert_element_type3A_37, %cond3A_38 : i32
    scf.if %cond3A_39 {
      %mul3A_121 = arith.constant 128 : i32
      %mul3A_122 = arith.muli %add3A_34, %mul3A_121 : i32
      "tpu.region"() ({
        %run_scoped3A = tpu.sem_alloc : memref<!tpu.dma_semaphore, #tpu.memory_space<semaphore_mem>>
        %dma_start3A_123 = arith.constant 0 : i32
        %dma_start3A_124 = tpu.memref_slice %arg15[%mul3A_122, %dma_start3A_123] : memref<10000x128xf32, #tpu.memory_space<vmem_shared>> -> memref<128x128xf32, #tpu.memory_space<vmem_shared>>
        tpu.enqueue_dma source(%arg5 : memref<128x128xf32, #tpu.memory_space<hbm>>) target(%dma_start3A_124 : memref<128x128xf32, #tpu.memory_space<vmem_shared>>) target_semaphore(%run_scoped3A : memref<!tpu.dma_semaphore, #tpu.memory_space<semaphore_mem>>)
        %dma_wait3A_125 = arith.constant 0 : i32
        %dma_wait3A_126 = tpu.memref_slice %arg15[%mul3A_122, %dma_wait3A_125] : memref<10000x128xf32, #tpu.memory_space<vmem_shared>> -> memref<128x128xf32, #tpu.memory_space<vmem_shared>>
        tpu.wait_dma2 semaphore(%run_scoped3A : memref<!tpu.dma_semaphore, #tpu.memory_space<semaphore_mem>>) src(%arg5 : memref<128x128xf32, #tpu.memory_space<hbm>>) dst(%dma_wait3A_126 : memref<128x128xf32, #tpu.memory_space<vmem_shared>>)
        tpu.yield
      }) : () -> ()
    } else {
    }
    %eq3A = arith.constant 15 : i32
    %eq3A_40 = arith.cmpi eq, %arg1, %eq3A : i32
    %convert_element_type3A_41 = arith.extui %eq3A_40 : i1 to i32
    %cond3A_42 = arith.constant 0 : i32
    %cond3A_43 = arith.cmpi ne, %convert_element_type3A_41, %cond3A_42 : i32
    scf.if %cond3A_43 {
      "tpu.region"() ({
        %run_scoped3A = tpu.sem_alloc : memref<!tpu.dma_semaphore, #tpu.memory_space<semaphore_mem>>
        %dma_start3A_121 = arith.constant 9984 : i32
        %dma_start3A_122 = arith.constant 0 : i32
        %dma_start3A_123 = tpu.memref_slice %arg15[%dma_start3A_121, %dma_start3A_122] : memref<10000x128xf32, #tpu.memory_space<vmem_shared>> -> memref<16x128xf32, #tpu.memory_space<vmem_shared>>
        %dma_start3A_124 = arith.constant 0 : i32
        %dma_start3A_125 = arith.constant 0 : i32
        %dma_start3A_126 = tpu.memref_slice %arg5[%dma_start3A_124, %dma_start3A_125] : memref<128x128xf32, #tpu.memory_space<hbm>> -> memref<16x128xf32, #tpu.memory_space<hbm>>
        tpu.enqueue_dma source(%dma_start3A_126 : memref<16x128xf32, #tpu.memory_space<hbm>>) target(%dma_start3A_123 : memref<16x128xf32, #tpu.memory_space<vmem_shared>>) target_semaphore(%run_scoped3A : memref<!tpu.dma_semaphore, #tpu.memory_space<semaphore_mem>>)
        %dma_wait3A_127 = arith.constant 9984 : i32
        %dma_wait3A_128 = arith.constant 0 : i32
        %dma_wait3A_129 = tpu.memref_slice %arg15[%dma_wait3A_127, %dma_wait3A_128] : memref<10000x128xf32, #tpu.memory_space<vmem_shared>> -> memref<16x128xf32, #tpu.memory_space<vmem_shared>>
        %dma_wait3A_130 = arith.constant 0 : i32
        %dma_wait3A_131 = arith.constant 0 : i32
        %dma_wait3A_132 = tpu.memref_slice %arg5[%dma_wait3A_130, %dma_wait3A_131] : memref<128x128xf32, #tpu.memory_space<hbm>> -> memref<16x128xf32, #tpu.memory_space<hbm>>
        tpu.wait_dma2 semaphore(%run_scoped3A : memref<!tpu.dma_semaphore, #tpu.memory_space<semaphore_mem>>) src(%dma_wait3A_132 : memref<16x128xf32, #tpu.memory_space<hbm>>) dst(%dma_wait3A_129 : memref<16x128xf32, #tpu.memory_space<vmem_shared>>)
        tpu.yield
      }) : () -> ()
    } else {
    }
    %dma_wait3A = tpu.memref_slice %arg3[%mul3A_2] : memref<320000xi32, #tpu.memory_space<hbm>> -> memref<192xi32, #tpu.memory_space<hbm>>
    %dma_wait3A_44 = tpu.memref_slice %arg3[%mul3A_2] : memref<320000xi32, #tpu.memory_space<hbm>> -> memref<192xi32, #tpu.memory_space<hbm>>
    tpu.wait_dma2 semaphore(%arg16 : memref<!tpu.dma_semaphore, #tpu.memory_space<semaphore_mem>>) src(%dma_wait3A_44 : memref<192xi32, #tpu.memory_space<hbm>>) dst(%arg7 : memref<192xi32, #tpu.memory_space<vmem>>)
    %dma_start3A_45 = arith.constant 0 : i32
    %dma_start3A_46 = arith.constant 0 : i32
    %dma_start3A_47 = tpu.memref_slice %arg2[%dma_start3A_45, %dma_start3A_46] : memref<10000x128xf32, #tpu.memory_space<hbm>> -> memref<10000x128xf32, #tpu.memory_space<hbm>>
    tpu.enqueue_indirect_dma source(%dma_start3A_47 : memref<10000x128xf32, #tpu.memory_space<hbm>>) target(%arg13 : memref<192x128xf32, #tpu.memory_space<vmem>>) offsets(%arg7 : memref<192xi32, #tpu.memory_space<vmem>>) semaphore(%arg20 : memref<!tpu.dma_semaphore, #tpu.memory_space<semaphore_mem>>)
    %add3A_48 = arith.constant 192 : i32
    %add3A_49 = arith.addi %mul3A_2, %add3A_48 : i32
    %dma_wait3A_50 = tpu.memref_slice %arg3[%add3A_49] : memref<320000xi32, #tpu.memory_space<hbm>> -> memref<192xi32, #tpu.memory_space<hbm>>
    %dma_wait3A_51 = tpu.memref_slice %arg3[%add3A_49] : memref<320000xi32, #tpu.memory_space<hbm>> -> memref<192xi32, #tpu.memory_space<hbm>>
    tpu.wait_dma2 semaphore(%arg17 : memref<!tpu.dma_semaphore, #tpu.memory_space<semaphore_mem>>) src(%dma_wait3A_51 : memref<192xi32, #tpu.memory_space<hbm>>) dst(%arg8 : memref<192xi32, #tpu.memory_space<vmem>>)
    %dma_start3A_52 = arith.constant 0 : i32
    %dma_start3A_53 = arith.constant 0 : i32
    %dma_start3A_54 = tpu.memref_slice %arg2[%dma_start3A_52, %dma_start3A_53] : memref<10000x128xf32, #tpu.memory_space<hbm>> -> memref<10000x128xf32, #tpu.memory_space<hbm>>
    tpu.enqueue_indirect_dma source(%dma_start3A_54 : memref<10000x128xf32, #tpu.memory_space<hbm>>) target(%arg14 : memref<192x128xf32, #tpu.memory_space<vmem>>) offsets(%arg8 : memref<192xi32, #tpu.memory_space<vmem>>) semaphore(%arg21 : memref<!tpu.dma_semaphore, #tpu.memory_space<semaphore_mem>>)
    %barrier3A = arith.constant 0 : index
    tpu.barrier barrier_id(%barrier3A)
    %scan3A = arith.constant 0 : i32
    %scan3A_55 = arith.constant 0 : i32
    %scan3A_56 = arith.constant 26 : i32
    %scan3A_57 = arith.addi %scan3A_55, %scan3A_56 : i32
    %scan3A_58 = arith.constant 1 : i32
    scf.for %scan3A_121 = %scan3A_55 to %scan3A_57 step %scan3A_58  : i32 {
      %mul3A_122 = arith.constant 2 : i32
      %mul3A_123 = arith.muli %mul3A_122, %scan3A_121 : i32
      %mul3A_124 = arith.constant 192 : i32
      %mul3A_125 = arith.muli %mul3A_123, %mul3A_124 : i32
      %add3A_126 = arith.addi %mul3A_2, %mul3A_125 : i32
      %add3A_127 = arith.constant 192 : i32
      %add3A_128 = arith.addi %add3A_126, %add3A_127 : i32
      %gt3A = arith.constant 0 : i32
      %gt3A_129 = arith.cmpi sgt, %scan3A_121, %gt3A : i32
      %convert_element_type3A_130 = arith.extui %gt3A_129 : i1 to i32
      %cond3A_131 = arith.constant 0 : i32
      %cond3A_132 = arith.cmpi ne, %convert_element_type3A_130, %cond3A_131 : i32
      scf.if %cond3A_132 {
        %dma_wait3A_172 = arith.constant 0 : i32
        %dma_wait3A_173 = arith.constant 0 : i32
        %dma_wait3A_174 = tpu.memref_slice %arg15[%dma_wait3A_172, %dma_wait3A_173] : memref<10000x128xf32, #tpu.memory_space<vmem_shared>> -> memref<10000x128xf32, #tpu.memory_space<vmem_shared>>
        tpu.wait_indirect_dma semaphore(%arg22 : memref<!tpu.dma_semaphore, #tpu.memory_space<semaphore_mem>>) src(%arg13 : memref<192x128xf32, #tpu.memory_space<vmem>>) dst(%dma_wait3A_174 : memref<10000x128xf32, #tpu.memory_space<vmem_shared>>)
        %dma_wait3A_175 = arith.constant 0 : i32
        %dma_wait3A_176 = arith.constant 0 : i32
        %dma_wait3A_177 = tpu.memref_slice %arg15[%dma_wait3A_175, %dma_wait3A_176] : memref<10000x128xf32, #tpu.memory_space<vmem_shared>> -> memref<10000x128xf32, #tpu.memory_space<vmem_shared>>
        tpu.wait_indirect_dma semaphore(%arg23 : memref<!tpu.dma_semaphore, #tpu.memory_space<semaphore_mem>>) src(%arg14 : memref<192x128xf32, #tpu.memory_space<vmem>>) dst(%dma_wait3A_177 : memref<10000x128xf32, #tpu.memory_space<vmem_shared>>)
      } else {
      }
      %dma_start3A_133 = tpu.memref_slice %arg4[%add3A_126] : memref<320000xi32, #tpu.memory_space<hbm>> -> memref<192xi32, #tpu.memory_space<hbm>>
      %dma_start3A_134 = tpu.memref_slice %arg4[%add3A_126] : memref<320000xi32, #tpu.memory_space<hbm>> -> memref<192xi32, #tpu.memory_space<hbm>>
      tpu.enqueue_dma source(%dma_start3A_134 : memref<192xi32, #tpu.memory_space<hbm>>) target(%arg9 : memref<192xi32, #tpu.memory_space<vmem>>) target_semaphore(%arg18 : memref<!tpu.dma_semaphore, #tpu.memory_space<semaphore_mem>>)
      %dma_start3A_135 = tpu.memref_slice %arg4[%add3A_128] : memref<320000xi32, #tpu.memory_space<hbm>> -> memref<192xi32, #tpu.memory_space<hbm>>
      %dma_start3A_136 = tpu.memref_slice %arg4[%add3A_128] : memref<320000xi32, #tpu.memory_space<hbm>> -> memref<192xi32, #tpu.memory_space<hbm>>
      tpu.enqueue_dma source(%dma_start3A_136 : memref<192xi32, #tpu.memory_space<hbm>>) target(%arg10 : memref<192xi32, #tpu.memory_space<vmem>>) target_semaphore(%arg19 : memref<!tpu.dma_semaphore, #tpu.memory_space<semaphore_mem>>)
      %gt3A_137 = arith.constant 0 : i32
      %gt3A_138 = arith.cmpi sgt, %scan3A_121, %gt3A_137 : i32
      %convert_element_type3A_139 = arith.extui %gt3A_138 : i1 to i32
      %cond3A_140 = arith.constant 0 : i32
      %cond3A_141 = arith.cmpi ne, %convert_element_type3A_139, %cond3A_140 : i32
      scf.if %cond3A_141 {
        %dma_wait3A_172 = tpu.memref_slice %arg3[%add3A_126] : memref<320000xi32, #tpu.memory_space<hbm>> -> memref<192xi32, #tpu.memory_space<hbm>>
        %dma_wait3A_173 = tpu.memref_slice %arg3[%add3A_126] : memref<320000xi32, #tpu.memory_space<hbm>> -> memref<192xi32, #tpu.memory_space<hbm>>
        tpu.wait_dma2 semaphore(%arg16 : memref<!tpu.dma_semaphore, #tpu.memory_space<semaphore_mem>>) src(%dma_wait3A_173 : memref<192xi32, #tpu.memory_space<hbm>>) dst(%arg7 : memref<192xi32, #tpu.memory_space<vmem>>)
        %dma_start3A_174 = arith.constant 0 : i32
        %dma_start3A_175 = arith.constant 0 : i32
        %dma_start3A_176 = tpu.memref_slice %arg2[%dma_start3A_174, %dma_start3A_175] : memref<10000x128xf32, #tpu.memory_space<hbm>> -> memref<10000x128xf32, #tpu.memory_space<hbm>>
        tpu.enqueue_indirect_dma source(%dma_start3A_176 : memref<10000x128xf32, #tpu.memory_space<hbm>>) target(%arg13 : memref<192x128xf32, #tpu.memory_space<vmem>>) offsets(%arg7 : memref<192xi32, #tpu.memory_space<vmem>>) semaphore(%arg20 : memref<!tpu.dma_semaphore, #tpu.memory_space<semaphore_mem>>)
        %dma_wait3A_177 = tpu.memref_slice %arg3[%add3A_128] : memref<320000xi32, #tpu.memory_space<hbm>> -> memref<192xi32, #tpu.memory_space<hbm>>
        %dma_wait3A_178 = tpu.memref_slice %arg3[%add3A_128] : memref<320000xi32, #tpu.memory_space<hbm>> -> memref<192xi32, #tpu.memory_space<hbm>>
        tpu.wait_dma2 semaphore(%arg17 : memref<!tpu.dma_semaphore, #tpu.memory_space<semaphore_mem>>) src(%dma_wait3A_178 : memref<192xi32, #tpu.memory_space<hbm>>) dst(%arg8 : memref<192xi32, #tpu.memory_space<vmem>>)
        %dma_start3A_179 = arith.constant 0 : i32
        %dma_start3A_180 = arith.constant 0 : i32
        %dma_start3A_181 = tpu.memref_slice %arg2[%dma_start3A_179, %dma_start3A_180] : memref<10000x128xf32, #tpu.memory_space<hbm>> -> memref<10000x128xf32, #tpu.memory_space<hbm>>
        tpu.enqueue_indirect_dma source(%dma_start3A_181 : memref<10000x128xf32, #tpu.memory_space<hbm>>) target(%arg14 : memref<192x128xf32, #tpu.memory_space<vmem>>) offsets(%arg8 : memref<192xi32, #tpu.memory_space<vmem>>) semaphore(%arg21 : memref<!tpu.dma_semaphore, #tpu.memory_space<semaphore_mem>>)
      } else {
      }
      %dma_wait3A_142 = arith.constant 0 : i32
      %dma_wait3A_143 = arith.constant 0 : i32
      %dma_wait3A_144 = tpu.memref_slice %arg2[%dma_wait3A_142, %dma_wait3A_143] : memref<10000x128xf32, #tpu.memory_space<hbm>> -> memref<10000x128xf32, #tpu.memory_space<hbm>>
      tpu.wait_indirect_dma semaphore(%arg20 : memref<!tpu.dma_semaphore, #tpu.memory_space<semaphore_mem>>) src(%dma_wait3A_144 : memref<10000x128xf32, #tpu.memory_space<hbm>>) dst(%arg13 : memref<192x128xf32, #tpu.memory_space<vmem>>)
      %dma_wait3A_145 = tpu.memref_slice %arg4[%add3A_126] : memref<320000xi32, #tpu.memory_space<hbm>> -> memref<192xi32, #tpu.memory_space<hbm>>
      %dma_wait3A_146 = tpu.memref_slice %arg4[%add3A_126] : memref<320000xi32, #tpu.memory_space<hbm>> -> memref<192xi32, #tpu.memory_space<hbm>>
      tpu.wait_dma2 semaphore(%arg18 : memref<!tpu.dma_semaphore, #tpu.memory_space<semaphore_mem>>) src(%dma_wait3A_146 : memref<192xi32, #tpu.memory_space<hbm>>) dst(%arg9 : memref<192xi32, #tpu.memory_space<vmem>>)
      %dma_start3A_147 = arith.constant 0 : i32
      %dma_start3A_148 = arith.constant 0 : i32
      %dma_start3A_149 = tpu.memref_slice %arg15[%dma_start3A_147, %dma_start3A_148] : memref<10000x128xf32, #tpu.memory_space<vmem_shared>> -> memref<10000x128xf32, #tpu.memory_space<vmem_shared>>
      tpu.enqueue_indirect_dma source(%arg13 : memref<192x128xf32, #tpu.memory_space<vmem>>) target(%dma_start3A_149 : memref<10000x128xf32, #tpu.memory_space<vmem_shared>>) offsets(%arg9 : memref<192xi32, #tpu.memory_space<vmem>>) semaphore(%arg22 : memref<!tpu.dma_semaphore, #tpu.memory_space<semaphore_mem>>) {add = true}
      %add3A_150 = arith.constant 1 : i32
      %add3A_151 = arith.addi %scan3A_121, %add3A_150 : i32
      %lt3A_152 = arith.constant 26 : i32
      %lt3A_153 = arith.cmpi slt, %add3A_151, %lt3A_152 : i32
      %convert_element_type3A_154 = arith.extui %lt3A_153 : i1 to i32
      %cond3A_155 = arith.constant 0 : i32
      %cond3A_156 = arith.cmpi ne, %convert_element_type3A_154, %cond3A_155 : i32
      scf.if %cond3A_156 {
        %add3A_172 = arith.constant 384 : i32
        %add3A_173 = arith.addi %add3A_126, %add3A_172 : i32
        %dma_start3A_174 = tpu.memref_slice %arg3[%add3A_173] : memref<320000xi32, #tpu.memory_space<hbm>> -> memref<192xi32, #tpu.memory_space<hbm>>
        %dma_start3A_175 = tpu.memref_slice %arg3[%add3A_173] : memref<320000xi32, #tpu.memory_space<hbm>> -> memref<192xi32, #tpu.memory_space<hbm>>
        tpu.enqueue_dma source(%dma_start3A_175 : memref<192xi32, #tpu.memory_space<hbm>>) target(%arg7 : memref<192xi32, #tpu.memory_space<vmem>>) target_semaphore(%arg16 : memref<!tpu.dma_semaphore, #tpu.memory_space<semaphore_mem>>)
      } else {
      }
      %dma_wait3A_157 = arith.constant 0 : i32
      %dma_wait3A_158 = arith.constant 0 : i32
      %dma_wait3A_159 = tpu.memref_slice %arg2[%dma_wait3A_157, %dma_wait3A_158] : memref<10000x128xf32, #tpu.memory_space<hbm>> -> memref<10000x128xf32, #tpu.memory_space<hbm>>
      tpu.wait_indirect_dma semaphore(%arg21 : memref<!tpu.dma_semaphore, #tpu.memory_space<semaphore_mem>>) src(%dma_wait3A_159 : memref<10000x128xf32, #tpu.memory_space<hbm>>) dst(%arg14 : memref<192x128xf32, #tpu.memory_space<vmem>>)
      %dma_wait3A_160 = tpu.memref_slice %arg4[%add3A_128] : memref<320000xi32, #tpu.memory_space<hbm>> -> memref<192xi32, #tpu.memory_space<hbm>>
      %dma_wait3A_161 = tpu.memref_slice %arg4[%add3A_128] : memref<320000xi32, #tpu.memory_space<hbm>> -> memref<192xi32, #tpu.memory_space<hbm>>
      tpu.wait_dma2 semaphore(%arg19 : memref<!tpu.dma_semaphore, #tpu.memory_space<semaphore_mem>>) src(%dma_wait3A_161 : memref<192xi32, #tpu.memory_space<hbm>>) dst(%arg10 : memref<192xi32, #tpu.memory_space<vmem>>)
      %dma_start3A_162 = arith.constant 0 : i32
      %dma_start3A_163 = arith.constant 0 : i32
      %dma_start3A_164 = tpu.memref_slice %arg15[%dma_start3A_162, %dma_start3A_163] : memref<10000x128xf32, #tpu.memory_space<vmem_shared>> -> memref<10000x128xf32, #tpu.memory_space<vmem_shared>>
      tpu.enqueue_indirect_dma source(%arg14 : memref<192x128xf32, #tpu.memory_space<vmem>>) target(%dma_start3A_164 : memref<10000x128xf32, #tpu.memory_space<vmem_shared>>) offsets(%arg10 : memref<192xi32, #tpu.memory_space<vmem>>) semaphore(%arg23 : memref<!tpu.dma_semaphore, #tpu.memory_space<semaphore_mem>>) {add = true}
      %add3A_165 = arith.constant 1 : i32
      %add3A_166 = arith.addi %scan3A_121, %add3A_165 : i32
      %lt3A_167 = arith.constant 26 : i32
      %lt3A_168 = arith.cmpi slt, %add3A_166, %lt3A_167 : i32
      %convert_element_type3A_169 = arith.extui %lt3A_168 : i1 to i32
      %cond3A_170 = arith.constant 0 : i32
      %cond3A_171 = arith.cmpi ne, %convert_element_type3A_169, %cond3A_170 : i32
      scf.if %cond3A_171 {
        %add3A_172 = arith.constant 384 : i32
        %add3A_173 = arith.addi %add3A_128, %add3A_172 : i32
        %dma_start3A_174 = tpu.memref_slice %arg3[%add3A_173] : memref<320000xi32, #tpu.memory_space<hbm>> -> memref<192xi32, #tpu.memory_space<hbm>>
        %dma_start3A_175 = tpu.memref_slice %arg3[%add3A_173] : memref<320000xi32, #tpu.memory_space<hbm>> -> memref<192xi32, #tpu.memory_space<hbm>>
        tpu.enqueue_dma source(%dma_start3A_175 : memref<192xi32, #tpu.memory_space<hbm>>) target(%arg8 : memref<192xi32, #tpu.memory_space<vmem>>) target_semaphore(%arg17 : memref<!tpu.dma_semaphore, #tpu.memory_space<semaphore_mem>>)
      } else {
      }
    }
    %scan3A_59 = arith.constant 26 : i32
    %dma_wait3A_60 = arith.constant 0 : i32
    %dma_wait3A_61 = arith.constant 0 : i32
    %dma_wait3A_62 = tpu.memref_slice %arg15[%dma_wait3A_60, %dma_wait3A_61] : memref<10000x128xf32, #tpu.memory_space<vmem_shared>> -> memref<10000x128xf32, #tpu.memory_space<vmem_shared>>
    tpu.wait_indirect_dma semaphore(%arg22 : memref<!tpu.dma_semaphore, #tpu.memory_space<semaphore_mem>>) src(%arg13 : memref<192x128xf32, #tpu.memory_space<vmem>>) dst(%dma_wait3A_62 : memref<10000x128xf32, #tpu.memory_space<vmem_shared>>)
    %dma_wait3A_63 = arith.constant 0 : i32
    %dma_wait3A_64 = arith.constant 0 : i32
    %dma_wait3A_65 = tpu.memref_slice %arg15[%dma_wait3A_63, %dma_wait3A_64] : memref<10000x128xf32, #tpu.memory_space<vmem_shared>> -> memref<10000x128xf32, #tpu.memory_space<vmem_shared>>
    tpu.wait_indirect_dma semaphore(%arg23 : memref<!tpu.dma_semaphore, #tpu.memory_space<semaphore_mem>>) src(%arg14 : memref<192x128xf32, #tpu.memory_space<vmem>>) dst(%dma_wait3A_65 : memref<10000x128xf32, #tpu.memory_space<vmem_shared>>)
    %add3A_66 = arith.constant 9984 : i32
    %add3A_67 = arith.addi %mul3A_2, %add3A_66 : i32
    "tpu.region"() ({
      %run_scoped3A = tpu.sem_alloc : memref<!tpu.dma_semaphore, #tpu.memory_space<semaphore_mem>>
      %dma_start3A_121 = tpu.memref_slice %arg3[%add3A_67] : memref<320000xi32, #tpu.memory_space<hbm>> -> memref<16xi32, #tpu.memory_space<hbm>>
      %dma_start3A_122 = tpu.memref_slice %arg3[%add3A_67] : memref<320000xi32, #tpu.memory_space<hbm>> -> memref<16xi32, #tpu.memory_space<hbm>>
      tpu.enqueue_dma source(%dma_start3A_122 : memref<16xi32, #tpu.memory_space<hbm>>) target(%arg11 : memref<16xi32, #tpu.memory_space<vmem>>) target_semaphore(%run_scoped3A : memref<!tpu.dma_semaphore, #tpu.memory_space<semaphore_mem>>)
      %dma_wait3A_123 = tpu.memref_slice %arg3[%add3A_67] : memref<320000xi32, #tpu.memory_space<hbm>> -> memref<16xi32, #tpu.memory_space<hbm>>
      %dma_wait3A_124 = tpu.memref_slice %arg3[%add3A_67] : memref<320000xi32, #tpu.memory_space<hbm>> -> memref<16xi32, #tpu.memory_space<hbm>>
      tpu.wait_dma2 semaphore(%run_scoped3A : memref<!tpu.dma_semaphore, #tpu.memory_space<semaphore_mem>>) src(%dma_wait3A_124 : memref<16xi32, #tpu.memory_space<hbm>>) dst(%arg11 : memref<16xi32, #tpu.memory_space<vmem>>)
      tpu.yield
    }) : () -> ()
    "tpu.region"() ({
      %run_scoped3A = tpu.sem_alloc : memref<!tpu.dma_semaphore, #tpu.memory_space<semaphore_mem>>
      %dma_start3A_121 = tpu.memref_slice %arg4[%add3A_67] : memref<320000xi32, #tpu.memory_space<hbm>> -> memref<16xi32, #tpu.memory_space<hbm>>
      %dma_start3A_122 = tpu.memref_slice %arg4[%add3A_67] : memref<320000xi32, #tpu.memory_space<hbm>> -> memref<16xi32, #tpu.memory_space<hbm>>
      tpu.enqueue_dma source(%dma_start3A_122 : memref<16xi32, #tpu.memory_space<hbm>>) target(%arg12 : memref<16xi32, #tpu.memory_space<vmem>>) target_semaphore(%run_scoped3A : memref<!tpu.dma_semaphore, #tpu.memory_space<semaphore_mem>>)
      %dma_wait3A_123 = tpu.memref_slice %arg4[%add3A_67] : memref<320000xi32, #tpu.memory_space<hbm>> -> memref<16xi32, #tpu.memory_space<hbm>>
      %dma_wait3A_124 = tpu.memref_slice %arg4[%add3A_67] : memref<320000xi32, #tpu.memory_space<hbm>> -> memref<16xi32, #tpu.memory_space<hbm>>
      tpu.wait_dma2 semaphore(%run_scoped3A : memref<!tpu.dma_semaphore, #tpu.memory_space<semaphore_mem>>) src(%dma_wait3A_124 : memref<16xi32, #tpu.memory_space<hbm>>) dst(%arg12 : memref<16xi32, #tpu.memory_space<vmem>>)
      tpu.yield
    }) : () -> ()
    %dma_start3A_68 = arith.constant 0 : i32
    %dma_start3A_69 = arith.constant 0 : i32
    %dma_start3A_70 = tpu.memref_slice %arg13[%dma_start3A_68, %dma_start3A_69] : memref<192x128xf32, #tpu.memory_space<vmem>> -> memref<16x128xf32, #tpu.memory_space<vmem>>
    %dma_start3A_71 = arith.constant 0 : i32
    %dma_start3A_72 = arith.constant 0 : i32
    %dma_start3A_73 = tpu.memref_slice %arg2[%dma_start3A_71, %dma_start3A_72] : memref<10000x128xf32, #tpu.memory_space<hbm>> -> memref<10000x128xf32, #tpu.memory_space<hbm>>
    tpu.enqueue_indirect_dma source(%dma_start3A_73 : memref<10000x128xf32, #tpu.memory_space<hbm>>) target(%dma_start3A_70 : memref<16x128xf32, #tpu.memory_space<vmem>>) offsets(%arg11 : memref<16xi32, #tpu.memory_space<vmem>>) semaphore(%arg20 : memref<!tpu.dma_semaphore, #tpu.memory_space<semaphore_mem>>)
    %dma_wait3A_74 = arith.constant 0 : i32
    %dma_wait3A_75 = arith.constant 0 : i32
    %dma_wait3A_76 = tpu.memref_slice %arg13[%dma_wait3A_74, %dma_wait3A_75] : memref<192x128xf32, #tpu.memory_space<vmem>> -> memref<16x128xf32, #tpu.memory_space<vmem>>
    %dma_wait3A_77 = arith.constant 0 : i32
    %dma_wait3A_78 = arith.constant 0 : i32
    %dma_wait3A_79 = tpu.memref_slice %arg2[%dma_wait3A_77, %dma_wait3A_78] : memref<10000x128xf32, #tpu.memory_space<hbm>> -> memref<10000x128xf32, #tpu.memory_space<hbm>>
    tpu.wait_indirect_dma semaphore(%arg20 : memref<!tpu.dma_semaphore, #tpu.memory_space<semaphore_mem>>) src(%dma_wait3A_79 : memref<10000x128xf32, #tpu.memory_space<hbm>>) dst(%dma_wait3A_76 : memref<16x128xf32, #tpu.memory_space<vmem>>)
    "tpu.region"() ({
      %run_scoped3A = tpu.sem_alloc : memref<!tpu.dma_semaphore, #tpu.memory_space<semaphore_mem>>
      %dma_start3A_121 = arith.constant 0 : i32
      %dma_start3A_122 = arith.constant 0 : i32
      %dma_start3A_123 = tpu.memref_slice %arg13[%dma_start3A_121, %dma_start3A_122] : memref<192x128xf32, #tpu.memory_space<vmem>> -> memref<16x128xf32, #tpu.memory_space<vmem>>
      %dma_start3A_124 = arith.constant 0 : i32
      %dma_start3A_125 = arith.constant 0 : i32
      %dma_start3A_126 = tpu.memref_slice %arg15[%dma_start3A_124, %dma_start3A_125] : memref<10000x128xf32, #tpu.memory_space<vmem_shared>> -> memref<10000x128xf32, #tpu.memory_space<vmem_shared>>
      tpu.enqueue_indirect_dma source(%dma_start3A_123 : memref<16x128xf32, #tpu.memory_space<vmem>>) target(%dma_start3A_126 : memref<10000x128xf32, #tpu.memory_space<vmem_shared>>) offsets(%arg12 : memref<16xi32, #tpu.memory_space<vmem>>) semaphore(%run_scoped3A : memref<!tpu.dma_semaphore, #tpu.memory_space<semaphore_mem>>) {add = true}
      %dma_wait3A_127 = arith.constant 0 : i32
      %dma_wait3A_128 = arith.constant 0 : i32
      %dma_wait3A_129 = tpu.memref_slice %arg13[%dma_wait3A_127, %dma_wait3A_128] : memref<192x128xf32, #tpu.memory_space<vmem>> -> memref<16x128xf32, #tpu.memory_space<vmem>>
      %dma_wait3A_130 = arith.constant 0 : i32
      %dma_wait3A_131 = arith.constant 0 : i32
      %dma_wait3A_132 = tpu.memref_slice %arg15[%dma_wait3A_130, %dma_wait3A_131] : memref<10000x128xf32, #tpu.memory_space<vmem_shared>> -> memref<10000x128xf32, #tpu.memory_space<vmem_shared>>
      tpu.wait_indirect_dma semaphore(%run_scoped3A : memref<!tpu.dma_semaphore, #tpu.memory_space<semaphore_mem>>) src(%dma_wait3A_129 : memref<16x128xf32, #tpu.memory_space<vmem>>) dst(%dma_wait3A_132 : memref<10000x128xf32, #tpu.memory_space<vmem_shared>>)
      tpu.yield
    }) : () -> ()
    %barrier3A_80 = arith.constant 0 : index
    tpu.barrier barrier_id(%barrier3A_80)
    %add3A_81 = arith.constant 0 : i32
    %add3A_82 = arith.addi %arg1, %add3A_81 : i32
    %lt3A_83 = arith.constant 78 : i32
    %lt3A_84 = arith.cmpi slt, %add3A_82, %lt3A_83 : i32
    %convert_element_type3A_85 = arith.extui %lt3A_84 : i1 to i32
    %cond3A_86 = arith.constant 0 : i32
    %cond3A_87 = arith.cmpi ne, %convert_element_type3A_85, %cond3A_86 : i32
    scf.if %cond3A_87 {
      %mul3A_121 = arith.constant 128 : i32
      %mul3A_122 = arith.muli %add3A_82, %mul3A_121 : i32
      "tpu.region"() ({
        %run_scoped3A = tpu.sem_alloc : memref<!tpu.dma_semaphore, #tpu.memory_space<semaphore_mem>>
        %dma_start3A_123 = arith.constant 0 : i32
        %dma_start3A_124 = tpu.memref_slice %arg6[%arg0, %mul3A_122, %dma_start3A_123] : memref<2x10000x128xf32, #tpu.memory_space<hbm>> -> memref<1x128x128xf32, #tpu.memory_space<hbm>>
        %dma_start3A_125 = tpu.memref_squeeze %dma_start3A_124 : memref<1x128x128xf32, #tpu.memory_space<hbm>> -> memref<128x128xf32, #tpu.memory_space<hbm>>
        %dma_start3A_126 = arith.constant 0 : i32
        %dma_start3A_127 = tpu.memref_slice %arg15[%mul3A_122, %dma_start3A_126] : memref<10000x128xf32, #tpu.memory_space<vmem_shared>> -> memref<128x128xf32, #tpu.memory_space<vmem_shared>>
        tpu.enqueue_dma source(%dma_start3A_127 : memref<128x128xf32, #tpu.memory_space<vmem_shared>>) target(%dma_start3A_125 : memref<128x128xf32, #tpu.memory_space<hbm>>) target_semaphore(%run_scoped3A : memref<!tpu.dma_semaphore, #tpu.memory_space<semaphore_mem>>)
        %dma_wait3A_128 = arith.constant 0 : i32
        %dma_wait3A_129 = tpu.memref_slice %arg6[%arg0, %mul3A_122, %dma_wait3A_128] : memref<2x10000x128xf32, #tpu.memory_space<hbm>> -> memref<1x128x128xf32, #tpu.memory_space<hbm>>
        %dma_wait3A_130 = tpu.memref_squeeze %dma_wait3A_129 : memref<1x128x128xf32, #tpu.memory_space<hbm>> -> memref<128x128xf32, #tpu.memory_space<hbm>>
        %dma_wait3A_131 = arith.constant 0 : i32
        %dma_wait3A_132 = tpu.memref_slice %arg15[%mul3A_122, %dma_wait3A_131] : memref<10000x128xf32, #tpu.memory_space<vmem_shared>> -> memref<128x128xf32, #tpu.memory_space<vmem_shared>>
        tpu.wait_dma2 semaphore(%run_scoped3A : memref<!tpu.dma_semaphore, #tpu.memory_space<semaphore_mem>>) src(%dma_wait3A_132 : memref<128x128xf32, #tpu.memory_space<vmem_shared>>) dst(%dma_wait3A_130 : memref<128x128xf32, #tpu.memory_space<hbm>>)
        tpu.yield
      }) : () -> ()
    } else {
    }
    %add3A_88 = arith.constant 16 : i32
    %add3A_89 = arith.addi %arg1, %add3A_88 : i32
    %lt3A_90 = arith.constant 78 : i32
    %lt3A_91 = arith.cmpi slt, %add3A_89, %lt3A_90 : i32
    %convert_element_type3A_92 = arith.extui %lt3A_91 : i1 to i32
    %cond3A_93 = arith.constant 0 : i32
    %cond3A_94 = arith.cmpi ne, %convert_element_type3A_92, %cond3A_93 : i32
    scf.if %cond3A_94 {
      %mul3A_121 = arith.constant 128 : i32
      %mul3A_122 = arith.muli %add3A_89, %mul3A_121 : i32
      "tpu.region"() ({
        %run_scoped3A = tpu.sem_alloc : memref<!tpu.dma_semaphore, #tpu.memory_space<semaphore_mem>>
        %dma_start3A_123 = arith.constant 0 : i32
        %dma_start3A_124 = tpu.memref_slice %arg6[%arg0, %mul3A_122, %dma_start3A_123] : memref<2x10000x128xf32, #tpu.memory_space<hbm>> -> memref<1x128x128xf32, #tpu.memory_space<hbm>>
        %dma_start3A_125 = tpu.memref_squeeze %dma_start3A_124 : memref<1x128x128xf32, #tpu.memory_space<hbm>> -> memref<128x128xf32, #tpu.memory_space<hbm>>
        %dma_start3A_126 = arith.constant 0 : i32
        %dma_start3A_127 = tpu.memref_slice %arg15[%mul3A_122, %dma_start3A_126] : memref<10000x128xf32, #tpu.memory_space<vmem_shared>> -> memref<128x128xf32, #tpu.memory_space<vmem_shared>>
        tpu.enqueue_dma source(%dma_start3A_127 : memref<128x128xf32, #tpu.memory_space<vmem_shared>>) target(%dma_start3A_125 : memref<128x128xf32, #tpu.memory_space<hbm>>) target_semaphore(%run_scoped3A : memref<!tpu.dma_semaphore, #tpu.memory_space<semaphore_mem>>)
        %dma_wait3A_128 = arith.constant 0 : i32
        %dma_wait3A_129 = tpu.memref_slice %arg6[%arg0, %mul3A_122, %dma_wait3A_128] : memref<2x10000x128xf32, #tpu.memory_space<hbm>> -> memref<1x128x128xf32, #tpu.memory_space<hbm>>
        %dma_wait3A_130 = tpu.memref_squeeze %dma_wait3A_129 : memref<1x128x128xf32, #tpu.memory_space<hbm>> -> memref<128x128xf32, #tpu.memory_space<hbm>>
        %dma_wait3A_131 = arith.constant 0 : i32
        %dma_wait3A_132 = tpu.memref_slice %arg15[%mul3A_122, %dma_wait3A_131] : memref<10000x128xf32, #tpu.memory_space<vmem_shared>> -> memref<128x128xf32, #tpu.memory_space<vmem_shared>>
        tpu.wait_dma2 semaphore(%run_scoped3A : memref<!tpu.dma_semaphore, #tpu.memory_space<semaphore_mem>>) src(%dma_wait3A_132 : memref<128x128xf32, #tpu.memory_space<vmem_shared>>) dst(%dma_wait3A_130 : memref<128x128xf32, #tpu.memory_space<hbm>>)
        tpu.yield
      }) : () -> ()
    } else {
    }
    %add3A_95 = arith.constant 32 : i32
    %add3A_96 = arith.addi %arg1, %add3A_95 : i32
    %lt3A_97 = arith.constant 78 : i32
    %lt3A_98 = arith.cmpi slt, %add3A_96, %lt3A_97 : i32
    %convert_element_type3A_99 = arith.extui %lt3A_98 : i1 to i32
    %cond3A_100 = arith.constant 0 : i32
    %cond3A_101 = arith.cmpi ne, %convert_element_type3A_99, %cond3A_100 : i32
    scf.if %cond3A_101 {
      %mul3A_121 = arith.constant 128 : i32
      %mul3A_122 = arith.muli %add3A_96, %mul3A_121 : i32
      "tpu.region"() ({
        %run_scoped3A = tpu.sem_alloc : memref<!tpu.dma_semaphore, #tpu.memory_space<semaphore_mem>>
        %dma_start3A_123 = arith.constant 0 : i32
        %dma_start3A_124 = tpu.memref_slice %arg6[%arg0, %mul3A_122, %dma_start3A_123] : memref<2x10000x128xf32, #tpu.memory_space<hbm>> -> memref<1x128x128xf32, #tpu.memory_space<hbm>>
        %dma_start3A_125 = tpu.memref_squeeze %dma_start3A_124 : memref<1x128x128xf32, #tpu.memory_space<hbm>> -> memref<128x128xf32, #tpu.memory_space<hbm>>
        %dma_start3A_126 = arith.constant 0 : i32
        %dma_start3A_127 = tpu.memref_slice %arg15[%mul3A_122, %dma_start3A_126] : memref<10000x128xf32, #tpu.memory_space<vmem_shared>> -> memref<128x128xf32, #tpu.memory_space<vmem_shared>>
        tpu.enqueue_dma source(%dma_start3A_127 : memref<128x128xf32, #tpu.memory_space<vmem_shared>>) target(%dma_start3A_125 : memref<128x128xf32, #tpu.memory_space<hbm>>) target_semaphore(%run_scoped3A : memref<!tpu.dma_semaphore, #tpu.memory_space<semaphore_mem>>)
        %dma_wait3A_128 = arith.constant 0 : i32
        %dma_wait3A_129 = tpu.memref_slice %arg6[%arg0, %mul3A_122, %dma_wait3A_128] : memref<2x10000x128xf32, #tpu.memory_space<hbm>> -> memref<1x128x128xf32, #tpu.memory_space<hbm>>
        %dma_wait3A_130 = tpu.memref_squeeze %dma_wait3A_129 : memref<1x128x128xf32, #tpu.memory_space<hbm>> -> memref<128x128xf32, #tpu.memory_space<hbm>>
        %dma_wait3A_131 = arith.constant 0 : i32
        %dma_wait3A_132 = tpu.memref_slice %arg15[%mul3A_122, %dma_wait3A_131] : memref<10000x128xf32, #tpu.memory_space<vmem_shared>> -> memref<128x128xf32, #tpu.memory_space<vmem_shared>>
        tpu.wait_dma2 semaphore(%run_scoped3A : memref<!tpu.dma_semaphore, #tpu.memory_space<semaphore_mem>>) src(%dma_wait3A_132 : memref<128x128xf32, #tpu.memory_space<vmem_shared>>) dst(%dma_wait3A_130 : memref<128x128xf32, #tpu.memory_space<hbm>>)
        tpu.yield
      }) : () -> ()
    } else {
    }
    %add3A_102 = arith.constant 48 : i32
    %add3A_103 = arith.addi %arg1, %add3A_102 : i32
    %lt3A_104 = arith.constant 78 : i32
    %lt3A_105 = arith.cmpi slt, %add3A_103, %lt3A_104 : i32
    %convert_element_type3A_106 = arith.extui %lt3A_105 : i1 to i32
    %cond3A_107 = arith.constant 0 : i32
    %cond3A_108 = arith.cmpi ne, %convert_element_type3A_106, %cond3A_107 : i32
    scf.if %cond3A_108 {
      %mul3A_121 = arith.constant 128 : i32
      %mul3A_122 = arith.muli %add3A_103, %mul3A_121 : i32
      "tpu.region"() ({
        %run_scoped3A = tpu.sem_alloc : memref<!tpu.dma_semaphore, #tpu.memory_space<semaphore_mem>>
        %dma_start3A_123 = arith.constant 0 : i32
        %dma_start3A_124 = tpu.memref_slice %arg6[%arg0, %mul3A_122, %dma_start3A_123] : memref<2x10000x128xf32, #tpu.memory_space<hbm>> -> memref<1x128x128xf32, #tpu.memory_space<hbm>>
        %dma_start3A_125 = tpu.memref_squeeze %dma_start3A_124 : memref<1x128x128xf32, #tpu.memory_space<hbm>> -> memref<128x128xf32, #tpu.memory_space<hbm>>
        %dma_start3A_126 = arith.constant 0 : i32
        %dma_start3A_127 = tpu.memref_slice %arg15[%mul3A_122, %dma_start3A_126] : memref<10000x128xf32, #tpu.memory_space<vmem_shared>> -> memref<128x128xf32, #tpu.memory_space<vmem_shared>>
        tpu.enqueue_dma source(%dma_start3A_127 : memref<128x128xf32, #tpu.memory_space<vmem_shared>>) target(%dma_start3A_125 : memref<128x128xf32, #tpu.memory_space<hbm>>) target_semaphore(%run_scoped3A : memref<!tpu.dma_semaphore, #tpu.memory_space<semaphore_mem>>)
        %dma_wait3A_128 = arith.constant 0 : i32
        %dma_wait3A_129 = tpu.memref_slice %arg6[%arg0, %mul3A_122, %dma_wait3A_128] : memref<2x10000x128xf32, #tpu.memory_space<hbm>> -> memref<1x128x128xf32, #tpu.memory_space<hbm>>
        %dma_wait3A_130 = tpu.memref_squeeze %dma_wait3A_129 : memref<1x128x128xf32, #tpu.memory_space<hbm>> -> memref<128x128xf32, #tpu.memory_space<hbm>>
        %dma_wait3A_131 = arith.constant 0 : i32
        %dma_wait3A_132 = tpu.memref_slice %arg15[%mul3A_122, %dma_wait3A_131] : memref<10000x128xf32, #tpu.memory_space<vmem_shared>> -> memref<128x128xf32, #tpu.memory_space<vmem_shared>>
        tpu.wait_dma2 semaphore(%run_scoped3A : memref<!tpu.dma_semaphore, #tpu.memory_space<semaphore_mem>>) src(%dma_wait3A_132 : memref<128x128xf32, #tpu.memory_space<vmem_shared>>) dst(%dma_wait3A_130 : memref<128x128xf32, #tpu.memory_space<hbm>>)
        tpu.yield
      }) : () -> ()
    } else {
    }
    %add3A_109 = arith.constant 64 : i32
    %add3A_110 = arith.addi %arg1, %add3A_109 : i32
    %lt3A_111 = arith.constant 78 : i32
    %lt3A_112 = arith.cmpi slt, %add3A_110, %lt3A_111 : i32
    %convert_element_type3A_113 = arith.extui %lt3A_112 : i1 to i32
    %cond3A_114 = arith.constant 0 : i32
    %cond3A_115 = arith.cmpi ne, %convert_element_type3A_113, %cond3A_114 : i32
    scf.if %cond3A_115 {
      %mul3A_121 = arith.constant 128 : i32
      %mul3A_122 = arith.muli %add3A_110, %mul3A_121 : i32
      "tpu.region"() ({
        %run_scoped3A = tpu.sem_alloc : memref<!tpu.dma_semaphore, #tpu.memory_space<semaphore_mem>>
        %dma_start3A_123 = arith.constant 0 : i32
        %dma_start3A_124 = tpu.memref_slice %arg6[%arg0, %mul3A_122, %dma_start3A_123] : memref<2x10000x128xf32, #tpu.memory_space<hbm>> -> memref<1x128x128xf32, #tpu.memory_space<hbm>>
        %dma_start3A_125 = tpu.memref_squeeze %dma_start3A_124 : memref<1x128x128xf32, #tpu.memory_space<hbm>> -> memref<128x128xf32, #tpu.memory_space<hbm>>
        %dma_start3A_126 = arith.constant 0 : i32
        %dma_start3A_127 = tpu.memref_slice %arg15[%mul3A_122, %dma_start3A_126] : memref<10000x128xf32, #tpu.memory_space<vmem_shared>> -> memref<128x128xf32, #tpu.memory_space<vmem_shared>>
        tpu.enqueue_dma source(%dma_start3A_127 : memref<128x128xf32, #tpu.memory_space<vmem_shared>>) target(%dma_start3A_125 : memref<128x128xf32, #tpu.memory_space<hbm>>) target_semaphore(%run_scoped3A : memref<!tpu.dma_semaphore, #tpu.memory_space<semaphore_mem>>)
        %dma_wait3A_128 = arith.constant 0 : i32
        %dma_wait3A_129 = tpu.memref_slice %arg6[%arg0, %mul3A_122, %dma_wait3A_128] : memref<2x10000x128xf32, #tpu.memory_space<hbm>> -> memref<1x128x128xf32, #tpu.memory_space<hbm>>
        %dma_wait3A_130 = tpu.memref_squeeze %dma_wait3A_129 : memref<1x128x128xf32, #tpu.memory_space<hbm>> -> memref<128x128xf32, #tpu.memory_space<hbm>>
        %dma_wait3A_131 = arith.constant 0 : i32
        %dma_wait3A_132 = tpu.memref_slice %arg15[%mul3A_122, %dma_wait3A_131] : memref<10000x128xf32, #tpu.memory_space<vmem_shared>> -> memref<128x128xf32, #tpu.memory_space<vmem_shared>>
        tpu.wait_dma2 semaphore(%run_scoped3A : memref<!tpu.dma_semaphore, #tpu.memory_space<semaphore_mem>>) src(%dma_wait3A_132 : memref<128x128xf32, #tpu.memory_space<vmem_shared>>) dst(%dma_wait3A_130 : memref<128x128xf32, #tpu.memory_space<hbm>>)
        tpu.yield
      }) : () -> ()
    } else {
    }
    %eq3A_116 = arith.constant 15 : i32
    %eq3A_117 = arith.cmpi eq, %arg1, %eq3A_116 : i32
    %convert_element_type3A_118 = arith.extui %eq3A_117 : i1 to i32
    %cond3A_119 = arith.constant 0 : i32
    %cond3A_120 = arith.cmpi ne, %convert_element_type3A_118, %cond3A_119 : i32
    scf.if %cond3A_120 {
      "tpu.region"() ({
        %run_scoped3A = tpu.sem_alloc : memref<!tpu.dma_semaphore, #tpu.memory_space<semaphore_mem>>
        %dma_start3A_121 = arith.constant 9984 : i32
        %dma_start3A_122 = arith.constant 0 : i32
        %dma_start3A_123 = tpu.memref_slice %arg6[%arg0, %dma_start3A_121, %dma_start3A_122] : memref<2x10000x128xf32, #tpu.memory_space<hbm>> -> memref<1x16x128xf32, #tpu.memory_space<hbm>>
        %dma_start3A_124 = tpu.memref_squeeze %dma_start3A_123 : memref<1x16x128xf32, #tpu.memory_space<hbm>> -> memref<16x128xf32, #tpu.memory_space<hbm>>
        %dma_start3A_125 = arith.constant 9984 : i32
        %dma_start3A_126 = arith.constant 0 : i32
        %dma_start3A_127 = tpu.memref_slice %arg15[%dma_start3A_125, %dma_start3A_126] : memref<10000x128xf32, #tpu.memory_space<vmem_shared>> -> memref<16x128xf32, #tpu.memory_space<vmem_shared>>
        tpu.enqueue_dma source(%dma_start3A_127 : memref<16x128xf32, #tpu.memory_space<vmem_shared>>) target(%dma_start3A_124 : memref<16x128xf32, #tpu.memory_space<hbm>>) target_semaphore(%run_scoped3A : memref<!tpu.dma_semaphore, #tpu.memory_space<semaphore_mem>>)
        %dma_wait3A_128 = arith.constant 9984 : i32
        %dma_wait3A_129 = arith.constant 0 : i32
        %dma_wait3A_130 = tpu.memref_slice %arg6[%arg0, %dma_wait3A_128, %dma_wait3A_129] : memref<2x10000x128xf32, #tpu.memory_space<hbm>> -> memref<1x16x128xf32, #tpu.memory_space<hbm>>
        %dma_wait3A_131 = tpu.memref_squeeze %dma_wait3A_130 : memref<1x16x128xf32, #tpu.memory_space<hbm>> -> memref<16x128xf32, #tpu.memory_space<hbm>>
        %dma_wait3A_132 = arith.constant 9984 : i32
        %dma_wait3A_133 = arith.constant 0 : i32
        %dma_wait3A_134 = tpu.memref_slice %arg15[%dma_wait3A_132, %dma_wait3A_133] : memref<10000x128xf32, #tpu.memory_space<vmem_shared>> -> memref<16x128xf32, #tpu.memory_space<vmem_shared>>
        tpu.wait_dma2 semaphore(%run_scoped3A : memref<!tpu.dma_semaphore, #tpu.memory_space<semaphore_mem>>) src(%dma_wait3A_134 : memref<16x128xf32, #tpu.memory_space<vmem_shared>>) dst(%dma_wait3A_131 : memref<16x128xf32, #tpu.memory_space<hbm>>)
        tpu.yield
      }) : () -> ()
    } else {
    }
    return
  }
}

module attributes {stable_mosaic.version = 14 : i64} {
  func.func @_tc_init_body(%arg0: i32, %arg1: memref<1000x128xf32, #tpu.memory_space<vmem>>, %arg2: memref<128x128xf32, #tpu.memory_space<vmem>>, %arg3: memref<1x128xf32, #tpu.memory_space<vmem>>, %arg4: memref<128x128xf32, #tpu.memory_space<vmem>>, %arg5: memref<2x1000x128xf32, #tpu.memory_space<vmem>>, %arg6: memref<1000x128xf32, #tpu.memory_space<vmem>>, %arg7: memref<1000x1xf32, #tpu.memory_space<vmem>>) attributes {dimension_semantics = [#tpu.dimension_semantics<arbitrary>], iteration_bounds = array<i64: 10>, scalar_prefetch = 0 : i64, scratch_operands = 0 : i64, tpu.core_type = #tpu.core_type<tc>, window_params = [{transform_indices = @transform_0, window_bounds = array<i64: 1000, 128>}, {pipeline_mode = #tpu.pipeline_mode<synchronous>, transform_indices = @transform_1, window_bounds = array<i64: 128, 128>}, {pipeline_mode = #tpu.pipeline_mode<synchronous>, transform_indices = @transform_2, window_bounds = array<i64: 1, 128>}, {pipeline_mode = #tpu.pipeline_mode<synchronous>, transform_indices = @transform_3, window_bounds = array<i64: 128, 128>}, {transform_indices = @transform_4, window_bounds = array<i64: 2, 1000, 128>}, {transform_indices = @transform_5, window_bounds = array<i64: 1000, 128>}, {transform_indices = @transform_6, window_bounds = array<i64: 1000, 1>}]} {
    %get3A = arith.constant 0 : index
    %get3A_0 = arith.constant 0 : index
    %get3A_1 = vector.load %arg1[%get3A, %get3A_0] : memref<1000x128xf32, #tpu.memory_space<vmem>>, vector<1000x128xf32>
    %get3A_2 = arith.constant 0 : index
    %get3A_3 = arith.constant 0 : index
    %get3A_4 = vector.load %arg2[%get3A_2, %get3A_3] : memref<128x128xf32, #tpu.memory_space<vmem>>, vector<128x128xf32>
    %dot_general3A = arith.constant dense<0.000000e+00> : vector<1000x128xf32>
    %dot_general3A_5 = tpu.matmul %get3A_1, %get3A_4, %dot_general3A {dimension_numbers = #tpu.dot_dimension_numbers<[1], [0], [0], [1], [0, 0, 1, 1], [], []>, transpose_lhs_hint = false} : vector<1000x128xf32>, vector<128x128xf32>, vector<1000x128xf32> -> vector<1000x128xf32>
    %get3A_6 = arith.constant 0 : index
    %get3A_7 = arith.constant 0 : index
    %get3A_8 = vector.load %arg3[%get3A_6, %get3A_7] : memref<1x128xf32, #tpu.memory_space<vmem>>, vector<1x128xf32>
    %add3A = vector.broadcast %get3A_8 : vector<1x128xf32> to vector<1000x128xf32>
    %add3A_9 = arith.addf %dot_general3A_5, %add3A : vector<1000x128xf32>
    %get3A_10 = arith.constant 0 : index
    %get3A_11 = arith.constant 0 : index
    %get3A_12 = vector.load %arg4[%get3A_10, %get3A_11] : memref<128x128xf32, #tpu.memory_space<vmem>>, vector<128x128xf32>
    %dot_general3A_13 = arith.constant dense<0.000000e+00> : vector<1000x128xf32>
    %dot_general3A_14 = tpu.matmul %add3A_9, %get3A_12, %dot_general3A_13 {dimension_numbers = #tpu.dot_dimension_numbers<[1], [0], [0], [1], [0, 0, 1, 1], [], []>, transpose_lhs_hint = false} : vector<1000x128xf32>, vector<128x128xf32>, vector<1000x128xf32> -> vector<1000x128xf32>
    %get3A_15 = arith.constant 0 : index
    %get3A_16 = arith.constant 0 : index
    %get3A_17 = arith.constant 0 : index
    %get3A_18 = vector.load %arg5[%get3A_15, %get3A_16, %get3A_17] : memref<2x1000x128xf32, #tpu.memory_space<vmem>>, vector<1x1000x1xf32>
    %get3A_19 = vector.shape_cast %get3A_18 : vector<1x1000x1xf32> to vector<1000x1xf32>
    %get3A_20 = arith.constant 1 : index
    %get3A_21 = arith.constant 0 : index
    %get3A_22 = arith.constant 0 : index
    %get3A_23 = vector.load %arg5[%get3A_20, %get3A_21, %get3A_22] : memref<2x1000x128xf32, #tpu.memory_space<vmem>>, vector<1x1000x1xf32>
    %get3A_24 = vector.shape_cast %get3A_23 : vector<1x1000x1xf32> to vector<1000x1xf32>
    %add3A_25 = arith.addf %get3A_19, %get3A_24 : vector<1000x1xf32>
    %add3A_26 = arith.constant 1.000000e+00 : f32
    %add3A_27 = vector.broadcast %add3A_26 : f32 to vector<1000x1xf32>
    %add3A_28 = arith.addf %add3A_25, %add3A_27 : vector<1000x1xf32>
    %rsqrt3A = math.rsqrt %add3A_28 : vector<1000x1xf32>
    %swap3A = arith.constant 0 : index
    %swap3A_29 = arith.constant 0 : index
    %swap3A_30 = vector.load %arg7[%swap3A, %swap3A_29] : memref<1000x1xf32, #tpu.memory_space<vmem>>, vector<1000x1xf32>
    tpu.vector_store %arg7[%swap3A, %swap3A_29], %rsqrt3A {strides = array<i32>} : memref<1000x1xf32, #tpu.memory_space<vmem>>, vector<1000x1xf32>,
    %mul3A = vector.broadcast %rsqrt3A : vector<1000x1xf32> to vector<1000x128xf32>
    %mul3A_31 = arith.mulf %mul3A, %dot_general3A_14 : vector<1000x128xf32>
    %swap3A_32 = arith.constant 0 : index
    %swap3A_33 = arith.constant 0 : index
    %swap3A_34 = vector.load %arg6[%swap3A_32, %swap3A_33] : memref<1000x128xf32, #tpu.memory_space<vmem>>, vector<1000x128xf32>
    tpu.vector_store %arg6[%swap3A_32, %swap3A_33], %mul3A_31 {strides = array<i32>} : memref<1000x128xf32, #tpu.memory_space<vmem>>, vector<1000x128xf32>,
    return
  }
  func.func @transform_0(%arg0: i32) -> (i32, i32) {
    %c0_i32 = arith.constant 0 : i32
    %c0_i32_0 = arith.constant 0 : i32
    return %arg0, %c0_i32 : i32, i32
  }
  func.func @transform_1(%arg0: i32) -> (i32, i32) {
    %c0_i32 = arith.constant 0 : i32
    %c0_i32_0 = arith.constant 0 : i32
    %c0_i32_1 = arith.constant 0 : i32
    return %c0_i32, %c0_i32_0 : i32, i32
  }
  func.func @transform_2(%arg0: i32) -> (i32, i32) {
    %c0_i32 = arith.constant 0 : i32
    %c0_i32_0 = arith.constant 0 : i32
    %c0_i32_1 = arith.constant 0 : i32
    return %c0_i32, %c0_i32_0 : i32, i32
  }
  func.func @transform_3(%arg0: i32) -> (i32, i32) {
    %c0_i32 = arith.constant 0 : i32
    %c0_i32_0 = arith.constant 0 : i32
    %c0_i32_1 = arith.constant 0 : i32
    return %c0_i32, %c0_i32_0 : i32, i32
  }
  func.func @transform_4(%arg0: i32) -> (i32, i32, i32) {
    %c0_i32 = arith.constant 0 : i32
    %c0_i32_0 = arith.constant 0 : i32
    %c0_i32_1 = arith.constant 0 : i32
    return %c0_i32, %arg0, %c0_i32_0 : i32, i32, i32
  }
  func.func @transform_5(%arg0: i32) -> (i32, i32) {
    %c0_i32 = arith.constant 0 : i32
    %c0_i32_0 = arith.constant 0 : i32
    return %arg0, %c0_i32 : i32, i32
  }
  func.func @transform_6(%arg0: i32) -> (i32, i32) {
    %c0_i32 = arith.constant 0 : i32
    %c0_i32_0 = arith.constant 0 : i32
    return %arg0, %c0_i32 : i32, i32
  }
}

module attributes {stable_mosaic.version = 14 : i64} {
  func.func @_tc_mid_body(%arg0: i32, %arg1: memref<2x1000x128xf32, #tpu.memory_space<vmem>>, %arg2: memref<1000x128xf32, #tpu.memory_space<vmem>>, %arg3: memref<1000x1xf32, #tpu.memory_space<vmem>>, %arg4: memref<1x128xf32, #tpu.memory_space<vmem>>, %arg5: memref<1x128xf32, #tpu.memory_space<vmem>>, %arg6: memref<1x128xf32, #tpu.memory_space<vmem>>, %arg7: memref<128x128xf32, #tpu.memory_space<vmem>>, %arg8: memref<1000x128xf32, #tpu.memory_space<vmem>>) attributes {dimension_semantics = [#tpu.dimension_semantics<arbitrary>], iteration_bounds = array<i64: 10>, scalar_prefetch = 0 : i64, scratch_operands = 0 : i64, tpu.core_type = #tpu.core_type<tc>, window_params = [{transform_indices = @transform_0, window_bounds = array<i64: 2, 1000, 128>}, {transform_indices = @transform_1, window_bounds = array<i64: 1000, 128>}, {transform_indices = @transform_2, window_bounds = array<i64: 1000, 1>}, {pipeline_mode = #tpu.pipeline_mode<synchronous>, transform_indices = @transform_3, window_bounds = array<i64: 1, 128>}, {pipeline_mode = #tpu.pipeline_mode<synchronous>, transform_indices = @transform_4, window_bounds = array<i64: 1, 128>}, {pipeline_mode = #tpu.pipeline_mode<synchronous>, transform_indices = @transform_5, window_bounds = array<i64: 1, 128>}, {pipeline_mode = #tpu.pipeline_mode<synchronous>, transform_indices = @transform_6, window_bounds = array<i64: 128, 128>}, {transform_indices = @transform_7, window_bounds = array<i64: 1000, 128>}]} {
    %get3A = arith.constant 0 : index
    %get3A_0 = arith.constant 0 : index
    %get3A_1 = vector.load %arg3[%get3A, %get3A_0] : memref<1000x1xf32, #tpu.memory_space<vmem>>, vector<1000x1xf32>
    %get3A_2 = arith.constant 0 : index
    %get3A_3 = arith.constant 0 : index
    %get3A_4 = arith.constant 0 : index
    %get3A_5 = vector.load %arg1[%get3A_2, %get3A_3, %get3A_4] : memref<2x1000x128xf32, #tpu.memory_space<vmem>>, vector<1x1000x128xf32>
    %get3A_6 = vector.shape_cast %get3A_5 : vector<1x1000x128xf32> to vector<1000x128xf32>
    %get3A_7 = arith.constant 1 : index
    %get3A_8 = arith.constant 0 : index
    %get3A_9 = arith.constant 0 : index
    %get3A_10 = vector.load %arg1[%get3A_7, %get3A_8, %get3A_9] : memref<2x1000x128xf32, #tpu.memory_space<vmem>>, vector<1x1000x128xf32>
    %get3A_11 = vector.shape_cast %get3A_10 : vector<1x1000x128xf32> to vector<1000x128xf32>
    %add3A = arith.addf %get3A_6, %get3A_11 : vector<1000x128xf32>
    %get3A_12 = arith.constant 0 : index
    %get3A_13 = arith.constant 0 : index
    %get3A_14 = vector.load %arg2[%get3A_12, %get3A_13] : memref<1000x128xf32, #tpu.memory_space<vmem>>, vector<1000x128xf32>
    %add3A_15 = arith.addf %add3A, %get3A_14 : vector<1000x128xf32>
    %mul3A = vector.broadcast %get3A_1 : vector<1000x1xf32> to vector<1000x128xf32>
    %mul3A_16 = arith.mulf %mul3A, %add3A_15 : vector<1000x128xf32>
    %get3A_17 = arith.constant 0 : index
    %get3A_18 = arith.constant 0 : index
    %get3A_19 = vector.load %arg4[%get3A_17, %get3A_18] : memref<1x128xf32, #tpu.memory_space<vmem>>, vector<1x128xf32>
    %add3A_20 = vector.broadcast %get3A_19 : vector<1x128xf32> to vector<1000x128xf32>
    %add3A_21 = arith.addf %mul3A_16, %add3A_20 : vector<1000x128xf32>
    %max3A = arith.constant 0.000000e+00 : f32
    %max3A_22 = vector.broadcast %max3A : f32 to vector<1000x128xf32>
    %max3A_23 = arith.maximumf %add3A_21, %max3A_22 : vector<1000x128xf32>
    %reduce_sum3A = arith.constant dense<0.000000e+00> : vector<1000xf32>
    %reduce_sum3A_24 = vector.multi_reduction <add>, %max3A_23, %reduce_sum3A [1] : vector<1000x128xf32> to vector<1000xf32>
    %broadcast_in_dim3A = vector.shape_cast %reduce_sum3A_24 : vector<1000xf32> to vector<1000x1xf32>
    %div3A = arith.constant 1.280000e+02 : f32
    %div3A_25 = vector.broadcast %div3A : f32 to vector<1000x1xf32>
    %div3A_26 = arith.divf %broadcast_in_dim3A, %div3A_25 : vector<1000x1xf32>
    %sub3A = vector.broadcast %div3A_26 : vector<1000x1xf32> to vector<1000x128xf32>
    %sub3A_27 = arith.subf %max3A_23, %sub3A : vector<1000x128xf32>
    %sub3A_28 = vector.broadcast %div3A_26 : vector<1000x1xf32> to vector<1000x128xf32>
    %sub3A_29 = arith.subf %max3A_23, %sub3A_28 : vector<1000x128xf32>
    %mul3A_30 = arith.mulf %sub3A_27, %sub3A_29 : vector<1000x128xf32>
    %reduce_sum3A_31 = arith.constant dense<0.000000e+00> : vector<1000xf32>
    %reduce_sum3A_32 = vector.multi_reduction <add>, %mul3A_30, %reduce_sum3A_31 [1] : vector<1000x128xf32> to vector<1000xf32>
    %broadcast_in_dim3A_33 = vector.shape_cast %reduce_sum3A_32 : vector<1000xf32> to vector<1000x1xf32>
    %div3A_34 = arith.constant 1.280000e+02 : f32
    %div3A_35 = vector.broadcast %div3A_34 : f32 to vector<1000x1xf32>
    %div3A_36 = arith.divf %broadcast_in_dim3A_33, %div3A_35 : vector<1000x1xf32>
    %sub3A_37 = vector.broadcast %div3A_26 : vector<1000x1xf32> to vector<1000x128xf32>
    %sub3A_38 = arith.subf %max3A_23, %sub3A_37 : vector<1000x128xf32>
    %add3A_39 = arith.constant 9.99999974E-6 : f32
    %add3A_40 = vector.broadcast %add3A_39 : f32 to vector<1000x1xf32>
    %add3A_41 = arith.addf %div3A_36, %add3A_40 : vector<1000x1xf32>
    %rsqrt3A = math.rsqrt %add3A_41 : vector<1000x1xf32>
    %mul3A_42 = vector.broadcast %rsqrt3A : vector<1000x1xf32> to vector<1000x128xf32>
    %mul3A_43 = arith.mulf %sub3A_38, %mul3A_42 : vector<1000x128xf32>
    %get3A_44 = arith.constant 0 : index
    %get3A_45 = arith.constant 0 : index
    %get3A_46 = vector.load %arg5[%get3A_44, %get3A_45] : memref<1x128xf32, #tpu.memory_space<vmem>>, vector<1x128xf32>
    %mul3A_47 = vector.broadcast %get3A_46 : vector<1x128xf32> to vector<1000x128xf32>
    %mul3A_48 = arith.mulf %mul3A_43, %mul3A_47 : vector<1000x128xf32>
    %get3A_49 = arith.constant 0 : index
    %get3A_50 = arith.constant 0 : index
    %get3A_51 = vector.load %arg6[%get3A_49, %get3A_50] : memref<1x128xf32, #tpu.memory_space<vmem>>, vector<1x128xf32>
    %add3A_52 = vector.broadcast %get3A_51 : vector<1x128xf32> to vector<1000x128xf32>
    %add3A_53 = arith.addf %mul3A_48, %add3A_52 : vector<1000x128xf32>
    %get3A_54 = arith.constant 0 : index
    %get3A_55 = arith.constant 0 : index
    %get3A_56 = vector.load %arg7[%get3A_54, %get3A_55] : memref<128x128xf32, #tpu.memory_space<vmem>>, vector<128x128xf32>
    %dot_general3A = arith.constant dense<0.000000e+00> : vector<1000x128xf32>
    %dot_general3A_57 = tpu.matmul %add3A_53, %get3A_56, %dot_general3A {dimension_numbers = #tpu.dot_dimension_numbers<[1], [0], [0], [1], [0, 0, 1, 1], [], []>, transpose_lhs_hint = false} : vector<1000x128xf32>, vector<128x128xf32>, vector<1000x128xf32> -> vector<1000x128xf32>
    %mul3A_58 = vector.broadcast %get3A_1 : vector<1000x1xf32> to vector<1000x128xf32>
    %mul3A_59 = arith.mulf %mul3A_58, %dot_general3A_57 : vector<1000x128xf32>
    %swap3A = arith.constant 0 : index
    %swap3A_60 = arith.constant 0 : index
    %swap3A_61 = vector.load %arg8[%swap3A, %swap3A_60] : memref<1000x128xf32, #tpu.memory_space<vmem>>, vector<1000x128xf32>
    tpu.vector_store %arg8[%swap3A, %swap3A_60], %mul3A_59 {strides = array<i32>} : memref<1000x128xf32, #tpu.memory_space<vmem>>, vector<1000x128xf32>,
    return
  }
  func.func @transform_0(%arg0: i32) -> (i32, i32, i32) {
    %c0_i32 = arith.constant 0 : i32
    %c0_i32_0 = arith.constant 0 : i32
    %c0_i32_1 = arith.constant 0 : i32
    return %c0_i32, %arg0, %c0_i32_0 : i32, i32, i32
  }
  func.func @transform_1(%arg0: i32) -> (i32, i32) {
    %c0_i32 = arith.constant 0 : i32
    %c0_i32_0 = arith.constant 0 : i32
    return %arg0, %c0_i32 : i32, i32
  }
  func.func @transform_2(%arg0: i32) -> (i32, i32) {
    %c0_i32 = arith.constant 0 : i32
    %c0_i32_0 = arith.constant 0 : i32
    return %arg0, %c0_i32 : i32, i32
  }
  func.func @transform_3(%arg0: i32) -> (i32, i32) {
    %c0_i32 = arith.constant 0 : i32
    %c0_i32_0 = arith.constant 0 : i32
    %c0_i32_1 = arith.constant 0 : i32
    return %c0_i32, %c0_i32_0 : i32, i32
  }
  func.func @transform_4(%arg0: i32) -> (i32, i32) {
    %c0_i32 = arith.constant 0 : i32
    %c0_i32_0 = arith.constant 0 : i32
    %c0_i32_1 = arith.constant 0 : i32
    return %c0_i32, %c0_i32_0 : i32, i32
  }
  func.func @transform_5(%arg0: i32) -> (i32, i32) {
    %c0_i32 = arith.constant 0 : i32
    %c0_i32_0 = arith.constant 0 : i32
    %c0_i32_1 = arith.constant 0 : i32
    return %c0_i32, %c0_i32_0 : i32, i32
  }
  func.func @transform_6(%arg0: i32) -> (i32, i32) {
    %c0_i32 = arith.constant 0 : i32
    %c0_i32_0 = arith.constant 0 : i32
    %c0_i32_1 = arith.constant 0 : i32
    return %c0_i32, %c0_i32_0 : i32, i32
  }
  func.func @transform_7(%arg0: i32) -> (i32, i32) {
    %c0_i32 = arith.constant 0 : i32
    %c0_i32_0 = arith.constant 0 : i32
    return %arg0, %c0_i32 : i32, i32
  }
}

module attributes {stable_mosaic.version = 14 : i64} {
  func.func @_tc_head_body(%arg0: memref<2x10000x128xf32, #tpu.memory_space<vmem>>, %arg1: memref<10000x128xf32, #tpu.memory_space<vmem>>, %arg2: memref<10000x1xf32, #tpu.memory_space<vmem>>, %arg3: memref<1x128xf32, #tpu.memory_space<vmem>>, %arg4: memref<1x10000xi32, #tpu.memory_space<vmem>>, %arg5: memref<128x10xf32, #tpu.memory_space<vmem>>, %arg6: memref<1x10xf32, #tpu.memory_space<vmem>>, %arg7: memref<128x10xf32, #tpu.memory_space<vmem>>, %arg8: memref<128x10xf32, #tpu.memory_space<vmem>>) attributes {dimension_semantics = [], scalar_prefetch = 0 : i64, scratch_operands = 0 : i64, tpu.core_type = #tpu.core_type<tc>} {
    %get3A = arith.constant 0 : index
    %get3A_0 = arith.constant 0 : index
    %get3A_1 = vector.load %arg2[%get3A, %get3A_0] : memref<10000x1xf32, #tpu.memory_space<vmem>>, vector<10000x1xf32>
    %get3A_2 = arith.constant 0 : index
    %get3A_3 = arith.constant 0 : index
    %get3A_4 = arith.constant 0 : index
    %get3A_5 = vector.load %arg0[%get3A_2, %get3A_3, %get3A_4] : memref<2x10000x128xf32, #tpu.memory_space<vmem>>, vector<1x10000x128xf32>
    %get3A_6 = vector.shape_cast %get3A_5 : vector<1x10000x128xf32> to vector<10000x128xf32>
    %get3A_7 = arith.constant 1 : index
    %get3A_8 = arith.constant 0 : index
    %get3A_9 = arith.constant 0 : index
    %get3A_10 = vector.load %arg0[%get3A_7, %get3A_8, %get3A_9] : memref<2x10000x128xf32, #tpu.memory_space<vmem>>, vector<1x10000x128xf32>
    %get3A_11 = vector.shape_cast %get3A_10 : vector<1x10000x128xf32> to vector<10000x128xf32>
    %add3A = arith.addf %get3A_6, %get3A_11 : vector<10000x128xf32>
    %get3A_12 = arith.constant 0 : index
    %get3A_13 = arith.constant 0 : index
    %get3A_14 = vector.load %arg1[%get3A_12, %get3A_13] : memref<10000x128xf32, #tpu.memory_space<vmem>>, vector<10000x128xf32>
    %add3A_15 = arith.addf %add3A, %get3A_14 : vector<10000x128xf32>
    %mul3A = vector.broadcast %get3A_1 : vector<10000x1xf32> to vector<10000x128xf32>
    %mul3A_16 = arith.mulf %mul3A, %add3A_15 : vector<10000x128xf32>
    %get3A_17 = arith.constant 0 : index
    %get3A_18 = arith.constant 0 : index
    %get3A_19 = vector.load %arg3[%get3A_17, %get3A_18] : memref<1x128xf32, #tpu.memory_space<vmem>>, vector<1x128xf32>
    %add3A_20 = vector.broadcast %get3A_19 : vector<1x128xf32> to vector<10000x128xf32>
    %add3A_21 = arith.addf %mul3A_16, %add3A_20 : vector<10000x128xf32>
    %iota3A = tpu.iota {dimensions = array<i32: 0>} : vector<128x1xi32>
    %get3A_22 = arith.constant 0 : index
    %get3A_23 = arith.constant 0 : index
    %get3A_24 = vector.load %arg4[%get3A_22, %get3A_23] : memref<1x10000xi32, #tpu.memory_space<vmem>>, vector<1x10000xi32>
    %eq3A = vector.broadcast %get3A_24 : vector<1x10000xi32> to vector<128x10000xi32>
    %eq3A_25 = vector.broadcast %iota3A : vector<128x1xi32> to vector<128x10000xi32>
    %eq3A_26 = arith.cmpi eq, %eq3A, %eq3A_25 : vector<128x10000xi32>
    %convert_element_type3A = arith.extui %eq3A_26 : vector<128x10000xi1> to vector<128x10000xi32>
    %convert_element_type3A_27 = arith.sitofp %convert_element_type3A : vector<128x10000xi32> to vector<128x10000xf32>
    %reduce_sum3A = arith.constant dense<0.000000e+00> : vector<128xf32>
    %reduce_sum3A_28 = vector.multi_reduction <add>, %convert_element_type3A_27, %reduce_sum3A [1] : vector<128x10000xf32> to vector<128xf32>
    %broadcast_in_dim3A = vector.shape_cast %reduce_sum3A_28 : vector<128xf32> to vector<128x1xf32>
    %max3A = arith.constant 1.000000e+00 : f32
    %max3A_29 = vector.broadcast %max3A : f32 to vector<128x1xf32>
    %max3A_30 = arith.maximumf %broadcast_in_dim3A, %max3A_29 : vector<128x1xf32>
    %dot_general3A = arith.constant dense<0.000000e+00> : vector<128x128xf32>
    %dot_general3A_31 = tpu.matmul %convert_element_type3A_27, %add3A_21, %dot_general3A {dimension_numbers = #tpu.dot_dimension_numbers<[1], [0], [0], [1], [0, 0, 1, 1], [], []>, precision = #tpu.contract_precision<fp32>, transpose_lhs_hint = false} : vector<128x10000xf32>, vector<10000x128xf32>, vector<128x128xf32> -> vector<128x128xf32>
    %div3A = vector.broadcast %max3A_30 : vector<128x1xf32> to vector<128x128xf32>
    %div3A_32 = arith.divf %dot_general3A_31, %div3A : vector<128x128xf32>
    %get3A_33 = arith.constant 0 : index
    %get3A_34 = arith.constant 0 : index
    %get3A_35 = vector.load %arg5[%get3A_33, %get3A_34] : memref<128x10xf32, #tpu.memory_space<vmem>>, vector<128x10xf32>
    %dot_general3A_36 = arith.constant dense<0.000000e+00> : vector<128x10xf32>
    %dot_general3A_37 = tpu.matmul %div3A_32, %get3A_35, %dot_general3A_36 {dimension_numbers = #tpu.dot_dimension_numbers<[1], [0], [0], [1], [0, 0, 1, 1], [], []>, transpose_lhs_hint = false} : vector<128x128xf32>, vector<128x10xf32>, vector<128x10xf32> -> vector<128x10xf32>
    %get3A_38 = arith.constant 0 : index
    %get3A_39 = arith.constant 0 : index
    %get3A_40 = vector.load %arg6[%get3A_38, %get3A_39] : memref<1x10xf32, #tpu.memory_space<vmem>>, vector<1x10xf32>
    %add3A_41 = vector.broadcast %get3A_40 : vector<1x10xf32> to vector<128x10xf32>
    %add3A_42 = arith.addf %dot_general3A_37, %add3A_41 : vector<128x10xf32>
    %swap3A = arith.constant 0 : index
    %swap3A_43 = arith.constant 0 : index
    %swap3A_44 = vector.load %arg7[%swap3A, %swap3A_43] : memref<128x10xf32, #tpu.memory_space<vmem>>, vector<128x10xf32>
    tpu.vector_store %arg7[%swap3A, %swap3A_43], %add3A_42 {strides = array<i32>} : memref<128x10xf32, #tpu.memory_space<vmem>>, vector<128x10xf32>,
    %reduce_max3A = arith.constant dense<0xFF800000> : vector<128xf32>
    %reduce_max3A_45 = vector.multi_reduction <maximumf>, %add3A_42, %reduce_max3A [1] : vector<128x10xf32> to vector<128xf32>
    %broadcast_in_dim3A_46 = vector.shape_cast %reduce_max3A_45 : vector<128xf32> to vector<128x1xf32>
    %sub3A = vector.broadcast %broadcast_in_dim3A_46 : vector<128x1xf32> to vector<128x10xf32>
    %sub3A_47 = arith.subf %add3A_42, %sub3A : vector<128x10xf32>
    %exp3A = math.exp %sub3A_47 : vector<128x10xf32>
    %reduce_sum3A_48 = arith.constant dense<0.000000e+00> : vector<128xf32>
    %reduce_sum3A_49 = vector.multi_reduction <add>, %exp3A, %reduce_sum3A_48 [1] : vector<128x10xf32> to vector<128xf32>
    %broadcast_in_dim3A_50 = vector.shape_cast %reduce_sum3A_49 : vector<128xf32> to vector<128x1xf32>
    %log3A = math.log %broadcast_in_dim3A_50 : vector<128x1xf32>
    %sub3A_51 = vector.broadcast %log3A : vector<128x1xf32> to vector<128x10xf32>
    %sub3A_52 = arith.subf %sub3A_47, %sub3A_51 : vector<128x10xf32>
    %swap3A_53 = arith.constant 0 : index
    %swap3A_54 = arith.constant 0 : index
    %swap3A_55 = vector.load %arg8[%swap3A_53, %swap3A_54] : memref<128x10xf32, #tpu.memory_space<vmem>>, vector<128x10xf32>
    tpu.vector_store %arg8[%swap3A_53, %swap3A_54], %sub3A_52 {strides = array<i32>} : memref<128x10xf32, #tpu.memory_space<vmem>>, vector<128x10xf32>,
    return
  }
}

</mosaic_0001>

<sc_bundles>
// kernel: kernel.10.cloned.1.call-start
scs
__scs_entry_jumppad:
0x0: {  	(pc) =	sbr.rel $0x88, $3  }
0x1: {  	(tag) =	ssettag $0x0;
	lr =	simm.s32 $0x1  }
0x2: {  	[smem:$0x3F90] =	sst lr;
	_ =	strace $0xD0000000  }
0x3: {  	_ = 	snop  }
0x4: {  	_ = 	snop  }
0x5: {  	_ = 	snop  }
0x6: {  	_ = 	snop  }
0x7: {  	_ = 	snop  }
__scs_overlays_trampoline_lowered:
0x8: {  	[smem:$0x3F9F] =	sst s0  }
0x9: {  	[smem:$0x3FA0] =	sst s1  }
0xa: {  	[smem:$0x3FA1] =	sst s2  }
0xb: {  	[smem:$0x3FA2] =	sst s3  }
0xc: {  	[smem:$0x3FA3] =	sst s4  }
0xd: {  	[smem:$0x3FA4] =	sst s5  }
0xe: {  	[smem:$0x3FA5] =	sst s6  }
0xf: {  	[smem:$0x3FA6] =	sst s7  }
0x10: {  	[smem:$0x3FA7] =	sst s8  }
0x11: {  	[smem:$0x3FA8] =	sst s9;
	s0 =	simm.s32 @!p0 $0x0  }
0x12: {  	s1 =	sld [smem:$0x3F8E];
	s0 =	simm.s32 @p0 $0x1  }
0x13: {  	[smem:$0x3FA9] =	sst s0;
	s0 =	simm.s32 @!p1 $0x0  }
0x14: {  	s2 =	sld [smem:$0x3F8D];
	s0 =	simm.s32 @p1 $0x1  }
0x15: {  	[smem:$0x3FAA] =	sst s0;
	s0 =	simm.s32 @!p2 $0x0  }
0x16: {  	s3 =	sld [smem:$0x3FDB];
	s0 =	simm.s32 @p2 $0x1  }
0x17: {  	s4 =	simm.s32 $0x1BF5;
	[smem:$0x3FAC] =	sst s0  }
0x18: {  	s0 =	sld [smem:$0x3F8F];
	_ =	swait.ge [sflag:s4], $0x0  }
0x19: {  	s7 =	sld [smem:$0x3F90]  }
0x1a: {  	s8 =	sadd.s32 $0xFFFFE003, lr  }
0x1b: {  	s9 =	sadd.s32 $0xFFFFFEF7, lr;
	s5 =	simm.s32 $0xFFFFFFFF;
	p2 =	slt.u32 s8, $0xFFFFF086  }
0x1c: {  	p1 =	slt.u32 s9, $0xF7A;
	s5 =	simm.s32 @!p2 $0x0  }
0x1d: {  	s5 =	simm.s32 @p1 $0x1;
	p0 =	seq.s32 s7, s2  }
0x1e: {  	s7 =	smul.u32 @!p0 $0xF7A, s2;
	p2 =	seq.s32 @!p0 s5, $0x0  }
0x1f: {  	s9 =	smul.u32 $0xF7A, s1;
	s8 =	simm.s32 @!p0 $0x1BF5;
	p2 =	por !p2, p0  }
0x20: {  	[sflag:s8] =	ssyncset.s32 @!p0 $0xFFFFF086;
	s6 =	sadd.s32 @!p0 s3, s7;
	s7 =	simm.s32 @!p0 $0x108  }
0x21: {  	s3 =	sadd.s32 s3, s9;
	s6 =	sadd.s32 @!p0 $0x88, s6;
	s7 =	simm.s32 @p2 $0x1082  }
0x22: {  	[simem:s7], [sflag:s8] =	dma.local @!p0 [hbm:s6], $0xF7A  }
0x23: {  	s9 =	sor.u32 $0xD0000000, s2;
	s6 =	simm.s32 $0x108;
	_ =	swait.ge @!p0 [sflag:s8], $0x0  }
0x24: {  	s3 =	sadd.s32 $0x88, s3;
	s6 =	simm.s32 @!p1 $0x1082;
	[sflag:s4] =	ssyncset.s32 $0xFFFFF086  }
0x25: {  	[simem:s6], [sflag:s4] =	dma.local [hbm:s3], $0xF7A  }
0x26: {  	[smem:$0x3F90] =	sst s1;
	(tag) =	ssettag s2;
	_ =	strace s9  }
0x27: {  	s1 =	sld [smem:$0x3FA0]  }
0x28: {  	s2 =	sld [smem:$0x3FA1]  }
0x29: {  	s4 =	sld [smem:$0x3FA3]  }
0x2a: {  	p0 =	seq.s32 s5, $0x0;
	s5 =	sld [smem:$0x3FA4]  }
0x2b: {  	s6 =	sld [smem:$0x3FA5]  }
0x2c: {  	s7 =	sld [smem:$0x3FA6]  }
0x2d: {  	s3 =	simm.s32 $0x108;
	s8 =	sld [smem:$0x3FA7]  }
0x2e: {  	s3 =	simm.s32 @!p0 $0x1082;
	s9 =	sld [smem:$0x3FA8]  }
0x2f: {  	lr =	sadd.s32 s0, s3;
	s0 =	sld [smem:$0x3F9F]  }
0x30: {  	s3 =	sld [smem:$0x3FA2]  }
0x31: {  	[smem:$0x3FAB] =	sst s10  }
0x32: {  	s10 =	sld [smem:$0x3FA9];
	_ =	sdelay $0x3  }
0x33: {  	p0 =	seq.s32 s10, $0x1;
	s10 =	sld [smem:$0x3FAB];
	_ =	sdelay $0x3  }
0x34: {  	[smem:$0x3FAB] =	sst s10  }
0x35: {  	s10 =	sld [smem:$0x3FAA];
	_ =	sdelay $0x3  }
0x36: {  	p1 =	seq.s32 s10, $0x1;
	s10 =	sld [smem:$0x3FAB];
	_ =	sdelay $0x3  }
0x37: {  	[smem:$0x3FAB] =	sst s10  }
0x38: {  	s10 =	sld [smem:$0x3FAC]  }
0x39: {  	_ = 	snop;
	(pc) =	sbr.ind lr, $3  }
0x3a: {  	_ = 	snop  }
0x3b: {  	_ = 	snop  }
0x3c: {  	p2 =	seq.s32 s10, $0x1;
	s10 =	sld [smem:$0x3FAB]  }
0x3d: {  	_ =	shalt  }
0x3e: {  	_ =	shalt  }
0x3f: {  	_ =	shalt  }
0x40: {  	_ =	shalt  }
0x41: {  	_ =	shalt  }
0x42: {  	_ =	shalt  }
0x43: {  	_ =	shalt  }
0x44: {  	_ =	shalt  }
0x45: {  	_ =	shalt  }
0x46: {  	_ =	shalt  }
0x47: {  	_ =	shalt  }
0x48: {  	_ =	shalt  }
0x49: {  	_ =	shalt  }
0x4a: {  	_ =	shalt  }
0x4b: {  	_ =	shalt  }
0x4c: {  	_ =	shalt  }
0x4d: {  	_ =	shalt  }
0x4e: {  	_ =	shalt  }
0x4f: {  	_ =	shalt  }
0x50: {  	_ =	shalt  }
0x51: {  	_ =	shalt  }
0x52: {  	_ =	shalt  }
0x53: {  	_ =	shalt  }
0x54: {  	_ =	shalt  }
0x55: {  	_ =	shalt  }
0x56: {  	_ =	shalt  }
0x57: {  	_ =	shalt  }
0x58: {  	_ =	shalt  }
0x59: {  	_ =	shalt  }
0x5a: {  	_ =	shalt  }
0x5b: {  	_ =	shalt  }
0x5c: {  	_ =	shalt  }
0x5d: {  	_ =	shalt  }
0x5e: {  	_ =	shalt  }
0x5f: {  	_ =	shalt  }
0x60: {  	_ =	shalt  }
0x61: {  	_ =	shalt  }
0x62: {  	_ =	shalt  }
0x63: {  	_ =	shalt  }
0x64: {  	_ =	shalt  }
0x65: {  	_ =	shalt  }
0x66: {  	_ =	shalt  }
0x67: {  	_ =	shalt  }
0x68: {  	_ =	shalt  }
0x69: {  	_ =	shalt  }
0x6a: {  	_ =	shalt  }
0x6b: {  	_ =	shalt  }
0x6c: {  	_ =	shalt  }
0x6d: {  	_ =	shalt  }
0x6e: {  	_ =	shalt  }
0x6f: {  	_ =	shalt  }
0x70: {  	_ =	shalt  }
0x71: {  	_ =	shalt  }
0x72: {  	_ =	shalt  }
0x73: {  	_ =	shalt  }
0x74: {  	_ =	shalt  }
0x75: {  	_ =	shalt  }
0x76: {  	_ =	shalt  }
0x77: {  	_ =	shalt  }
0x78: {  	_ =	shalt  }
0x79: {  	_ =	shalt  }
0x7a: {  	_ =	shalt  }
0x7b: {  	_ =	shalt  }
0x7c: {  	_ =	shalt  }
0x7d: {  	_ =	shalt  }
0x7e: {  	_ =	shalt  }
0x7f: {  	_ =	shalt  }
0x80: {  	_ =	shalt  }
0x81: {  	_ =	shalt  }
0x82: {  	_ =	shalt  }
0x83: {  	_ =	shalt  }
0x84: {  	_ =	shalt  }
0x85: {  	_ =	shalt  }
0x86: {  	_ =	shalt  }
0x87: {  	_ =	shalt  }
.Lfunc_end0:
.L_simem_size_0:
called_computation_lowered:
.L_overlay_start_0:
0x88: {  	s2 =	sld [smem:$0x3FD9]  }
0x89: {  	s3 =	sld [smem:$0x3FFE];
	_ =	sdelay $0x1  }
0x8a: {  	s1 =	srdreg.scid  }
0x8b: {  	s0 =	sand.u32 $0x1, s1  }
0x8c: {  	s16 =	sshll.u32 s0, $0xA;
	s2 =	sadd.s32 s3, s2  }
0x8d: {  	s2 =	sadd.s32 s2, s16  }
0x8e: {  	[smem:$0x3FB7] =	sst s2  }
0x8f: {  	_ = 	snop  }
0x90: {  	(tm) =	ssettm $0x1  }
0x91: {  	s17 =	sld [smem:$0x3FFB];
	_ =	sdelay $0x3  }
0x92: {  	_ =	strace s17  }
0x93: {  	s2 =	sld [smem:$0x3FFC];
	_ =	sdelay $0x3  }
0x94: {  	_ =	strace s2  }
0x95: {  	s2 =	sld [smem:$0x3FFD];
	_ =	sdelay $0x3  }
0x96: {  	_ =	strace s2  }
0x97: {  	_ =	strace $0x8FFFFFFF  }
0x98: {  	s18 =	sld [smem:$0x3FDB];
	_ =	sdelay $0x1  }
0x99: {  	s19 =	simm.s32 $_scs_section_size  }
0x9a: {  	s4 =	simm.s32 $_size__tile_overlayer_lowered;
	s5 =	simm.s32 $_tile_overlayer_lowered  }
0x9b: {  	s22 =	simm.s32 $0x1BFF;
	s21 =	sshll.u32 s5, $0x1;
	s2 =	sadd.s32 s19, s18  }
0x9c: {  	s6 =	simm.s32 $0x0;
	s20 =	sshll.u32 s4, $0x1;
	s4 =	sadd.s32 s21, s2  }
0x9d: {  	[timem:s6], [sflag:s22] =	dma.local [hbm:s4], s20  }
0x9e: {  	_ =	swait.ge [sflag:s22], s20  }
0x9f: {  	s3 =	ssub.s32 $0x0, s20;
	[sflag:s22] =	ssyncset.done $0x0  }
0xa0: {  	[sflag:s22] =	ssyncadd.s32 s3;
	_ =	sdelay $0x1  }
0xa1: {  	s23 =	simm.s32 $0x1B8B  }
0xa2: {  	_ =	swait.ge [sflag:s23], $0x1  }
0xa3: {  	[sflag:s23] =	ssyncset.done $0x0  }
0xa4: {  	s25 =	simm.s32 $0x1B8E;
	s24 =	sld [smem:$0x3FFE];
	[sflag:s23] =	ssyncadd.s32 $0xFFFFFFFF  }
0xa5: {  	s26 =	simm.s32 $execute0_lowered;
	[smem:$0x3FD2] =	sst s25  }
0xa6: {  	s4 =	sshll.u32 s26, $0x1;
	_ =	strace $0x80000046;
	[dreg:$0x1] =	wrdreg $0xFFFFFFFF  }
0xa7: {  	s28 =	simm.s32 $_size_execute0_lowered;
	s2 =	sadd.s32 s2, s4;
	[dreg:$0x0] =	wrdreg $0x0  }
0xa8: {  	s4 =	sshll.u32 s28, $0x1;
	[dreg:$0x2] =	wrdreg s2  }
0xa9: {  	[dreg:$0x3] =	wrdreg s4  }
0xaa: {  	[dreg:$0x4] =	wrdreg $0xC0  }
0xab: {  	_ =	task [dreg:s6], $0x5FFFF  }
0xac: {  	[dreg:$0x1] =	wrdreg $0xFFFFFFFF  }
0xad: {  	[dreg:$0x0] =	wrdreg $0x60  }
0xae: {  	[dreg:$0x2] =	wrdreg s24  }
0xaf: {  	[dreg:$0x3] =	wrdreg $0x84800  }
0xb0: {  	[dreg:$0x4] =	wrdreg $0x9  }
0xb1: {  	_ =	task.clear_ibuf [dreg:s6], $0x5FFFF;
	_ =	strace $0x90000046  }
0xb2: {  	s29 =	simm.s32 $0x9;
	_ =	strace $0x80000048  }
0xb3: {  	_ =	swait.ge [sflag:s29], $0x1  }
0xb4: {  	[sflag:s29] =	ssyncadd.s32 $0xFFFFFFFF  }
0xb5: {  	_ =	strace $0x90000048  }
0xb6: {  	_ =	sfence  }
0xb7: {  	s30 =	sld [smem:$0x0];
	_ =	sdelay $0x2  }
0xb8: {  	s31 =	sshll.u32 s1, $0xD;
	s1 =	sshrl.u32 s1, $0x2  }
0xb9: {  	s3 =	sand.u32 $0x4000, s31;
	s1 =	sadd.s32 s1, s30  }
0xba: {  	s0 =	sor.u32 s3, s0;
	s1 =	sshll.u32 s1, $0x11  }
0xbb: {  	s0 =	sor.u32 s1, s0  }
0xbc: {  	s0 =	sadd.s32 $0x8F2B, s0  }
0xbd: {  	[sflag:s0] =	ssyncadd.remote.s32 $0x1  }
0xbe: {  	_ =	sfence.sel $0xFFFF  }
0xbf: {  	[dreg:$0x0] =	wrdreg $0xFFFFFFFF;
	(pc) =	sbr.abs _section_cstart, $3  }
0xc0: {  	[dreg:$0x1] =	wrdreg $0xFFFFFFFF  }
0xc1: {  	_ =	task.clear_ibuf [dreg:s6], $0x2FFFF;
	_ =	strace $0x9FFFFFFF  }
0xc2: {  	(tm) =	ssettm $0x7FFFFFFF  }
0xc3: {  	_ =	shalt  }
tec
execute0_lowered:
.L_overlay_start_1:
0x0: {  	(tag) =	ssettag $0x1  }
0x1: {  	s0 =	rddreg [dreg:$0x0]  }
0x2: {  	s1 =	rddreg [dreg:$0x1];
	s2 =	srdreg.scid  }
0x3: {  	s3 =	simm.s32 $0x0;
	s6 =	stileid.u32;
	s2 =	sand.u32 $0x1, s2  }
0x4: {  	[smem:$0x7FF] =	sst s3;
	s7 =	sadd.s32 $0xDE00, s0;
	s8 =	sadd.s32 $0x18400, s0  }
0x5: {  	s24 =	sshll.u32 s6, $0xE;
	s28 =	sshll.u32 s6, $0x6;
	s31 =	smul.u32 $0x2710, s6  }
0x6: {  	p0 =	sgt.u32 s6, $0xD;
	s4 =	sshll.u32 s2, $0x4;
	_ =	strace $0x80000047  }
0x7: {  	[dreg:$0x3] =	wrdreg s8;
	s23 =	ssub.s32 $0x2, s2;
	s26 =	sadd.s32 s24, s1  }
0x8: {  	s10 =	sor.u32 $0x40000, s24;
	s11 =	smul.u32 $0x138800, s2;
	s29 =	sor.u32 $0x80000, s24  }
0x9: {  	s30 =	sor.u32 $0xC0000, s24;
	s2 =	smul.u32 $0x27100, s2;
	p2 =	sne.s32 @p0 s6, $0xF  }
0xa: {  	s4 =	sor.u32 s6, s4;
	s9 =	sshrl.u32 s23, $0x1;
	[dreg:$0x6] =	wrdreg s26  }
0xb: {  	s12 =	sadd.s32 s10, s1;
	s13 =	sadd.s32 s29, s1;
	s16 =	sadd.s32 s30, s1  }
0xc: {  	p1 =	por p2, !p0;
	p2 =	por !p2, !p0;
	s5 =	smul.u32 $0x2710, s4  }
0xd: {  	s4 =	sadd.s32 $0x17C00, s0;
	s0 =	sadd.s32 $0x19400, s0;
	[dreg:$0x7] =	wrdreg s12  }
0xe: {  	s8 =	ssub.s32 s23, s9;
	s9 =	sor.u32 $0x1C09, s28;
	[dreg:$0x8] =	wrdreg s13  }
0xf: {  	s14 =	sadd.s32 s24, s11;
	[dreg:$0x9] =	wrdreg s16;
	s10 =	sadd.s32 s11, s10  }
0x10: {  	s12 =	sadd.s32 s11, s29;
	s17 =	sadd.s32 s11, s30;
	s2 =	sadd.s32 s31, s2  }
0x11: {  	s13 =	simm.s32 $0x5;
	s14 =	sshrl.u32 s14, $0x3;
	s10 =	sshrl.u32 s10, $0x3  }
0x12: {  	s16 =	sshrl.u32 s12, $0x3;
	s18 =	sshrl.u32 s17, $0x3;
	s20 =	sadd.s32 $0x900, s2  }
0x13: {  	s21 =	sadd.s32 $0x800, s2;
	s22 =	sadd.s32 $0x700, s2;
	s2 =	sadd.s32 $0x600, s2  }
0x14: {  	s17 =	simm.s32 $0x7;
	s5 =	sshrl.u32 s5, $0x3;
	s14 =	sadd.s32 s0, s14  }
0x15: {  	s10 =	sadd.s32 s0, s10;
	s12 =	sshrl.u32 s20, $0x3;
	[dreg:$0xa] =	wrdreg s14  }
0x16: {  	s15 =	sadd.s32 s7, s5;
	[dreg:$0xb] =	wrdreg s10;
	s10 =	sadd.s32 s0, s16  }
0x17: {  	s5 =	sor.u32 $0x100000, s24;
	s24 =	smax.u32 s8, $0x1;
	[dreg:$0xc] =	wrdreg s10  }
0x18: {  	s2 =	sshrl.u32 s2, $0x3;
	s8 =	simm.s32 $0x200;
	[dreg:$0x11] =	wrdreg s24  }
0x19: {  	s14 =	simm.s32 $0x6;
	s25 =	sadd.s32 $0x20, s15;
	[dreg:$0x4] =	wrdreg s15  }
0x1a: {  	s16 =	simm.s32 $0x4;
	s10 =	sadd.s32 s0, s18;
	[dreg:$0x5] =	wrdreg s25  }
0x1b: {  	s19 =	sadd.s32 s11, s5;
	s23 =	sadd.s32 s5, s1;
	[dreg:$0xd] =	wrdreg s10  }
0x1c: {  	s11 =	sshrl.u32 s11, $0x3;
	s26 =	sadd.s32 $0x4E0, s15;
	[dreg:$0xf] =	wrdreg s23  }
0x1d: {  	s18 =	sadd.s32 s12, s7;
	s28 =	sadd.s32 $0x40, s15;
	[dreg:$0x13] =	wrdreg s26  }
0x1e: {  	s29 =	sadd.s32 $0x60, s15;
	s30 =	sadd.s32 $0x80, s15;
	[dreg:$0x14] =	wrdreg s28  }
0x1f: {  	s31 =	sadd.s32 $0xA0, s15;
	s5 =	simm.s32 $0x9;
	[dreg:$0x15] =	wrdreg s29  }
0x20: {  	s12 =	simm.s32 $0x2;
	s10 =	sshrl.u32 s19, $0x3;
	[dreg:$0x16] =	wrdreg s30  }
0x21: {  	s25 =	sadd.s32 $0x4C0, s15;
	[dreg:$0x17] =	wrdreg s31;
	s15 =	simm.s32 $0x3  }
0x22: {  	s23 =	simm.s32 $0x8;
	s10 =	sadd.s32 s0, s10;
	s0 =	sadd.s32 s0, s11  }
0x23: {  	s11 =	sshrl.u32 s22, $0x3;
	s22 =	sadd.s32 $0x138000, s1;
	[dreg:$0x12] =	wrdreg s25  }
0x24: {  	s25 =	simm.s32 $0x0;
	[dreg:$0xe] =	wrdreg s10;
	s10 =	sshrl.u32 s21, $0x3  }
0x25: {  	s20 =	sadd.s32 s11, s7;
	s21 =	sadd.s32 s2, s7;
	s0 =	sadd.s32 $0x27000, s0  }
0x26: {  	s2 =	simm.s32 $0x100;
	s11 =	simm.s32 $0x1;
	s19 =	sadd.s32 s10, s7  }
0x27: {  	[dreg:$0x10] =	wrdreg s0;
	s7 =	simm.s32 $0x480;
	s10 =	simm.s32 $0x300  }
.LBB2_1:
0x28: {  	s0 =	rddreg [dreg:$0x4]  }
0x29: {  	s26 =	rddreg [dreg:$0x6]  }
0x2a: {  	[tilespmem:s3], [sflag:$0x1] =	stream.linear.gather [hbm4b:s0+s3], $0x100, $0x38;
	[tilespmem:$0x1BD00] =	vst v63  }
0x2b: {  	s24 =	rddreg [dreg:$0x5];
	s26 =	sshrl.u32 s26, $0x3  }
0x2c: {  	[tilespmem:s2], [sflag:$0x2] =	stream.linear.gather [hbm4b:s24+s3], $0x100, $0x38;
	[tilespmem:$0x1BD00] =	vst v63  }
0x2d: {  	[spmem:s26], [sflag:s9] =	dma.local [hbm:s4], $0x800  }
0x2e: {  	_ =	swait.ge [sflag:s5], $0x800  }
0x2f: {  	[sflag:s5] =	ssyncset.done $0x0;
	s6 =	rddreg [dreg:$0x7]  }
0x30: {  	[sflag:s5] =	ssyncadd.s32 $0xFFFFF800;
	s28 =	sshrl.u32 s6, $0x3  }
0x31: {  	[spmem:s28], [sflag:s9] =	dma.local [hbm:s4], $0x800  }
0x32: {  	_ =	swait.ge [sflag:s5], $0x800  }
0x33: {  	[sflag:s5] =	ssyncset.done $0x0;
	s24 =	rddreg [dreg:$0x8]  }
0x34: {  	[sflag:s5] =	ssyncadd.s32 $0xFFFFF800;
	s29 =	sshrl.u32 s24, $0x3  }
0x35: {  	[spmem:s29], [sflag:s9] =	dma.local [hbm:s4], $0x800  }
0x36: {  	_ =	swait.ge [sflag:s5], $0x800  }
0x37: {  	[sflag:s5] =	ssyncset.done $0x0;
	s6 =	rddreg [dreg:$0x9]  }
0x38: {  	[sflag:s5] =	ssyncadd.s32 $0xFFFFF800;
	s30 =	sshrl.u32 s6, $0x3  }
0x39: {  	[spmem:s30], [sflag:s9] =	dma.local [hbm:s4], $0x800  }
0x3a: {  	_ =	swait.ge [sflag:s5], $0x800  }
0x3b: {  	[sflag:s5] =	ssyncset.done $0x0  }
0x3c: {  	s0 =	sshrl.u32 @!p1 s22, $0x3;
	[sflag:s5] =	ssyncadd.s32 $0xFFFFF800  }
0x3d: {  	[spmem:s0], [sflag:s9] =	dma.local @!p1 [hbm:s4], $0x100  }
0x3e: {  	s0 =	simm.s32 @!p1 $0x9  }
0x3f: {  	_ =	swait.ge @!p1 [sflag:s0], $0x100  }
0x40: {  	[sflag:s0] =	ssyncset.done @!p1 $0x0  }
0x41: {  	[sflag:s0] =	ssyncadd.s32 @!p1 $0xFFFFFF00;
	s0 =	rddreg [dreg:$0xf]  }
0x42: {  	s31 =	sshrl.u32 @!p0 s0, $0x3;
	s0 =	simm.s32 @!p0 $0x9  }
0x43: {  	[spmem:s31], [sflag:s9] =	dma.local @!p0 [hbm:s4], $0x800  }
0x44: {  	_ =	swait.ge @!p0 [sflag:s0], $0x800  }
0x45: {  	[sflag:s0] =	ssyncset.done @!p0 $0x0  }
0x46: {  	s24 =	rddreg [dreg:$0x3];
	[sflag:s0] =	ssyncadd.s32 @!p0 $0xFFFFF800  }
0x47: {  	[tilespmem:s7], [sflag:$0x9] =	stream.linear.gather [hbm4b:s24+s3], $0x8000, $0x38;
	[tilespmem:$0x1BD00] =	vst v63  }
0x48: {  	_ =	swait.ge [sflag:s5], $0x8000  }
0x49: {  	[sflag:s5] =	ssyncset.done $0x0  }
0x4a: {  	[sflag:s5] =	ssyncadd.s32 $0xFFFF8000  }
0x4b: {  	[bflag:$0x0] =	sbarrier.arrive $0xFFFF  }
0x4c: {  	s6 =	rddreg [dreg:$0x14]  }
0x4d: {  	[tilespmem:s8], [sflag:$0x3] =	stream.linear.gather [hbm4b:s6+s3], $0x100, $0x38;
	[tilespmem:$0x1BD00] =	vst v63  }
0x4e: {  	s24 =	rddreg [dreg:$0x15]  }
0x4f: {  	[tilespmem:s10], [sflag:$0x4] =	stream.linear.gather [hbm4b:s24+s3], $0x100, $0x38;
	[tilespmem:$0x1BD00] =	vst v63  }
0x50: {  	_ =	swait.ge [sflag:s11], $0x100  }
0x51: {  	[sflag:s11] =	ssyncset.done $0x0  }
0x52: {  	[sflag:s11] =	ssyncadd.s32 $0xFFFFFF00  }
0x53: {  	[spmem:s1] =	stream.indirect.scatter.add.f32 [tilespmem:s7], [sflag:$0x5], $0x80, s3, s2, $0xb8;
	[tilespmem:$0x1BD00] =	vst v63  }
0x54: {  	_ =	swait.ge [sflag:s12], $0x100  }
0x55: {  	[sflag:s12] =	ssyncset.done $0x0  }
0x56: {  	[sflag:s12] =	ssyncadd.s32 $0xFFFFFF00  }
0x57: {  	[spmem:s1] =	stream.indirect.scatter.add.f32 [tilespmem:s7], [sflag:$0x6], $0x80, s2, s2, $0xb8;
	[tilespmem:$0x1BD00] =	vst v63  }
0x58: {  	_ =	swait.ge [sflag:s13], $0x8000  }
0x59: {  	[sflag:s13] =	ssyncset.done $0x0  }
0x5a: {  	[sflag:s13] =	ssyncadd.s32 $0xFFFF8000  }
0x5b: {  	_ =	swait.ge [sflag:s14], $0x8000  }
0x5c: {  	[sflag:s14] =	ssyncset.done $0x0  }
0x5d: {  	s6 =	rddreg [dreg:$0x16];
	[sflag:s14] =	ssyncadd.s32 $0xFFFF8000  }
0x5e: {  	[tilespmem:s3], [sflag:$0x1] =	stream.linear.gather [hbm4b:s6+s3], $0x100, $0x38;
	[tilespmem:$0x1BD00] =	vst v63  }
0x5f: {  	s24 =	rddreg [dreg:$0x17]  }
0x60: {  	[tilespmem:s2], [sflag:$0x2] =	stream.linear.gather [hbm4b:s24+s3], $0x100, $0x38;
	[tilespmem:$0x1BD00] =	vst v63  }
0x61: {  	_ =	swait.ge [sflag:s15], $0x100  }
0x62: {  	[sflag:s15] =	ssyncset.done $0x0  }
0x63: {  	[sflag:s15] =	ssyncadd.s32 $0xFFFFFF00  }
0x64: {  	[spmem:s1] =	stream.indirect.scatter.add.f32 [tilespmem:s7], [sflag:$0x7], $0x80, s8, s2, $0xb8;
	[tilespmem:$0x1BD00] =	vst v63  }
0x65: {  	_ =	swait.ge [sflag:s16], $0x100  }
0x66: {  	[sflag:s16] =	ssyncset.done $0x0  }
0x67: {  	[sflag:s16] =	ssyncadd.s32 $0xFFFFFF00  }
0x68: {  	[spmem:s1] =	stream.indirect.scatter.add.f32 [tilespmem:s7], [sflag:$0x8], $0x80, s10, s2, $0xb8;
	[tilespmem:$0x1BD00] =	vst v63  }
0x69: {  	_ =	swait.ge [sflag:s17], $0x8000  }
0x6a: {  	[sflag:s17] =	ssyncset.done $0x0  }
0x6b: {  	[sflag:s17] =	ssyncadd.s32 $0xFFFF8000  }
0x6c: {  	_ =	swait.ge [sflag:s23], $0x8000  }
0x6d: {  	[sflag:s23] =	ssyncset.done $0x0  }
0x6e: {  	s6 =	sadd.s32 $0x0, s21;
	[sflag:s23] =	ssyncadd.s32 $0xFFFF8000  }
0x6f: {  	[tilespmem:s8], [sflag:$0x3] =	stream.linear.gather [hbm4b:s6+s3], $0x100, $0x38;
	[tilespmem:$0x1BD00] =	vst v63  }
0x70: {  	s24 =	sadd.s32 $0x0, s20  }
0x71: {  	[tilespmem:s10], [sflag:$0x4] =	stream.linear.gather [hbm4b:s24+s3], $0x100, $0x38;
	[tilespmem:$0x1BD00] =	vst v63  }
0x72: {  	_ =	swait.ge [sflag:s11], $0x100  }
0x73: {  	[sflag:s11] =	ssyncset.done $0x0  }
0x74: {  	[sflag:s11] =	ssyncadd.s32 $0xFFFFFF00  }
0x75: {  	[spmem:s1] =	stream.indirect.scatter.add.f32 [tilespmem:s7], [sflag:$0x5], $0x80, s3, s2, $0xb8;
	[tilespmem:$0x1BD00] =	vst v63  }
0x76: {  	_ =	swait.ge [sflag:s12], $0x100  }
0x77: {  	[sflag:s12] =	ssyncset.done $0x0  }
0x78: {  	[sflag:s12] =	ssyncadd.s32 $0xFFFFFF00  }
0x79: {  	[spmem:s1] =	stream.indirect.scatter.add.f32 [tilespmem:s7], [sflag:$0x6], $0x80, s2, s2, $0xb8;
	[tilespmem:$0x1BD00] =	vst v63  }
0x7a: {  	_ =	swait.ge [sflag:s13], $0x8000  }
0x7b: {  	[sflag:s13] =	ssyncset.done $0x0  }
0x7c: {  	[sflag:s13] =	ssyncadd.s32 $0xFFFF8000  }
0x7d: {  	_ =	swait.ge [sflag:s14], $0x8000  }
0x7e: {  	[sflag:s14] =	ssyncset.done $0x0  }
0x7f: {  	s6 =	sadd.s32 $0x0, s19;
	[sflag:s14] =	ssyncadd.s32 $0xFFFF8000  }
0x80: {  	[tilespmem:s3], [sflag:$0x1] =	stream.linear.gather [hbm4b:s6+s3], $0x100, $0x38;
	[tilespmem:$0x1BD00] =	vst v63  }
0x81: {  	s24 =	sadd.s32 $0x0, s18  }
0x82: {  	[tilespmem:s2], [sflag:$0x2] =	stream.linear.gather [hbm4b:s24+s3], $0x100, $0x38;
	[tilespmem:$0x1BD00] =	vst v63  }
0x83: {  	_ =	swait.ge [sflag:s15], $0x100  }
0x84: {  	[sflag:s15] =	ssyncset.done $0x0  }
0x85: {  	[sflag:s15] =	ssyncadd.s32 $0xFFFFFF00  }
0x86: {  	[spmem:s1] =	stream.indirect.scatter.add.f32 [tilespmem:s7], [sflag:$0x7], $0x80, s8, s2, $0xb8;
	[tilespmem:$0x1BD00] =	vst v63  }
0x87: {  	p4 =	por @p0 $0x0, $0x0;
	p3 =	por @!p1 $0x1, $0x1;
	_ =	swait.ge [sflag:s16], $0x100  }
0x88: {  	p3 =	por @!p2 p4, p4;
	p4 =	por @!p0 $0x0, $0x0;
	[sflag:s16] =	ssyncset.done $0x0  }
0x89: {  	p3 =	por @!p0 p4, p4;
	s0 =	simm.s32 $0x80;
	[sflag:s16] =	ssyncadd.s32 $0xFFFFFF00  }
.LBB2_2:
0x8a: {  	[spmem:s1] =	stream.indirect.scatter.add.f32 [tilespmem:s7], [sflag:$0x8], $0x80, s10, s2, $0xb8;
	[tilespmem:$0x1BD00] =	vst v63  }
0x8b: {  	s6 =	smov.u32 s0  }
0x8c: {  	p4 =	sne.s32 s0, $0x380;
	s0 =	sadd.s32 $0x80, s0;
	_ =	swait.ge [sflag:s17], $0x8000  }
0x8d: {  	[sflag:s17] =	ssyncset.done $0x0  }
0x8e: {  	[sflag:s17] =	ssyncadd.s32 $0xFFFF8000  }
0x8f: {  	_ =	swait.ge [sflag:s23], $0x8000  }
0x90: {  	[sflag:s23] =	ssyncset.done $0x0  }
0x91: {  	s24 =	sadd.s32 s6, s21;
	[sflag:s23] =	ssyncadd.s32 $0xFFFF8000  }
0x92: {  	[tilespmem:s8], [sflag:$0x3] =	stream.linear.gather [hbm4b:s24+s3], $0x100, $0x38;
	[tilespmem:$0x1BD00] =	vst v63  }
0x93: {  	s24 =	sadd.s32 s6, s20  }
0x94: {  	[tilespmem:s10], [sflag:$0x4] =	stream.linear.gather [hbm4b:s24+s3], $0x100, $0x38;
	[tilespmem:$0x1BD00] =	vst v63  }
0x95: {  	_ =	swait.ge [sflag:s11], $0x100  }
0x96: {  	[sflag:s11] =	ssyncset.done $0x0  }
0x97: {  	[sflag:s11] =	ssyncadd.s32 $0xFFFFFF00  }
0x98: {  	[spmem:s1] =	stream.indirect.scatter.add.f32 [tilespmem:s7], [sflag:$0x5], $0x80, s3, s2, $0xb8;
	[tilespmem:$0x1BD00] =	vst v63  }
0x99: {  	_ =	swait.ge [sflag:s12], $0x100  }
0x9a: {  	[sflag:s12] =	ssyncset.done $0x0  }
0x9b: {  	[sflag:s12] =	ssyncadd.s32 $0xFFFFFF00  }
0x9c: {  	[spmem:s1] =	stream.indirect.scatter.add.f32 [tilespmem:s7], [sflag:$0x6], $0x80, s2, s2, $0xb8;
	[tilespmem:$0x1BD00] =	vst v63  }
0x9d: {  	_ =	swait.ge [sflag:s13], $0x8000  }
0x9e: {  	[sflag:s13] =	ssyncset.done $0x0  }
0x9f: {  	[sflag:s13] =	ssyncadd.s32 $0xFFFF8000  }
0xa0: {  	_ =	swait.ge [sflag:s14], $0x8000  }
0xa1: {  	[sflag:s14] =	ssyncset.done $0x0  }
0xa2: {  	s24 =	sadd.s32 s6, s19;
	[sflag:s14] =	ssyncadd.s32 $0xFFFF8000  }
0xa3: {  	[tilespmem:s3], [sflag:$0x1] =	stream.linear.gather [hbm4b:s24+s3], $0x100, $0x38;
	[tilespmem:$0x1BD00] =	vst v63  }
0xa4: {  	s6 =	sadd.s32 s6, s18  }
0xa5: {  	[tilespmem:s2], [sflag:$0x2] =	stream.linear.gather [hbm4b:s6+s3], $0x100, $0x38;
	[tilespmem:$0x1BD00] =	vst v63  }
0xa6: {  	_ =	swait.ge [sflag:s15], $0x100  }
0xa7: {  	[sflag:s15] =	ssyncset.done $0x0  }
.Ltmp0:
0xa8: {  	[sflag:s15] =	ssyncadd.s32 $0xFFFFFF00;
	(pc) =	sbr.rel @p4 .LBB2_2-.Ltmp0, $4  }
0xa9: {  	[spmem:s1] =	stream.indirect.scatter.add.f32 [tilespmem:s7], [sflag:$0x7], $0x80, s8, s2, $0xb8;
	[tilespmem:$0x1BD00] =	vst v63  }
0xaa: {  	_ =	swait.ge [sflag:s16], $0x100  }
0xab: {  	[sflag:s16] =	ssyncset.done $0x0  }
0xac: {  	[sflag:s16] =	ssyncadd.s32 $0xFFFFFF00  }
0xad: {  	[spmem:s1] =	stream.indirect.scatter.add.f32 [tilespmem:s7], [sflag:$0x8], $0x80, s10, s2, $0xb8;
	[tilespmem:$0x1BD00] =	vst v63  }
0xae: {  	_ =	swait.ge [sflag:s17], $0x8000  }
0xaf: {  	[sflag:s17] =	ssyncset.done $0x0  }
0xb0: {  	[sflag:s17] =	ssyncadd.s32 $0xFFFF8000  }
0xb1: {  	_ =	swait.ge [sflag:s23], $0x8000  }
0xb2: {  	[sflag:s23] =	ssyncset.done $0x0  }
0xb3: {  	[sflag:s23] =	ssyncadd.s32 $0xFFFF8000  }
0xb4: {  	_ =	swait.ge [sflag:s11], $0x100  }
0xb5: {  	[sflag:s11] =	ssyncset.done $0x0  }
0xb6: {  	[sflag:s11] =	ssyncadd.s32 $0xFFFFFF00  }
0xb7: {  	[spmem:s1] =	stream.indirect.scatter.add.f32 [tilespmem:s7], [sflag:$0x5], $0x80, s3, s2, $0xb8;
	[tilespmem:$0x1BD00] =	vst v63  }
0xb8: {  	_ =	swait.ge [sflag:s12], $0x100  }
0xb9: {  	[sflag:s12] =	ssyncset.done $0x0  }
0xba: {  	[sflag:s12] =	ssyncadd.s32 $0xFFFFFF00  }
0xbb: {  	[spmem:s1] =	stream.indirect.scatter.add.f32 [tilespmem:s7], [sflag:$0x6], $0x80, s2, s2, $0xb8;
	[tilespmem:$0x1BD00] =	vst v63  }
0xbc: {  	s0 =	rddreg [dreg:$0x12]  }
0xbd: {  	[tilespmem:s8], [sflag:$0x9] =	stream.linear.gather [hbm4b:s0+s3], $0x100, $0x38;
	[tilespmem:$0x1BD00] =	vst v63  }
0xbe: {  	_ =	swait.ge [sflag:s5], $0x100  }
0xbf: {  	[sflag:s5] =	ssyncset.done $0x0  }
0xc0: {  	[sflag:s5] =	ssyncadd.s32 $0xFFFFFF00  }
0xc1: {  	[spmem:s1] =	stream.indirect.scatter.add.f32 [tilespmem:s7], [sflag:$0x9], $0x80, s8, s2, $0xb8;
	[tilespmem:$0x1BD00] =	vst v63  }
0xc2: {  	_ =	swait.ge [sflag:s5], $0x8000  }
0xc3: {  	[sflag:s5] =	ssyncset.done $0x0  }
0xc4: {  	[sflag:s5] =	ssyncadd.s32 $0xFFFF8000  }
0xc5: {  	_ =	swait.ge [sflag:s13], $0x8000  }
0xc6: {  	[sflag:s13] =	ssyncset.done $0x0  }
0xc7: {  	[sflag:s13] =	ssyncadd.s32 $0xFFFF8000  }
0xc8: {  	_ =	swait.ge [sflag:s14], $0x8000  }
0xc9: {  	[sflag:s14] =	ssyncset.done $0x0  }
0xca: {  	s6 =	simm.s32 $0x400;
	s24 =	rddreg [dreg:$0x13];
	[sflag:s14] =	ssyncadd.s32 $0xFFFF8000  }
0xcb: {  	[tilespmem:s6], [sflag:$0x9] =	stream.linear.gather [hbm4b:s24+s3], $0x10, $0x38;
	[tilespmem:$0x1BD00] =	vst v63  }
0xcc: {  	_ =	swait.ge [sflag:s5], $0x10  }
0xcd: {  	[sflag:s5] =	ssyncset.done $0x0  }
0xce: {  	s24 =	simm.s32 $0x10;
	[sflag:s5] =	ssyncadd.s32 $0xFFFFFFF0  }
0xcf: {  	[spmem:s1] =	stream.indirect.scatter.add.f32 [tilespmem:s7], [sflag:$0x9], $0x80, s6, s24, $0xb8;
	[tilespmem:$0x1BD00] =	vst v63  }
0xd0: {  	_ =	swait.ge [sflag:s5], $0x800  }
0xd1: {  	[sflag:s5] =	ssyncset.done $0x0  }
0xd2: {  	[sflag:s5] =	ssyncadd.s32 $0xFFFFF800  }
0xd3: {  	[bflag:$0x0] =	sbarrier.arrive $0xFFFF  }
0xd4: {  	s24 =	rddreg [dreg:$0xa]  }
0xd5: {  	[hbm:s24], [sflag:s9] =	dma.local [spmem:s26], $0x800  }
0xd6: {  	_ =	swait.ge [sflag:s5], $0x800  }
0xd7: {  	[sflag:s5] =	ssyncset.done $0x0  }
0xd8: {  	s26 =	rddreg [dreg:$0xb];
	[sflag:s5] =	ssyncadd.s32 $0xFFFFF800  }
0xd9: {  	[hbm:s26], [sflag:s9] =	dma.local [spmem:s28], $0x800  }
0xda: {  	_ =	swait.ge [sflag:s5], $0x800  }
0xdb: {  	[sflag:s5] =	ssyncset.done $0x0  }
0xdc: {  	s28 =	rddreg [dreg:$0xc];
	[sflag:s5] =	ssyncadd.s32 $0xFFFFF800  }
0xdd: {  	[hbm:s28], [sflag:s9] =	dma.local [spmem:s29], $0x800  }
0xde: {  	_ =	swait.ge [sflag:s5], $0x800  }
0xdf: {  	[sflag:s5] =	ssyncset.done $0x0  }
0xe0: {  	s29 =	rddreg [dreg:$0xd];
	[sflag:s5] =	ssyncadd.s32 $0xFFFFF800  }
0xe1: {  	[hbm:s29], [sflag:s9] =	dma.local [spmem:s30], $0x800  }
0xe2: {  	_ =	swait.ge [sflag:s5], $0x800  }
0xe3: {  	[sflag:s5] =	ssyncset.done $0x0  }
0xe4: {  	s0 =	rddreg [dreg:$0xe];
	[sflag:s5] =	ssyncadd.s32 $0xFFFFF800  }
0xe5: {  	[hbm:s0], [sflag:s9] =	dma.local @!p0 [spmem:s31], $0x800  }
0xe6: {  	s0 =	simm.s32 @!p0 $0x9  }
0xe7: {  	_ =	swait.ge @!p0 [sflag:s0], $0x800  }
0xe8: {  	[sflag:s0] =	ssyncset.done @!p0 $0x0  }
0xe9: {  	s6 =	rddreg [dreg:$0x10];
	[sflag:s0] =	ssyncadd.s32 @!p0 $0xFFFFF800;
	s0 =	sshrl.u32 @p3 s22, $0x3  }
0xea: {  	[hbm:s6], [sflag:s9] =	dma.local @p3 [spmem:s0], $0x100  }
0xeb: {  	s0 =	simm.s32 @p3 $0x9  }
0xec: {  	_ =	swait.ge @p3 [sflag:s0], $0x100  }
0xed: {  	s25 =	sadd.s32 $0x1, s25;
	s31 =	rddreg [dreg:$0x11]  }
0xee: {  	p4 =	sne.s32 s25, s31  }
.Ltmp1:
0xef: {  	_ = 	snop;
	(pc) =	sbr.rel @p4 .LBB2_1-.Ltmp1, $3  }
0xf0: {  	_ =	sdelay $0x1  }
0xf1: {  	[sflag:s0] =	ssyncset.done @p3 $0x0  }
0xf2: {  	[sflag:s0] =	ssyncadd.s32 @p3 $0xFFFFFF00  }
0xf3: {  	_ =	sfence.sel $0x180000  }
0xf4: {  	[bflag:$0x0] =	sbarrier.arrive $0xFFFF  }
0xf5: {  	_ =	strace $0x90000047  }
0xf6: {  	s0 =	stileid.u32;
	[bflag:$0x2] =	sbarrier.arrive $0xFFFF  }
0xf7: {  	p0 =	sne.s32 s0, $0x0;
	s0 =	rddreg [dreg:$0x2]  }
0xf8: {  	s0 =	sadd.s32 @!p0 $0x100000, s0  }
0xf9: {  	[sflag:s0] =	ssyncadd.tile.s32 @!p0 $0x1;
	_ =	shalt  }
.Lfunc_end2:
_tile_overlayer_lowered:
.L_overlay_start_2:
0xfa: {  	(tag) =	ssettag $0x2  }
0xfb: {  	s0 =	rddreg [dreg:$0x0];
	s2 =	stileid.u32  }
0xfc: {  	s1 =	rddreg [dreg:$0x1];
	p0 =	sne.s32 s2, $0x0  }
0xfd: {  	s3 =	rddreg [dreg:$0x2];
	[bflag:$0x3] =	sbarrier.arrive $0xFFFF;
	s2 =	simm.s32 @!p0 $0x1C09  }
0xfe: {  	[timem:s3], [sflag:s2] =	dma.local @!p0 [hbm:s0], s1  }
0xff: {  	s0 =	simm.s32 @!p0 $0x9  }
0x100: {  	_ =	swait.ge @!p0 [sflag:s0], s1  }
0x101: {  	s1 =	ssub.s32 @!p0 $0x0, s1;
	[sflag:s0] =	ssyncset.done @!p0 $0x0  }
0x102: {  	[sflag:s0] =	ssyncadd.s32 @!p0 s1  }
0x103: {  	[bflag:$0x3] =	sbarrier.arrive $0xFFFF  }
0x104: {  	_ =	shalt  }

// kernel: kernel.13.cloned.1.call-start
scs
__scs_entry_jumppad:
0x0: {  	(pc) =	sbr.rel $0x88, $3  }
0x1: {  	(tag) =	ssettag $0x0;
	lr =	simm.s32 $0x1  }
0x2: {  	[smem:$0x3F90] =	sst lr;
	_ =	strace $0xD0000000  }
0x3: {  	_ = 	snop  }
0x4: {  	_ = 	snop  }
0x5: {  	_ = 	snop  }
0x6: {  	_ = 	snop  }
0x7: {  	_ = 	snop  }
__scs_overlays_trampoline_lowered:
0x8: {  	[smem:$0x3F9F] =	sst s0  }
0x9: {  	[smem:$0x3FA0] =	sst s1  }
0xa: {  	[smem:$0x3FA1] =	sst s2  }
0xb: {  	[smem:$0x3FA2] =	sst s3  }
0xc: {  	[smem:$0x3FA3] =	sst s4  }
0xd: {  	[smem:$0x3FA4] =	sst s5  }
0xe: {  	[smem:$0x3FA5] =	sst s6  }
0xf: {  	[smem:$0x3FA6] =	sst s7  }
0x10: {  	[smem:$0x3FA7] =	sst s8  }
0x11: {  	[smem:$0x3FA8] =	sst s9;
	s0 =	simm.s32 @!p0 $0x0  }
0x12: {  	s1 =	sld [smem:$0x3F8E];
	s0 =	simm.s32 @p0 $0x1  }
0x13: {  	[smem:$0x3FA9] =	sst s0;
	s0 =	simm.s32 @!p1 $0x0  }
0x14: {  	s2 =	sld [smem:$0x3F8D];
	s0 =	simm.s32 @p1 $0x1  }
0x15: {  	[smem:$0x3FAA] =	sst s0;
	s0 =	simm.s32 @!p2 $0x0  }
0x16: {  	s3 =	sld [smem:$0x3FDB];
	s0 =	simm.s32 @p2 $0x1  }
0x17: {  	s4 =	simm.s32 $0x1BF5;
	[smem:$0x3FAC] =	sst s0  }
0x18: {  	s0 =	sld [smem:$0x3F8F];
	_ =	swait.ge [sflag:s4], $0x0  }
0x19: {  	s7 =	sld [smem:$0x3F90]  }
0x1a: {  	s8 =	sadd.s32 $0xFFFFE003, lr  }
0x1b: {  	s9 =	sadd.s32 $0xFFFFFEF7, lr;
	s5 =	simm.s32 $0xFFFFFFFF;
	p2 =	slt.u32 s8, $0xFFFFF086  }
0x1c: {  	p1 =	slt.u32 s9, $0xF7A;
	s5 =	simm.s32 @!p2 $0x0  }
0x1d: {  	s5 =	simm.s32 @p1 $0x1;
	p0 =	seq.s32 s7, s2  }
0x1e: {  	s7 =	smul.u32 @!p0 $0xF7A, s2;
	p2 =	seq.s32 @!p0 s5, $0x0  }
0x1f: {  	s9 =	smul.u32 $0xF7A, s1;
	s8 =	simm.s32 @!p0 $0x1BF5;
	p2 =	por !p2, p0  }
0x20: {  	[sflag:s8] =	ssyncset.s32 @!p0 $0xFFFFF086;
	s6 =	sadd.s32 @!p0 s3, s7;
	s7 =	simm.s32 @!p0 $0x108  }
0x21: {  	s3 =	sadd.s32 s3, s9;
	s6 =	sadd.s32 @!p0 $0x88, s6;
	s7 =	simm.s32 @p2 $0x1082  }
0x22: {  	[simem:s7], [sflag:s8] =	dma.local @!p0 [hbm:s6], $0xF7A  }
0x23: {  	s9 =	sor.u32 $0xD0000000, s2;
	s6 =	simm.s32 $0x108;
	_ =	swait.ge @!p0 [sflag:s8], $0x0  }
0x24: {  	s3 =	sadd.s32 $0x88, s3;
	s6 =	simm.s32 @!p1 $0x1082;
	[sflag:s4] =	ssyncset.s32 $0xFFFFF086  }
0x25: {  	[simem:s6], [sflag:s4] =	dma.local [hbm:s3], $0xF7A  }
0x26: {  	[smem:$0x3F90] =	sst s1;
	(tag) =	ssettag s2;
	_ =	strace s9  }
0x27: {  	s1 =	sld [smem:$0x3FA0]  }
0x28: {  	s2 =	sld [smem:$0x3FA1]  }
0x29: {  	s4 =	sld [smem:$0x3FA3]  }
0x2a: {  	p0 =	seq.s32 s5, $0x0;
	s5 =	sld [smem:$0x3FA4]  }
0x2b: {  	s6 =	sld [smem:$0x3FA5]  }
0x2c: {  	s7 =	sld [smem:$0x3FA6]  }
0x2d: {  	s3 =	simm.s32 $0x108;
	s8 =	sld [smem:$0x3FA7]  }
0x2e: {  	s3 =	simm.s32 @!p0 $0x1082;
	s9 =	sld [smem:$0x3FA8]  }
0x2f: {  	lr =	sadd.s32 s0, s3;
	s0 =	sld [smem:$0x3F9F]  }
0x30: {  	s3 =	sld [smem:$0x3FA2]  }
0x31: {  	[smem:$0x3FAB] =	sst s10  }
0x32: {  	s10 =	sld [smem:$0x3FA9];
	_ =	sdelay $0x3  }
0x33: {  	p0 =	seq.s32 s10, $0x1;
	s10 =	sld [smem:$0x3FAB];
	_ =	sdelay $0x3  }
0x34: {  	[smem:$0x3FAB] =	sst s10  }
0x35: {  	s10 =	sld [smem:$0x3FAA];
	_ =	sdelay $0x3  }
0x36: {  	p1 =	seq.s32 s10, $0x1;
	s10 =	sld [smem:$0x3FAB];
	_ =	sdelay $0x3  }
0x37: {  	[smem:$0x3FAB] =	sst s10  }
0x38: {  	s10 =	sld [smem:$0x3FAC]  }
0x39: {  	_ = 	snop;
	(pc) =	sbr.ind lr, $3  }
0x3a: {  	_ = 	snop  }
0x3b: {  	_ = 	snop  }
0x3c: {  	p2 =	seq.s32 s10, $0x1;
	s10 =	sld [smem:$0x3FAB]  }
0x3d: {  	_ =	shalt  }
0x3e: {  	_ =	shalt  }
0x3f: {  	_ =	shalt  }
0x40: {  	_ =	shalt  }
0x41: {  	_ =	shalt  }
0x42: {  	_ =	shalt  }
0x43: {  	_ =	shalt  }
0x44: {  	_ =	shalt  }
0x45: {  	_ =	shalt  }
0x46: {  	_ =	shalt  }
0x47: {  	_ =	shalt  }
0x48: {  	_ =	shalt  }
0x49: {  	_ =	shalt  }
0x4a: {  	_ =	shalt  }
0x4b: {  	_ =	shalt  }
0x4c: {  	_ =	shalt  }
0x4d: {  	_ =	shalt  }
0x4e: {  	_ =	shalt  }
0x4f: {  	_ =	shalt  }
0x50: {  	_ =	shalt  }
0x51: {  	_ =	shalt  }
0x52: {  	_ =	shalt  }
0x53: {  	_ =	shalt  }
0x54: {  	_ =	shalt  }
0x55: {  	_ =	shalt  }
0x56: {  	_ =	shalt  }
0x57: {  	_ =	shalt  }
0x58: {  	_ =	shalt  }
0x59: {  	_ =	shalt  }
0x5a: {  	_ =	shalt  }
0x5b: {  	_ =	shalt  }
0x5c: {  	_ =	shalt  }
0x5d: {  	_ =	shalt  }
0x5e: {  	_ =	shalt  }
0x5f: {  	_ =	shalt  }
0x60: {  	_ =	shalt  }
0x61: {  	_ =	shalt  }
0x62: {  	_ =	shalt  }
0x63: {  	_ =	shalt  }
0x64: {  	_ =	shalt  }
0x65: {  	_ =	shalt  }
0x66: {  	_ =	shalt  }
0x67: {  	_ =	shalt  }
0x68: {  	_ =	shalt  }
0x69: {  	_ =	shalt  }
0x6a: {  	_ =	shalt  }
0x6b: {  	_ =	shalt  }
0x6c: {  	_ =	shalt  }
0x6d: {  	_ =	shalt  }
0x6e: {  	_ =	shalt  }
0x6f: {  	_ =	shalt  }
0x70: {  	_ =	shalt  }
0x71: {  	_ =	shalt  }
0x72: {  	_ =	shalt  }
0x73: {  	_ =	shalt  }
0x74: {  	_ =	shalt  }
0x75: {  	_ =	shalt  }
0x76: {  	_ =	shalt  }
0x77: {  	_ =	shalt  }
0x78: {  	_ =	shalt  }
0x79: {  	_ =	shalt  }
0x7a: {  	_ =	shalt  }
0x7b: {  	_ =	shalt  }
0x7c: {  	_ =	shalt  }
0x7d: {  	_ =	shalt  }
0x7e: {  	_ =	shalt  }
0x7f: {  	_ =	shalt  }
0x80: {  	_ =	shalt  }
0x81: {  	_ =	shalt  }
0x82: {  	_ =	shalt  }
0x83: {  	_ =	shalt  }
0x84: {  	_ =	shalt  }
0x85: {  	_ =	shalt  }
0x86: {  	_ =	shalt  }
0x87: {  	_ =	shalt  }
.Lfunc_end0:
.L_simem_size_0:
called_computation.1_lowered:
.L_overlay_start_0:
0x88: {  	s2 =	sld [smem:$0x3FD9]  }
0x89: {  	s3 =	sld [smem:$0x3FFE];
	_ =	sdelay $0x1  }
0x8a: {  	s1 =	srdreg.scid  }
0x8b: {  	s0 =	sand.u32 $0x1, s1  }
0x8c: {  	s16 =	sshll.u32 s0, $0xA;
	s2 =	sadd.s32 s3, s2  }
0x8d: {  	s2 =	sadd.s32 s2, s16  }
0x8e: {  	[smem:$0x3FB7] =	sst s2  }
0x8f: {  	_ = 	snop  }
0x90: {  	(tm) =	ssettm $0x1  }
0x91: {  	s17 =	sld [smem:$0x3FFB];
	_ =	sdelay $0x3  }
0x92: {  	_ =	strace s17  }
0x93: {  	s2 =	sld [smem:$0x3FFC];
	_ =	sdelay $0x3  }
0x94: {  	_ =	strace s2  }
0x95: {  	s2 =	sld [smem:$0x3FFD];
	_ =	sdelay $0x3  }
0x96: {  	_ =	strace s2  }
0x97: {  	_ =	strace $0x8FFFFFFF  }
0x98: {  	s18 =	sld [smem:$0x3FDB];
	_ =	sdelay $0x1  }
0x99: {  	s19 =	simm.s32 $_scs_section_size  }
0x9a: {  	s4 =	simm.s32 $_size__tile_overlayer_lowered;
	s5 =	simm.s32 $_tile_overlayer_lowered  }
0x9b: {  	s22 =	simm.s32 $0x1BFF;
	s21 =	sshll.u32 s5, $0x1;
	s2 =	sadd.s32 s19, s18  }
0x9c: {  	s6 =	simm.s32 $0x0;
	s20 =	sshll.u32 s4, $0x1;
	s4 =	sadd.s32 s21, s2  }
0x9d: {  	[timem:s6], [sflag:s22] =	dma.local [hbm:s4], s20  }
0x9e: {  	_ =	swait.ge [sflag:s22], s20  }
0x9f: {  	s3 =	ssub.s32 $0x0, s20;
	[sflag:s22] =	ssyncset.done $0x0  }
0xa0: {  	[sflag:s22] =	ssyncadd.s32 s3;
	_ =	sdelay $0x1  }
0xa1: {  	s23 =	simm.s32 $0x1B8B  }
0xa2: {  	_ =	swait.ge [sflag:s23], $0x1  }
0xa3: {  	[sflag:s23] =	ssyncset.done $0x0  }
0xa4: {  	s25 =	simm.s32 $0x1B8E;
	s24 =	sld [smem:$0x3FFE];
	[sflag:s23] =	ssyncadd.s32 $0xFFFFFFFF  }
0xa5: {  	s26 =	simm.s32 $execute0_lowered;
	[smem:$0x3FD2] =	sst s25  }
0xa6: {  	s4 =	sshll.u32 s26, $0x1;
	_ =	strace $0x80000049;
	[dreg:$0x1] =	wrdreg $0xFFFFFFFF  }
0xa7: {  	s28 =	simm.s32 $_size_execute0_lowered;
	s2 =	sadd.s32 s2, s4;
	[dreg:$0x0] =	wrdreg $0x0  }
0xa8: {  	s4 =	sshll.u32 s28, $0x1;
	[dreg:$0x2] =	wrdreg s2  }
0xa9: {  	[dreg:$0x3] =	wrdreg s4  }
0xaa: {  	[dreg:$0x4] =	wrdreg $0xC0  }
0xab: {  	_ =	task [dreg:s6], $0x5FFFF  }
0xac: {  	[dreg:$0x1] =	wrdreg $0xFFFFFFFF  }
0xad: {  	[dreg:$0x0] =	wrdreg $0x60  }
0xae: {  	[dreg:$0x2] =	wrdreg s24  }
0xaf: {  	[dreg:$0x3] =	wrdreg $0xC5000  }
0xb0: {  	[dreg:$0x4] =	wrdreg $0x9  }
0xb1: {  	_ =	task.clear_ibuf [dreg:s6], $0x5FFFF;
	_ =	strace $0x90000049  }
0xb2: {  	s29 =	simm.s32 $0x9;
	_ =	strace $0x8000004B  }
0xb3: {  	_ =	swait.ge [sflag:s29], $0x1  }
0xb4: {  	[sflag:s29] =	ssyncadd.s32 $0xFFFFFFFF  }
0xb5: {  	_ =	strace $0x9000004B  }
0xb6: {  	_ =	sfence  }
0xb7: {  	s30 =	sld [smem:$0x0];
	_ =	sdelay $0x2  }
0xb8: {  	s31 =	sshll.u32 s1, $0xD;
	s1 =	sshrl.u32 s1, $0x2  }
0xb9: {  	s3 =	sand.u32 $0x4000, s31;
	s1 =	sadd.s32 s1, s30  }
0xba: {  	s0 =	sor.u32 s3, s0;
	s1 =	sshll.u32 s1, $0x11  }
0xbb: {  	s0 =	sor.u32 s1, s0  }
0xbc: {  	s0 =	sadd.s32 $0x8F2B, s0  }
0xbd: {  	[sflag:s0] =	ssyncadd.remote.s32 $0x1  }
0xbe: {  	_ =	sfence.sel $0xFFFF  }
0xbf: {  	[dreg:$0x0] =	wrdreg $0xFFFFFFFF;
	(pc) =	sbr.abs _section_cstart, $3  }
0xc0: {  	[dreg:$0x1] =	wrdreg $0xFFFFFFFF  }
0xc1: {  	_ =	task.clear_ibuf [dreg:s6], $0x2FFFF;
	_ =	strace $0x9FFFFFFF  }
0xc2: {  	(tm) =	ssettm $0x7FFFFFFF  }
0xc3: {  	_ =	shalt  }
tec
execute0_lowered:
.L_overlay_start_1:
0x0: {  	(tag) =	ssettag $0x1  }
0x1: {  	s0 =	rddreg [dreg:$0x0]  }
0x2: {  	s1 =	rddreg [dreg:$0x1];
	s2 =	simm.s32 $0x0;
	s3 =	srdreg.scid  }
0x3: {  	s20 =	stileid.u32;
	[smem:$0x7FF] =	sst s2  }
0x4: {  	s3 =	sand.u32 $0x1, s3;
	s4 =	sadd.s32 $0x18400, s0;
	s7 =	sadd.s32 $0x4000, s0  }
0x5: {  	s11 =	sshll.u32 s20, $0xE;
	s25 =	sshll.u32 s20, $0x6;
	s23 =	smul.u32 $0x2710, s20  }
0x6: {  	p0 =	sgt.u32 s20, $0xD;
	p3 =	slt.u32 s20, $0xE;
	_ =	strace $0x8000004A  }
0x7: {  	s5 =	sshll.u32 s3, $0x4;
	s8 =	ssub.s32 $0x2, s3;
	s13 =	sadd.s32 s11, s1  }
0x8: {  	s26 =	sor.u32 $0x40000, s11;
	s14 =	sor.u32 $0x80000, s11;
	s15 =	smul.u32 $0x138800, s3  }
0x9: {  	s29 =	sor.u32 $0xC0000, s11;
	s3 =	smul.u32 $0x27100, s3;
	p2 =	sne.s32 @p0 s20, $0xF  }
0xa: {  	s6 =	sor.u32 s20, s5;
	s5 =	sadd.s32 $0xDE00, s0;
	s9 =	sshrl.u32 s8, $0x1  }
0xb: {  	[dreg:$0x3] =	wrdreg s13;
	s16 =	sadd.s32 s26, s1;
	s28 =	sadd.s32 s14, s1  }
0xc: {  	s17 =	sadd.s32 s29, s1;
	p1 =	por p2, !p0;
	p2 =	por !p2, !p0  }
0xd: {  	s10 =	smul.u32 $0x2710, s6;
	s6 =	sadd.s32 $0x17C00, s0;
	[dreg:$0x4] =	wrdreg s16  }
0xe: {  	s0 =	sadd.s32 $0x3F600, s0;
	s9 =	ssub.s32 s8, s9;
	[dreg:$0x5] =	wrdreg s28  }
0xf: {  	s8 =	sor.u32 $0x1C09, s25;
	[dreg:$0x6] =	wrdreg s17;
	s18 =	sadd.s32 s11, s15  }
0x10: {  	s13 =	sadd.s32 s15, s26;
	s11 =	sor.u32 $0x100000, s11;
	s19 =	sadd.s32 s15, s14  }
0x11: {  	s21 =	sadd.s32 s15, s29;
	s26 =	sshrl.u32 s15, $0x3;
	s3 =	sadd.s32 s23, s3  }
0x12: {  	s17 =	sshrl.u32 s18, $0x3;
	s13 =	sshrl.u32 s13, $0x3;
	s14 =	sshrl.u32 s21, $0x3  }
0x13: {  	s22 =	sadd.s32 s15, s11;
	s28 =	sadd.s32 $0x3C0, s3;
	s29 =	sadd.s32 $0x300, s3  }
0x14: {  	s31 =	sadd.s32 s11, s1;
	s23 =	smax.u32 s9, $0x1;
	s9 =	simm.s32 $0x9  }
0x15: {  	s11 =	simm.s32 $0xC0;
	s10 =	sshrl.u32 s10, $0x3;
	[dreg:$0x12] =	wrdreg s23  }
0x16: {  	s17 =	sadd.s32 s0, s17;
	s13 =	sadd.s32 s0, s13;
	[dreg:$0xc] =	wrdreg s31  }
0x17: {  	s24 =	sadd.s32 s0, s14;
	s25 =	sshrl.u32 s22, $0x3;
	[dreg:$0x7] =	wrdreg s17  }
0x18: {  	s14 =	sshrl.u32 s29, $0x3;
	s23 =	simm.s32 $0x6;
	[dreg:$0x8] =	wrdreg s13  }
0x19: {  	s12 =	sadd.s32 $0x18, s10;
	s13 =	sshrl.u32 s19, $0x3;
	[dreg:$0xa] =	wrdreg s24  }
0x1a: {  	s19 =	sadd.s32 s14, s7;
	s15 =	sadd.s32 $0x4E0, s10;
	s24 =	sadd.s32 s5, s10  }
0x1b: {  	s16 =	sadd.s32 s7, s10;
	s17 =	sadd.s32 $0x138000, s1;
	[dreg:$0x13] =	wrdreg s24  }
0x1c: {  	s10 =	simm.s32 $0x1;
	s14 =	simm.s32 $0x6500;
	[dreg:$0xd] =	wrdreg s16  }
0x1d: {  	s13 =	sadd.s32 s0, s13;
	s21 =	sadd.s32 s7, s12;
	[dreg:$0x16] =	wrdreg s17  }
0x1e: {  	s22 =	sadd.s32 s5, s15;
	s29 =	sadd.s32 $0x48, s16;
	[dreg:$0x9] =	wrdreg s13  }
0x1f: {  	s24 =	simm.s32 $0x4;
	s13 =	sadd.s32 s0, s25;
	[dreg:$0xe] =	wrdreg s21  }
0x20: {  	s0 =	sadd.s32 s0, s26;
	[dreg:$0x10] =	wrdreg s22;
	s25 =	sadd.s32 $0x240, s3  }
0x21: {  	s26 =	sadd.s32 s5, s12;
	s3 =	sadd.s32 $0x180, s3;
	[dreg:$0x18] =	wrdreg s29  }
0x22: {  	s12 =	simm.s32 $0x500;
	s21 =	simm.s32 $0x5;
	[dreg:$0xb] =	wrdreg s13  }
0x23: {  	s22 =	simm.s32 $0x3;
	s13 =	sshrl.u32 s28, $0x3;
	[dreg:$0x14] =	wrdreg s26  }
0x24: {  	s0 =	sadd.s32 $0x27000, s0;
	[dreg:$0x15] =	wrdreg s3;
	s28 =	sadd.s32 $0x30, s16  }
.Ltmp0:
0x25: {  	s16 =	simm.s32 $0x300;
	s26 =	simm.s32 $0x8;
	(pc) =	sbr.rel .LBB2_1-.Ltmp0, $4  }
0x26: {  	s18 =	sadd.s32 s13, s7;
	s7 =	sadd.s32 s7, s15;
	[dreg:$0x11] =	wrdreg s0  }
0x27: {  	s0 =	sshrl.u32 s25, $0x3;
	[dreg:$0x17] =	wrdreg s28;
	s13 =	simm.s32 $0x2  }
0x28: {  	s15 =	simm.s32 $0x200;
	s25 =	simm.s32 $0x7;
	[dreg:$0xf] =	wrdreg s7  }
0x29: {  	s30 =	sadd.s32 s0, s5;
	s7 =	simm.s32 $0x100;
	s0 =	simm.s32 $0x0  }
.LBB2_3:
0x2a: {  	_ =	swait.ge [sflag:s23], $0x6000  }
0x2b: {  	[sflag:s23] =	ssyncset.done $0x0  }
0x2c: {  	[sflag:s23] =	ssyncadd.s32 $0xFFFFA000  }
0x2d: {  	_ =	swait.ge [sflag:s24], $0xC0  }
0x2e: {  	[sflag:s24] =	ssyncset.done $0x0  }
0x2f: {  	[sflag:s24] =	ssyncadd.s32 $0xFFFFFF40  }
0x30: {  	[spmem:s1] =	stream.indirect.scatter.add.f32 [tilespmem:s14], [sflag:$0x8], $0x80, s16, s11, $0xb8;
	[tilespmem:$0x1FD80] =	vst v63  }
0x31: {  	_ =	swait.ge [sflag:s25], $0x6000  }
0x32: {  	[sflag:s25] =	ssyncset.done $0x0  }
0x33: {  	[sflag:s25] =	ssyncadd.s32 $0xFFFFA000  }
0x34: {  	_ =	swait.ge [sflag:s26], $0x6000  }
0x35: {  	[sflag:s26] =	ssyncset.done $0x0  }
0x36: {  	s17 =	simm.s32 $0x400;
	s3 =	rddreg [dreg:$0xf];
	[sflag:s26] =	ssyncadd.s32 $0xFFFFA000  }
0x37: {  	[tilespmem:s17], [sflag:$0x9] =	stream.linear.gather [hbm4b:s3+s2], $0x10, $0x38;
	[tilespmem:$0x1FD80] =	vst v63  }
0x38: {  	_ =	swait.ge [sflag:s9], $0x10  }
0x39: {  	[sflag:s9] =	ssyncset.done $0x0  }
0x3a: {  	s31 =	simm.s32 $0x480;
	s3 =	rddreg [dreg:$0x10];
	[sflag:s9] =	ssyncadd.s32 $0xFFFFFFF0  }
0x3b: {  	[tilespmem:s31], [sflag:$0x9] =	stream.linear.gather [hbm4b:s3+s2], $0x10, $0x38;
	[tilespmem:$0x1FD80] =	vst v63  }
0x3c: {  	_ =	swait.ge [sflag:s9], $0x10  }
0x3d: {  	[sflag:s9] =	ssyncset.done $0x0  }
0x3e: {  	s3 =	simm.s32 $0x10;
	[sflag:s9] =	ssyncadd.s32 $0xFFFFFFF0  }
0x3f: {  	[tilespmem:s12], [sflag:$0x5] =	stream.indirect.gather [hbm4b:s4+s3], $0x80, s17, s3, $0xb8;
	[tilespmem:$0x1FD80] =	vst v63  }
0x40: {  	_ =	swait.ge [sflag:s21], $0x800  }
0x41: {  	[sflag:s21] =	ssyncset.done $0x0  }
0x42: {  	[sflag:s21] =	ssyncadd.s32 $0xFFFFF800  }
0x43: {  	[spmem:s1] =	stream.indirect.scatter.add.f32 [tilespmem:s12], [sflag:$0x9], $0x80, s31, s3, $0xb8;
	[tilespmem:$0x1FD80] =	vst v63  }
0x44: {  	_ =	swait.ge [sflag:s9], $0x800  }
0x45: {  	[sflag:s9] =	ssyncset.done $0x0  }
0x46: {  	[sflag:s9] =	ssyncadd.s32 $0xFFFFF800  }
0x47: {  	[bflag:$0x0] =	sbarrier.arrive $0xFFFF  }
0x48: {  	s3 =	rddreg [dreg:$0x7]  }
0x49: {  	s17 =	rddreg [dreg:$0x19]  }
0x4a: {  	[hbm:s3], [sflag:s8] =	dma.local [spmem:s17], $0x800  }
0x4b: {  	_ =	swait.ge [sflag:s9], $0x800  }
0x4c: {  	[sflag:s9] =	ssyncset.done $0x0  }
0x4d: {  	s17 =	rddreg [dreg:$0x8];
	[sflag:s9] =	ssyncadd.s32 $0xFFFFF800  }
0x4e: {  	[hbm:s17], [sflag:s8] =	dma.local [spmem:s28], $0x800  }
0x4f: {  	_ =	swait.ge [sflag:s9], $0x800  }
0x50: {  	[sflag:s9] =	ssyncset.done $0x0  }
0x51: {  	s17 =	rddreg [dreg:$0x9];
	[sflag:s9] =	ssyncadd.s32 $0xFFFFF800  }
0x52: {  	[hbm:s17], [sflag:s8] =	dma.local [spmem:s20], $0x800  }
0x53: {  	_ =	swait.ge [sflag:s9], $0x800  }
0x54: {  	[sflag:s9] =	ssyncset.done $0x0  }
0x55: {  	s28 =	rddreg [dreg:$0xa];
	[sflag:s9] =	ssyncadd.s32 $0xFFFFF800  }
0x56: {  	[hbm:s28], [sflag:s8] =	dma.local [spmem:s29], $0x800  }
0x57: {  	_ =	swait.ge [sflag:s9], $0x800  }
0x58: {  	[sflag:s9] =	ssyncset.done $0x0;
	s31 =	rddreg [dreg:$0xc]  }
0x59: {  	s17 =	rddreg [dreg:$0xb];
	[sflag:s9] =	ssyncadd.s32 $0xFFFFF800;
	s3 =	sshrl.u32 @p3 s31, $0x3  }
0x5a: {  	[hbm:s17], [sflag:s8] =	dma.local @p3 [spmem:s3], $0x800  }
0x5b: {  	s3 =	simm.s32 @p3 $0x9  }
0x5c: {  	_ =	swait.ge @p3 [sflag:s3], $0x800  }
0x5d: {  	[sflag:s3] =	ssyncset.done @p3 $0x0;
	s20 =	rddreg [dreg:$0x16]  }
0x5e: {  	s17 =	rddreg [dreg:$0x11];
	[sflag:s3] =	ssyncadd.s32 @p3 $0xFFFFF800;
	s3 =	sshrl.u32 @p4 s20, $0x3  }
0x5f: {  	[hbm:s17], [sflag:s8] =	dma.local @p4 [spmem:s3], $0x100  }
0x60: {  	s3 =	simm.s32 @p4 $0x9  }
0x61: {  	_ =	swait.ge @p4 [sflag:s3], $0x100  }
0x62: {  	s0 =	sadd.s32 $0x1, s0;
	s29 =	rddreg [dreg:$0x12]  }
0x63: {  	p5 =	sne.s32 s0, s29  }
.Ltmp1:
0x64: {  	_ = 	snop;
	(pc) =	sbr.rel @!p5 .LBB2_4-.Ltmp1, $3  }
0x65: {  	_ =	sdelay $0x1  }
0x66: {  	[sflag:s3] =	ssyncset.done @p4 $0x0  }
0x67: {  	s17 =	smov.u32 s20;
	[sflag:s3] =	ssyncadd.s32 @p4 $0xFFFFFF00  }
.LBB2_1:
0x68: {  	s3 =	rddreg [dreg:$0xd]  }
0x69: {  	[tilespmem:s2], [sflag:$0x1] =	stream.linear.gather [hbm4b:s3+s2], $0xC0, $0x38;
	[tilespmem:$0x1FD80] =	vst v63  }
0x6a: {  	s20 =	rddreg [dreg:$0xe]  }
0x6b: {  	[tilespmem:s7], [sflag:$0x2] =	stream.linear.gather [hbm4b:s20+s2], $0xC0, $0x38;
	[tilespmem:$0x1FD80] =	vst v63  }
0x6c: {  	s20 =	rddreg [dreg:$0x3]  }
0x6d: {  	s3 =	sshrl.u32 s20, $0x3  }
0x6e: {  	[dreg:$0x19] =	wrdreg s3  }
0x6f: {  	[spmem:s3], [sflag:s8] =	dma.local [hbm:s6], $0x800  }
0x70: {  	_ =	swait.ge [sflag:s9], $0x800  }
0x71: {  	[sflag:s9] =	ssyncset.done $0x0;
	s20 =	rddreg [dreg:$0x4]  }
0x72: {  	[sflag:s9] =	ssyncadd.s32 $0xFFFFF800;
	s28 =	sshrl.u32 s20, $0x3  }
0x73: {  	[spmem:s28], [sflag:s8] =	dma.local [hbm:s6], $0x800  }
0x74: {  	_ =	swait.ge [sflag:s9], $0x800  }
0x75: {  	[sflag:s9] =	ssyncset.done $0x0;
	s20 =	rddreg [dreg:$0x5]  }
0x76: {  	[sflag:s9] =	ssyncadd.s32 $0xFFFFF800;
	s20 =	sshrl.u32 s20, $0x3  }
0x77: {  	[spmem:s20], [sflag:s8] =	dma.local [hbm:s6], $0x800  }
0x78: {  	_ =	swait.ge [sflag:s9], $0x800  }
0x79: {  	[sflag:s9] =	ssyncset.done $0x0;
	s3 =	rddreg [dreg:$0x6]  }
0x7a: {  	[sflag:s9] =	ssyncadd.s32 $0xFFFFF800;
	s29 =	sshrl.u32 s3, $0x3  }
0x7b: {  	[spmem:s29], [sflag:s8] =	dma.local [hbm:s6], $0x800  }
0x7c: {  	_ =	swait.ge [sflag:s9], $0x800  }
0x7d: {  	[sflag:s9] =	ssyncset.done $0x0  }
0x7e: {  	s17 =	sshrl.u32 @!p1 s17, $0x3;
	[sflag:s9] =	ssyncadd.s32 $0xFFFFF800  }
0x7f: {  	[spmem:s17], [sflag:s8] =	dma.local @!p1 [hbm:s6], $0x100  }
0x80: {  	s17 =	simm.s32 @!p1 $0x9  }
0x81: {  	_ =	swait.ge @!p1 [sflag:s17], $0x100  }
0x82: {  	[sflag:s17] =	ssyncset.done @!p1 $0x0  }
0x83: {  	[sflag:s17] =	ssyncadd.s32 @!p1 $0xFFFFFF00;
	s17 =	sshrl.u32 @!p0 s31, $0x3  }
0x84: {  	[spmem:s17], [sflag:s8] =	dma.local @!p0 [hbm:s6], $0x800  }
0x85: {  	s17 =	simm.s32 @!p0 $0x9  }
0x86: {  	_ =	swait.ge @!p0 [sflag:s17], $0x800  }
0x87: {  	[sflag:s17] =	ssyncset.done @!p0 $0x0  }
0x88: {  	[sflag:s17] =	ssyncadd.s32 @!p0 $0xFFFFF800  }
0x89: {  	_ =	swait.ge [sflag:s10], $0xC0  }
0x8a: {  	[sflag:s10] =	ssyncset.done $0x0  }
0x8b: {  	[sflag:s10] =	ssyncadd.s32 $0xFFFFFF40  }
0x8c: {  	[tilespmem:s12], [sflag:$0x5] =	stream.indirect.gather [hbm4b:s4+s11], $0x80, s2, s11, $0xb8;
	[tilespmem:$0x1FD80] =	vst v63  }
0x8d: {  	_ =	swait.ge [sflag:s13], $0xC0  }
0x8e: {  	[sflag:s13] =	ssyncset.done $0x0  }
0x8f: {  	[sflag:s13] =	ssyncadd.s32 $0xFFFFFF40  }
0x90: {  	[tilespmem:s14], [sflag:$0x6] =	stream.indirect.gather [hbm4b:s4+s11], $0x80, s7, s11, $0xb8;
	[tilespmem:$0x1FD80] =	vst v63  }
0x91: {  	[bflag:$0x0] =	sbarrier.arrive $0xFFFF  }
0x92: {  	s17 =	rddreg [dreg:$0x13]  }
0x93: {  	[tilespmem:s15], [sflag:$0x3] =	stream.linear.gather [hbm4b:s17+s2], $0xC0, $0x38;
	[tilespmem:$0x1FD80] =	vst v63  }
0x94: {  	s17 =	rddreg [dreg:$0x14]  }
0x95: {  	[tilespmem:s16], [sflag:$0x4] =	stream.linear.gather [hbm4b:s17+s2], $0xC0, $0x38;
	[tilespmem:$0x1FD80] =	vst v63  }
0x96: {  	_ =	swait.ge [sflag:s21], $0x6000  }
0x97: {  	[sflag:s21] =	ssyncset.done $0x0  }
0x98: {  	[sflag:s21] =	ssyncadd.s32 $0xFFFFA000  }
0x99: {  	_ =	swait.ge [sflag:s22], $0xC0  }
0x9a: {  	[sflag:s22] =	ssyncset.done $0x0  }
0x9b: {  	[sflag:s22] =	ssyncadd.s32 $0xFFFFFF40  }
0x9c: {  	[spmem:s1] =	stream.indirect.scatter.add.f32 [tilespmem:s12], [sflag:$0x7], $0x80, s15, s11, $0xb8;
	[tilespmem:$0x1FD80] =	vst v63  }
0x9d: {  	s17 =	rddreg [dreg:$0x17]  }
0x9e: {  	[tilespmem:s2], [sflag:$0x1] =	stream.linear.gather [hbm4b:s17+s2], $0xC0, $0x38;
	[tilespmem:$0x1FD80] =	vst v63  }
0x9f: {  	_ =	swait.ge [sflag:s23], $0x6000  }
0xa0: {  	[sflag:s23] =	ssyncset.done $0x0  }
0xa1: {  	[sflag:s23] =	ssyncadd.s32 $0xFFFFA000  }
0xa2: {  	_ =	swait.ge [sflag:s24], $0xC0  }
0xa3: {  	[sflag:s24] =	ssyncset.done $0x0  }
0xa4: {  	p5 =	por @p0 $0x0, $0x0;
	p4 =	por @!p1 $0x1, $0x1;
	[sflag:s24] =	ssyncadd.s32 $0xFFFFFF40  }
0xa5: {  	[spmem:s1] =	stream.indirect.scatter.add.f32 [tilespmem:s14], [sflag:$0x8], $0x80, s16, s11, $0xb8;
	[tilespmem:$0x1FD80] =	vst v63  }
0xa6: {  	p4 =	por @!p2 p5, p5;
	p5 =	por @!p0 $0x0, $0x0;
	s17 =	rddreg [dreg:$0x18]  }
0xa7: {  	[tilespmem:s7], [sflag:$0x2] =	stream.linear.gather [hbm4b:s17+s2], $0xC0, $0x38;
	[tilespmem:$0x1FD80] =	vst v63  }
0xa8: {  	p4 =	por @!p0 p5, p5;
	s31 =	rddreg [dreg:$0x15];
	s17 =	simm.s32 $0x0  }
.LBB2_2:
0xa9: {  	_ =	swait.ge [sflag:s25], $0x6000  }
0xaa: {  	[sflag:s25] =	ssyncset.done $0x0  }
0xab: {  	[sflag:s25] =	ssyncadd.s32 $0xFFFFA000  }
0xac: {  	_ =	swait.ge [sflag:s26], $0x6000  }
0xad: {  	s3 =	sshrl.u32 s31, $0x3;
	[sflag:s26] =	ssyncset.done $0x0  }
0xae: {  	s3 =	sadd.s32 s5, s3;
	[sflag:s26] =	ssyncadd.s32 $0xFFFFA000  }
0xaf: {  	[tilespmem:s15], [sflag:$0x3] =	stream.linear.gather [hbm4b:s3+s2], $0xC0, $0x38;
	[tilespmem:$0x1FD80] =	vst v63  }
0xb0: {  	s3 =	sadd.s32 s17, s30  }
0xb1: {  	[tilespmem:s16], [sflag:$0x4] =	stream.linear.gather [hbm4b:s3+s2], $0xC0, $0x38;
	[tilespmem:$0x1FD80] =	vst v63  }
0xb2: {  	_ =	swait.ge [sflag:s10], $0xC0  }
0xb3: {  	[sflag:s10] =	ssyncset.done $0x0  }
0xb4: {  	[sflag:s10] =	ssyncadd.s32 $0xFFFFFF40  }
0xb5: {  	[tilespmem:s12], [sflag:$0x5] =	stream.indirect.gather [hbm4b:s4+s11], $0x80, s2, s11, $0xb8;
	[tilespmem:$0x1FD80] =	vst v63  }
0xb6: {  	_ =	swait.ge [sflag:s13], $0xC0  }
0xb7: {  	[sflag:s13] =	ssyncset.done $0x0  }
0xb8: {  	[sflag:s13] =	ssyncadd.s32 $0xFFFFFF40  }
0xb9: {  	[tilespmem:s14], [sflag:$0x6] =	stream.indirect.gather [hbm4b:s4+s11], $0x80, s7, s11, $0xb8;
	[tilespmem:$0x1FD80] =	vst v63  }
0xba: {  	_ =	swait.ge [sflag:s21], $0x6000  }
0xbb: {  	p5 =	sne.s32 s17, $0x480;
	[sflag:s21] =	ssyncset.done $0x0  }
.Ltmp2:
0xbc: {  	[sflag:s21] =	ssyncadd.s32 $0xFFFFA000;
	(pc) =	sbr.rel @!p5 .LBB2_3-.Ltmp2, $4  }
0xbd: {  	_ =	swait.ge [sflag:s22], $0xC0  }
0xbe: {  	[sflag:s22] =	ssyncset.done $0x0  }
0xbf: {  	[sflag:s22] =	ssyncadd.s32 $0xFFFFFF40  }
0xc0: {  	[spmem:s1] =	stream.indirect.scatter.add.f32 [tilespmem:s12], [sflag:$0x7], $0x80, s15, s11, $0xb8;
	[tilespmem:$0x1FD80] =	vst v63  }
0xc1: {  	s3 =	sadd.s32 s17, s19  }
0xc2: {  	[tilespmem:s2], [sflag:$0x1] =	stream.linear.gather [hbm4b:s3+s2], $0xC0, $0x38;
	[tilespmem:$0x1FD80] =	vst v63  }
0xc3: {  	_ =	swait.ge [sflag:s23], $0x6000  }
0xc4: {  	[sflag:s23] =	ssyncset.done $0x0  }
0xc5: {  	[sflag:s23] =	ssyncadd.s32 $0xFFFFA000  }
0xc6: {  	_ =	swait.ge [sflag:s24], $0xC0  }
.Ltmp3:
0xc7: {  	[sflag:s24] =	ssyncset.done $0x0;
	(pc) =	sbr.rel .LBB2_2-.Ltmp3, $4  }
0xc8: {  	[sflag:s24] =	ssyncadd.s32 $0xFFFFFF40  }
0xc9: {  	[spmem:s1] =	stream.indirect.scatter.add.f32 [tilespmem:s14], [sflag:$0x8], $0x80, s16, s11, $0xb8;
	[tilespmem:$0x1FD80] =	vst v63  }
0xca: {  	s31 =	sadd.s32 $0x180, s31;
	s3 =	sadd.s32 s17, s18;
	s17 =	sadd.s32 $0x30, s17  }
0xcb: {  	[tilespmem:s7], [sflag:$0x2] =	stream.linear.gather [hbm4b:s3+s2], $0xC0, $0x38;
	[tilespmem:$0x1FD80] =	vst v63  }
.LBB2_4:
0xcc: {  	_ =	sfence.sel $0x180000  }
0xcd: {  	[bflag:$0x0] =	sbarrier.arrive $0xFFFF  }
0xce: {  	_ =	strace $0x9000004A  }
0xcf: {  	s0 =	stileid.u32;
	[bflag:$0x2] =	sbarrier.arrive $0xFFFF  }
0xd0: {  	p0 =	sne.s32 s0, $0x0;
	s0 =	rddreg [dreg:$0x2]  }
0xd1: {  	s0 =	sadd.s32 @!p0 $0x100000, s0  }
0xd2: {  	[sflag:s0] =	ssyncadd.tile.s32 @!p0 $0x1;
	_ =	shalt  }
.Lfunc_end2:
_tile_overlayer_lowered:
.L_overlay_start_2:
0xd3: {  	(tag) =	ssettag $0x2  }
0xd4: {  	s0 =	rddreg [dreg:$0x0];
	s2 =	stileid.u32  }
0xd5: {  	s1 =	rddreg [dreg:$0x1];
	p0 =	sne.s32 s2, $0x0  }
0xd6: {  	s3 =	rddreg [dreg:$0x2];
	[bflag:$0x3] =	sbarrier.arrive $0xFFFF;
	s2 =	simm.s32 @!p0 $0x1C09  }
0xd7: {  	[timem:s3], [sflag:s2] =	dma.local @!p0 [hbm:s0], s1  }
0xd8: {  	s0 =	simm.s32 @!p0 $0x9  }
0xd9: {  	_ =	swait.ge @!p0 [sflag:s0], s1  }
0xda: {  	s1 =	ssub.s32 @!p0 $0x0, s1;
	[sflag:s0] =	ssyncset.done @!p0 $0x0  }
0xdb: {  	[sflag:s0] =	ssyncadd.s32 @!p0 s1  }
0xdc: {  	[bflag:$0x3] =	sbarrier.arrive $0xFFFF  }
0xdd: {  	_ =	shalt  }

// kernel: kernel.16.cloned.1.call-start
scs
__scs_entry_jumppad:
0x0: {  	(pc) =	sbr.rel $0x88, $3  }
0x1: {  	(tag) =	ssettag $0x0;
	lr =	simm.s32 $0x1  }
0x2: {  	[smem:$0x3F90] =	sst lr;
	_ =	strace $0xD0000000  }
0x3: {  	_ = 	snop  }
0x4: {  	_ = 	snop  }
0x5: {  	_ = 	snop  }
0x6: {  	_ = 	snop  }
0x7: {  	_ = 	snop  }
__scs_overlays_trampoline_lowered:
0x8: {  	[smem:$0x3F9F] =	sst s0  }
0x9: {  	[smem:$0x3FA0] =	sst s1  }
0xa: {  	[smem:$0x3FA1] =	sst s2  }
0xb: {  	[smem:$0x3FA2] =	sst s3  }
0xc: {  	[smem:$0x3FA3] =	sst s4  }
0xd: {  	[smem:$0x3FA4] =	sst s5  }
0xe: {  	[smem:$0x3FA5] =	sst s6  }
0xf: {  	[smem:$0x3FA6] =	sst s7  }
0x10: {  	[smem:$0x3FA7] =	sst s8  }
0x11: {  	[smem:$0x3FA8] =	sst s9;
	s0 =	simm.s32 @!p0 $0x0  }
0x12: {  	s1 =	sld [smem:$0x3F8E];
	s0 =	simm.s32 @p0 $0x1  }
0x13: {  	[smem:$0x3FA9] =	sst s0;
	s0 =	simm.s32 @!p1 $0x0  }
0x14: {  	s2 =	sld [smem:$0x3F8D];
	s0 =	simm.s32 @p1 $0x1  }
0x15: {  	[smem:$0x3FAA] =	sst s0;
	s0 =	simm.s32 @!p2 $0x0  }
0x16: {  	s3 =	sld [smem:$0x3FDB];
	s0 =	simm.s32 @p2 $0x1  }
0x17: {  	s4 =	simm.s32 $0x1BF5;
	[smem:$0x3FAC] =	sst s0  }
0x18: {  	s0 =	sld [smem:$0x3F8F];
	_ =	swait.ge [sflag:s4], $0x0  }
0x19: {  	s7 =	sld [smem:$0x3F90]  }
0x1a: {  	s8 =	sadd.s32 $0xFFFFE003, lr  }
0x1b: {  	s9 =	sadd.s32 $0xFFFFFEF7, lr;
	s5 =	simm.s32 $0xFFFFFFFF;
	p2 =	slt.u32 s8, $0xFFFFF086  }
0x1c: {  	p1 =	slt.u32 s9, $0xF7A;
	s5 =	simm.s32 @!p2 $0x0  }
0x1d: {  	s5 =	simm.s32 @p1 $0x1;
	p0 =	seq.s32 s7, s2  }
0x1e: {  	s7 =	smul.u32 @!p0 $0xF7A, s2;
	p2 =	seq.s32 @!p0 s5, $0x0  }
0x1f: {  	s9 =	smul.u32 $0xF7A, s1;
	s8 =	simm.s32 @!p0 $0x1BF5;
	p2 =	por !p2, p0  }
0x20: {  	[sflag:s8] =	ssyncset.s32 @!p0 $0xFFFFF086;
	s6 =	sadd.s32 @!p0 s3, s7;
	s7 =	simm.s32 @!p0 $0x108  }
0x21: {  	s3 =	sadd.s32 s3, s9;
	s6 =	sadd.s32 @!p0 $0x88, s6;
	s7 =	simm.s32 @p2 $0x1082  }
0x22: {  	[simem:s7], [sflag:s8] =	dma.local @!p0 [hbm:s6], $0xF7A  }
0x23: {  	s9 =	sor.u32 $0xD0000000, s2;
	s6 =	simm.s32 $0x108;
	_ =	swait.ge @!p0 [sflag:s8], $0x0  }
0x24: {  	s3 =	sadd.s32 $0x88, s3;
	s6 =	simm.s32 @!p1 $0x1082;
	[sflag:s4] =	ssyncset.s32 $0xFFFFF086  }
0x25: {  	[simem:s6], [sflag:s4] =	dma.local [hbm:s3], $0xF7A  }
0x26: {  	[smem:$0x3F90] =	sst s1;
	(tag) =	ssettag s2;
	_ =	strace s9  }
0x27: {  	s1 =	sld [smem:$0x3FA0]  }
0x28: {  	s2 =	sld [smem:$0x3FA1]  }
0x29: {  	s4 =	sld [smem:$0x3FA3]  }
0x2a: {  	p0 =	seq.s32 s5, $0x0;
	s5 =	sld [smem:$0x3FA4]  }
0x2b: {  	s6 =	sld [smem:$0x3FA5]  }
0x2c: {  	s7 =	sld [smem:$0x3FA6]  }
0x2d: {  	s3 =	simm.s32 $0x108;
	s8 =	sld [smem:$0x3FA7]  }
0x2e: {  	s3 =	simm.s32 @!p0 $0x1082;
	s9 =	sld [smem:$0x3FA8]  }
0x2f: {  	lr =	sadd.s32 s0, s3;
	s0 =	sld [smem:$0x3F9F]  }
0x30: {  	s3 =	sld [smem:$0x3FA2]  }
0x31: {  	[smem:$0x3FAB] =	sst s10  }
0x32: {  	s10 =	sld [smem:$0x3FA9];
	_ =	sdelay $0x3  }
0x33: {  	p0 =	seq.s32 s10, $0x1;
	s10 =	sld [smem:$0x3FAB];
	_ =	sdelay $0x3  }
0x34: {  	[smem:$0x3FAB] =	sst s10  }
0x35: {  	s10 =	sld [smem:$0x3FAA];
	_ =	sdelay $0x3  }
0x36: {  	p1 =	seq.s32 s10, $0x1;
	s10 =	sld [smem:$0x3FAB];
	_ =	sdelay $0x3  }
0x37: {  	[smem:$0x3FAB] =	sst s10  }
0x38: {  	s10 =	sld [smem:$0x3FAC]  }
0x39: {  	_ = 	snop;
	(pc) =	sbr.ind lr, $3  }
0x3a: {  	_ = 	snop  }
0x3b: {  	_ = 	snop  }
0x3c: {  	p2 =	seq.s32 s10, $0x1;
	s10 =	sld [smem:$0x3FAB]  }
0x3d: {  	_ =	shalt  }
0x3e: {  	_ =	shalt  }
0x3f: {  	_ =	shalt  }
0x40: {  	_ =	shalt  }
0x41: {  	_ =	shalt  }
0x42: {  	_ =	shalt  }
0x43: {  	_ =	shalt  }
0x44: {  	_ =	shalt  }
0x45: {  	_ =	shalt  }
0x46: {  	_ =	shalt  }
0x47: {  	_ =	shalt  }
0x48: {  	_ =	shalt  }
0x49: {  	_ =	shalt  }
0x4a: {  	_ =	shalt  }
0x4b: {  	_ =	shalt  }
0x4c: {  	_ =	shalt  }
0x4d: {  	_ =	shalt  }
0x4e: {  	_ =	shalt  }
0x4f: {  	_ =	shalt  }
0x50: {  	_ =	shalt  }
0x51: {  	_ =	shalt  }
0x52: {  	_ =	shalt  }
0x53: {  	_ =	shalt  }
0x54: {  	_ =	shalt  }
0x55: {  	_ =	shalt  }
0x56: {  	_ =	shalt  }
0x57: {  	_ =	shalt  }
0x58: {  	_ =	shalt  }
0x59: {  	_ =	shalt  }
0x5a: {  	_ =	shalt  }
0x5b: {  	_ =	shalt  }
0x5c: {  	_ =	shalt  }
0x5d: {  	_ =	shalt  }
0x5e: {  	_ =	shalt  }
0x5f: {  	_ =	shalt  }
0x60: {  	_ =	shalt  }
0x61: {  	_ =	shalt  }
0x62: {  	_ =	shalt  }
0x63: {  	_ =	shalt  }
0x64: {  	_ =	shalt  }
0x65: {  	_ =	shalt  }
0x66: {  	_ =	shalt  }
0x67: {  	_ =	shalt  }
0x68: {  	_ =	shalt  }
0x69: {  	_ =	shalt  }
0x6a: {  	_ =	shalt  }
0x6b: {  	_ =	shalt  }
0x6c: {  	_ =	shalt  }
0x6d: {  	_ =	shalt  }
0x6e: {  	_ =	shalt  }
0x6f: {  	_ =	shalt  }
0x70: {  	_ =	shalt  }
0x71: {  	_ =	shalt  }
0x72: {  	_ =	shalt  }
0x73: {  	_ =	shalt  }
0x74: {  	_ =	shalt  }
0x75: {  	_ =	shalt  }
0x76: {  	_ =	shalt  }
0x77: {  	_ =	shalt  }
0x78: {  	_ =	shalt  }
0x79: {  	_ =	shalt  }
0x7a: {  	_ =	shalt  }
0x7b: {  	_ =	shalt  }
0x7c: {  	_ =	shalt  }
0x7d: {  	_ =	shalt  }
0x7e: {  	_ =	shalt  }
0x7f: {  	_ =	shalt  }
0x80: {  	_ =	shalt  }
0x81: {  	_ =	shalt  }
0x82: {  	_ =	shalt  }
0x83: {  	_ =	shalt  }
0x84: {  	_ =	shalt  }
0x85: {  	_ =	shalt  }
0x86: {  	_ =	shalt  }
0x87: {  	_ =	shalt  }
.Lfunc_end0:
.L_simem_size_0:
called_computation.2_lowered:
.L_overlay_start_0:
0x88: {  	s2 =	sld [smem:$0x3FD9]  }
0x89: {  	s3 =	sld [smem:$0x3FFE];
	_ =	sdelay $0x1  }
0x8a: {  	s1 =	srdreg.scid  }
0x8b: {  	s0 =	sand.u32 $0x1, s1  }
0x8c: {  	s16 =	sshll.u32 s0, $0xA;
	s2 =	sadd.s32 s3, s2  }
0x8d: {  	s2 =	sadd.s32 s2, s16  }
0x8e: {  	[smem:$0x3FB7] =	sst s2  }
0x8f: {  	_ = 	snop  }
0x90: {  	(tm) =	ssettm $0x1  }
0x91: {  	s17 =	sld [smem:$0x3FFB];
	_ =	sdelay $0x3  }
0x92: {  	_ =	strace s17  }
0x93: {  	s2 =	sld [smem:$0x3FFC];
	_ =	sdelay $0x3  }
0x94: {  	_ =	strace s2  }
0x95: {  	s2 =	sld [smem:$0x3FFD];
	_ =	sdelay $0x3  }
0x96: {  	_ =	strace s2  }
0x97: {  	_ =	strace $0x8FFFFFFF  }
0x98: {  	s18 =	sld [smem:$0x3FDB];
	_ =	sdelay $0x1  }
0x99: {  	s19 =	simm.s32 $_scs_section_size  }
0x9a: {  	s4 =	simm.s32 $_size__tile_overlayer_lowered;
	s5 =	simm.s32 $_tile_overlayer_lowered  }
0x9b: {  	s22 =	simm.s32 $0x1BFF;
	s21 =	sshll.u32 s5, $0x1;
	s2 =	sadd.s32 s19, s18  }
0x9c: {  	s6 =	simm.s32 $0x0;
	s20 =	sshll.u32 s4, $0x1;
	s4 =	sadd.s32 s21, s2  }
0x9d: {  	[timem:s6], [sflag:s22] =	dma.local [hbm:s4], s20  }
0x9e: {  	_ =	swait.ge [sflag:s22], s20  }
0x9f: {  	s3 =	ssub.s32 $0x0, s20;
	[sflag:s22] =	ssyncset.done $0x0  }
0xa0: {  	[sflag:s22] =	ssyncadd.s32 s3;
	_ =	sdelay $0x1  }
0xa1: {  	s23 =	simm.s32 $0x1B8B  }
0xa2: {  	_ =	swait.ge [sflag:s23], $0x1  }
0xa3: {  	[sflag:s23] =	ssyncset.done $0x0  }
0xa4: {  	s25 =	simm.s32 $0x1B8E;
	s24 =	sld [smem:$0x3FFE];
	[sflag:s23] =	ssyncadd.s32 $0xFFFFFFFF  }
0xa5: {  	s26 =	simm.s32 $execute0_lowered;
	[smem:$0x3FD2] =	sst s25  }
0xa6: {  	s4 =	sshll.u32 s26, $0x1;
	_ =	strace $0x8000004C;
	[dreg:$0x1] =	wrdreg $0xFFFFFFFF  }
0xa7: {  	s28 =	simm.s32 $_size_execute0_lowered;
	s2 =	sadd.s32 s2, s4;
	[dreg:$0x0] =	wrdreg $0x0  }
0xa8: {  	s4 =	sshll.u32 s28, $0x1;
	[dreg:$0x2] =	wrdreg s2  }
0xa9: {  	[dreg:$0x3] =	wrdreg s4  }
0xaa: {  	[dreg:$0x4] =	wrdreg $0xC0  }
0xab: {  	_ =	task [dreg:s6], $0x5FFFF  }
0xac: {  	[dreg:$0x1] =	wrdreg $0xFFFFFFFF  }
0xad: {  	[dreg:$0x0] =	wrdreg $0x60  }
0xae: {  	[dreg:$0x2] =	wrdreg s24  }
0xaf: {  	[dreg:$0x3] =	wrdreg $0xC5000  }
0xb0: {  	[dreg:$0x4] =	wrdreg $0x9  }
0xb1: {  	_ =	task.clear_ibuf [dreg:s6], $0x5FFFF;
	_ =	strace $0x9000004C  }
0xb2: {  	s29 =	simm.s32 $0x9;
	_ =	strace $0x8000004E  }
0xb3: {  	_ =	swait.ge [sflag:s29], $0x1  }
0xb4: {  	[sflag:s29] =	ssyncadd.s32 $0xFFFFFFFF  }
0xb5: {  	_ =	strace $0x9000004E  }
0xb6: {  	_ =	sfence  }
0xb7: {  	s30 =	sld [smem:$0x0];
	_ =	sdelay $0x2  }
0xb8: {  	s31 =	sshll.u32 s1, $0xD;
	s1 =	sshrl.u32 s1, $0x2  }
0xb9: {  	s3 =	sand.u32 $0x4000, s31;
	s1 =	sadd.s32 s1, s30  }
0xba: {  	s0 =	sor.u32 s3, s0;
	s1 =	sshll.u32 s1, $0x11  }
0xbb: {  	s0 =	sor.u32 s1, s0  }
0xbc: {  	s0 =	sadd.s32 $0x8F2B, s0  }
0xbd: {  	[sflag:s0] =	ssyncadd.remote.s32 $0x1  }
0xbe: {  	_ =	sfence.sel $0xFFFF  }
0xbf: {  	[dreg:$0x0] =	wrdreg $0xFFFFFFFF;
	(pc) =	sbr.abs _section_cstart, $3  }
0xc0: {  	[dreg:$0x1] =	wrdreg $0xFFFFFFFF  }
0xc1: {  	_ =	task.clear_ibuf [dreg:s6], $0x2FFFF;
	_ =	strace $0x9FFFFFFF  }
0xc2: {  	(tm) =	ssettm $0x7FFFFFFF  }
0xc3: {  	_ =	shalt  }
tec
execute0_lowered:
.L_overlay_start_1:
0x0: {  	(tag) =	ssettag $0x1  }
0x1: {  	s0 =	rddreg [dreg:$0x0]  }
0x2: {  	s1 =	rddreg [dreg:$0x1];
	s2 =	simm.s32 $0x0;
	s3 =	srdreg.scid  }
0x3: {  	s20 =	stileid.u32;
	[smem:$0x7FF] =	sst s2  }
0x4: {  	s3 =	sand.u32 $0x1, s3;
	s4 =	sadd.s32 $0x18400, s0;
	s7 =	sadd.s32 $0x4000, s0  }
0x5: {  	s11 =	sshll.u32 s20, $0xE;
	s25 =	sshll.u32 s20, $0x6;
	s23 =	smul.u32 $0x2710, s20  }
0x6: {  	p0 =	sgt.u32 s20, $0xD;
	p3 =	slt.u32 s20, $0xE;
	_ =	strace $0x8000004D  }
0x7: {  	s5 =	sshll.u32 s3, $0x4;
	s8 =	ssub.s32 $0x2, s3;
	s13 =	sadd.s32 s11, s1  }
0x8: {  	s26 =	sor.u32 $0x40000, s11;
	s14 =	sor.u32 $0x80000, s11;
	s15 =	smul.u32 $0x138800, s3  }
0x9: {  	s29 =	sor.u32 $0xC0000, s11;
	s3 =	smul.u32 $0x27100, s3;
	p2 =	sne.s32 @p0 s20, $0xF  }
0xa: {  	s6 =	sor.u32 s20, s5;
	s5 =	sadd.s32 $0xDE00, s0;
	s9 =	sshrl.u32 s8, $0x1  }
0xb: {  	[dreg:$0x3] =	wrdreg s13;
	s16 =	sadd.s32 s26, s1;
	s28 =	sadd.s32 s14, s1  }
0xc: {  	s17 =	sadd.s32 s29, s1;
	p1 =	por p2, !p0;
	p2 =	por !p2, !p0  }
0xd: {  	s10 =	smul.u32 $0x2710, s6;
	s6 =	sadd.s32 $0x17C00, s0;
	[dreg:$0x4] =	wrdreg s16  }
0xe: {  	s0 =	sadd.s32 $0x3F600, s0;
	s9 =	ssub.s32 s8, s9;
	[dreg:$0x5] =	wrdreg s28  }
0xf: {  	s8 =	sor.u32 $0x1C09, s25;
	[dreg:$0x6] =	wrdreg s17;
	s18 =	sadd.s32 s11, s15  }
0x10: {  	s13 =	sadd.s32 s15, s26;
	s11 =	sor.u32 $0x100000, s11;
	s19 =	sadd.s32 s15, s14  }
0x11: {  	s21 =	sadd.s32 s15, s29;
	s26 =	sshrl.u32 s15, $0x3;
	s3 =	sadd.s32 s23, s3  }
0x12: {  	s17 =	sshrl.u32 s18, $0x3;
	s13 =	sshrl.u32 s13, $0x3;
	s14 =	sshrl.u32 s21, $0x3  }
0x13: {  	s22 =	sadd.s32 s15, s11;
	s28 =	sadd.s32 $0x3C0, s3;
	s29 =	sadd.s32 $0x300, s3  }
0x14: {  	s31 =	sadd.s32 s11, s1;
	s23 =	smax.u32 s9, $0x1;
	s9 =	simm.s32 $0x9  }
0x15: {  	s11 =	simm.s32 $0xC0;
	s10 =	sshrl.u32 s10, $0x3;
	[dreg:$0x12] =	wrdreg s23  }
0x16: {  	s17 =	sadd.s32 s0, s17;
	s13 =	sadd.s32 s0, s13;
	[dreg:$0xc] =	wrdreg s31  }
0x17: {  	s24 =	sadd.s32 s0, s14;
	s25 =	sshrl.u32 s22, $0x3;
	[dreg:$0x7] =	wrdreg s17  }
0x18: {  	s14 =	sshrl.u32 s29, $0x3;
	s23 =	simm.s32 $0x6;
	[dreg:$0x8] =	wrdreg s13  }
0x19: {  	s12 =	sadd.s32 $0x18, s10;
	s13 =	sshrl.u32 s19, $0x3;
	[dreg:$0xa] =	wrdreg s24  }
0x1a: {  	s19 =	sadd.s32 s14, s7;
	s15 =	sadd.s32 $0x4E0, s10;
	s24 =	sadd.s32 s5, s10  }
0x1b: {  	s16 =	sadd.s32 s7, s10;
	s17 =	sadd.s32 $0x138000, s1;
	[dreg:$0x13] =	wrdreg s24  }
0x1c: {  	s10 =	simm.s32 $0x1;
	s14 =	simm.s32 $0x6500;
	[dreg:$0xd] =	wrdreg s16  }
0x1d: {  	s13 =	sadd.s32 s0, s13;
	s21 =	sadd.s32 s7, s12;
	[dreg:$0x16] =	wrdreg s17  }
0x1e: {  	s22 =	sadd.s32 s5, s15;
	s29 =	sadd.s32 $0x48, s16;
	[dreg:$0x9] =	wrdreg s13  }
0x1f: {  	s24 =	simm.s32 $0x4;
	s13 =	sadd.s32 s0, s25;
	[dreg:$0xe] =	wrdreg s21  }
0x20: {  	s0 =	sadd.s32 s0, s26;
	[dreg:$0x10] =	wrdreg s22;
	s25 =	sadd.s32 $0x240, s3  }
0x21: {  	s26 =	sadd.s32 s5, s12;
	s3 =	sadd.s32 $0x180, s3;
	[dreg:$0x18] =	wrdreg s29  }
0x22: {  	s12 =	simm.s32 $0x500;
	s21 =	simm.s32 $0x5;
	[dreg:$0xb] =	wrdreg s13  }
0x23: {  	s22 =	simm.s32 $0x3;
	s13 =	sshrl.u32 s28, $0x3;
	[dreg:$0x14] =	wrdreg s26  }
0x24: {  	s0 =	sadd.s32 $0x27000, s0;
	[dreg:$0x15] =	wrdreg s3;
	s28 =	sadd.s32 $0x30, s16  }
.Ltmp0:
0x25: {  	s16 =	simm.s32 $0x300;
	s26 =	simm.s32 $0x8;
	(pc) =	sbr.rel .LBB2_1-.Ltmp0, $4  }
0x26: {  	s18 =	sadd.s32 s13, s7;
	s7 =	sadd.s32 s7, s15;
	[dreg:$0x11] =	wrdreg s0  }
0x27: {  	s0 =	sshrl.u32 s25, $0x3;
	[dreg:$0x17] =	wrdreg s28;
	s13 =	simm.s32 $0x2  }
0x28: {  	s15 =	simm.s32 $0x200;
	s25 =	simm.s32 $0x7;
	[dreg:$0xf] =	wrdreg s7  }
0x29: {  	s30 =	sadd.s32 s0, s5;
	s7 =	simm.s32 $0x100;
	s0 =	simm.s32 $0x0  }
.LBB2_3:
0x2a: {  	_ =	swait.ge [sflag:s23], $0x6000  }
0x2b: {  	[sflag:s23] =	ssyncset.done $0x0  }
0x2c: {  	[sflag:s23] =	ssyncadd.s32 $0xFFFFA000  }
0x2d: {  	_ =	swait.ge [sflag:s24], $0xC0  }
0x2e: {  	[sflag:s24] =	ssyncset.done $0x0  }
0x2f: {  	[sflag:s24] =	ssyncadd.s32 $0xFFFFFF40  }
0x30: {  	[spmem:s1] =	stream.indirect.scatter.add.f32 [tilespmem:s14], [sflag:$0x8], $0x80, s16, s11, $0xb8;
	[tilespmem:$0x1FD80] =	vst v63  }
0x31: {  	_ =	swait.ge [sflag:s25], $0x6000  }
0x32: {  	[sflag:s25] =	ssyncset.done $0x0  }
0x33: {  	[sflag:s25] =	ssyncadd.s32 $0xFFFFA000  }
0x34: {  	_ =	swait.ge [sflag:s26], $0x6000  }
0x35: {  	[sflag:s26] =	ssyncset.done $0x0  }
0x36: {  	s17 =	simm.s32 $0x400;
	s3 =	rddreg [dreg:$0xf];
	[sflag:s26] =	ssyncadd.s32 $0xFFFFA000  }
0x37: {  	[tilespmem:s17], [sflag:$0x9] =	stream.linear.gather [hbm4b:s3+s2], $0x10, $0x38;
	[tilespmem:$0x1FD80] =	vst v63  }
0x38: {  	_ =	swait.ge [sflag:s9], $0x10  }
0x39: {  	[sflag:s9] =	ssyncset.done $0x0  }
0x3a: {  	s31 =	simm.s32 $0x480;
	s3 =	rddreg [dreg:$0x10];
	[sflag:s9] =	ssyncadd.s32 $0xFFFFFFF0  }
0x3b: {  	[tilespmem:s31], [sflag:$0x9] =	stream.linear.gather [hbm4b:s3+s2], $0x10, $0x38;
	[tilespmem:$0x1FD80] =	vst v63  }
0x3c: {  	_ =	swait.ge [sflag:s9], $0x10  }
0x3d: {  	[sflag:s9] =	ssyncset.done $0x0  }
0x3e: {  	s3 =	simm.s32 $0x10;
	[sflag:s9] =	ssyncadd.s32 $0xFFFFFFF0  }
0x3f: {  	[tilespmem:s12], [sflag:$0x5] =	stream.indirect.gather [hbm4b:s4+s3], $0x80, s17, s3, $0xb8;
	[tilespmem:$0x1FD80] =	vst v63  }
0x40: {  	_ =	swait.ge [sflag:s21], $0x800  }
0x41: {  	[sflag:s21] =	ssyncset.done $0x0  }
0x42: {  	[sflag:s21] =	ssyncadd.s32 $0xFFFFF800  }
0x43: {  	[spmem:s1] =	stream.indirect.scatter.add.f32 [tilespmem:s12], [sflag:$0x9], $0x80, s31, s3, $0xb8;
	[tilespmem:$0x1FD80] =	vst v63  }
0x44: {  	_ =	swait.ge [sflag:s9], $0x800  }
0x45: {  	[sflag:s9] =	ssyncset.done $0x0  }
0x46: {  	[sflag:s9] =	ssyncadd.s32 $0xFFFFF800  }
0x47: {  	[bflag:$0x0] =	sbarrier.arrive $0xFFFF  }
0x48: {  	s3 =	rddreg [dreg:$0x7]  }
0x49: {  	s17 =	rddreg [dreg:$0x19]  }
0x4a: {  	[hbm:s3], [sflag:s8] =	dma.local [spmem:s17], $0x800  }
0x4b: {  	_ =	swait.ge [sflag:s9], $0x800  }
0x4c: {  	[sflag:s9] =	ssyncset.done $0x0  }
0x4d: {  	s17 =	rddreg [dreg:$0x8];
	[sflag:s9] =	ssyncadd.s32 $0xFFFFF800  }
0x4e: {  	[hbm:s17], [sflag:s8] =	dma.local [spmem:s28], $0x800  }
0x4f: {  	_ =	swait.ge [sflag:s9], $0x800  }
0x50: {  	[sflag:s9] =	ssyncset.done $0x0  }
0x51: {  	s17 =	rddreg [dreg:$0x9];
	[sflag:s9] =	ssyncadd.s32 $0xFFFFF800  }
0x52: {  	[hbm:s17], [sflag:s8] =	dma.local [spmem:s20], $0x800  }
0x53: {  	_ =	swait.ge [sflag:s9], $0x800  }
0x54: {  	[sflag:s9] =	ssyncset.done $0x0  }
0x55: {  	s28 =	rddreg [dreg:$0xa];
	[sflag:s9] =	ssyncadd.s32 $0xFFFFF800  }
0x56: {  	[hbm:s28], [sflag:s8] =	dma.local [spmem:s29], $0x800  }
0x57: {  	_ =	swait.ge [sflag:s9], $0x800  }
0x58: {  	[sflag:s9] =	ssyncset.done $0x0;
	s31 =	rddreg [dreg:$0xc]  }
0x59: {  	s17 =	rddreg [dreg:$0xb];
	[sflag:s9] =	ssyncadd.s32 $0xFFFFF800;
	s3 =	sshrl.u32 @p3 s31, $0x3  }
0x5a: {  	[hbm:s17], [sflag:s8] =	dma.local @p3 [spmem:s3], $0x800  }
0x5b: {  	s3 =	simm.s32 @p3 $0x9  }
0x5c: {  	_ =	swait.ge @p3 [sflag:s3], $0x800  }
0x5d: {  	[sflag:s3] =	ssyncset.done @p3 $0x0;
	s20 =	rddreg [dreg:$0x16]  }
0x5e: {  	s17 =	rddreg [dreg:$0x11];
	[sflag:s3] =	ssyncadd.s32 @p3 $0xFFFFF800;
	s3 =	sshrl.u32 @p4 s20, $0x3  }
0x5f: {  	[hbm:s17], [sflag:s8] =	dma.local @p4 [spmem:s3], $0x100  }
0x60: {  	s3 =	simm.s32 @p4 $0x9  }
0x61: {  	_ =	swait.ge @p4 [sflag:s3], $0x100  }
0x62: {  	s0 =	sadd.s32 $0x1, s0;
	s29 =	rddreg [dreg:$0x12]  }
0x63: {  	p5 =	sne.s32 s0, s29  }
.Ltmp1:
0x64: {  	_ = 	snop;
	(pc) =	sbr.rel @!p5 .LBB2_4-.Ltmp1, $3  }
0x65: {  	_ =	sdelay $0x1  }
0x66: {  	[sflag:s3] =	ssyncset.done @p4 $0x0  }
0x67: {  	s17 =	smov.u32 s20;
	[sflag:s3] =	ssyncadd.s32 @p4 $0xFFFFFF00  }
.LBB2_1:
0x68: {  	s3 =	rddreg [dreg:$0xd]  }
0x69: {  	[tilespmem:s2], [sflag:$0x1] =	stream.linear.gather [hbm4b:s3+s2], $0xC0, $0x38;
	[tilespmem:$0x1FD80] =	vst v63  }
0x6a: {  	s20 =	rddreg [dreg:$0xe]  }
0x6b: {  	[tilespmem:s7], [sflag:$0x2] =	stream.linear.gather [hbm4b:s20+s2], $0xC0, $0x38;
	[tilespmem:$0x1FD80] =	vst v63  }
0x6c: {  	s20 =	rddreg [dreg:$0x3]  }
0x6d: {  	s3 =	sshrl.u32 s20, $0x3  }
0x6e: {  	[dreg:$0x19] =	wrdreg s3  }
0x6f: {  	[spmem:s3], [sflag:s8] =	dma.local [hbm:s6], $0x800  }
0x70: {  	_ =	swait.ge [sflag:s9], $0x800  }
0x71: {  	[sflag:s9] =	ssyncset.done $0x0;
	s20 =	rddreg [dreg:$0x4]  }
0x72: {  	[sflag:s9] =	ssyncadd.s32 $0xFFFFF800;
	s28 =	sshrl.u32 s20, $0x3  }
0x73: {  	[spmem:s28], [sflag:s8] =	dma.local [hbm:s6], $0x800  }
0x74: {  	_ =	swait.ge [sflag:s9], $0x800  }
0x75: {  	[sflag:s9] =	ssyncset.done $0x0;
	s20 =	rddreg [dreg:$0x5]  }
0x76: {  	[sflag:s9] =	ssyncadd.s32 $0xFFFFF800;
	s20 =	sshrl.u32 s20, $0x3  }
0x77: {  	[spmem:s20], [sflag:s8] =	dma.local [hbm:s6], $0x800  }
0x78: {  	_ =	swait.ge [sflag:s9], $0x800  }
0x79: {  	[sflag:s9] =	ssyncset.done $0x0;
	s3 =	rddreg [dreg:$0x6]  }
0x7a: {  	[sflag:s9] =	ssyncadd.s32 $0xFFFFF800;
	s29 =	sshrl.u32 s3, $0x3  }
0x7b: {  	[spmem:s29], [sflag:s8] =	dma.local [hbm:s6], $0x800  }
0x7c: {  	_ =	swait.ge [sflag:s9], $0x800  }
0x7d: {  	[sflag:s9] =	ssyncset.done $0x0  }
0x7e: {  	s17 =	sshrl.u32 @!p1 s17, $0x3;
	[sflag:s9] =	ssyncadd.s32 $0xFFFFF800  }
0x7f: {  	[spmem:s17], [sflag:s8] =	dma.local @!p1 [hbm:s6], $0x100  }
0x80: {  	s17 =	simm.s32 @!p1 $0x9  }
0x81: {  	_ =	swait.ge @!p1 [sflag:s17], $0x100  }
0x82: {  	[sflag:s17] =	ssyncset.done @!p1 $0x0  }
0x83: {  	[sflag:s17] =	ssyncadd.s32 @!p1 $0xFFFFFF00;
	s17 =	sshrl.u32 @!p0 s31, $0x3  }
0x84: {  	[spmem:s17], [sflag:s8] =	dma.local @!p0 [hbm:s6], $0x800  }
0x85: {  	s17 =	simm.s32 @!p0 $0x9  }
0x86: {  	_ =	swait.ge @!p0 [sflag:s17], $0x800  }
0x87: {  	[sflag:s17] =	ssyncset.done @!p0 $0x0  }
0x88: {  	[sflag:s17] =	ssyncadd.s32 @!p0 $0xFFFFF800  }
0x89: {  	_ =	swait.ge [sflag:s10], $0xC0  }
0x8a: {  	[sflag:s10] =	ssyncset.done $0x0  }
0x8b: {  	[sflag:s10] =	ssyncadd.s32 $0xFFFFFF40  }
0x8c: {  	[tilespmem:s12], [sflag:$0x5] =	stream.indirect.gather [hbm4b:s4+s11], $0x80, s2, s11, $0xb8;
	[tilespmem:$0x1FD80] =	vst v63  }
0x8d: {  	_ =	swait.ge [sflag:s13], $0xC0  }
0x8e: {  	[sflag:s13] =	ssyncset.done $0x0  }
0x8f: {  	[sflag:s13] =	ssyncadd.s32 $0xFFFFFF40  }
0x90: {  	[tilespmem:s14], [sflag:$0x6] =	stream.indirect.gather [hbm4b:s4+s11], $0x80, s7, s11, $0xb8;
	[tilespmem:$0x1FD80] =	vst v63  }
0x91: {  	[bflag:$0x0] =	sbarrier.arrive $0xFFFF  }
0x92: {  	s17 =	rddreg [dreg:$0x13]  }
0x93: {  	[tilespmem:s15], [sflag:$0x3] =	stream.linear.gather [hbm4b:s17+s2], $0xC0, $0x38;
	[tilespmem:$0x1FD80] =	vst v63  }
0x94: {  	s17 =	rddreg [dreg:$0x14]  }
0x95: {  	[tilespmem:s16], [sflag:$0x4] =	stream.linear.gather [hbm4b:s17+s2], $0xC0, $0x38;
	[tilespmem:$0x1FD80] =	vst v63  }
0x96: {  	_ =	swait.ge [sflag:s21], $0x6000  }
0x97: {  	[sflag:s21] =	ssyncset.done $0x0  }
0x98: {  	[sflag:s21] =	ssyncadd.s32 $0xFFFFA000  }
0x99: {  	_ =	swait.ge [sflag:s22], $0xC0  }
0x9a: {  	[sflag:s22] =	ssyncset.done $0x0  }
0x9b: {  	[sflag:s22] =	ssyncadd.s32 $0xFFFFFF40  }
0x9c: {  	[spmem:s1] =	stream.indirect.scatter.add.f32 [tilespmem:s12], [sflag:$0x7], $0x80, s15, s11, $0xb8;
	[tilespmem:$0x1FD80] =	vst v63  }
0x9d: {  	s17 =	rddreg [dreg:$0x17]  }
0x9e: {  	[tilespmem:s2], [sflag:$0x1] =	stream.linear.gather [hbm4b:s17+s2], $0xC0, $0x38;
	[tilespmem:$0x1FD80] =	vst v63  }
0x9f: {  	_ =	swait.ge [sflag:s23], $0x6000  }
0xa0: {  	[sflag:s23] =	ssyncset.done $0x0  }
0xa1: {  	[sflag:s23] =	ssyncadd.s32 $0xFFFFA000  }
0xa2: {  	_ =	swait.ge [sflag:s24], $0xC0  }
0xa3: {  	[sflag:s24] =	ssyncset.done $0x0  }
0xa4: {  	p5 =	por @p0 $0x0, $0x0;
	p4 =	por @!p1 $0x1, $0x1;
	[sflag:s24] =	ssyncadd.s32 $0xFFFFFF40  }
0xa5: {  	[spmem:s1] =	stream.indirect.scatter.add.f32 [tilespmem:s14], [sflag:$0x8], $0x80, s16, s11, $0xb8;
	[tilespmem:$0x1FD80] =	vst v63  }
0xa6: {  	p4 =	por @!p2 p5, p5;
	p5 =	por @!p0 $0x0, $0x0;
	s17 =	rddreg [dreg:$0x18]  }
0xa7: {  	[tilespmem:s7], [sflag:$0x2] =	stream.linear.gather [hbm4b:s17+s2], $0xC0, $0x38;
	[tilespmem:$0x1FD80] =	vst v63  }
0xa8: {  	p4 =	por @!p0 p5, p5;
	s31 =	rddreg [dreg:$0x15];
	s17 =	simm.s32 $0x0  }
.LBB2_2:
0xa9: {  	_ =	swait.ge [sflag:s25], $0x6000  }
0xaa: {  	[sflag:s25] =	ssyncset.done $0x0  }
0xab: {  	[sflag:s25] =	ssyncadd.s32 $0xFFFFA000  }
0xac: {  	_ =	swait.ge [sflag:s26], $0x6000  }
0xad: {  	s3 =	sshrl.u32 s31, $0x3;
	[sflag:s26] =	ssyncset.done $0x0  }
0xae: {  	s3 =	sadd.s32 s5, s3;
	[sflag:s26] =	ssyncadd.s32 $0xFFFFA000  }
0xaf: {  	[tilespmem:s15], [sflag:$0x3] =	stream.linear.gather [hbm4b:s3+s2], $0xC0, $0x38;
	[tilespmem:$0x1FD80] =	vst v63  }
0xb0: {  	s3 =	sadd.s32 s17, s30  }
0xb1: {  	[tilespmem:s16], [sflag:$0x4] =	stream.linear.gather [hbm4b:s3+s2], $0xC0, $0x38;
	[tilespmem:$0x1FD80] =	vst v63  }
0xb2: {  	_ =	swait.ge [sflag:s10], $0xC0  }
0xb3: {  	[sflag:s10] =	ssyncset.done $0x0  }
0xb4: {  	[sflag:s10] =	ssyncadd.s32 $0xFFFFFF40  }
0xb5: {  	[tilespmem:s12], [sflag:$0x5] =	stream.indirect.gather [hbm4b:s4+s11], $0x80, s2, s11, $0xb8;
	[tilespmem:$0x1FD80] =	vst v63  }
0xb6: {  	_ =	swait.ge [sflag:s13], $0xC0  }
0xb7: {  	[sflag:s13] =	ssyncset.done $0x0  }
0xb8: {  	[sflag:s13] =	ssyncadd.s32 $0xFFFFFF40  }
0xb9: {  	[tilespmem:s14], [sflag:$0x6] =	stream.indirect.gather [hbm4b:s4+s11], $0x80, s7, s11, $0xb8;
	[tilespmem:$0x1FD80] =	vst v63  }
0xba: {  	_ =	swait.ge [sflag:s21], $0x6000  }
0xbb: {  	p5 =	sne.s32 s17, $0x480;
	[sflag:s21] =	ssyncset.done $0x0  }
.Ltmp2:
0xbc: {  	[sflag:s21] =	ssyncadd.s32 $0xFFFFA000;
	(pc) =	sbr.rel @!p5 .LBB2_3-.Ltmp2, $4  }
0xbd: {  	_ =	swait.ge [sflag:s22], $0xC0  }
0xbe: {  	[sflag:s22] =	ssyncset.done $0x0  }
0xbf: {  	[sflag:s22] =	ssyncadd.s32 $0xFFFFFF40  }
0xc0: {  	[spmem:s1] =	stream.indirect.scatter.add.f32 [tilespmem:s12], [sflag:$0x7], $0x80, s15, s11, $0xb8;
	[tilespmem:$0x1FD80] =	vst v63  }
0xc1: {  	s3 =	sadd.s32 s17, s19  }
0xc2: {  	[tilespmem:s2], [sflag:$0x1] =	stream.linear.gather [hbm4b:s3+s2], $0xC0, $0x38;
	[tilespmem:$0x1FD80] =	vst v63  }
0xc3: {  	_ =	swait.ge [sflag:s23], $0x6000  }
0xc4: {  	[sflag:s23] =	ssyncset.done $0x0  }
0xc5: {  	[sflag:s23] =	ssyncadd.s32 $0xFFFFA000  }
0xc6: {  	_ =	swait.ge [sflag:s24], $0xC0  }
.Ltmp3:
0xc7: {  	[sflag:s24] =	ssyncset.done $0x0;
	(pc) =	sbr.rel .LBB2_2-.Ltmp3, $4  }
0xc8: {  	[sflag:s24] =	ssyncadd.s32 $0xFFFFFF40  }
0xc9: {  	[spmem:s1] =	stream.indirect.scatter.add.f32 [tilespmem:s14], [sflag:$0x8], $0x80, s16, s11, $0xb8;
	[tilespmem:$0x1FD80] =	vst v63  }
0xca: {  	s31 =	sadd.s32 $0x180, s31;
	s3 =	sadd.s32 s17, s18;
	s17 =	sadd.s32 $0x30, s17  }
0xcb: {  	[tilespmem:s7], [sflag:$0x2] =	stream.linear.gather [hbm4b:s3+s2], $0xC0, $0x38;
	[tilespmem:$0x1FD80] =	vst v63  }
.LBB2_4:
0xcc: {  	_ =	sfence.sel $0x180000  }
0xcd: {  	[bflag:$0x0] =	sbarrier.arrive $0xFFFF  }
0xce: {  	_ =	strace $0x9000004D  }
0xcf: {  	s0 =	stileid.u32;
	[bflag:$0x2] =	sbarrier.arrive $0xFFFF  }
0xd0: {  	p0 =	sne.s32 s0, $0x0;
	s0 =	rddreg [dreg:$0x2]  }
0xd1: {  	s0 =	sadd.s32 @!p0 $0x100000, s0  }
0xd2: {  	[sflag:s0] =	ssyncadd.tile.s32 @!p0 $0x1;
	_ =	shalt  }
.Lfunc_end2:
_tile_overlayer_lowered:
.L_overlay_start_2:
0xd3: {  	(tag) =	ssettag $0x2  }
0xd4: {  	s0 =	rddreg [dreg:$0x0];
	s2 =	stileid.u32  }
0xd5: {  	s1 =	rddreg [dreg:$0x1];
	p0 =	sne.s32 s2, $0x0  }
0xd6: {  	s3 =	rddreg [dreg:$0x2];
	[bflag:$0x3] =	sbarrier.arrive $0xFFFF;
	s2 =	simm.s32 @!p0 $0x1C09  }
0xd7: {  	[timem:s3], [sflag:s2] =	dma.local @!p0 [hbm:s0], s1  }
0xd8: {  	s0 =	simm.s32 @!p0 $0x9  }
0xd9: {  	_ =	swait.ge @!p0 [sflag:s0], s1  }
0xda: {  	s1 =	ssub.s32 @!p0 $0x0, s1;
	[sflag:s0] =	ssyncset.done @!p0 $0x0  }
0xdb: {  	[sflag:s0] =	ssyncadd.s32 @!p0 s1  }
0xdc: {  	[bflag:$0x3] =	sbarrier.arrive $0xFFFF  }
0xdd: {  	_ =	shalt  }

// kernel: kernel.19.cloned.1.call-start
scs
__scs_entry_jumppad:
0x0: {  	(pc) =	sbr.rel $0x88, $3  }
0x1: {  	(tag) =	ssettag $0x0;
	lr =	simm.s32 $0x1  }
0x2: {  	[smem:$0x3F90] =	sst lr;
	_ =	strace $0xD0000000  }
0x3: {  	_ = 	snop  }
0x4: {  	_ = 	snop  }
0x5: {  	_ = 	snop  }
0x6: {  	_ = 	snop  }
0x7: {  	_ = 	snop  }
__scs_overlays_trampoline_lowered:
0x8: {  	[smem:$0x3F9F] =	sst s0  }
0x9: {  	[smem:$0x3FA0] =	sst s1  }
0xa: {  	[smem:$0x3FA1] =	sst s2  }
0xb: {  	[smem:$0x3FA2] =	sst s3  }
0xc: {  	[smem:$0x3FA3] =	sst s4  }
0xd: {  	[smem:$0x3FA4] =	sst s5  }
0xe: {  	[smem:$0x3FA5] =	sst s6  }
0xf: {  	[smem:$0x3FA6] =	sst s7  }
0x10: {  	[smem:$0x3FA7] =	sst s8  }
0x11: {  	[smem:$0x3FA8] =	sst s9;
	s0 =	simm.s32 @!p0 $0x0  }
0x12: {  	s1 =	sld [smem:$0x3F8E];
	s0 =	simm.s32 @p0 $0x1  }
0x13: {  	[smem:$0x3FA9] =	sst s0;
	s0 =	simm.s32 @!p1 $0x0  }
0x14: {  	s2 =	sld [smem:$0x3F8D];
	s0 =	simm.s32 @p1 $0x1  }
0x15: {  	[smem:$0x3FAA] =	sst s0;
	s0 =	simm.s32 @!p2 $0x0  }
0x16: {  	s3 =	sld [smem:$0x3FDB];
	s0 =	simm.s32 @p2 $0x1  }
0x17: {  	s4 =	simm.s32 $0x1BF5;
	[smem:$0x3FAC] =	sst s0  }
0x18: {  	s0 =	sld [smem:$0x3F8F];
	_ =	swait.ge [sflag:s4], $0x0  }
0x19: {  	s7 =	sld [smem:$0x3F90]  }
0x1a: {  	s8 =	sadd.s32 $0xFFFFE003, lr  }
0x1b: {  	s9 =	sadd.s32 $0xFFFFFEF7, lr;
	s5 =	simm.s32 $0xFFFFFFFF;
	p2 =	slt.u32 s8, $0xFFFFF086  }
0x1c: {  	p1 =	slt.u32 s9, $0xF7A;
	s5 =	simm.s32 @!p2 $0x0  }
0x1d: {  	s5 =	simm.s32 @p1 $0x1;
	p0 =	seq.s32 s7, s2  }
0x1e: {  	s7 =	smul.u32 @!p0 $0xF7A, s2;
	p2 =	seq.s32 @!p0 s5, $0x0  }
0x1f: {  	s9 =	smul.u32 $0xF7A, s1;
	s8 =	simm.s32 @!p0 $0x1BF5;
	p2 =	por !p2, p0  }
0x20: {  	[sflag:s8] =	ssyncset.s32 @!p0 $0xFFFFF086;
	s6 =	sadd.s32 @!p0 s3, s7;
	s7 =	simm.s32 @!p0 $0x108  }
0x21: {  	s3 =	sadd.s32 s3, s9;
	s6 =	sadd.s32 @!p0 $0x88, s6;
	s7 =	simm.s32 @p2 $0x1082  }
0x22: {  	[simem:s7], [sflag:s8] =	dma.local @!p0 [hbm:s6], $0xF7A  }
0x23: {  	s9 =	sor.u32 $0xD0000000, s2;
	s6 =	simm.s32 $0x108;
	_ =	swait.ge @!p0 [sflag:s8], $0x0  }
0x24: {  	s3 =	sadd.s32 $0x88, s3;
	s6 =	simm.s32 @!p1 $0x1082;
	[sflag:s4] =	ssyncset.s32 $0xFFFFF086  }
0x25: {  	[simem:s6], [sflag:s4] =	dma.local [hbm:s3], $0xF7A  }
0x26: {  	[smem:$0x3F90] =	sst s1;
	(tag) =	ssettag s2;
	_ =	strace s9  }
0x27: {  	s1 =	sld [smem:$0x3FA0]  }
0x28: {  	s2 =	sld [smem:$0x3FA1]  }
0x29: {  	s4 =	sld [smem:$0x3FA3]  }
0x2a: {  	p0 =	seq.s32 s5, $0x0;
	s5 =	sld [smem:$0x3FA4]  }
0x2b: {  	s6 =	sld [smem:$0x3FA5]  }
0x2c: {  	s7 =	sld [smem:$0x3FA6]  }
0x2d: {  	s3 =	simm.s32 $0x108;
	s8 =	sld [smem:$0x3FA7]  }
0x2e: {  	s3 =	simm.s32 @!p0 $0x1082;
	s9 =	sld [smem:$0x3FA8]  }
0x2f: {  	lr =	sadd.s32 s0, s3;
	s0 =	sld [smem:$0x3F9F]  }
0x30: {  	s3 =	sld [smem:$0x3FA2]  }
0x31: {  	[smem:$0x3FAB] =	sst s10  }
0x32: {  	s10 =	sld [smem:$0x3FA9];
	_ =	sdelay $0x3  }
0x33: {  	p0 =	seq.s32 s10, $0x1;
	s10 =	sld [smem:$0x3FAB];
	_ =	sdelay $0x3  }
0x34: {  	[smem:$0x3FAB] =	sst s10  }
0x35: {  	s10 =	sld [smem:$0x3FAA];
	_ =	sdelay $0x3  }
0x36: {  	p1 =	seq.s32 s10, $0x1;
	s10 =	sld [smem:$0x3FAB];
	_ =	sdelay $0x3  }
0x37: {  	[smem:$0x3FAB] =	sst s10  }
0x38: {  	s10 =	sld [smem:$0x3FAC]  }
0x39: {  	_ = 	snop;
	(pc) =	sbr.ind lr, $3  }
0x3a: {  	_ = 	snop  }
0x3b: {  	_ = 	snop  }
0x3c: {  	p2 =	seq.s32 s10, $0x1;
	s10 =	sld [smem:$0x3FAB]  }
0x3d: {  	_ =	shalt  }
0x3e: {  	_ =	shalt  }
0x3f: {  	_ =	shalt  }
0x40: {  	_ =	shalt  }
0x41: {  	_ =	shalt  }
0x42: {  	_ =	shalt  }
0x43: {  	_ =	shalt  }
0x44: {  	_ =	shalt  }
0x45: {  	_ =	shalt  }
0x46: {  	_ =	shalt  }
0x47: {  	_ =	shalt  }
0x48: {  	_ =	shalt  }
0x49: {  	_ =	shalt  }
0x4a: {  	_ =	shalt  }
0x4b: {  	_ =	shalt  }
0x4c: {  	_ =	shalt  }
0x4d: {  	_ =	shalt  }
0x4e: {  	_ =	shalt  }
0x4f: {  	_ =	shalt  }
0x50: {  	_ =	shalt  }
0x51: {  	_ =	shalt  }
0x52: {  	_ =	shalt  }
0x53: {  	_ =	shalt  }
0x54: {  	_ =	shalt  }
0x55: {  	_ =	shalt  }
0x56: {  	_ =	shalt  }
0x57: {  	_ =	shalt  }
0x58: {  	_ =	shalt  }
0x59: {  	_ =	shalt  }
0x5a: {  	_ =	shalt  }
0x5b: {  	_ =	shalt  }
0x5c: {  	_ =	shalt  }
0x5d: {  	_ =	shalt  }
0x5e: {  	_ =	shalt  }
0x5f: {  	_ =	shalt  }
0x60: {  	_ =	shalt  }
0x61: {  	_ =	shalt  }
0x62: {  	_ =	shalt  }
0x63: {  	_ =	shalt  }
0x64: {  	_ =	shalt  }
0x65: {  	_ =	shalt  }
0x66: {  	_ =	shalt  }
0x67: {  	_ =	shalt  }
0x68: {  	_ =	shalt  }
0x69: {  	_ =	shalt  }
0x6a: {  	_ =	shalt  }
0x6b: {  	_ =	shalt  }
0x6c: {  	_ =	shalt  }
0x6d: {  	_ =	shalt  }
0x6e: {  	_ =	shalt  }
0x6f: {  	_ =	shalt  }
0x70: {  	_ =	shalt  }
0x71: {  	_ =	shalt  }
0x72: {  	_ =	shalt  }
0x73: {  	_ =	shalt  }
0x74: {  	_ =	shalt  }
0x75: {  	_ =	shalt  }
0x76: {  	_ =	shalt  }
0x77: {  	_ =	shalt  }
0x78: {  	_ =	shalt  }
0x79: {  	_ =	shalt  }
0x7a: {  	_ =	shalt  }
0x7b: {  	_ =	shalt  }
0x7c: {  	_ =	shalt  }
0x7d: {  	_ =	shalt  }
0x7e: {  	_ =	shalt  }
0x7f: {  	_ =	shalt  }
0x80: {  	_ =	shalt  }
0x81: {  	_ =	shalt  }
0x82: {  	_ =	shalt  }
0x83: {  	_ =	shalt  }
0x84: {  	_ =	shalt  }
0x85: {  	_ =	shalt  }
0x86: {  	_ =	shalt  }
0x87: {  	_ =	shalt  }
.Lfunc_end0:
.L_simem_size_0:
called_computation.3_lowered:
.L_overlay_start_0:
0x88: {  	s2 =	sld [smem:$0x3FD9]  }
0x89: {  	s3 =	sld [smem:$0x3FFE];
	_ =	sdelay $0x1  }
0x8a: {  	s1 =	srdreg.scid  }
0x8b: {  	s0 =	sand.u32 $0x1, s1  }
0x8c: {  	s16 =	sshll.u32 s0, $0xA;
	s2 =	sadd.s32 s3, s2  }
0x8d: {  	s2 =	sadd.s32 s2, s16  }
0x8e: {  	[smem:$0x3FB7] =	sst s2  }
0x8f: {  	_ = 	snop  }
0x90: {  	(tm) =	ssettm $0x1  }
0x91: {  	s17 =	sld [smem:$0x3FFB];
	_ =	sdelay $0x3  }
0x92: {  	_ =	strace s17  }
0x93: {  	s2 =	sld [smem:$0x3FFC];
	_ =	sdelay $0x3  }
0x94: {  	_ =	strace s2  }
0x95: {  	s2 =	sld [smem:$0x3FFD];
	_ =	sdelay $0x3  }
0x96: {  	_ =	strace s2  }
0x97: {  	_ =	strace $0x8FFFFFFF  }
0x98: {  	s18 =	sld [smem:$0x3FDB];
	_ =	sdelay $0x1  }
0x99: {  	s19 =	simm.s32 $_scs_section_size  }
0x9a: {  	s4 =	simm.s32 $_size__tile_overlayer_lowered;
	s5 =	simm.s32 $_tile_overlayer_lowered  }
0x9b: {  	s22 =	simm.s32 $0x1BFF;
	s21 =	sshll.u32 s5, $0x1;
	s2 =	sadd.s32 s19, s18  }
0x9c: {  	s6 =	simm.s32 $0x0;
	s20 =	sshll.u32 s4, $0x1;
	s4 =	sadd.s32 s21, s2  }
0x9d: {  	[timem:s6], [sflag:s22] =	dma.local [hbm:s4], s20  }
0x9e: {  	_ =	swait.ge [sflag:s22], s20  }
0x9f: {  	s3 =	ssub.s32 $0x0, s20;
	[sflag:s22] =	ssyncset.done $0x0  }
0xa0: {  	[sflag:s22] =	ssyncadd.s32 s3;
	_ =	sdelay $0x1  }
0xa1: {  	s23 =	simm.s32 $0x1B8B  }
0xa2: {  	_ =	swait.ge [sflag:s23], $0x1  }
0xa3: {  	[sflag:s23] =	ssyncset.done $0x0  }
0xa4: {  	s25 =	simm.s32 $0x1B8E;
	s24 =	sld [smem:$0x3FFE];
	[sflag:s23] =	ssyncadd.s32 $0xFFFFFFFF  }
0xa5: {  	s26 =	simm.s32 $execute0_lowered;
	[smem:$0x3FD2] =	sst s25  }
0xa6: {  	s4 =	sshll.u32 s26, $0x1;
	_ =	strace $0x8000004F;
	[dreg:$0x1] =	wrdreg $0xFFFFFFFF  }
0xa7: {  	s28 =	simm.s32 $_size_execute0_lowered;
	s2 =	sadd.s32 s2, s4;
	[dreg:$0x0] =	wrdreg $0x0  }
0xa8: {  	s4 =	sshll.u32 s28, $0x1;
	[dreg:$0x2] =	wrdreg s2  }
0xa9: {  	[dreg:$0x3] =	wrdreg s4  }
0xaa: {  	[dreg:$0x4] =	wrdreg $0xC0  }
0xab: {  	_ =	task [dreg:s6], $0x5FFFF  }
0xac: {  	[dreg:$0x1] =	wrdreg $0xFFFFFFFF  }
0xad: {  	[dreg:$0x0] =	wrdreg $0x60  }
0xae: {  	[dreg:$0x2] =	wrdreg s24  }
0xaf: {  	[dreg:$0x3] =	wrdreg $0xC5000  }
0xb0: {  	[dreg:$0x4] =	wrdreg $0x9  }
0xb1: {  	_ =	task.clear_ibuf [dreg:s6], $0x5FFFF;
	_ =	strace $0x9000004F  }
0xb2: {  	s29 =	simm.s32 $0x9;
	_ =	strace $0x80000051  }
0xb3: {  	_ =	swait.ge [sflag:s29], $0x1  }
0xb4: {  	[sflag:s29] =	ssyncadd.s32 $0xFFFFFFFF  }
0xb5: {  	_ =	strace $0x90000051  }
0xb6: {  	_ =	sfence  }
0xb7: {  	s30 =	sld [smem:$0x0];
	_ =	sdelay $0x2  }
0xb8: {  	s31 =	sshll.u32 s1, $0xD;
	s1 =	sshrl.u32 s1, $0x2  }
0xb9: {  	s3 =	sand.u32 $0x4000, s31;
	s1 =	sadd.s32 s1, s30  }
0xba: {  	s0 =	sor.u32 s3, s0;
	s1 =	sshll.u32 s1, $0x11  }
0xbb: {  	s0 =	sor.u32 s1, s0  }
0xbc: {  	s0 =	sadd.s32 $0x8F2B, s0  }
0xbd: {  	[sflag:s0] =	ssyncadd.remote.s32 $0x1  }
0xbe: {  	_ =	sfence.sel $0xFFFF  }
0xbf: {  	[dreg:$0x0] =	wrdreg $0xFFFFFFFF;
	(pc) =	sbr.abs _section_cstart, $3  }
0xc0: {  	[dreg:$0x1] =	wrdreg $0xFFFFFFFF  }
0xc1: {  	_ =	task.clear_ibuf [dreg:s6], $0x2FFFF;
	_ =	strace $0x9FFFFFFF  }
0xc2: {  	(tm) =	ssettm $0x7FFFFFFF  }
0xc3: {  	_ =	shalt  }
tec
execute0_lowered:
.L_overlay_start_1:
0x0: {  	(tag) =	ssettag $0x1  }
0x1: {  	s0 =	rddreg [dreg:$0x0]  }
0x2: {  	s1 =	rddreg [dreg:$0x1];
	s2 =	simm.s32 $0x0;
	s3 =	srdreg.scid  }
0x3: {  	s20 =	stileid.u32;
	[smem:$0x7FF] =	sst s2  }
0x4: {  	s3 =	sand.u32 $0x1, s3;
	s4 =	sadd.s32 $0x18400, s0;
	s7 =	sadd.s32 $0x4000, s0  }
0x5: {  	s11 =	sshll.u32 s20, $0xE;
	s25 =	sshll.u32 s20, $0x6;
	s23 =	smul.u32 $0x2710, s20  }
0x6: {  	p0 =	sgt.u32 s20, $0xD;
	p3 =	slt.u32 s20, $0xE;
	_ =	strace $0x80000050  }
0x7: {  	s5 =	sshll.u32 s3, $0x4;
	s8 =	ssub.s32 $0x2, s3;
	s13 =	sadd.s32 s11, s1  }
0x8: {  	s26 =	sor.u32 $0x40000, s11;
	s14 =	sor.u32 $0x80000, s11;
	s15 =	smul.u32 $0x138800, s3  }
0x9: {  	s29 =	sor.u32 $0xC0000, s11;
	s3 =	smul.u32 $0x27100, s3;
	p2 =	sne.s32 @p0 s20, $0xF  }
0xa: {  	s6 =	sor.u32 s20, s5;
	s5 =	sadd.s32 $0xDE00, s0;
	s9 =	sshrl.u32 s8, $0x1  }
0xb: {  	[dreg:$0x3] =	wrdreg s13;
	s16 =	sadd.s32 s26, s1;
	s28 =	sadd.s32 s14, s1  }
0xc: {  	s17 =	sadd.s32 s29, s1;
	p1 =	por p2, !p0;
	p2 =	por !p2, !p0  }
0xd: {  	s10 =	smul.u32 $0x2710, s6;
	s6 =	sadd.s32 $0x17C00, s0;
	[dreg:$0x4] =	wrdreg s16  }
0xe: {  	s0 =	sadd.s32 $0x3F600, s0;
	s9 =	ssub.s32 s8, s9;
	[dreg:$0x5] =	wrdreg s28  }
0xf: {  	s8 =	sor.u32 $0x1C09, s25;
	[dreg:$0x6] =	wrdreg s17;
	s18 =	sadd.s32 s11, s15  }
0x10: {  	s13 =	sadd.s32 s15, s26;
	s11 =	sor.u32 $0x100000, s11;
	s19 =	sadd.s32 s15, s14  }
0x11: {  	s21 =	sadd.s32 s15, s29;
	s26 =	sshrl.u32 s15, $0x3;
	s3 =	sadd.s32 s23, s3  }
0x12: {  	s17 =	sshrl.u32 s18, $0x3;
	s13 =	sshrl.u32 s13, $0x3;
	s14 =	sshrl.u32 s21, $0x3  }
0x13: {  	s22 =	sadd.s32 s15, s11;
	s28 =	sadd.s32 $0x3C0, s3;
	s29 =	sadd.s32 $0x300, s3  }
0x14: {  	s31 =	sadd.s32 s11, s1;
	s23 =	smax.u32 s9, $0x1;
	s9 =	simm.s32 $0x9  }
0x15: {  	s11 =	simm.s32 $0xC0;
	s10 =	sshrl.u32 s10, $0x3;
	[dreg:$0x12] =	wrdreg s23  }
0x16: {  	s17 =	sadd.s32 s0, s17;
	s13 =	sadd.s32 s0, s13;
	[dreg:$0xc] =	wrdreg s31  }
0x17: {  	s24 =	sadd.s32 s0, s14;
	s25 =	sshrl.u32 s22, $0x3;
	[dreg:$0x7] =	wrdreg s17  }
0x18: {  	s14 =	sshrl.u32 s29, $0x3;
	s23 =	simm.s32 $0x6;
	[dreg:$0x8] =	wrdreg s13  }
0x19: {  	s12 =	sadd.s32 $0x18, s10;
	s13 =	sshrl.u32 s19, $0x3;
	[dreg:$0xa] =	wrdreg s24  }
0x1a: {  	s19 =	sadd.s32 s14, s7;
	s15 =	sadd.s32 $0x4E0, s10;
	s24 =	sadd.s32 s5, s10  }
0x1b: {  	s16 =	sadd.s32 s7, s10;
	s17 =	sadd.s32 $0x138000, s1;
	[dreg:$0x13] =	wrdreg s24  }
0x1c: {  	s10 =	simm.s32 $0x1;
	s14 =	simm.s32 $0x6500;
	[dreg:$0xd] =	wrdreg s16  }
0x1d: {  	s13 =	sadd.s32 s0, s13;
	s21 =	sadd.s32 s7, s12;
	[dreg:$0x16] =	wrdreg s17  }
0x1e: {  	s22 =	sadd.s32 s5, s15;
	s29 =	sadd.s32 $0x48, s16;
	[dreg:$0x9] =	wrdreg s13  }
0x1f: {  	s24 =	simm.s32 $0x4;
	s13 =	sadd.s32 s0, s25;
	[dreg:$0xe] =	wrdreg s21  }
0x20: {  	s0 =	sadd.s32 s0, s26;
	[dreg:$0x10] =	wrdreg s22;
	s25 =	sadd.s32 $0x240, s3  }
0x21: {  	s26 =	sadd.s32 s5, s12;
	s3 =	sadd.s32 $0x180, s3;
	[dreg:$0x18] =	wrdreg s29  }
0x22: {  	s12 =	simm.s32 $0x500;
	s21 =	simm.s32 $0x5;
	[dreg:$0xb] =	wrdreg s13  }
0x23: {  	s22 =	simm.s32 $0x3;
	s13 =	sshrl.u32 s28, $0x3;
	[dreg:$0x14] =	wrdreg s26  }
0x24: {  	s0 =	sadd.s32 $0x27000, s0;
	[dreg:$0x15] =	wrdreg s3;
	s28 =	sadd.s32 $0x30, s16  }
.Ltmp0:
0x25: {  	s16 =	simm.s32 $0x300;
	s26 =	simm.s32 $0x8;
	(pc) =	sbr.rel .LBB2_1-.Ltmp0, $4  }
0x26: {  	s18 =	sadd.s32 s13, s7;
	s7 =	sadd.s32 s7, s15;
	[dreg:$0x11] =	wrdreg s0  }
0x27: {  	s0 =	sshrl.u32 s25, $0x3;
	[dreg:$0x17] =	wrdreg s28;
	s13 =	simm.s32 $0x2  }
0x28: {  	s15 =	simm.s32 $0x200;
	s25 =	simm.s32 $0x7;
	[dreg:$0xf] =	wrdreg s7  }
0x29: {  	s30 =	sadd.s32 s0, s5;
	s7 =	simm.s32 $0x100;
	s0 =	simm.s32 $0x0  }
.LBB2_3:
0x2a: {  	_ =	swait.ge [sflag:s23], $0x6000  }
0x2b: {  	[sflag:s23] =	ssyncset.done $0x0  }
0x2c: {  	[sflag:s23] =	ssyncadd.s32 $0xFFFFA000  }
0x2d: {  	_ =	swait.ge [sflag:s24], $0xC0  }
0x2e: {  	[sflag:s24] =	ssyncset.done $0x0  }
0x2f: {  	[sflag:s24] =	ssyncadd.s32 $0xFFFFFF40  }
0x30: {  	[spmem:s1] =	stream.indirect.scatter.add.f32 [tilespmem:s14], [sflag:$0x8], $0x80, s16, s11, $0xb8;
	[tilespmem:$0x1FD80] =	vst v63  }
0x31: {  	_ =	swait.ge [sflag:s25], $0x6000  }
0x32: {  	[sflag:s25] =	ssyncset.done $0x0  }
0x33: {  	[sflag:s25] =	ssyncadd.s32 $0xFFFFA000  }
0x34: {  	_ =	swait.ge [sflag:s26], $0x6000  }
0x35: {  	[sflag:s26] =	ssyncset.done $0x0  }
0x36: {  	s17 =	simm.s32 $0x400;
	s3 =	rddreg [dreg:$0xf];
	[sflag:s26] =	ssyncadd.s32 $0xFFFFA000  }
0x37: {  	[tilespmem:s17], [sflag:$0x9] =	stream.linear.gather [hbm4b:s3+s2], $0x10, $0x38;
	[tilespmem:$0x1FD80] =	vst v63  }
0x38: {  	_ =	swait.ge [sflag:s9], $0x10  }
0x39: {  	[sflag:s9] =	ssyncset.done $0x0  }
0x3a: {  	s31 =	simm.s32 $0x480;
	s3 =	rddreg [dreg:$0x10];
	[sflag:s9] =	ssyncadd.s32 $0xFFFFFFF0  }
0x3b: {  	[tilespmem:s31], [sflag:$0x9] =	stream.linear.gather [hbm4b:s3+s2], $0x10, $0x38;
	[tilespmem:$0x1FD80] =	vst v63  }
0x3c: {  	_ =	swait.ge [sflag:s9], $0x10  }
0x3d: {  	[sflag:s9] =	ssyncset.done $0x0  }
0x3e: {  	s3 =	simm.s32 $0x10;
	[sflag:s9] =	ssyncadd.s32 $0xFFFFFFF0  }
0x3f: {  	[tilespmem:s12], [sflag:$0x5] =	stream.indirect.gather [hbm4b:s4+s3], $0x80, s17, s3, $0xb8;
	[tilespmem:$0x1FD80] =	vst v63  }
0x40: {  	_ =	swait.ge [sflag:s21], $0x800  }
0x41: {  	[sflag:s21] =	ssyncset.done $0x0  }
0x42: {  	[sflag:s21] =	ssyncadd.s32 $0xFFFFF800  }
0x43: {  	[spmem:s1] =	stream.indirect.scatter.add.f32 [tilespmem:s12], [sflag:$0x9], $0x80, s31, s3, $0xb8;
	[tilespmem:$0x1FD80] =	vst v63  }
0x44: {  	_ =	swait.ge [sflag:s9], $0x800  }
0x45: {  	[sflag:s9] =	ssyncset.done $0x0  }
0x46: {  	[sflag:s9] =	ssyncadd.s32 $0xFFFFF800  }
0x47: {  	[bflag:$0x0] =	sbarrier.arrive $0xFFFF  }
0x48: {  	s3 =	rddreg [dreg:$0x7]  }
0x49: {  	s17 =	rddreg [dreg:$0x19]  }
0x4a: {  	[hbm:s3], [sflag:s8] =	dma.local [spmem:s17], $0x800  }
0x4b: {  	_ =	swait.ge [sflag:s9], $0x800  }
0x4c: {  	[sflag:s9] =	ssyncset.done $0x0  }
0x4d: {  	s17 =	rddreg [dreg:$0x8];
	[sflag:s9] =	ssyncadd.s32 $0xFFFFF800  }
0x4e: {  	[hbm:s17], [sflag:s8] =	dma.local [spmem:s28], $0x800  }
0x4f: {  	_ =	swait.ge [sflag:s9], $0x800  }
0x50: {  	[sflag:s9] =	ssyncset.done $0x0  }
0x51: {  	s17 =	rddreg [dreg:$0x9];
	[sflag:s9] =	ssyncadd.s32 $0xFFFFF800  }
0x52: {  	[hbm:s17], [sflag:s8] =	dma.local [spmem:s20], $0x800  }
0x53: {  	_ =	swait.ge [sflag:s9], $0x800  }
0x54: {  	[sflag:s9] =	ssyncset.done $0x0  }
0x55: {  	s28 =	rddreg [dreg:$0xa];
	[sflag:s9] =	ssyncadd.s32 $0xFFFFF800  }
0x56: {  	[hbm:s28], [sflag:s8] =	dma.local [spmem:s29], $0x800  }
0x57: {  	_ =	swait.ge [sflag:s9], $0x800  }
0x58: {  	[sflag:s9] =	ssyncset.done $0x0;
	s31 =	rddreg [dreg:$0xc]  }
0x59: {  	s17 =	rddreg [dreg:$0xb];
	[sflag:s9] =	ssyncadd.s32 $0xFFFFF800;
	s3 =	sshrl.u32 @p3 s31, $0x3  }
0x5a: {  	[hbm:s17], [sflag:s8] =	dma.local @p3 [spmem:s3], $0x800  }
0x5b: {  	s3 =	simm.s32 @p3 $0x9  }
0x5c: {  	_ =	swait.ge @p3 [sflag:s3], $0x800  }
0x5d: {  	[sflag:s3] =	ssyncset.done @p3 $0x0;
	s20 =	rddreg [dreg:$0x16]  }
0x5e: {  	s17 =	rddreg [dreg:$0x11];
	[sflag:s3] =	ssyncadd.s32 @p3 $0xFFFFF800;
	s3 =	sshrl.u32 @p4 s20, $0x3  }
0x5f: {  	[hbm:s17], [sflag:s8] =	dma.local @p4 [spmem:s3], $0x100  }
0x60: {  	s3 =	simm.s32 @p4 $0x9  }
0x61: {  	_ =	swait.ge @p4 [sflag:s3], $0x100  }
0x62: {  	s0 =	sadd.s32 $0x1, s0;
	s29 =	rddreg [dreg:$0x12]  }
0x63: {  	p5 =	sne.s32 s0, s29  }
.Ltmp1:
0x64: {  	_ = 	snop;
	(pc) =	sbr.rel @!p5 .LBB2_4-.Ltmp1, $3  }
0x65: {  	_ =	sdelay $0x1  }
0x66: {  	[sflag:s3] =	ssyncset.done @p4 $0x0  }
0x67: {  	s17 =	smov.u32 s20;
	[sflag:s3] =	ssyncadd.s32 @p4 $0xFFFFFF00  }
.LBB2_1:
0x68: {  	s3 =	rddreg [dreg:$0xd]  }
0x69: {  	[tilespmem:s2], [sflag:$0x1] =	stream.linear.gather [hbm4b:s3+s2], $0xC0, $0x38;
	[tilespmem:$0x1FD80] =	vst v63  }
0x6a: {  	s20 =	rddreg [dreg:$0xe]  }
0x6b: {  	[tilespmem:s7], [sflag:$0x2] =	stream.linear.gather [hbm4b:s20+s2], $0xC0, $0x38;
	[tilespmem:$0x1FD80] =	vst v63  }
0x6c: {  	s20 =	rddreg [dreg:$0x3]  }
0x6d: {  	s3 =	sshrl.u32 s20, $0x3  }
0x6e: {  	[dreg:$0x19] =	wrdreg s3  }
0x6f: {  	[spmem:s3], [sflag:s8] =	dma.local [hbm:s6], $0x800  }
0x70: {  	_ =	swait.ge [sflag:s9], $0x800  }
0x71: {  	[sflag:s9] =	ssyncset.done $0x0;
	s20 =	rddreg [dreg:$0x4]  }
0x72: {  	[sflag:s9] =	ssyncadd.s32 $0xFFFFF800;
	s28 =	sshrl.u32 s20, $0x3  }
0x73: {  	[spmem:s28], [sflag:s8] =	dma.local [hbm:s6], $0x800  }
0x74: {  	_ =	swait.ge [sflag:s9], $0x800  }
0x75: {  	[sflag:s9] =	ssyncset.done $0x0;
	s20 =	rddreg [dreg:$0x5]  }
0x76: {  	[sflag:s9] =	ssyncadd.s32 $0xFFFFF800;
	s20 =	sshrl.u32 s20, $0x3  }
0x77: {  	[spmem:s20], [sflag:s8] =	dma.local [hbm:s6], $0x800  }
0x78: {  	_ =	swait.ge [sflag:s9], $0x800  }
0x79: {  	[sflag:s9] =	ssyncset.done $0x0;
	s3 =	rddreg [dreg:$0x6]  }
0x7a: {  	[sflag:s9] =	ssyncadd.s32 $0xFFFFF800;
	s29 =	sshrl.u32 s3, $0x3  }
0x7b: {  	[spmem:s29], [sflag:s8] =	dma.local [hbm:s6], $0x800  }
0x7c: {  	_ =	swait.ge [sflag:s9], $0x800  }
0x7d: {  	[sflag:s9] =	ssyncset.done $0x0  }
0x7e: {  	s17 =	sshrl.u32 @!p1 s17, $0x3;
	[sflag:s9] =	ssyncadd.s32 $0xFFFFF800  }
0x7f: {  	[spmem:s17], [sflag:s8] =	dma.local @!p1 [hbm:s6], $0x100  }
0x80: {  	s17 =	simm.s32 @!p1 $0x9  }
0x81: {  	_ =	swait.ge @!p1 [sflag:s17], $0x100  }
0x82: {  	[sflag:s17] =	ssyncset.done @!p1 $0x0  }
0x83: {  	[sflag:s17] =	ssyncadd.s32 @!p1 $0xFFFFFF00;
	s17 =	sshrl.u32 @!p0 s31, $0x3  }
0x84: {  	[spmem:s17], [sflag:s8] =	dma.local @!p0 [hbm:s6], $0x800  }
0x85: {  	s17 =	simm.s32 @!p0 $0x9  }
0x86: {  	_ =	swait.ge @!p0 [sflag:s17], $0x800  }
0x87: {  	[sflag:s17] =	ssyncset.done @!p0 $0x0  }
0x88: {  	[sflag:s17] =	ssyncadd.s32 @!p0 $0xFFFFF800  }
0x89: {  	_ =	swait.ge [sflag:s10], $0xC0  }
0x8a: {  	[sflag:s10] =	ssyncset.done $0x0  }
0x8b: {  	[sflag:s10] =	ssyncadd.s32 $0xFFFFFF40  }
0x8c: {  	[tilespmem:s12], [sflag:$0x5] =	stream.indirect.gather [hbm4b:s4+s11], $0x80, s2, s11, $0xb8;
	[tilespmem:$0x1FD80] =	vst v63  }
0x8d: {  	_ =	swait.ge [sflag:s13], $0xC0  }
0x8e: {  	[sflag:s13] =	ssyncset.done $0x0  }
0x8f: {  	[sflag:s13] =	ssyncadd.s32 $0xFFFFFF40  }
0x90: {  	[tilespmem:s14], [sflag:$0x6] =	stream.indirect.gather [hbm4b:s4+s11], $0x80, s7, s11, $0xb8;
	[tilespmem:$0x1FD80] =	vst v63  }
0x91: {  	[bflag:$0x0] =	sbarrier.arrive $0xFFFF  }
0x92: {  	s17 =	rddreg [dreg:$0x13]  }
0x93: {  	[tilespmem:s15], [sflag:$0x3] =	stream.linear.gather [hbm4b:s17+s2], $0xC0, $0x38;
	[tilespmem:$0x1FD80] =	vst v63  }
0x94: {  	s17 =	rddreg [dreg:$0x14]  }
0x95: {  	[tilespmem:s16], [sflag:$0x4] =	stream.linear.gather [hbm4b:s17+s2], $0xC0, $0x38;
	[tilespmem:$0x1FD80] =	vst v63  }
0x96: {  	_ =	swait.ge [sflag:s21], $0x6000  }
0x97: {  	[sflag:s21] =	ssyncset.done $0x0  }
0x98: {  	[sflag:s21] =	ssyncadd.s32 $0xFFFFA000  }
0x99: {  	_ =	swait.ge [sflag:s22], $0xC0  }
0x9a: {  	[sflag:s22] =	ssyncset.done $0x0  }
0x9b: {  	[sflag:s22] =	ssyncadd.s32 $0xFFFFFF40  }
0x9c: {  	[spmem:s1] =	stream.indirect.scatter.add.f32 [tilespmem:s12], [sflag:$0x7], $0x80, s15, s11, $0xb8;
	[tilespmem:$0x1FD80] =	vst v63  }
0x9d: {  	s17 =	rddreg [dreg:$0x17]  }
0x9e: {  	[tilespmem:s2], [sflag:$0x1] =	stream.linear.gather [hbm4b:s17+s2], $0xC0, $0x38;
	[tilespmem:$0x1FD80] =	vst v63  }
0x9f: {  	_ =	swait.ge [sflag:s23], $0x6000  }
0xa0: {  	[sflag:s23] =	ssyncset.done $0x0  }
0xa1: {  	[sflag:s23] =	ssyncadd.s32 $0xFFFFA000  }
0xa2: {  	_ =	swait.ge [sflag:s24], $0xC0  }
0xa3: {  	[sflag:s24] =	ssyncset.done $0x0  }
0xa4: {  	p5 =	por @p0 $0x0, $0x0;
	p4 =	por @!p1 $0x1, $0x1;
	[sflag:s24] =	ssyncadd.s32 $0xFFFFFF40  }
0xa5: {  	[spmem:s1] =	stream.indirect.scatter.add.f32 [tilespmem:s14], [sflag:$0x8], $0x80, s16, s11, $0xb8;
	[tilespmem:$0x1FD80] =	vst v63  }
0xa6: {  	p4 =	por @!p2 p5, p5;
	p5 =	por @!p0 $0x0, $0x0;
	s17 =	rddreg [dreg:$0x18]  }
0xa7: {  	[tilespmem:s7], [sflag:$0x2] =	stream.linear.gather [hbm4b:s17+s2], $0xC0, $0x38;
	[tilespmem:$0x1FD80] =	vst v63  }
0xa8: {  	p4 =	por @!p0 p5, p5;
	s31 =	rddreg [dreg:$0x15];
	s17 =	simm.s32 $0x0  }
.LBB2_2:
0xa9: {  	_ =	swait.ge [sflag:s25], $0x6000  }
0xaa: {  	[sflag:s25] =	ssyncset.done $0x0  }
0xab: {  	[sflag:s25] =	ssyncadd.s32 $0xFFFFA000  }
0xac: {  	_ =	swait.ge [sflag:s26], $0x6000  }
0xad: {  	s3 =	sshrl.u32 s31, $0x3;
	[sflag:s26] =	ssyncset.done $0x0  }
0xae: {  	s3 =	sadd.s32 s5, s3;
	[sflag:s26] =	ssyncadd.s32 $0xFFFFA000  }
0xaf: {  	[tilespmem:s15], [sflag:$0x3] =	stream.linear.gather [hbm4b:s3+s2], $0xC0, $0x38;
	[tilespmem:$0x1FD80] =	vst v63  }
0xb0: {  	s3 =	sadd.s32 s17, s30  }
0xb1: {  	[tilespmem:s16], [sflag:$0x4] =	stream.linear.gather [hbm4b:s3+s2], $0xC0, $0x38;
	[tilespmem:$0x1FD80] =	vst v63  }
0xb2: {  	_ =	swait.ge [sflag:s10], $0xC0  }
0xb3: {  	[sflag:s10] =	ssyncset.done $0x0  }
0xb4: {  	[sflag:s10] =	ssyncadd.s32 $0xFFFFFF40  }
0xb5: {  	[tilespmem:s12], [sflag:$0x5] =	stream.indirect.gather [hbm4b:s4+s11], $0x80, s2, s11, $0xb8;
	[tilespmem:$0x1FD80] =	vst v63  }
0xb6: {  	_ =	swait.ge [sflag:s13], $0xC0  }
0xb7: {  	[sflag:s13] =	ssyncset.done $0x0  }
0xb8: {  	[sflag:s13] =	ssyncadd.s32 $0xFFFFFF40  }
0xb9: {  	[tilespmem:s14], [sflag:$0x6] =	stream.indirect.gather [hbm4b:s4+s11], $0x80, s7, s11, $0xb8;
	[tilespmem:$0x1FD80] =	vst v63  }
0xba: {  	_ =	swait.ge [sflag:s21], $0x6000  }
0xbb: {  	p5 =	sne.s32 s17, $0x480;
	[sflag:s21] =	ssyncset.done $0x0  }
.Ltmp2:
0xbc: {  	[sflag:s21] =	ssyncadd.s32 $0xFFFFA000;
	(pc) =	sbr.rel @!p5 .LBB2_3-.Ltmp2, $4  }
0xbd: {  	_ =	swait.ge [sflag:s22], $0xC0  }
0xbe: {  	[sflag:s22] =	ssyncset.done $0x0  }
0xbf: {  	[sflag:s22] =	ssyncadd.s32 $0xFFFFFF40  }
0xc0: {  	[spmem:s1] =	stream.indirect.scatter.add.f32 [tilespmem:s12], [sflag:$0x7], $0x80, s15, s11, $0xb8;
	[tilespmem:$0x1FD80] =	vst v63  }
0xc1: {  	s3 =	sadd.s32 s17, s19  }
0xc2: {  	[tilespmem:s2], [sflag:$0x1] =	stream.linear.gather [hbm4b:s3+s2], $0xC0, $0x38;
	[tilespmem:$0x1FD80] =	vst v63  }
0xc3: {  	_ =	swait.ge [sflag:s23], $0x6000  }
0xc4: {  	[sflag:s23] =	ssyncset.done $0x0  }
0xc5: {  	[sflag:s23] =	ssyncadd.s32 $0xFFFFA000  }
0xc6: {  	_ =	swait.ge [sflag:s24], $0xC0  }
.Ltmp3:
0xc7: {  	[sflag:s24] =	ssyncset.done $0x0;
	(pc) =	sbr.rel .LBB2_2-.Ltmp3, $4  }
0xc8: {  	[sflag:s24] =	ssyncadd.s32 $0xFFFFFF40  }
0xc9: {  	[spmem:s1] =	stream.indirect.scatter.add.f32 [tilespmem:s14], [sflag:$0x8], $0x80, s16, s11, $0xb8;
	[tilespmem:$0x1FD80] =	vst v63  }
0xca: {  	s31 =	sadd.s32 $0x180, s31;
	s3 =	sadd.s32 s17, s18;
	s17 =	sadd.s32 $0x30, s17  }
0xcb: {  	[tilespmem:s7], [sflag:$0x2] =	stream.linear.gather [hbm4b:s3+s2], $0xC0, $0x38;
	[tilespmem:$0x1FD80] =	vst v63  }
.LBB2_4:
0xcc: {  	_ =	sfence.sel $0x180000  }
0xcd: {  	[bflag:$0x0] =	sbarrier.arrive $0xFFFF  }
0xce: {  	_ =	strace $0x90000050  }
0xcf: {  	s0 =	stileid.u32;
	[bflag:$0x2] =	sbarrier.arrive $0xFFFF  }
0xd0: {  	p0 =	sne.s32 s0, $0x0;
	s0 =	rddreg [dreg:$0x2]  }
0xd1: {  	s0 =	sadd.s32 @!p0 $0x100000, s0  }
0xd2: {  	[sflag:s0] =	ssyncadd.tile.s32 @!p0 $0x1;
	_ =	shalt  }
.Lfunc_end2:
_tile_overlayer_lowered:
.L_overlay_start_2:
0xd3: {  	(tag) =	ssettag $0x2  }
0xd4: {  	s0 =	rddreg [dreg:$0x0];
	s2 =	stileid.u32  }
0xd5: {  	s1 =	rddreg [dreg:$0x1];
	p0 =	sne.s32 s2, $0x0  }
0xd6: {  	s3 =	rddreg [dreg:$0x2];
	[bflag:$0x3] =	sbarrier.arrive $0xFFFF;
	s2 =	simm.s32 @!p0 $0x1C09  }
0xd7: {  	[timem:s3], [sflag:s2] =	dma.local @!p0 [hbm:s0], s1  }
0xd8: {  	s0 =	simm.s32 @!p0 $0x9  }
0xd9: {  	_ =	swait.ge @!p0 [sflag:s0], s1  }
0xda: {  	s1 =	ssub.s32 @!p0 $0x0, s1;
	[sflag:s0] =	ssyncset.done @!p0 $0x0  }
0xdb: {  	[sflag:s0] =	ssyncadd.s32 @!p0 s1  }
0xdc: {  	[bflag:$0x3] =	sbarrier.arrive $0xFFFF  }
0xdd: {  	_ =	shalt  }

</sc_bundles>
